<compile_context>
chip_gen: v7x
topology: tpu7x:2x2x1
jax: 0.10.2.dev20260603
libtpu: 0.0.44.dev20260713+nightly
codegen_flags: <defaults>
</compile_context>

<pallas_src>
import jax
import jax.numpy as jnp
from jax import lax
from jax.experimental import pallas as pl
from jax.experimental.pallas import tpu as pltpu
from jax.experimental.pallas import tpu_sc as plsc

_S = 2048
_D = 16
_NW = 32
_RPW = _S // _NW
_UNROLL = 16


def _sc_body(x_hbm, w_hbm, out_hbm, x_v, w_v, ob0, ob1, sem0, sem1):
    c = lax.axis_index("c")
    s = lax.axis_index("s")
    wid = s * 2 + c
    base = wid * _RPW

    pltpu.sync_copy(x_hbm, x_v)
    pltpu.sync_copy(w_hbm.at[pl.ds(base, _RPW)], w_v)

    bufs = (ob0, ob1)
    sems = (sem0, sem1)

    def compute_krow(r, k, ob):
        wrow = w_v[r, :]
        wk = wrow[k]

        def inner(j0, carry):
            for u in range(_UNROLL):
                j = (j0 * _UNROLL + u) * 16
                ob[pl.ds(j, 16)] = x_v[pl.ds(j, 16)] + wk
            return carry

        lax.fori_loop(0, _S // (16 * _UNROLL), inner, 0)

    def row(r, carry):
        for k in range(_D):
            ob = bufs[k % 2]
            sem = sems[k % 2]
            dst = out_hbm.at[base + r, k]
            if k >= 2:
                pltpu.make_async_copy(ob, dst, sem).wait()
            else:
                @pl.when(r > 0)
                def _(ob=ob, dst=dst, sem=sem):
                    pltpu.make_async_copy(ob, dst, sem).wait()
            compute_krow(r, k, ob)
            pltpu.async_copy(ob, dst, sem)
        return carry

    lax.fori_loop(0, _RPW, row, 0)

    drain = out_hbm.at[base, 0]
    pltpu.make_async_copy(ob0, drain, sem0).wait()
    pltpu.make_async_copy(ob1, drain, sem1).wait()


def kernel(x, pos_embed_weight):
    seq_len, batch_size = x.shape
    _, dim = pos_embed_weight.shape

    xf = x.reshape(seq_len)
    w = pos_embed_weight[:seq_len]

    run = pl.kernel(
        _sc_body,
        out_type=jax.ShapeDtypeStruct((seq_len, dim, seq_len), jnp.float32),
        mesh=plsc.VectorSubcoreMesh(core_axis_name="c", subcore_axis_name="s"),
        scratch_types=[
            pltpu.VMEM((seq_len,), jnp.float32),
            pltpu.VMEM((_RPW, dim), jnp.float32),
            pltpu.VMEM((seq_len,), jnp.float32),
            pltpu.VMEM((seq_len,), jnp.float32),
            pltpu.SemaphoreType.DMA,
            pltpu.SemaphoreType.DMA,
        ],
        compiler_params=pltpu.CompilerParams(use_tc_tiling_on_sc=False),
    )
    out3 = run(xf, w)
    return jnp.transpose(out3, (0, 2, 1))

# --- scband reference (transcript-rebuilt; emitter-appended) ---
"""Pipeline reference for scband-learnable-positional-encoding-75634374082780 (READ-ONLY COPY).

The authoritative reference and input builder live on the scoring server;
editing this copy changes nothing except your own understanding.
"""

import jax, jax.numpy as jnp
import numpy as np


def setup_inputs(seed: int = 0) -> dict:
    key = jax.random.key(seed)
    k1, k2 = jax.random.split(key)
    x = jax.random.normal(k1, (2048, 1), dtype=jnp.float32)
    # nn.Embedding(max_len=8192, model_dim=16) weight, default init ~ N(0, 1)
    pos_embed_weight = jax.random.normal(k2, (8192, 16), dtype=jnp.float32)
    return {"x": x, "pos_embed_weight": pos_embed_weight}


def reference(x, pos_embed_weight):
    # Faithful translation of LearnablePositionalEncoding.forward
    # x: [seq_len, batch_size]
    seq_len, batch_size = x.shape
    # torch.arange(seq_len).unsqueeze(1).repeat(1, batch_size) -> [seq_len, batch_size]
    pos_idx = jnp.tile(jnp.arange(seq_len, dtype=jnp.int32)[:, None], (1, batch_size))
    # embedding gather -> [seq_len, batch_size, model_dim]
    pe = jnp.take(pos_embed_weight, pos_idx, axis=0)
    # broadcast add: [seq_len, batch_size] + [seq_len, batch_size, model_dim]
    # with batch_size=1 this broadcasts to [seq_len, seq_len, model_dim],
    # exactly matching torch semantics
    return x + pe

if __name__ == "__main__":
    import jax
    _d = setup_inputs()
    print(jax.jit(kernel)(*tuple(_d.values())))

</pallas_src>

<mosaic_0001>
#map = affine_map<(d0, d1) -> (0)>
#map1 = affine_map<(d0, d1) -> (0, 0)>
#map2 = affine_map<(d0, d1) -> (0, 0, 0)>
module attributes {stable_mosaic.version = 14 : i64} {
  func.func @_sc_body(%arg0: i32, %arg1: i32, %arg2: memref<2048xf32, #tpu.memory_space<hbm>>, %arg3: memref<2048x16xf32, #tpu.memory_space<hbm>>, %arg4: memref<2048x16x2048xf32, #tpu.memory_space<hbm>>, %arg5: memref<2048xf32, #tpu.memory_space<vmem>>, %arg6: memref<64x16xf32, #tpu.memory_space<vmem>>, %arg7: memref<2048xf32, #tpu.memory_space<vmem>>, %arg8: memref<2048xf32, #tpu.memory_space<vmem>>, %arg9: memref<!tpu.dma_semaphore, #tpu.memory_space<semaphore_mem>>, %arg10: memref<!tpu.dma_semaphore, #tpu.memory_space<semaphore_mem>>) attributes {dimension_semantics = [#tpu.dimension_semantics<core_parallel>, #tpu.dimension_semantics<subcore_parallel>], iteration_bounds = array<i64: 2, 16>, scalar_prefetch = 0 : i64, scratch_operands = 6 : i64, tpu.core_type = #tpu.core_type<sc_vector_subcore>, window_params = [{transform_indices = #map}, {transform_indices = #map1}, {transform_indices = #map2}]} {
    %mul3A = arith.constant 2 : i32
    %mul3A_0 = arith.muli %arg1, %mul3A : i32
    %add3A = arith.addi %mul3A_0, %arg0 : i32
    %mul3A_1 = arith.constant 64 : i32
    %mul3A_2 = arith.muli %add3A, %mul3A_1 : i32
    "tpu.region"() ({
      %run_scoped3A = tpu.sem_alloc : memref<!tpu.dma_semaphore, #tpu.memory_space<semaphore_mem>>
      tpu.enqueue_dma source(%arg2 : memref<2048xf32, #tpu.memory_space<hbm>>) target(%arg5 : memref<2048xf32, #tpu.memory_space<vmem>>) target_semaphore(%run_scoped3A : memref<!tpu.dma_semaphore, #tpu.memory_space<semaphore_mem>>)
      tpu.wait_dma2 semaphore(%run_scoped3A : memref<!tpu.dma_semaphore, #tpu.memory_space<semaphore_mem>>) src(%arg2 : memref<2048xf32, #tpu.memory_space<hbm>>) dst(%arg5 : memref<2048xf32, #tpu.memory_space<vmem>>)
      tpu.yield
    }) : () -> ()
    "tpu.region"() ({
      %run_scoped3A = tpu.sem_alloc : memref<!tpu.dma_semaphore, #tpu.memory_space<semaphore_mem>>
      %dma_start3A = arith.constant 0 : i32
      %dma_start3A_21 = tpu.memref_slice %arg3[%mul3A_2, %dma_start3A] : memref<2048x16xf32, #tpu.memory_space<hbm>> -> memref<64x16xf32, #tpu.memory_space<hbm>>
      %dma_start3A_22 = arith.constant 0 : i32
      %dma_start3A_23 = tpu.memref_slice %arg3[%mul3A_2, %dma_start3A_22] : memref<2048x16xf32, #tpu.memory_space<hbm>> -> memref<64x16xf32, #tpu.memory_space<hbm>>
      tpu.enqueue_dma source(%dma_start3A_23 : memref<64x16xf32, #tpu.memory_space<hbm>>) target(%arg6 : memref<64x16xf32, #tpu.memory_space<vmem>>) target_semaphore(%run_scoped3A : memref<!tpu.dma_semaphore, #tpu.memory_space<semaphore_mem>>)
      %dma_wait3A_24 = arith.constant 0 : i32
      %dma_wait3A_25 = tpu.memref_slice %arg3[%mul3A_2, %dma_wait3A_24] : memref<2048x16xf32, #tpu.memory_space<hbm>> -> memref<64x16xf32, #tpu.memory_space<hbm>>
      %dma_wait3A_26 = arith.constant 0 : i32
      %dma_wait3A_27 = tpu.memref_slice %arg3[%mul3A_2, %dma_wait3A_26] : memref<2048x16xf32, #tpu.memory_space<hbm>> -> memref<64x16xf32, #tpu.memory_space<hbm>>
      tpu.wait_dma2 semaphore(%run_scoped3A : memref<!tpu.dma_semaphore, #tpu.memory_space<semaphore_mem>>) src(%dma_wait3A_27 : memref<64x16xf32, #tpu.memory_space<hbm>>) dst(%arg6 : memref<64x16xf32, #tpu.memory_space<vmem>>)
      tpu.yield
    }) : () -> ()
    %scan3A = arith.constant 0 : i32
    %scan3A_3 = arith.constant 0 : i32
    %scan3A_4 = arith.constant 64 : i32
    %scan3A_5 = arith.addi %scan3A_3, %scan3A_4 : i32
    %scan3A_6 = arith.constant 1 : i32
    scf.for %scan3A_21 = %scan3A_3 to %scan3A_5 step %scan3A_6  : i32 {
      %add3A_22 = arith.addi %mul3A_2, %scan3A_21 : i32
      %gt3A = arith.constant 0 : i32
      %gt3A_23 = arith.cmpi sgt, %scan3A_21, %gt3A : i32
      %convert_element_type3A = arith.extui %gt3A_23 : i1 to i32
      %cond3A = arith.constant 0 : i32
      %cond3A_24 = arith.constant 0 : i32
      %cond3A_25 = arith.cmpi ne, %convert_element_type3A, %cond3A_24 : i32
      scf.if %cond3A_25 {
        %dma_wait3A_445 = arith.constant 0 : i32
        %dma_wait3A_446 = tpu.memref_slice %arg4[%add3A_22, %cond3A, %dma_wait3A_445] : memref<2048x16x2048xf32, #tpu.memory_space<hbm>> -> memref<1x1x2048xf32, #tpu.memory_space<hbm>>
        %dma_wait3A_447 = tpu.memref_squeeze %dma_wait3A_446 : memref<1x1x2048xf32, #tpu.memory_space<hbm>> -> memref<2048xf32, #tpu.memory_space<hbm>>
        %dma_wait3A_448 = arith.constant 0 : i32
        %dma_wait3A_449 = tpu.memref_slice %arg4[%add3A_22, %cond3A, %dma_wait3A_448] : memref<2048x16x2048xf32, #tpu.memory_space<hbm>> -> memref<1x1x2048xf32, #tpu.memory_space<hbm>>
        %dma_wait3A_450 = tpu.memref_squeeze %dma_wait3A_449 : memref<1x1x2048xf32, #tpu.memory_space<hbm>> -> memref<2048xf32, #tpu.memory_space<hbm>>
        tpu.wait_dma2 semaphore(%arg9 : memref<!tpu.dma_semaphore, #tpu.memory_space<semaphore_mem>>) src(%arg7 : memref<2048xf32, #tpu.memory_space<vmem>>) dst(%dma_wait3A_450 : memref<2048xf32, #tpu.memory_space<hbm>>)
      } else {
      }
      %get3A = arith.index_cast %scan3A_21 : i32 to index
      %get3A_26 = arith.constant 0 : index
      %get3A_27 = tpu.vector_load %arg6[%get3A, %get3A_26] {strides = array<i32>} : memref<64x16xf32, #tpu.memory_space<vmem>>, vector<1x16xf32>,
      %get3A_28 = vector.shape_cast %get3A_27 : vector<1x16xf32> to vector<16xf32>
      %slice3A = vector.extract_strided_slice %get3A_28 {offsets = [0], sizes = [1], strides = [1]} : vector<16xf32> to vector<1xf32>
      %squeeze3A = vector.extract %slice3A[0] : f32 from vector<1xf32>
      %scan3A_29 = arith.constant 0 : i32
      %scan3A_30 = arith.constant 0 : i32
      %scan3A_31 = arith.constant 8 : i32
      %scan3A_32 = arith.addi %scan3A_30, %scan3A_31 : i32
      %scan3A_33 = arith.constant 1 : i32
      scf.for %scan3A_445 = %scan3A_30 to %scan3A_32 step %scan3A_33  : i32 {
        %mul3A_446 = arith.constant 16 : i32
        %mul3A_447 = arith.muli %scan3A_445, %mul3A_446 : i32
        %add3A_448 = arith.constant 0 : i32
        %add3A_449 = arith.addi %mul3A_447, %add3A_448 : i32
        %mul3A_450 = arith.constant 16 : i32
        %mul3A_451 = arith.muli %add3A_449, %mul3A_450 : i32
        %get3A_452 = arith.index_cast %mul3A_451 : i32 to index
        %get3A_453 = tpu.vector_load %arg5[%get3A_452] {strides = array<i32>} : memref<2048xf32, #tpu.memory_space<vmem>>, vector<16xf32>,
        %get3A_454 = vector.shape_cast %get3A_453 : vector<16xf32> to vector<16xf32>
        %add3A_455 = vector.broadcast %squeeze3A : f32 to vector<16xf32>
        %add3A_456 = arith.addf %get3A_454, %add3A_455 : vector<16xf32>
        %swap3A = arith.index_cast %mul3A_451 : i32 to index
        %swap3A_457 = tpu.vector_load %arg7[%swap3A] {strides = array<i32>} : memref<2048xf32, #tpu.memory_space<vmem>>, vector<16xf32>,
        %swap3A_458 = vector.shape_cast %swap3A_457 : vector<16xf32> to vector<16xf32>
        %swap3A_459 = vector.shape_cast %add3A_456 : vector<16xf32> to vector<16xf32>
        tpu.vector_store %arg7[%swap3A], %swap3A_459 {strides = array<i32>} : memref<2048xf32, #tpu.memory_space<vmem>>, vector<16xf32>,
        %mul3A_460 = arith.constant 16 : i32
        %mul3A_461 = arith.muli %scan3A_445, %mul3A_460 : i32
        %add3A_462 = arith.constant 1 : i32
        %add3A_463 = arith.addi %mul3A_461, %add3A_462 : i32
        %mul3A_464 = arith.constant 16 : i32
        %mul3A_465 = arith.muli %add3A_463, %mul3A_464 : i32
        %get3A_466 = arith.index_cast %mul3A_465 : i32 to index
        %get3A_467 = tpu.vector_load %arg5[%get3A_466] {strides = array<i32>} : memref<2048xf32, #tpu.memory_space<vmem>>, vector<16xf32>,
        %get3A_468 = vector.shape_cast %get3A_467 : vector<16xf32> to vector<16xf32>
        %add3A_469 = vector.broadcast %squeeze3A : f32 to vector<16xf32>
        %add3A_470 = arith.addf %get3A_468, %add3A_469 : vector<16xf32>
        %swap3A_471 = arith.index_cast %mul3A_465 : i32 to index
        %swap3A_472 = tpu.vector_load %arg7[%swap3A_471] {strides = array<i32>} : memref<2048xf32, #tpu.memory_space<vmem>>, vector<16xf32>,
        %swap3A_473 = vector.shape_cast %swap3A_472 : vector<16xf32> to vector<16xf32>
        %swap3A_474 = vector.shape_cast %add3A_470 : vector<16xf32> to vector<16xf32>
        tpu.vector_store %arg7[%swap3A_471], %swap3A_474 {strides = array<i32>} : memref<2048xf32, #tpu.memory_space<vmem>>, vector<16xf32>,
        %mul3A_475 = arith.constant 16 : i32
        %mul3A_476 = arith.muli %scan3A_445, %mul3A_475 : i32
        %add3A_477 = arith.constant 2 : i32
        %add3A_478 = arith.addi %mul3A_476, %add3A_477 : i32
        %mul3A_479 = arith.constant 16 : i32
        %mul3A_480 = arith.muli %add3A_478, %mul3A_479 : i32
        %get3A_481 = arith.index_cast %mul3A_480 : i32 to index
        %get3A_482 = tpu.vector_load %arg5[%get3A_481] {strides = array<i32>} : memref<2048xf32, #tpu.memory_space<vmem>>, vector<16xf32>,
        %get3A_483 = vector.shape_cast %get3A_482 : vector<16xf32> to vector<16xf32>
        %add3A_484 = vector.broadcast %squeeze3A : f32 to vector<16xf32>
        %add3A_485 = arith.addf %get3A_483, %add3A_484 : vector<16xf32>
        %swap3A_486 = arith.index_cast %mul3A_480 : i32 to index
        %swap3A_487 = tpu.vector_load %arg7[%swap3A_486] {strides = array<i32>} : memref<2048xf32, #tpu.memory_space<vmem>>, vector<16xf32>,
        %swap3A_488 = vector.shape_cast %swap3A_487 : vector<16xf32> to vector<16xf32>
        %swap3A_489 = vector.shape_cast %add3A_485 : vector<16xf32> to vector<16xf32>
        tpu.vector_store %arg7[%swap3A_486], %swap3A_489 {strides = array<i32>} : memref<2048xf32, #tpu.memory_space<vmem>>, vector<16xf32>,
        %mul3A_490 = arith.constant 16 : i32
        %mul3A_491 = arith.muli %scan3A_445, %mul3A_490 : i32
        %add3A_492 = arith.constant 3 : i32
        %add3A_493 = arith.addi %mul3A_491, %add3A_492 : i32
        %mul3A_494 = arith.constant 16 : i32
        %mul3A_495 = arith.muli %add3A_493, %mul3A_494 : i32
        %get3A_496 = arith.index_cast %mul3A_495 : i32 to index
        %get3A_497 = tpu.vector_load %arg5[%get3A_496] {strides = array<i32>} : memref<2048xf32, #tpu.memory_space<vmem>>, vector<16xf32>,
        %get3A_498 = vector.shape_cast %get3A_497 : vector<16xf32> to vector<16xf32>
        %add3A_499 = vector.broadcast %squeeze3A : f32 to vector<16xf32>
        %add3A_500 = arith.addf %get3A_498, %add3A_499 : vector<16xf32>
        %swap3A_501 = arith.index_cast %mul3A_495 : i32 to index
        %swap3A_502 = tpu.vector_load %arg7[%swap3A_501] {strides = array<i32>} : memref<2048xf32, #tpu.memory_space<vmem>>, vector<16xf32>,
        %swap3A_503 = vector.shape_cast %swap3A_502 : vector<16xf32> to vector<16xf32>
        %swap3A_504 = vector.shape_cast %add3A_500 : vector<16xf32> to vector<16xf32>
        tpu.vector_store %arg7[%swap3A_501], %swap3A_504 {strides = array<i32>} : memref<2048xf32, #tpu.memory_space<vmem>>, vector<16xf32>,
        %mul3A_505 = arith.constant 16 : i32
        %mul3A_506 = arith.muli %scan3A_445, %mul3A_505 : i32
        %add3A_507 = arith.constant 4 : i32
        %add3A_508 = arith.addi %mul3A_506, %add3A_507 : i32
        %mul3A_509 = arith.constant 16 : i32
        %mul3A_510 = arith.muli %add3A_508, %mul3A_509 : i32
        %get3A_511 = arith.index_cast %mul3A_510 : i32 to index
        %get3A_512 = tpu.vector_load %arg5[%get3A_511] {strides = array<i32>} : memref<2048xf32, #tpu.memory_space<vmem>>, vector<16xf32>,
        %get3A_513 = vector.shape_cast %get3A_512 : vector<16xf32> to vector<16xf32>
        %add3A_514 = vector.broadcast %squeeze3A : f32 to vector<16xf32>
        %add3A_515 = arith.addf %get3A_513, %add3A_514 : vector<16xf32>
        %swap3A_516 = arith.index_cast %mul3A_510 : i32 to index
        %swap3A_517 = tpu.vector_load %arg7[%swap3A_516] {strides = array<i32>} : memref<2048xf32, #tpu.memory_space<vmem>>, vector<16xf32>,
        %swap3A_518 = vector.shape_cast %swap3A_517 : vector<16xf32> to vector<16xf32>
        %swap3A_519 = vector.shape_cast %add3A_515 : vector<16xf32> to vector<16xf32>
        tpu.vector_store %arg7[%swap3A_516], %swap3A_519 {strides = array<i32>} : memref<2048xf32, #tpu.memory_space<vmem>>, vector<16xf32>,
        %mul3A_520 = arith.constant 16 : i32
        %mul3A_521 = arith.muli %scan3A_445, %mul3A_520 : i32
        %add3A_522 = arith.constant 5 : i32
        %add3A_523 = arith.addi %mul3A_521, %add3A_522 : i32
        %mul3A_524 = arith.constant 16 : i32
        %mul3A_525 = arith.muli %add3A_523, %mul3A_524 : i32
        %get3A_526 = arith.index_cast %mul3A_525 : i32 to index
        %get3A_527 = tpu.vector_load %arg5[%get3A_526] {strides = array<i32>} : memref<2048xf32, #tpu.memory_space<vmem>>, vector<16xf32>,
        %get3A_528 = vector.shape_cast %get3A_527 : vector<16xf32> to vector<16xf32>
        %add3A_529 = vector.broadcast %squeeze3A : f32 to vector<16xf32>
        %add3A_530 = arith.addf %get3A_528, %add3A_529 : vector<16xf32>
        %swap3A_531 = arith.index_cast %mul3A_525 : i32 to index
        %swap3A_532 = tpu.vector_load %arg7[%swap3A_531] {strides = array<i32>} : memref<2048xf32, #tpu.memory_space<vmem>>, vector<16xf32>,
        %swap3A_533 = vector.shape_cast %swap3A_532 : vector<16xf32> to vector<16xf32>
        %swap3A_534 = vector.shape_cast %add3A_530 : vector<16xf32> to vector<16xf32>
        tpu.vector_store %arg7[%swap3A_531], %swap3A_534 {strides = array<i32>} : memref<2048xf32, #tpu.memory_space<vmem>>, vector<16xf32>,
        %mul3A_535 = arith.constant 16 : i32
        %mul3A_536 = arith.muli %scan3A_445, %mul3A_535 : i32
        %add3A_537 = arith.constant 6 : i32
        %add3A_538 = arith.addi %mul3A_536, %add3A_537 : i32
        %mul3A_539 = arith.constant 16 : i32
        %mul3A_540 = arith.muli %add3A_538, %mul3A_539 : i32
        %get3A_541 = arith.index_cast %mul3A_540 : i32 to index
        %get3A_542 = tpu.vector_load %arg5[%get3A_541] {strides = array<i32>} : memref<2048xf32, #tpu.memory_space<vmem>>, vector<16xf32>,
        %get3A_543 = vector.shape_cast %get3A_542 : vector<16xf32> to vector<16xf32>
        %add3A_544 = vector.broadcast %squeeze3A : f32 to vector<16xf32>
        %add3A_545 = arith.addf %get3A_543, %add3A_544 : vector<16xf32>
        %swap3A_546 = arith.index_cast %mul3A_540 : i32 to index
        %swap3A_547 = tpu.vector_load %arg7[%swap3A_546] {strides = array<i32>} : memref<2048xf32, #tpu.memory_space<vmem>>, vector<16xf32>,
        %swap3A_548 = vector.shape_cast %swap3A_547 : vector<16xf32> to vector<16xf32>
        %swap3A_549 = vector.shape_cast %add3A_545 : vector<16xf32> to vector<16xf32>
        tpu.vector_store %arg7[%swap3A_546], %swap3A_549 {strides = array<i32>} : memref<2048xf32, #tpu.memory_space<vmem>>, vector<16xf32>,
        %mul3A_550 = arith.constant 16 : i32
        %mul3A_551 = arith.muli %scan3A_445, %mul3A_550 : i32
        %add3A_552 = arith.constant 7 : i32
        %add3A_553 = arith.addi %mul3A_551, %add3A_552 : i32
        %mul3A_554 = arith.constant 16 : i32
        %mul3A_555 = arith.muli %add3A_553, %mul3A_554 : i32
        %get3A_556 = arith.index_cast %mul3A_555 : i32 to index
        %get3A_557 = tpu.vector_load %arg5[%get3A_556] {strides = array<i32>} : memref<2048xf32, #tpu.memory_space<vmem>>, vector<16xf32>,
        %get3A_558 = vector.shape_cast %get3A_557 : vector<16xf32> to vector<16xf32>
        %add3A_559 = vector.broadcast %squeeze3A : f32 to vector<16xf32>
        %add3A_560 = arith.addf %get3A_558, %add3A_559 : vector<16xf32>
        %swap3A_561 = arith.index_cast %mul3A_555 : i32 to index
        %swap3A_562 = tpu.vector_load %arg7[%swap3A_561] {strides = array<i32>} : memref<2048xf32, #tpu.memory_space<vmem>>, vector<16xf32>,
        %swap3A_563 = vector.shape_cast %swap3A_562 : vector<16xf32> to vector<16xf32>
        %swap3A_564 = vector.shape_cast %add3A_560 : vector<16xf32> to vector<16xf32>
        tpu.vector_store %arg7[%swap3A_561], %swap3A_564 {strides = array<i32>} : memref<2048xf32, #tpu.memory_space<vmem>>, vector<16xf32>,
        %mul3A_565 = arith.constant 16 : i32
        %mul3A_566 = arith.muli %scan3A_445, %mul3A_565 : i32
        %add3A_567 = arith.constant 8 : i32
        %add3A_568 = arith.addi %mul3A_566, %add3A_567 : i32
        %mul3A_569 = arith.constant 16 : i32
        %mul3A_570 = arith.muli %add3A_568, %mul3A_569 : i32
        %get3A_571 = arith.index_cast %mul3A_570 : i32 to index
        %get3A_572 = tpu.vector_load %arg5[%get3A_571] {strides = array<i32>} : memref<2048xf32, #tpu.memory_space<vmem>>, vector<16xf32>,
        %get3A_573 = vector.shape_cast %get3A_572 : vector<16xf32> to vector<16xf32>
        %add3A_574 = vector.broadcast %squeeze3A : f32 to vector<16xf32>
        %add3A_575 = arith.addf %get3A_573, %add3A_574 : vector<16xf32>
        %swap3A_576 = arith.index_cast %mul3A_570 : i32 to index
        %swap3A_577 = tpu.vector_load %arg7[%swap3A_576] {strides = array<i32>} : memref<2048xf32, #tpu.memory_space<vmem>>, vector<16xf32>,
        %swap3A_578 = vector.shape_cast %swap3A_577 : vector<16xf32> to vector<16xf32>
        %swap3A_579 = vector.shape_cast %add3A_575 : vector<16xf32> to vector<16xf32>
        tpu.vector_store %arg7[%swap3A_576], %swap3A_579 {strides = array<i32>} : memref<2048xf32, #tpu.memory_space<vmem>>, vector<16xf32>,
        %mul3A_580 = arith.constant 16 : i32
        %mul3A_581 = arith.muli %scan3A_445, %mul3A_580 : i32
        %add3A_582 = arith.constant 9 : i32
        %add3A_583 = arith.addi %mul3A_581, %add3A_582 : i32
        %mul3A_584 = arith.constant 16 : i32
        %mul3A_585 = arith.muli %add3A_583, %mul3A_584 : i32
        %get3A_586 = arith.index_cast %mul3A_585 : i32 to index
        %get3A_587 = tpu.vector_load %arg5[%get3A_586] {strides = array<i32>} : memref<2048xf32, #tpu.memory_space<vmem>>, vector<16xf32>,
        %get3A_588 = vector.shape_cast %get3A_587 : vector<16xf32> to vector<16xf32>
        %add3A_589 = vector.broadcast %squeeze3A : f32 to vector<16xf32>
        %add3A_590 = arith.addf %get3A_588, %add3A_589 : vector<16xf32>
        %swap3A_591 = arith.index_cast %mul3A_585 : i32 to index
        %swap3A_592 = tpu.vector_load %arg7[%swap3A_591] {strides = array<i32>} : memref<2048xf32, #tpu.memory_space<vmem>>, vector<16xf32>,
        %swap3A_593 = vector.shape_cast %swap3A_592 : vector<16xf32> to vector<16xf32>
        %swap3A_594 = vector.shape_cast %add3A_590 : vector<16xf32> to vector<16xf32>
        tpu.vector_store %arg7[%swap3A_591], %swap3A_594 {strides = array<i32>} : memref<2048xf32, #tpu.memory_space<vmem>>, vector<16xf32>,
        %mul3A_595 = arith.constant 16 : i32
        %mul3A_596 = arith.muli %scan3A_445, %mul3A_595 : i32
        %add3A_597 = arith.constant 10 : i32
        %add3A_598 = arith.addi %mul3A_596, %add3A_597 : i32
        %mul3A_599 = arith.constant 16 : i32
        %mul3A_600 = arith.muli %add3A_598, %mul3A_599 : i32
        %get3A_601 = arith.index_cast %mul3A_600 : i32 to index
        %get3A_602 = tpu.vector_load %arg5[%get3A_601] {strides = array<i32>} : memref<2048xf32, #tpu.memory_space<vmem>>, vector<16xf32>,
        %get3A_603 = vector.shape_cast %get3A_602 : vector<16xf32> to vector<16xf32>
        %add3A_604 = vector.broadcast %squeeze3A : f32 to vector<16xf32>
        %add3A_605 = arith.addf %get3A_603, %add3A_604 : vector<16xf32>
        %swap3A_606 = arith.index_cast %mul3A_600 : i32 to index
        %swap3A_607 = tpu.vector_load %arg7[%swap3A_606] {strides = array<i32>} : memref<2048xf32, #tpu.memory_space<vmem>>, vector<16xf32>,
        %swap3A_608 = vector.shape_cast %swap3A_607 : vector<16xf32> to vector<16xf32>
        %swap3A_609 = vector.shape_cast %add3A_605 : vector<16xf32> to vector<16xf32>
        tpu.vector_store %arg7[%swap3A_606], %swap3A_609 {strides = array<i32>} : memref<2048xf32, #tpu.memory_space<vmem>>, vector<16xf32>,
        %mul3A_610 = arith.constant 16 : i32
        %mul3A_611 = arith.muli %scan3A_445, %mul3A_610 : i32
        %add3A_612 = arith.constant 11 : i32
        %add3A_613 = arith.addi %mul3A_611, %add3A_612 : i32
        %mul3A_614 = arith.constant 16 : i32
        %mul3A_615 = arith.muli %add3A_613, %mul3A_614 : i32
        %get3A_616 = arith.index_cast %mul3A_615 : i32 to index
        %get3A_617 = tpu.vector_load %arg5[%get3A_616] {strides = array<i32>} : memref<2048xf32, #tpu.memory_space<vmem>>, vector<16xf32>,
        %get3A_618 = vector.shape_cast %get3A_617 : vector<16xf32> to vector<16xf32>
        %add3A_619 = vector.broadcast %squeeze3A : f32 to vector<16xf32>
        %add3A_620 = arith.addf %get3A_618, %add3A_619 : vector<16xf32>
        %swap3A_621 = arith.index_cast %mul3A_615 : i32 to index
        %swap3A_622 = tpu.vector_load %arg7[%swap3A_621] {strides = array<i32>} : memref<2048xf32, #tpu.memory_space<vmem>>, vector<16xf32>,
        %swap3A_623 = vector.shape_cast %swap3A_622 : vector<16xf32> to vector<16xf32>
        %swap3A_624 = vector.shape_cast %add3A_620 : vector<16xf32> to vector<16xf32>
        tpu.vector_store %arg7[%swap3A_621], %swap3A_624 {strides = array<i32>} : memref<2048xf32, #tpu.memory_space<vmem>>, vector<16xf32>,
        %mul3A_625 = arith.constant 16 : i32
        %mul3A_626 = arith.muli %scan3A_445, %mul3A_625 : i32
        %add3A_627 = arith.constant 12 : i32
        %add3A_628 = arith.addi %mul3A_626, %add3A_627 : i32
        %mul3A_629 = arith.constant 16 : i32
        %mul3A_630 = arith.muli %add3A_628, %mul3A_629 : i32
        %get3A_631 = arith.index_cast %mul3A_630 : i32 to index
        %get3A_632 = tpu.vector_load %arg5[%get3A_631] {strides = array<i32>} : memref<2048xf32, #tpu.memory_space<vmem>>, vector<16xf32>,
        %get3A_633 = vector.shape_cast %get3A_632 : vector<16xf32> to vector<16xf32>
        %add3A_634 = vector.broadcast %squeeze3A : f32 to vector<16xf32>
        %add3A_635 = arith.addf %get3A_633, %add3A_634 : vector<16xf32>
        %swap3A_636 = arith.index_cast %mul3A_630 : i32 to index
        %swap3A_637 = tpu.vector_load %arg7[%swap3A_636] {strides = array<i32>} : memref<2048xf32, #tpu.memory_space<vmem>>, vector<16xf32>,
        %swap3A_638 = vector.shape_cast %swap3A_637 : vector<16xf32> to vector<16xf32>
        %swap3A_639 = vector.shape_cast %add3A_635 : vector<16xf32> to vector<16xf32>
        tpu.vector_store %arg7[%swap3A_636], %swap3A_639 {strides = array<i32>} : memref<2048xf32, #tpu.memory_space<vmem>>, vector<16xf32>,
        %mul3A_640 = arith.constant 16 : i32
        %mul3A_641 = arith.muli %scan3A_445, %mul3A_640 : i32
        %add3A_642 = arith.constant 13 : i32
        %add3A_643 = arith.addi %mul3A_641, %add3A_642 : i32
        %mul3A_644 = arith.constant 16 : i32
        %mul3A_645 = arith.muli %add3A_643, %mul3A_644 : i32
        %get3A_646 = arith.index_cast %mul3A_645 : i32 to index
        %get3A_647 = tpu.vector_load %arg5[%get3A_646] {strides = array<i32>} : memref<2048xf32, #tpu.memory_space<vmem>>, vector<16xf32>,
        %get3A_648 = vector.shape_cast %get3A_647 : vector<16xf32> to vector<16xf32>
        %add3A_649 = vector.broadcast %squeeze3A : f32 to vector<16xf32>
        %add3A_650 = arith.addf %get3A_648, %add3A_649 : vector<16xf32>
        %swap3A_651 = arith.index_cast %mul3A_645 : i32 to index
        %swap3A_652 = tpu.vector_load %arg7[%swap3A_651] {strides = array<i32>} : memref<2048xf32, #tpu.memory_space<vmem>>, vector<16xf32>,
        %swap3A_653 = vector.shape_cast %swap3A_652 : vector<16xf32> to vector<16xf32>
        %swap3A_654 = vector.shape_cast %add3A_650 : vector<16xf32> to vector<16xf32>
        tpu.vector_store %arg7[%swap3A_651], %swap3A_654 {strides = array<i32>} : memref<2048xf32, #tpu.memory_space<vmem>>, vector<16xf32>,
        %mul3A_655 = arith.constant 16 : i32
        %mul3A_656 = arith.muli %scan3A_445, %mul3A_655 : i32
        %add3A_657 = arith.constant 14 : i32
        %add3A_658 = arith.addi %mul3A_656, %add3A_657 : i32
        %mul3A_659 = arith.constant 16 : i32
        %mul3A_660 = arith.muli %add3A_658, %mul3A_659 : i32
        %get3A_661 = arith.index_cast %mul3A_660 : i32 to index
        %get3A_662 = tpu.vector_load %arg5[%get3A_661] {strides = array<i32>} : memref<2048xf32, #tpu.memory_space<vmem>>, vector<16xf32>,
        %get3A_663 = vector.shape_cast %get3A_662 : vector<16xf32> to vector<16xf32>
        %add3A_664 = vector.broadcast %squeeze3A : f32 to vector<16xf32>
        %add3A_665 = arith.addf %get3A_663, %add3A_664 : vector<16xf32>
        %swap3A_666 = arith.index_cast %mul3A_660 : i32 to index
        %swap3A_667 = tpu.vector_load %arg7[%swap3A_666] {strides = array<i32>} : memref<2048xf32, #tpu.memory_space<vmem>>, vector<16xf32>,
        %swap3A_668 = vector.shape_cast %swap3A_667 : vector<16xf32> to vector<16xf32>
        %swap3A_669 = vector.shape_cast %add3A_665 : vector<16xf32> to vector<16xf32>
        tpu.vector_store %arg7[%swap3A_666], %swap3A_669 {strides = array<i32>} : memref<2048xf32, #tpu.memory_space<vmem>>, vector<16xf32>,
        %mul3A_670 = arith.constant 16 : i32
        %mul3A_671 = arith.muli %scan3A_445, %mul3A_670 : i32
        %add3A_672 = arith.constant 15 : i32
        %add3A_673 = arith.addi %mul3A_671, %add3A_672 : i32
        %mul3A_674 = arith.constant 16 : i32
        %mul3A_675 = arith.muli %add3A_673, %mul3A_674 : i32
        %get3A_676 = arith.index_cast %mul3A_675 : i32 to index
        %get3A_677 = tpu.vector_load %arg5[%get3A_676] {strides = array<i32>} : memref<2048xf32, #tpu.memory_space<vmem>>, vector<16xf32>,
        %get3A_678 = vector.shape_cast %get3A_677 : vector<16xf32> to vector<16xf32>
        %add3A_679 = vector.broadcast %squeeze3A : f32 to vector<16xf32>
        %add3A_680 = arith.addf %get3A_678, %add3A_679 : vector<16xf32>
        %swap3A_681 = arith.index_cast %mul3A_675 : i32 to index
        %swap3A_682 = tpu.vector_load %arg7[%swap3A_681] {strides = array<i32>} : memref<2048xf32, #tpu.memory_space<vmem>>, vector<16xf32>,
        %swap3A_683 = vector.shape_cast %swap3A_682 : vector<16xf32> to vector<16xf32>
        %swap3A_684 = vector.shape_cast %add3A_680 : vector<16xf32> to vector<16xf32>
        tpu.vector_store %arg7[%swap3A_681], %swap3A_684 {strides = array<i32>} : memref<2048xf32, #tpu.memory_space<vmem>>, vector<16xf32>,
      }
      %scan3A_34 = arith.constant 8 : i32
      %dma_start3A = arith.constant 0 : i32
      %dma_start3A_35 = arith.constant 0 : i32
      %dma_start3A_36 = tpu.memref_slice %arg4[%add3A_22, %dma_start3A, %dma_start3A_35] : memref<2048x16x2048xf32, #tpu.memory_space<hbm>> -> memref<1x1x2048xf32, #tpu.memory_space<hbm>>
      %dma_start3A_37 = tpu.memref_squeeze %dma_start3A_36 : memref<1x1x2048xf32, #tpu.memory_space<hbm>> -> memref<2048xf32, #tpu.memory_space<hbm>>
      %dma_start3A_38 = arith.constant 0 : i32
      %dma_start3A_39 = tpu.memref_slice %arg4[%add3A_22, %dma_start3A, %dma_start3A_38] : memref<2048x16x2048xf32, #tpu.memory_space<hbm>> -> memref<1x1x2048xf32, #tpu.memory_space<hbm>>
      %dma_start3A_40 = tpu.memref_squeeze %dma_start3A_39 : memref<1x1x2048xf32, #tpu.memory_space<hbm>> -> memref<2048xf32, #tpu.memory_space<hbm>>
      tpu.enqueue_dma source(%arg7 : memref<2048xf32, #tpu.memory_space<vmem>>) target(%dma_start3A_40 : memref<2048xf32, #tpu.memory_space<hbm>>) target_semaphore(%arg9 : memref<!tpu.dma_semaphore, #tpu.memory_space<semaphore_mem>>)
      %add3A_41 = arith.addi %mul3A_2, %scan3A_21 : i32
      %gt3A_42 = arith.constant 0 : i32
      %gt3A_43 = arith.cmpi sgt, %scan3A_21, %gt3A_42 : i32
      %convert_element_type3A_44 = arith.extui %gt3A_43 : i1 to i32
      %cond3A_45 = arith.constant 1 : i32
      %cond3A_46 = arith.constant 0 : i32
      %cond3A_47 = arith.cmpi ne, %convert_element_type3A_44, %cond3A_46 : i32
      scf.if %cond3A_47 {
        %dma_wait3A_445 = arith.constant 0 : i32
        %dma_wait3A_446 = tpu.memref_slice %arg4[%add3A_41, %cond3A_45, %dma_wait3A_445] : memref<2048x16x2048xf32, #tpu.memory_space<hbm>> -> memref<1x1x2048xf32, #tpu.memory_space<hbm>>
        %dma_wait3A_447 = tpu.memref_squeeze %dma_wait3A_446 : memref<1x1x2048xf32, #tpu.memory_space<hbm>> -> memref<2048xf32, #tpu.memory_space<hbm>>
        %dma_wait3A_448 = arith.constant 0 : i32
        %dma_wait3A_449 = tpu.memref_slice %arg4[%add3A_41, %cond3A_45, %dma_wait3A_448] : memref<2048x16x2048xf32, #tpu.memory_space<hbm>> -> memref<1x1x2048xf32, #tpu.memory_space<hbm>>
        %dma_wait3A_450 = tpu.memref_squeeze %dma_wait3A_449 : memref<1x1x2048xf32, #tpu.memory_space<hbm>> -> memref<2048xf32, #tpu.memory_space<hbm>>
        tpu.wait_dma2 semaphore(%arg10 : memref<!tpu.dma_semaphore, #tpu.memory_space<semaphore_mem>>) src(%arg8 : memref<2048xf32, #tpu.memory_space<vmem>>) dst(%dma_wait3A_450 : memref<2048xf32, #tpu.memory_space<hbm>>)
      } else {
      }
      %get3A_48 = arith.index_cast %scan3A_21 : i32 to index
      %get3A_49 = arith.constant 0 : index
      %get3A_50 = tpu.vector_load %arg6[%get3A_48, %get3A_49] {strides = array<i32>} : memref<64x16xf32, #tpu.memory_space<vmem>>, vector<1x16xf32>,
      %get3A_51 = vector.shape_cast %get3A_50 : vector<1x16xf32> to vector<16xf32>
      %slice3A_52 = vector.extract_strided_slice %get3A_51 {offsets = [1], sizes = [1], strides = [1]} : vector<16xf32> to vector<1xf32>
      %squeeze3A_53 = vector.extract %slice3A_52[0] : f32 from vector<1xf32>
      %scan3A_54 = arith.constant 0 : i32
      %scan3A_55 = arith.constant 0 : i32
      %scan3A_56 = arith.constant 8 : i32
      %scan3A_57 = arith.addi %scan3A_55, %scan3A_56 : i32
      %scan3A_58 = arith.constant 1 : i32
      scf.for %scan3A_445 = %scan3A_55 to %scan3A_57 step %scan3A_58  : i32 {
        %mul3A_446 = arith.constant 16 : i32
        %mul3A_447 = arith.muli %scan3A_445, %mul3A_446 : i32
        %add3A_448 = arith.constant 0 : i32
        %add3A_449 = arith.addi %mul3A_447, %add3A_448 : i32
        %mul3A_450 = arith.constant 16 : i32
        %mul3A_451 = arith.muli %add3A_449, %mul3A_450 : i32
        %get3A_452 = arith.index_cast %mul3A_451 : i32 to index
        %get3A_453 = tpu.vector_load %arg5[%get3A_452] {strides = array<i32>} : memref<2048xf32, #tpu.memory_space<vmem>>, vector<16xf32>,
        %get3A_454 = vector.shape_cast %get3A_453 : vector<16xf32> to vector<16xf32>
        %add3A_455 = vector.broadcast %squeeze3A_53 : f32 to vector<16xf32>
        %add3A_456 = arith.addf %get3A_454, %add3A_455 : vector<16xf32>
        %swap3A = arith.index_cast %mul3A_451 : i32 to index
        %swap3A_457 = tpu.vector_load %arg8[%swap3A] {strides = array<i32>} : memref<2048xf32, #tpu.memory_space<vmem>>, vector<16xf32>,
        %swap3A_458 = vector.shape_cast %swap3A_457 : vector<16xf32> to vector<16xf32>
        %swap3A_459 = vector.shape_cast %add3A_456 : vector<16xf32> to vector<16xf32>
        tpu.vector_store %arg8[%swap3A], %swap3A_459 {strides = array<i32>} : memref<2048xf32, #tpu.memory_space<vmem>>, vector<16xf32>,
        %mul3A_460 = arith.constant 16 : i32
        %mul3A_461 = arith.muli %scan3A_445, %mul3A_460 : i32
        %add3A_462 = arith.constant 1 : i32
        %add3A_463 = arith.addi %mul3A_461, %add3A_462 : i32
        %mul3A_464 = arith.constant 16 : i32
        %mul3A_465 = arith.muli %add3A_463, %mul3A_464 : i32
        %get3A_466 = arith.index_cast %mul3A_465 : i32 to index
        %get3A_467 = tpu.vector_load %arg5[%get3A_466] {strides = array<i32>} : memref<2048xf32, #tpu.memory_space<vmem>>, vector<16xf32>,
        %get3A_468 = vector.shape_cast %get3A_467 : vector<16xf32> to vector<16xf32>
        %add3A_469 = vector.broadcast %squeeze3A_53 : f32 to vector<16xf32>
        %add3A_470 = arith.addf %get3A_468, %add3A_469 : vector<16xf32>
        %swap3A_471 = arith.index_cast %mul3A_465 : i32 to index
        %swap3A_472 = tpu.vector_load %arg8[%swap3A_471] {strides = array<i32>} : memref<2048xf32, #tpu.memory_space<vmem>>, vector<16xf32>,
        %swap3A_473 = vector.shape_cast %swap3A_472 : vector<16xf32> to vector<16xf32>
        %swap3A_474 = vector.shape_cast %add3A_470 : vector<16xf32> to vector<16xf32>
        tpu.vector_store %arg8[%swap3A_471], %swap3A_474 {strides = array<i32>} : memref<2048xf32, #tpu.memory_space<vmem>>, vector<16xf32>,
        %mul3A_475 = arith.constant 16 : i32
        %mul3A_476 = arith.muli %scan3A_445, %mul3A_475 : i32
        %add3A_477 = arith.constant 2 : i32
        %add3A_478 = arith.addi %mul3A_476, %add3A_477 : i32
        %mul3A_479 = arith.constant 16 : i32
        %mul3A_480 = arith.muli %add3A_478, %mul3A_479 : i32
        %get3A_481 = arith.index_cast %mul3A_480 : i32 to index
        %get3A_482 = tpu.vector_load %arg5[%get3A_481] {strides = array<i32>} : memref<2048xf32, #tpu.memory_space<vmem>>, vector<16xf32>,
        %get3A_483 = vector.shape_cast %get3A_482 : vector<16xf32> to vector<16xf32>
        %add3A_484 = vector.broadcast %squeeze3A_53 : f32 to vector<16xf32>
        %add3A_485 = arith.addf %get3A_483, %add3A_484 : vector<16xf32>
        %swap3A_486 = arith.index_cast %mul3A_480 : i32 to index
        %swap3A_487 = tpu.vector_load %arg8[%swap3A_486] {strides = array<i32>} : memref<2048xf32, #tpu.memory_space<vmem>>, vector<16xf32>,
        %swap3A_488 = vector.shape_cast %swap3A_487 : vector<16xf32> to vector<16xf32>
        %swap3A_489 = vector.shape_cast %add3A_485 : vector<16xf32> to vector<16xf32>
        tpu.vector_store %arg8[%swap3A_486], %swap3A_489 {strides = array<i32>} : memref<2048xf32, #tpu.memory_space<vmem>>, vector<16xf32>,
        %mul3A_490 = arith.constant 16 : i32
        %mul3A_491 = arith.muli %scan3A_445, %mul3A_490 : i32
        %add3A_492 = arith.constant 3 : i32
        %add3A_493 = arith.addi %mul3A_491, %add3A_492 : i32
        %mul3A_494 = arith.constant 16 : i32
        %mul3A_495 = arith.muli %add3A_493, %mul3A_494 : i32
        %get3A_496 = arith.index_cast %mul3A_495 : i32 to index
        %get3A_497 = tpu.vector_load %arg5[%get3A_496] {strides = array<i32>} : memref<2048xf32, #tpu.memory_space<vmem>>, vector<16xf32>,
        %get3A_498 = vector.shape_cast %get3A_497 : vector<16xf32> to vector<16xf32>
        %add3A_499 = vector.broadcast %squeeze3A_53 : f32 to vector<16xf32>
        %add3A_500 = arith.addf %get3A_498, %add3A_499 : vector<16xf32>
        %swap3A_501 = arith.index_cast %mul3A_495 : i32 to index
        %swap3A_502 = tpu.vector_load %arg8[%swap3A_501] {strides = array<i32>} : memref<2048xf32, #tpu.memory_space<vmem>>, vector<16xf32>,
        %swap3A_503 = vector.shape_cast %swap3A_502 : vector<16xf32> to vector<16xf32>
        %swap3A_504 = vector.shape_cast %add3A_500 : vector<16xf32> to vector<16xf32>
        tpu.vector_store %arg8[%swap3A_501], %swap3A_504 {strides = array<i32>} : memref<2048xf32, #tpu.memory_space<vmem>>, vector<16xf32>,
        %mul3A_505 = arith.constant 16 : i32
        %mul3A_506 = arith.muli %scan3A_445, %mul3A_505 : i32
        %add3A_507 = arith.constant 4 : i32
        %add3A_508 = arith.addi %mul3A_506, %add3A_507 : i32
        %mul3A_509 = arith.constant 16 : i32
        %mul3A_510 = arith.muli %add3A_508, %mul3A_509 : i32
        %get3A_511 = arith.index_cast %mul3A_510 : i32 to index
        %get3A_512 = tpu.vector_load %arg5[%get3A_511] {strides = array<i32>} : memref<2048xf32, #tpu.memory_space<vmem>>, vector<16xf32>,
        %get3A_513 = vector.shape_cast %get3A_512 : vector<16xf32> to vector<16xf32>
        %add3A_514 = vector.broadcast %squeeze3A_53 : f32 to vector<16xf32>
        %add3A_515 = arith.addf %get3A_513, %add3A_514 : vector<16xf32>
        %swap3A_516 = arith.index_cast %mul3A_510 : i32 to index
        %swap3A_517 = tpu.vector_load %arg8[%swap3A_516] {strides = array<i32>} : memref<2048xf32, #tpu.memory_space<vmem>>, vector<16xf32>,
        %swap3A_518 = vector.shape_cast %swap3A_517 : vector<16xf32> to vector<16xf32>
        %swap3A_519 = vector.shape_cast %add3A_515 : vector<16xf32> to vector<16xf32>
        tpu.vector_store %arg8[%swap3A_516], %swap3A_519 {strides = array<i32>} : memref<2048xf32, #tpu.memory_space<vmem>>, vector<16xf32>,
        %mul3A_520 = arith.constant 16 : i32
        %mul3A_521 = arith.muli %scan3A_445, %mul3A_520 : i32
        %add3A_522 = arith.constant 5 : i32
        %add3A_523 = arith.addi %mul3A_521, %add3A_522 : i32
        %mul3A_524 = arith.constant 16 : i32
        %mul3A_525 = arith.muli %add3A_523, %mul3A_524 : i32
        %get3A_526 = arith.index_cast %mul3A_525 : i32 to index
        %get3A_527 = tpu.vector_load %arg5[%get3A_526] {strides = array<i32>} : memref<2048xf32, #tpu.memory_space<vmem>>, vector<16xf32>,
        %get3A_528 = vector.shape_cast %get3A_527 : vector<16xf32> to vector<16xf32>
        %add3A_529 = vector.broadcast %squeeze3A_53 : f32 to vector<16xf32>
        %add3A_530 = arith.addf %get3A_528, %add3A_529 : vector<16xf32>
        %swap3A_531 = arith.index_cast %mul3A_525 : i32 to index
        %swap3A_532 = tpu.vector_load %arg8[%swap3A_531] {strides = array<i32>} : memref<2048xf32, #tpu.memory_space<vmem>>, vector<16xf32>,
        %swap3A_533 = vector.shape_cast %swap3A_532 : vector<16xf32> to vector<16xf32>
        %swap3A_534 = vector.shape_cast %add3A_530 : vector<16xf32> to vector<16xf32>
        tpu.vector_store %arg8[%swap3A_531], %swap3A_534 {strides = array<i32>} : memref<2048xf32, #tpu.memory_space<vmem>>, vector<16xf32>,
        %mul3A_535 = arith.constant 16 : i32
        %mul3A_536 = arith.muli %scan3A_445, %mul3A_535 : i32
        %add3A_537 = arith.constant 6 : i32
        %add3A_538 = arith.addi %mul3A_536, %add3A_537 : i32
        %mul3A_539 = arith.constant 16 : i32
        %mul3A_540 = arith.muli %add3A_538, %mul3A_539 : i32
        %get3A_541 = arith.index_cast %mul3A_540 : i32 to index
        %get3A_542 = tpu.vector_load %arg5[%get3A_541] {strides = array<i32>} : memref<2048xf32, #tpu.memory_space<vmem>>, vector<16xf32>,
        %get3A_543 = vector.shape_cast %get3A_542 : vector<16xf32> to vector<16xf32>
        %add3A_544 = vector.broadcast %squeeze3A_53 : f32 to vector<16xf32>
        %add3A_545 = arith.addf %get3A_543, %add3A_544 : vector<16xf32>
        %swap3A_546 = arith.index_cast %mul3A_540 : i32 to index
        %swap3A_547 = tpu.vector_load %arg8[%swap3A_546] {strides = array<i32>} : memref<2048xf32, #tpu.memory_space<vmem>>, vector<16xf32>,
        %swap3A_548 = vector.shape_cast %swap3A_547 : vector<16xf32> to vector<16xf32>
        %swap3A_549 = vector.shape_cast %add3A_545 : vector<16xf32> to vector<16xf32>
        tpu.vector_store %arg8[%swap3A_546], %swap3A_549 {strides = array<i32>} : memref<2048xf32, #tpu.memory_space<vmem>>, vector<16xf32>,
        %mul3A_550 = arith.constant 16 : i32
        %mul3A_551 = arith.muli %scan3A_445, %mul3A_550 : i32
        %add3A_552 = arith.constant 7 : i32
        %add3A_553 = arith.addi %mul3A_551, %add3A_552 : i32
        %mul3A_554 = arith.constant 16 : i32
        %mul3A_555 = arith.muli %add3A_553, %mul3A_554 : i32
        %get3A_556 = arith.index_cast %mul3A_555 : i32 to index
        %get3A_557 = tpu.vector_load %arg5[%get3A_556] {strides = array<i32>} : memref<2048xf32, #tpu.memory_space<vmem>>, vector<16xf32>,
        %get3A_558 = vector.shape_cast %get3A_557 : vector<16xf32> to vector<16xf32>
        %add3A_559 = vector.broadcast %squeeze3A_53 : f32 to vector<16xf32>
        %add3A_560 = arith.addf %get3A_558, %add3A_559 : vector<16xf32>
        %swap3A_561 = arith.index_cast %mul3A_555 : i32 to index
        %swap3A_562 = tpu.vector_load %arg8[%swap3A_561] {strides = array<i32>} : memref<2048xf32, #tpu.memory_space<vmem>>, vector<16xf32>,
        %swap3A_563 = vector.shape_cast %swap3A_562 : vector<16xf32> to vector<16xf32>
        %swap3A_564 = vector.shape_cast %add3A_560 : vector<16xf32> to vector<16xf32>
        tpu.vector_store %arg8[%swap3A_561], %swap3A_564 {strides = array<i32>} : memref<2048xf32, #tpu.memory_space<vmem>>, vector<16xf32>,
        %mul3A_565 = arith.constant 16 : i32
        %mul3A_566 = arith.muli %scan3A_445, %mul3A_565 : i32
        %add3A_567 = arith.constant 8 : i32
        %add3A_568 = arith.addi %mul3A_566, %add3A_567 : i32
        %mul3A_569 = arith.constant 16 : i32
        %mul3A_570 = arith.muli %add3A_568, %mul3A_569 : i32
        %get3A_571 = arith.index_cast %mul3A_570 : i32 to index
        %get3A_572 = tpu.vector_load %arg5[%get3A_571] {strides = array<i32>} : memref<2048xf32, #tpu.memory_space<vmem>>, vector<16xf32>,
        %get3A_573 = vector.shape_cast %get3A_572 : vector<16xf32> to vector<16xf32>
        %add3A_574 = vector.broadcast %squeeze3A_53 : f32 to vector<16xf32>
        %add3A_575 = arith.addf %get3A_573, %add3A_574 : vector<16xf32>
        %swap3A_576 = arith.index_cast %mul3A_570 : i32 to index
        %swap3A_577 = tpu.vector_load %arg8[%swap3A_576] {strides = array<i32>} : memref<2048xf32, #tpu.memory_space<vmem>>, vector<16xf32>,
        %swap3A_578 = vector.shape_cast %swap3A_577 : vector<16xf32> to vector<16xf32>
        %swap3A_579 = vector.shape_cast %add3A_575 : vector<16xf32> to vector<16xf32>
        tpu.vector_store %arg8[%swap3A_576], %swap3A_579 {strides = array<i32>} : memref<2048xf32, #tpu.memory_space<vmem>>, vector<16xf32>,
        %mul3A_580 = arith.constant 16 : i32
        %mul3A_581 = arith.muli %scan3A_445, %mul3A_580 : i32
        %add3A_582 = arith.constant 9 : i32
        %add3A_583 = arith.addi %mul3A_581, %add3A_582 : i32
        %mul3A_584 = arith.constant 16 : i32
        %mul3A_585 = arith.muli %add3A_583, %mul3A_584 : i32
        %get3A_586 = arith.index_cast %mul3A_585 : i32 to index
        %get3A_587 = tpu.vector_load %arg5[%get3A_586] {strides = array<i32>} : memref<2048xf32, #tpu.memory_space<vmem>>, vector<16xf32>,
        %get3A_588 = vector.shape_cast %get3A_587 : vector<16xf32> to vector<16xf32>
        %add3A_589 = vector.broadcast %squeeze3A_53 : f32 to vector<16xf32>
        %add3A_590 = arith.addf %get3A_588, %add3A_589 : vector<16xf32>
        %swap3A_591 = arith.index_cast %mul3A_585 : i32 to index
        %swap3A_592 = tpu.vector_load %arg8[%swap3A_591] {strides = array<i32>} : memref<2048xf32, #tpu.memory_space<vmem>>, vector<16xf32>,
        %swap3A_593 = vector.shape_cast %swap3A_592 : vector<16xf32> to vector<16xf32>
        %swap3A_594 = vector.shape_cast %add3A_590 : vector<16xf32> to vector<16xf32>
        tpu.vector_store %arg8[%swap3A_591], %swap3A_594 {strides = array<i32>} : memref<2048xf32, #tpu.memory_space<vmem>>, vector<16xf32>,
        %mul3A_595 = arith.constant 16 : i32
        %mul3A_596 = arith.muli %scan3A_445, %mul3A_595 : i32
        %add3A_597 = arith.constant 10 : i32
        %add3A_598 = arith.addi %mul3A_596, %add3A_597 : i32
        %mul3A_599 = arith.constant 16 : i32
        %mul3A_600 = arith.muli %add3A_598, %mul3A_599 : i32
        %get3A_601 = arith.index_cast %mul3A_600 : i32 to index
        %get3A_602 = tpu.vector_load %arg5[%get3A_601] {strides = array<i32>} : memref<2048xf32, #tpu.memory_space<vmem>>, vector<16xf32>,
        %get3A_603 = vector.shape_cast %get3A_602 : vector<16xf32> to vector<16xf32>
        %add3A_604 = vector.broadcast %squeeze3A_53 : f32 to vector<16xf32>
        %add3A_605 = arith.addf %get3A_603, %add3A_604 : vector<16xf32>
        %swap3A_606 = arith.index_cast %mul3A_600 : i32 to index
        %swap3A_607 = tpu.vector_load %arg8[%swap3A_606] {strides = array<i32>} : memref<2048xf32, #tpu.memory_space<vmem>>, vector<16xf32>,
        %swap3A_608 = vector.shape_cast %swap3A_607 : vector<16xf32> to vector<16xf32>
        %swap3A_609 = vector.shape_cast %add3A_605 : vector<16xf32> to vector<16xf32>
        tpu.vector_store %arg8[%swap3A_606], %swap3A_609 {strides = array<i32>} : memref<2048xf32, #tpu.memory_space<vmem>>, vector<16xf32>,
        %mul3A_610 = arith.constant 16 : i32
        %mul3A_611 = arith.muli %scan3A_445, %mul3A_610 : i32
        %add3A_612 = arith.constant 11 : i32
        %add3A_613 = arith.addi %mul3A_611, %add3A_612 : i32
        %mul3A_614 = arith.constant 16 : i32
        %mul3A_615 = arith.muli %add3A_613, %mul3A_614 : i32
        %get3A_616 = arith.index_cast %mul3A_615 : i32 to index
        %get3A_617 = tpu.vector_load %arg5[%get3A_616] {strides = array<i32>} : memref<2048xf32, #tpu.memory_space<vmem>>, vector<16xf32>,
        %get3A_618 = vector.shape_cast %get3A_617 : vector<16xf32> to vector<16xf32>
        %add3A_619 = vector.broadcast %squeeze3A_53 : f32 to vector<16xf32>
        %add3A_620 = arith.addf %get3A_618, %add3A_619 : vector<16xf32>
        %swap3A_621 = arith.index_cast %mul3A_615 : i32 to index
        %swap3A_622 = tpu.vector_load %arg8[%swap3A_621] {strides = array<i32>} : memref<2048xf32, #tpu.memory_space<vmem>>, vector<16xf32>,
        %swap3A_623 = vector.shape_cast %swap3A_622 : vector<16xf32> to vector<16xf32>
        %swap3A_624 = vector.shape_cast %add3A_620 : vector<16xf32> to vector<16xf32>
        tpu.vector_store %arg8[%swap3A_621], %swap3A_624 {strides = array<i32>} : memref<2048xf32, #tpu.memory_space<vmem>>, vector<16xf32>,
        %mul3A_625 = arith.constant 16 : i32
        %mul3A_626 = arith.muli %scan3A_445, %mul3A_625 : i32
        %add3A_627 = arith.constant 12 : i32
        %add3A_628 = arith.addi %mul3A_626, %add3A_627 : i32
        %mul3A_629 = arith.constant 16 : i32
        %mul3A_630 = arith.muli %add3A_628, %mul3A_629 : i32
        %get3A_631 = arith.index_cast %mul3A_630 : i32 to index
        %get3A_632 = tpu.vector_load %arg5[%get3A_631] {strides = array<i32>} : memref<2048xf32, #tpu.memory_space<vmem>>, vector<16xf32>,
        %get3A_633 = vector.shape_cast %get3A_632 : vector<16xf32> to vector<16xf32>
        %add3A_634 = vector.broadcast %squeeze3A_53 : f32 to vector<16xf32>
        %add3A_635 = arith.addf %get3A_633, %add3A_634 : vector<16xf32>
        %swap3A_636 = arith.index_cast %mul3A_630 : i32 to index
        %swap3A_637 = tpu.vector_load %arg8[%swap3A_636] {strides = array<i32>} : memref<2048xf32, #tpu.memory_space<vmem>>, vector<16xf32>,
        %swap3A_638 = vector.shape_cast %swap3A_637 : vector<16xf32> to vector<16xf32>
        %swap3A_639 = vector.shape_cast %add3A_635 : vector<16xf32> to vector<16xf32>
        tpu.vector_store %arg8[%swap3A_636], %swap3A_639 {strides = array<i32>} : memref<2048xf32, #tpu.memory_space<vmem>>, vector<16xf32>,
        %mul3A_640 = arith.constant 16 : i32
        %mul3A_641 = arith.muli %scan3A_445, %mul3A_640 : i32
        %add3A_642 = arith.constant 13 : i32
        %add3A_643 = arith.addi %mul3A_641, %add3A_642 : i32
        %mul3A_644 = arith.constant 16 : i32
        %mul3A_645 = arith.muli %add3A_643, %mul3A_644 : i32
        %get3A_646 = arith.index_cast %mul3A_645 : i32 to index
        %get3A_647 = tpu.vector_load %arg5[%get3A_646] {strides = array<i32>} : memref<2048xf32, #tpu.memory_space<vmem>>, vector<16xf32>,
        %get3A_648 = vector.shape_cast %get3A_647 : vector<16xf32> to vector<16xf32>
        %add3A_649 = vector.broadcast %squeeze3A_53 : f32 to vector<16xf32>
        %add3A_650 = arith.addf %get3A_648, %add3A_649 : vector<16xf32>
        %swap3A_651 = arith.index_cast %mul3A_645 : i32 to index
        %swap3A_652 = tpu.vector_load %arg8[%swap3A_651] {strides = array<i32>} : memref<2048xf32, #tpu.memory_space<vmem>>, vector<16xf32>,
        %swap3A_653 = vector.shape_cast %swap3A_652 : vector<16xf32> to vector<16xf32>
        %swap3A_654 = vector.shape_cast %add3A_650 : vector<16xf32> to vector<16xf32>
        tpu.vector_store %arg8[%swap3A_651], %swap3A_654 {strides = array<i32>} : memref<2048xf32, #tpu.memory_space<vmem>>, vector<16xf32>,
        %mul3A_655 = arith.constant 16 : i32
        %mul3A_656 = arith.muli %scan3A_445, %mul3A_655 : i32
        %add3A_657 = arith.constant 14 : i32
        %add3A_658 = arith.addi %mul3A_656, %add3A_657 : i32
        %mul3A_659 = arith.constant 16 : i32
        %mul3A_660 = arith.muli %add3A_658, %mul3A_659 : i32
        %get3A_661 = arith.index_cast %mul3A_660 : i32 to index
        %get3A_662 = tpu.vector_load %arg5[%get3A_661] {strides = array<i32>} : memref<2048xf32, #tpu.memory_space<vmem>>, vector<16xf32>,
        %get3A_663 = vector.shape_cast %get3A_662 : vector<16xf32> to vector<16xf32>
        %add3A_664 = vector.broadcast %squeeze3A_53 : f32 to vector<16xf32>
        %add3A_665 = arith.addf %get3A_663, %add3A_664 : vector<16xf32>
        %swap3A_666 = arith.index_cast %mul3A_660 : i32 to index
        %swap3A_667 = tpu.vector_load %arg8[%swap3A_666] {strides = array<i32>} : memref<2048xf32, #tpu.memory_space<vmem>>, vector<16xf32>,
        %swap3A_668 = vector.shape_cast %swap3A_667 : vector<16xf32> to vector<16xf32>
        %swap3A_669 = vector.shape_cast %add3A_665 : vector<16xf32> to vector<16xf32>
        tpu.vector_store %arg8[%swap3A_666], %swap3A_669 {strides = array<i32>} : memref<2048xf32, #tpu.memory_space<vmem>>, vector<16xf32>,
        %mul3A_670 = arith.constant 16 : i32
        %mul3A_671 = arith.muli %scan3A_445, %mul3A_670 : i32
        %add3A_672 = arith.constant 15 : i32
        %add3A_673 = arith.addi %mul3A_671, %add3A_672 : i32
        %mul3A_674 = arith.constant 16 : i32
        %mul3A_675 = arith.muli %add3A_673, %mul3A_674 : i32
        %get3A_676 = arith.index_cast %mul3A_675 : i32 to index
        %get3A_677 = tpu.vector_load %arg5[%get3A_676] {strides = array<i32>} : memref<2048xf32, #tpu.memory_space<vmem>>, vector<16xf32>,
        %get3A_678 = vector.shape_cast %get3A_677 : vector<16xf32> to vector<16xf32>
        %add3A_679 = vector.broadcast %squeeze3A_53 : f32 to vector<16xf32>
        %add3A_680 = arith.addf %get3A_678, %add3A_679 : vector<16xf32>
        %swap3A_681 = arith.index_cast %mul3A_675 : i32 to index
        %swap3A_682 = tpu.vector_load %arg8[%swap3A_681] {strides = array<i32>} : memref<2048xf32, #tpu.memory_space<vmem>>, vector<16xf32>,
        %swap3A_683 = vector.shape_cast %swap3A_682 : vector<16xf32> to vector<16xf32>
        %swap3A_684 = vector.shape_cast %add3A_680 : vector<16xf32> to vector<16xf32>
        tpu.vector_store %arg8[%swap3A_681], %swap3A_684 {strides = array<i32>} : memref<2048xf32, #tpu.memory_space<vmem>>, vector<16xf32>,
      }
      %scan3A_59 = arith.constant 8 : i32
      %dma_start3A_60 = arith.constant 1 : i32
      %dma_start3A_61 = arith.constant 0 : i32
      %dma_start3A_62 = tpu.memref_slice %arg4[%add3A_41, %dma_start3A_60, %dma_start3A_61] : memref<2048x16x2048xf32, #tpu.memory_space<hbm>> -> memref<1x1x2048xf32, #tpu.memory_space<hbm>>
      %dma_start3A_63 = tpu.memref_squeeze %dma_start3A_62 : memref<1x1x2048xf32, #tpu.memory_space<hbm>> -> memref<2048xf32, #tpu.memory_space<hbm>>
      %dma_start3A_64 = arith.constant 0 : i32
      %dma_start3A_65 = tpu.memref_slice %arg4[%add3A_41, %dma_start3A_60, %dma_start3A_64] : memref<2048x16x2048xf32, #tpu.memory_space<hbm>> -> memref<1x1x2048xf32, #tpu.memory_space<hbm>>
      %dma_start3A_66 = tpu.memref_squeeze %dma_start3A_65 : memref<1x1x2048xf32, #tpu.memory_space<hbm>> -> memref<2048xf32, #tpu.memory_space<hbm>>
      tpu.enqueue_dma source(%arg8 : memref<2048xf32, #tpu.memory_space<vmem>>) target(%dma_start3A_66 : memref<2048xf32, #tpu.memory_space<hbm>>) target_semaphore(%arg10 : memref<!tpu.dma_semaphore, #tpu.memory_space<semaphore_mem>>)
      %add3A_67 = arith.addi %mul3A_2, %scan3A_21 : i32
      %dma_wait3A_68 = arith.constant 2 : i32
      %dma_wait3A_69 = arith.constant 0 : i32
      %dma_wait3A_70 = tpu.memref_slice %arg4[%add3A_67, %dma_wait3A_68, %dma_wait3A_69] : memref<2048x16x2048xf32, #tpu.memory_space<hbm>> -> memref<1x1x2048xf32, #tpu.memory_space<hbm>>
      %dma_wait3A_71 = tpu.memref_squeeze %dma_wait3A_70 : memref<1x1x2048xf32, #tpu.memory_space<hbm>> -> memref<2048xf32, #tpu.memory_space<hbm>>
      %dma_wait3A_72 = arith.constant 0 : i32
      %dma_wait3A_73 = tpu.memref_slice %arg4[%add3A_67, %dma_wait3A_68, %dma_wait3A_72] : memref<2048x16x2048xf32, #tpu.memory_space<hbm>> -> memref<1x1x2048xf32, #tpu.memory_space<hbm>>
      %dma_wait3A_74 = tpu.memref_squeeze %dma_wait3A_73 : memref<1x1x2048xf32, #tpu.memory_space<hbm>> -> memref<2048xf32, #tpu.memory_space<hbm>>
      tpu.wait_dma2 semaphore(%arg9 : memref<!tpu.dma_semaphore, #tpu.memory_space<semaphore_mem>>) src(%arg7 : memref<2048xf32, #tpu.memory_space<vmem>>) dst(%dma_wait3A_74 : memref<2048xf32, #tpu.memory_space<hbm>>)
      %get3A_75 = arith.index_cast %scan3A_21 : i32 to index
      %get3A_76 = arith.constant 0 : index
      %get3A_77 = tpu.vector_load %arg6[%get3A_75, %get3A_76] {strides = array<i32>} : memref<64x16xf32, #tpu.memory_space<vmem>>, vector<1x16xf32>,
      %get3A_78 = vector.shape_cast %get3A_77 : vector<1x16xf32> to vector<16xf32>
      %slice3A_79 = vector.extract_strided_slice %get3A_78 {offsets = [2], sizes = [1], strides = [1]} : vector<16xf32> to vector<1xf32>
      %squeeze3A_80 = vector.extract %slice3A_79[0] : f32 from vector<1xf32>
      %scan3A_81 = arith.constant 0 : i32
      %scan3A_82 = arith.constant 0 : i32
      %scan3A_83 = arith.constant 8 : i32
      %scan3A_84 = arith.addi %scan3A_82, %scan3A_83 : i32
      %scan3A_85 = arith.constant 1 : i32
      scf.for %scan3A_445 = %scan3A_82 to %scan3A_84 step %scan3A_85  : i32 {
        %mul3A_446 = arith.constant 16 : i32
        %mul3A_447 = arith.muli %scan3A_445, %mul3A_446 : i32
        %add3A_448 = arith.constant 0 : i32
        %add3A_449 = arith.addi %mul3A_447, %add3A_448 : i32
        %mul3A_450 = arith.constant 16 : i32
        %mul3A_451 = arith.muli %add3A_449, %mul3A_450 : i32
        %get3A_452 = arith.index_cast %mul3A_451 : i32 to index
        %get3A_453 = tpu.vector_load %arg5[%get3A_452] {strides = array<i32>} : memref<2048xf32, #tpu.memory_space<vmem>>, vector<16xf32>,
        %get3A_454 = vector.shape_cast %get3A_453 : vector<16xf32> to vector<16xf32>
        %add3A_455 = vector.broadcast %squeeze3A_80 : f32 to vector<16xf32>
        %add3A_456 = arith.addf %get3A_454, %add3A_455 : vector<16xf32>
        %swap3A = arith.index_cast %mul3A_451 : i32 to index
        %swap3A_457 = tpu.vector_load %arg7[%swap3A] {strides = array<i32>} : memref<2048xf32, #tpu.memory_space<vmem>>, vector<16xf32>,
        %swap3A_458 = vector.shape_cast %swap3A_457 : vector<16xf32> to vector<16xf32>
        %swap3A_459 = vector.shape_cast %add3A_456 : vector<16xf32> to vector<16xf32>
        tpu.vector_store %arg7[%swap3A], %swap3A_459 {strides = array<i32>} : memref<2048xf32, #tpu.memory_space<vmem>>, vector<16xf32>,
        %mul3A_460 = arith.constant 16 : i32
        %mul3A_461 = arith.muli %scan3A_445, %mul3A_460 : i32
        %add3A_462 = arith.constant 1 : i32
        %add3A_463 = arith.addi %mul3A_461, %add3A_462 : i32
        %mul3A_464 = arith.constant 16 : i32
        %mul3A_465 = arith.muli %add3A_463, %mul3A_464 : i32
        %get3A_466 = arith.index_cast %mul3A_465 : i32 to index
        %get3A_467 = tpu.vector_load %arg5[%get3A_466] {strides = array<i32>} : memref<2048xf32, #tpu.memory_space<vmem>>, vector<16xf32>,
        %get3A_468 = vector.shape_cast %get3A_467 : vector<16xf32> to vector<16xf32>
        %add3A_469 = vector.broadcast %squeeze3A_80 : f32 to vector<16xf32>
        %add3A_470 = arith.addf %get3A_468, %add3A_469 : vector<16xf32>
        %swap3A_471 = arith.index_cast %mul3A_465 : i32 to index
        %swap3A_472 = tpu.vector_load %arg7[%swap3A_471] {strides = array<i32>} : memref<2048xf32, #tpu.memory_space<vmem>>, vector<16xf32>,
        %swap3A_473 = vector.shape_cast %swap3A_472 : vector<16xf32> to vector<16xf32>
        %swap3A_474 = vector.shape_cast %add3A_470 : vector<16xf32> to vector<16xf32>
        tpu.vector_store %arg7[%swap3A_471], %swap3A_474 {strides = array<i32>} : memref<2048xf32, #tpu.memory_space<vmem>>, vector<16xf32>,
        %mul3A_475 = arith.constant 16 : i32
        %mul3A_476 = arith.muli %scan3A_445, %mul3A_475 : i32
        %add3A_477 = arith.constant 2 : i32
        %add3A_478 = arith.addi %mul3A_476, %add3A_477 : i32
        %mul3A_479 = arith.constant 16 : i32
        %mul3A_480 = arith.muli %add3A_478, %mul3A_479 : i32
        %get3A_481 = arith.index_cast %mul3A_480 : i32 to index
        %get3A_482 = tpu.vector_load %arg5[%get3A_481] {strides = array<i32>} : memref<2048xf32, #tpu.memory_space<vmem>>, vector<16xf32>,
        %get3A_483 = vector.shape_cast %get3A_482 : vector<16xf32> to vector<16xf32>
        %add3A_484 = vector.broadcast %squeeze3A_80 : f32 to vector<16xf32>
        %add3A_485 = arith.addf %get3A_483, %add3A_484 : vector<16xf32>
        %swap3A_486 = arith.index_cast %mul3A_480 : i32 to index
        %swap3A_487 = tpu.vector_load %arg7[%swap3A_486] {strides = array<i32>} : memref<2048xf32, #tpu.memory_space<vmem>>, vector<16xf32>,
        %swap3A_488 = vector.shape_cast %swap3A_487 : vector<16xf32> to vector<16xf32>
        %swap3A_489 = vector.shape_cast %add3A_485 : vector<16xf32> to vector<16xf32>
        tpu.vector_store %arg7[%swap3A_486], %swap3A_489 {strides = array<i32>} : memref<2048xf32, #tpu.memory_space<vmem>>, vector<16xf32>,
        %mul3A_490 = arith.constant 16 : i32
        %mul3A_491 = arith.muli %scan3A_445, %mul3A_490 : i32
        %add3A_492 = arith.constant 3 : i32
        %add3A_493 = arith.addi %mul3A_491, %add3A_492 : i32
        %mul3A_494 = arith.constant 16 : i32
        %mul3A_495 = arith.muli %add3A_493, %mul3A_494 : i32
        %get3A_496 = arith.index_cast %mul3A_495 : i32 to index
        %get3A_497 = tpu.vector_load %arg5[%get3A_496] {strides = array<i32>} : memref<2048xf32, #tpu.memory_space<vmem>>, vector<16xf32>,
        %get3A_498 = vector.shape_cast %get3A_497 : vector<16xf32> to vector<16xf32>
        %add3A_499 = vector.broadcast %squeeze3A_80 : f32 to vector<16xf32>
        %add3A_500 = arith.addf %get3A_498, %add3A_499 : vector<16xf32>
        %swap3A_501 = arith.index_cast %mul3A_495 : i32 to index
        %swap3A_502 = tpu.vector_load %arg7[%swap3A_501] {strides = array<i32>} : memref<2048xf32, #tpu.memory_space<vmem>>, vector<16xf32>,
        %swap3A_503 = vector.shape_cast %swap3A_502 : vector<16xf32> to vector<16xf32>
        %swap3A_504 = vector.shape_cast %add3A_500 : vector<16xf32> to vector<16xf32>
        tpu.vector_store %arg7[%swap3A_501], %swap3A_504 {strides = array<i32>} : memref<2048xf32, #tpu.memory_space<vmem>>, vector<16xf32>,
        %mul3A_505 = arith.constant 16 : i32
        %mul3A_506 = arith.muli %scan3A_445, %mul3A_505 : i32
        %add3A_507 = arith.constant 4 : i32
        %add3A_508 = arith.addi %mul3A_506, %add3A_507 : i32
        %mul3A_509 = arith.constant 16 : i32
        %mul3A_510 = arith.muli %add3A_508, %mul3A_509 : i32
        %get3A_511 = arith.index_cast %mul3A_510 : i32 to index
        %get3A_512 = tpu.vector_load %arg5[%get3A_511] {strides = array<i32>} : memref<2048xf32, #tpu.memory_space<vmem>>, vector<16xf32>,
        %get3A_513 = vector.shape_cast %get3A_512 : vector<16xf32> to vector<16xf32>
        %add3A_514 = vector.broadcast %squeeze3A_80 : f32 to vector<16xf32>
        %add3A_515 = arith.addf %get3A_513, %add3A_514 : vector<16xf32>
        %swap3A_516 = arith.index_cast %mul3A_510 : i32 to index
        %swap3A_517 = tpu.vector_load %arg7[%swap3A_516] {strides = array<i32>} : memref<2048xf32, #tpu.memory_space<vmem>>, vector<16xf32>,
        %swap3A_518 = vector.shape_cast %swap3A_517 : vector<16xf32> to vector<16xf32>
        %swap3A_519 = vector.shape_cast %add3A_515 : vector<16xf32> to vector<16xf32>
        tpu.vector_store %arg7[%swap3A_516], %swap3A_519 {strides = array<i32>} : memref<2048xf32, #tpu.memory_space<vmem>>, vector<16xf32>,
        %mul3A_520 = arith.constant 16 : i32
        %mul3A_521 = arith.muli %scan3A_445, %mul3A_520 : i32
        %add3A_522 = arith.constant 5 : i32
        %add3A_523 = arith.addi %mul3A_521, %add3A_522 : i32
        %mul3A_524 = arith.constant 16 : i32
        %mul3A_525 = arith.muli %add3A_523, %mul3A_524 : i32
        %get3A_526 = arith.index_cast %mul3A_525 : i32 to index
        %get3A_527 = tpu.vector_load %arg5[%get3A_526] {strides = array<i32>} : memref<2048xf32, #tpu.memory_space<vmem>>, vector<16xf32>,
        %get3A_528 = vector.shape_cast %get3A_527 : vector<16xf32> to vector<16xf32>
        %add3A_529 = vector.broadcast %squeeze3A_80 : f32 to vector<16xf32>
        %add3A_530 = arith.addf %get3A_528, %add3A_529 : vector<16xf32>
        %swap3A_531 = arith.index_cast %mul3A_525 : i32 to index
        %swap3A_532 = tpu.vector_load %arg7[%swap3A_531] {strides = array<i32>} : memref<2048xf32, #tpu.memory_space<vmem>>, vector<16xf32>,
        %swap3A_533 = vector.shape_cast %swap3A_532 : vector<16xf32> to vector<16xf32>
        %swap3A_534 = vector.shape_cast %add3A_530 : vector<16xf32> to vector<16xf32>
        tpu.vector_store %arg7[%swap3A_531], %swap3A_534 {strides = array<i32>} : memref<2048xf32, #tpu.memory_space<vmem>>, vector<16xf32>,
        %mul3A_535 = arith.constant 16 : i32
        %mul3A_536 = arith.muli %scan3A_445, %mul3A_535 : i32
        %add3A_537 = arith.constant 6 : i32
        %add3A_538 = arith.addi %mul3A_536, %add3A_537 : i32
        %mul3A_539 = arith.constant 16 : i32
        %mul3A_540 = arith.muli %add3A_538, %mul3A_539 : i32
        %get3A_541 = arith.index_cast %mul3A_540 : i32 to index
        %get3A_542 = tpu.vector_load %arg5[%get3A_541] {strides = array<i32>} : memref<2048xf32, #tpu.memory_space<vmem>>, vector<16xf32>,
        %get3A_543 = vector.shape_cast %get3A_542 : vector<16xf32> to vector<16xf32>
        %add3A_544 = vector.broadcast %squeeze3A_80 : f32 to vector<16xf32>
        %add3A_545 = arith.addf %get3A_543, %add3A_544 : vector<16xf32>
        %swap3A_546 = arith.index_cast %mul3A_540 : i32 to index
        %swap3A_547 = tpu.vector_load %arg7[%swap3A_546] {strides = array<i32>} : memref<2048xf32, #tpu.memory_space<vmem>>, vector<16xf32>,
        %swap3A_548 = vector.shape_cast %swap3A_547 : vector<16xf32> to vector<16xf32>
        %swap3A_549 = vector.shape_cast %add3A_545 : vector<16xf32> to vector<16xf32>
        tpu.vector_store %arg7[%swap3A_546], %swap3A_549 {strides = array<i32>} : memref<2048xf32, #tpu.memory_space<vmem>>, vector<16xf32>,
        %mul3A_550 = arith.constant 16 : i32
        %mul3A_551 = arith.muli %scan3A_445, %mul3A_550 : i32
        %add3A_552 = arith.constant 7 : i32
        %add3A_553 = arith.addi %mul3A_551, %add3A_552 : i32
        %mul3A_554 = arith.constant 16 : i32
        %mul3A_555 = arith.muli %add3A_553, %mul3A_554 : i32
        %get3A_556 = arith.index_cast %mul3A_555 : i32 to index
        %get3A_557 = tpu.vector_load %arg5[%get3A_556] {strides = array<i32>} : memref<2048xf32, #tpu.memory_space<vmem>>, vector<16xf32>,
        %get3A_558 = vector.shape_cast %get3A_557 : vector<16xf32> to vector<16xf32>
        %add3A_559 = vector.broadcast %squeeze3A_80 : f32 to vector<16xf32>
        %add3A_560 = arith.addf %get3A_558, %add3A_559 : vector<16xf32>
        %swap3A_561 = arith.index_cast %mul3A_555 : i32 to index
        %swap3A_562 = tpu.vector_load %arg7[%swap3A_561] {strides = array<i32>} : memref<2048xf32, #tpu.memory_space<vmem>>, vector<16xf32>,
        %swap3A_563 = vector.shape_cast %swap3A_562 : vector<16xf32> to vector<16xf32>
        %swap3A_564 = vector.shape_cast %add3A_560 : vector<16xf32> to vector<16xf32>
        tpu.vector_store %arg7[%swap3A_561], %swap3A_564 {strides = array<i32>} : memref<2048xf32, #tpu.memory_space<vmem>>, vector<16xf32>,
        %mul3A_565 = arith.constant 16 : i32
        %mul3A_566 = arith.muli %scan3A_445, %mul3A_565 : i32
        %add3A_567 = arith.constant 8 : i32
        %add3A_568 = arith.addi %mul3A_566, %add3A_567 : i32
        %mul3A_569 = arith.constant 16 : i32
        %mul3A_570 = arith.muli %add3A_568, %mul3A_569 : i32
        %get3A_571 = arith.index_cast %mul3A_570 : i32 to index
        %get3A_572 = tpu.vector_load %arg5[%get3A_571] {strides = array<i32>} : memref<2048xf32, #tpu.memory_space<vmem>>, vector<16xf32>,
        %get3A_573 = vector.shape_cast %get3A_572 : vector<16xf32> to vector<16xf32>
        %add3A_574 = vector.broadcast %squeeze3A_80 : f32 to vector<16xf32>
        %add3A_575 = arith.addf %get3A_573, %add3A_574 : vector<16xf32>
        %swap3A_576 = arith.index_cast %mul3A_570 : i32 to index
        %swap3A_577 = tpu.vector_load %arg7[%swap3A_576] {strides = array<i32>} : memref<2048xf32, #tpu.memory_space<vmem>>, vector<16xf32>,
        %swap3A_578 = vector.shape_cast %swap3A_577 : vector<16xf32> to vector<16xf32>
        %swap3A_579 = vector.shape_cast %add3A_575 : vector<16xf32> to vector<16xf32>
        tpu.vector_store %arg7[%swap3A_576], %swap3A_579 {strides = array<i32>} : memref<2048xf32, #tpu.memory_space<vmem>>, vector<16xf32>,
        %mul3A_580 = arith.constant 16 : i32
        %mul3A_581 = arith.muli %scan3A_445, %mul3A_580 : i32
        %add3A_582 = arith.constant 9 : i32
        %add3A_583 = arith.addi %mul3A_581, %add3A_582 : i32
        %mul3A_584 = arith.constant 16 : i32
        %mul3A_585 = arith.muli %add3A_583, %mul3A_584 : i32
        %get3A_586 = arith.index_cast %mul3A_585 : i32 to index
        %get3A_587 = tpu.vector_load %arg5[%get3A_586] {strides = array<i32>} : memref<2048xf32, #tpu.memory_space<vmem>>, vector<16xf32>,
        %get3A_588 = vector.shape_cast %get3A_587 : vector<16xf32> to vector<16xf32>
        %add3A_589 = vector.broadcast %squeeze3A_80 : f32 to vector<16xf32>
        %add3A_590 = arith.addf %get3A_588, %add3A_589 : vector<16xf32>
        %swap3A_591 = arith.index_cast %mul3A_585 : i32 to index
        %swap3A_592 = tpu.vector_load %arg7[%swap3A_591] {strides = array<i32>} : memref<2048xf32, #tpu.memory_space<vmem>>, vector<16xf32>,
        %swap3A_593 = vector.shape_cast %swap3A_592 : vector<16xf32> to vector<16xf32>
        %swap3A_594 = vector.shape_cast %add3A_590 : vector<16xf32> to vector<16xf32>
        tpu.vector_store %arg7[%swap3A_591], %swap3A_594 {strides = array<i32>} : memref<2048xf32, #tpu.memory_space<vmem>>, vector<16xf32>,
        %mul3A_595 = arith.constant 16 : i32
        %mul3A_596 = arith.muli %scan3A_445, %mul3A_595 : i32
        %add3A_597 = arith.constant 10 : i32
        %add3A_598 = arith.addi %mul3A_596, %add3A_597 : i32
        %mul3A_599 = arith.constant 16 : i32
        %mul3A_600 = arith.muli %add3A_598, %mul3A_599 : i32
        %get3A_601 = arith.index_cast %mul3A_600 : i32 to index
        %get3A_602 = tpu.vector_load %arg5[%get3A_601] {strides = array<i32>} : memref<2048xf32, #tpu.memory_space<vmem>>, vector<16xf32>,
        %get3A_603 = vector.shape_cast %get3A_602 : vector<16xf32> to vector<16xf32>
        %add3A_604 = vector.broadcast %squeeze3A_80 : f32 to vector<16xf32>
        %add3A_605 = arith.addf %get3A_603, %add3A_604 : vector<16xf32>
        %swap3A_606 = arith.index_cast %mul3A_600 : i32 to index
        %swap3A_607 = tpu.vector_load %arg7[%swap3A_606] {strides = array<i32>} : memref<2048xf32, #tpu.memory_space<vmem>>, vector<16xf32>,
        %swap3A_608 = vector.shape_cast %swap3A_607 : vector<16xf32> to vector<16xf32>
        %swap3A_609 = vector.shape_cast %add3A_605 : vector<16xf32> to vector<16xf32>
        tpu.vector_store %arg7[%swap3A_606], %swap3A_609 {strides = array<i32>} : memref<2048xf32, #tpu.memory_space<vmem>>, vector<16xf32>,
        %mul3A_610 = arith.constant 16 : i32
        %mul3A_611 = arith.muli %scan3A_445, %mul3A_610 : i32
        %add3A_612 = arith.constant 11 : i32
        %add3A_613 = arith.addi %mul3A_611, %add3A_612 : i32
        %mul3A_614 = arith.constant 16 : i32
        %mul3A_615 = arith.muli %add3A_613, %mul3A_614 : i32
        %get3A_616 = arith.index_cast %mul3A_615 : i32 to index
        %get3A_617 = tpu.vector_load %arg5[%get3A_616] {strides = array<i32>} : memref<2048xf32, #tpu.memory_space<vmem>>, vector<16xf32>,
        %get3A_618 = vector.shape_cast %get3A_617 : vector<16xf32> to vector<16xf32>
        %add3A_619 = vector.broadcast %squeeze3A_80 : f32 to vector<16xf32>
        %add3A_620 = arith.addf %get3A_618, %add3A_619 : vector<16xf32>
        %swap3A_621 = arith.index_cast %mul3A_615 : i32 to index
        %swap3A_622 = tpu.vector_load %arg7[%swap3A_621] {strides = array<i32>} : memref<2048xf32, #tpu.memory_space<vmem>>, vector<16xf32>,
        %swap3A_623 = vector.shape_cast %swap3A_622 : vector<16xf32> to vector<16xf32>
        %swap3A_624 = vector.shape_cast %add3A_620 : vector<16xf32> to vector<16xf32>
        tpu.vector_store %arg7[%swap3A_621], %swap3A_624 {strides = array<i32>} : memref<2048xf32, #tpu.memory_space<vmem>>, vector<16xf32>,
        %mul3A_625 = arith.constant 16 : i32
        %mul3A_626 = arith.muli %scan3A_445, %mul3A_625 : i32
        %add3A_627 = arith.constant 12 : i32
        %add3A_628 = arith.addi %mul3A_626, %add3A_627 : i32
        %mul3A_629 = arith.constant 16 : i32
        %mul3A_630 = arith.muli %add3A_628, %mul3A_629 : i32
        %get3A_631 = arith.index_cast %mul3A_630 : i32 to index
        %get3A_632 = tpu.vector_load %arg5[%get3A_631] {strides = array<i32>} : memref<2048xf32, #tpu.memory_space<vmem>>, vector<16xf32>,
        %get3A_633 = vector.shape_cast %get3A_632 : vector<16xf32> to vector<16xf32>
        %add3A_634 = vector.broadcast %squeeze3A_80 : f32 to vector<16xf32>
        %add3A_635 = arith.addf %get3A_633, %add3A_634 : vector<16xf32>
        %swap3A_636 = arith.index_cast %mul3A_630 : i32 to index
        %swap3A_637 = tpu.vector_load %arg7[%swap3A_636] {strides = array<i32>} : memref<2048xf32, #tpu.memory_space<vmem>>, vector<16xf32>,
        %swap3A_638 = vector.shape_cast %swap3A_637 : vector<16xf32> to vector<16xf32>
        %swap3A_639 = vector.shape_cast %add3A_635 : vector<16xf32> to vector<16xf32>
        tpu.vector_store %arg7[%swap3A_636], %swap3A_639 {strides = array<i32>} : memref<2048xf32, #tpu.memory_space<vmem>>, vector<16xf32>,
        %mul3A_640 = arith.constant 16 : i32
        %mul3A_641 = arith.muli %scan3A_445, %mul3A_640 : i32
        %add3A_642 = arith.constant 13 : i32
        %add3A_643 = arith.addi %mul3A_641, %add3A_642 : i32
        %mul3A_644 = arith.constant 16 : i32
        %mul3A_645 = arith.muli %add3A_643, %mul3A_644 : i32
        %get3A_646 = arith.index_cast %mul3A_645 : i32 to index
        %get3A_647 = tpu.vector_load %arg5[%get3A_646] {strides = array<i32>} : memref<2048xf32, #tpu.memory_space<vmem>>, vector<16xf32>,
        %get3A_648 = vector.shape_cast %get3A_647 : vector<16xf32> to vector<16xf32>
        %add3A_649 = vector.broadcast %squeeze3A_80 : f32 to vector<16xf32>
        %add3A_650 = arith.addf %get3A_648, %add3A_649 : vector<16xf32>
        %swap3A_651 = arith.index_cast %mul3A_645 : i32 to index
        %swap3A_652 = tpu.vector_load %arg7[%swap3A_651] {strides = array<i32>} : memref<2048xf32, #tpu.memory_space<vmem>>, vector<16xf32>,
        %swap3A_653 = vector.shape_cast %swap3A_652 : vector<16xf32> to vector<16xf32>
        %swap3A_654 = vector.shape_cast %add3A_650 : vector<16xf32> to vector<16xf32>
        tpu.vector_store %arg7[%swap3A_651], %swap3A_654 {strides = array<i32>} : memref<2048xf32, #tpu.memory_space<vmem>>, vector<16xf32>,
        %mul3A_655 = arith.constant 16 : i32
        %mul3A_656 = arith.muli %scan3A_445, %mul3A_655 : i32
        %add3A_657 = arith.constant 14 : i32
        %add3A_658 = arith.addi %mul3A_656, %add3A_657 : i32
        %mul3A_659 = arith.constant 16 : i32
        %mul3A_660 = arith.muli %add3A_658, %mul3A_659 : i32
        %get3A_661 = arith.index_cast %mul3A_660 : i32 to index
        %get3A_662 = tpu.vector_load %arg5[%get3A_661] {strides = array<i32>} : memref<2048xf32, #tpu.memory_space<vmem>>, vector<16xf32>,
        %get3A_663 = vector.shape_cast %get3A_662 : vector<16xf32> to vector<16xf32>
        %add3A_664 = vector.broadcast %squeeze3A_80 : f32 to vector<16xf32>
        %add3A_665 = arith.addf %get3A_663, %add3A_664 : vector<16xf32>
        %swap3A_666 = arith.index_cast %mul3A_660 : i32 to index
        %swap3A_667 = tpu.vector_load %arg7[%swap3A_666] {strides = array<i32>} : memref<2048xf32, #tpu.memory_space<vmem>>, vector<16xf32>,
        %swap3A_668 = vector.shape_cast %swap3A_667 : vector<16xf32> to vector<16xf32>
        %swap3A_669 = vector.shape_cast %add3A_665 : vector<16xf32> to vector<16xf32>
        tpu.vector_store %arg7[%swap3A_666], %swap3A_669 {strides = array<i32>} : memref<2048xf32, #tpu.memory_space<vmem>>, vector<16xf32>,
        %mul3A_670 = arith.constant 16 : i32
        %mul3A_671 = arith.muli %scan3A_445, %mul3A_670 : i32
        %add3A_672 = arith.constant 15 : i32
        %add3A_673 = arith.addi %mul3A_671, %add3A_672 : i32
        %mul3A_674 = arith.constant 16 : i32
        %mul3A_675 = arith.muli %add3A_673, %mul3A_674 : i32
        %get3A_676 = arith.index_cast %mul3A_675 : i32 to index
        %get3A_677 = tpu.vector_load %arg5[%get3A_676] {strides = array<i32>} : memref<2048xf32, #tpu.memory_space<vmem>>, vector<16xf32>,
        %get3A_678 = vector.shape_cast %get3A_677 : vector<16xf32> to vector<16xf32>
        %add3A_679 = vector.broadcast %squeeze3A_80 : f32 to vector<16xf32>
        %add3A_680 = arith.addf %get3A_678, %add3A_679 : vector<16xf32>
        %swap3A_681 = arith.index_cast %mul3A_675 : i32 to index
        %swap3A_682 = tpu.vector_load %arg7[%swap3A_681] {strides = array<i32>} : memref<2048xf32, #tpu.memory_space<vmem>>, vector<16xf32>,
        %swap3A_683 = vector.shape_cast %swap3A_682 : vector<16xf32> to vector<16xf32>
        %swap3A_684 = vector.shape_cast %add3A_680 : vector<16xf32> to vector<16xf32>
        tpu.vector_store %arg7[%swap3A_681], %swap3A_684 {strides = array<i32>} : memref<2048xf32, #tpu.memory_space<vmem>>, vector<16xf32>,
      }
      %scan3A_86 = arith.constant 8 : i32
      %dma_start3A_87 = arith.constant 2 : i32
      %dma_start3A_88 = arith.constant 0 : i32
      %dma_start3A_89 = tpu.memref_slice %arg4[%add3A_67, %dma_start3A_87, %dma_start3A_88] : memref<2048x16x2048xf32, #tpu.memory_space<hbm>> -> memref<1x1x2048xf32, #tpu.memory_space<hbm>>
      %dma_start3A_90 = tpu.memref_squeeze %dma_start3A_89 : memref<1x1x2048xf32, #tpu.memory_space<hbm>> -> memref<2048xf32, #tpu.memory_space<hbm>>
      %dma_start3A_91 = arith.constant 0 : i32
      %dma_start3A_92 = tpu.memref_slice %arg4[%add3A_67, %dma_start3A_87, %dma_start3A_91] : memref<2048x16x2048xf32, #tpu.memory_space<hbm>> -> memref<1x1x2048xf32, #tpu.memory_space<hbm>>
      %dma_start3A_93 = tpu.memref_squeeze %dma_start3A_92 : memref<1x1x2048xf32, #tpu.memory_space<hbm>> -> memref<2048xf32, #tpu.memory_space<hbm>>
      tpu.enqueue_dma source(%arg7 : memref<2048xf32, #tpu.memory_space<vmem>>) target(%dma_start3A_93 : memref<2048xf32, #tpu.memory_space<hbm>>) target_semaphore(%arg9 : memref<!tpu.dma_semaphore, #tpu.memory_space<semaphore_mem>>)
      %add3A_94 = arith.addi %mul3A_2, %scan3A_21 : i32
      %dma_wait3A_95 = arith.constant 3 : i32
      %dma_wait3A_96 = arith.constant 0 : i32
      %dma_wait3A_97 = tpu.memref_slice %arg4[%add3A_94, %dma_wait3A_95, %dma_wait3A_96] : memref<2048x16x2048xf32, #tpu.memory_space<hbm>> -> memref<1x1x2048xf32, #tpu.memory_space<hbm>>
      %dma_wait3A_98 = tpu.memref_squeeze %dma_wait3A_97 : memref<1x1x2048xf32, #tpu.memory_space<hbm>> -> memref<2048xf32, #tpu.memory_space<hbm>>
      %dma_wait3A_99 = arith.constant 0 : i32
      %dma_wait3A_100 = tpu.memref_slice %arg4[%add3A_94, %dma_wait3A_95, %dma_wait3A_99] : memref<2048x16x2048xf32, #tpu.memory_space<hbm>> -> memref<1x1x2048xf32, #tpu.memory_space<hbm>>
      %dma_wait3A_101 = tpu.memref_squeeze %dma_wait3A_100 : memref<1x1x2048xf32, #tpu.memory_space<hbm>> -> memref<2048xf32, #tpu.memory_space<hbm>>
      tpu.wait_dma2 semaphore(%arg10 : memref<!tpu.dma_semaphore, #tpu.memory_space<semaphore_mem>>) src(%arg8 : memref<2048xf32, #tpu.memory_space<vmem>>) dst(%dma_wait3A_101 : memref<2048xf32, #tpu.memory_space<hbm>>)
      %get3A_102 = arith.index_cast %scan3A_21 : i32 to index
      %get3A_103 = arith.constant 0 : index
      %get3A_104 = tpu.vector_load %arg6[%get3A_102, %get3A_103] {strides = array<i32>} : memref<64x16xf32, #tpu.memory_space<vmem>>, vector<1x16xf32>,
      %get3A_105 = vector.shape_cast %get3A_104 : vector<1x16xf32> to vector<16xf32>
      %slice3A_106 = vector.extract_strided_slice %get3A_105 {offsets = [3], sizes = [1], strides = [1]} : vector<16xf32> to vector<1xf32>
      %squeeze3A_107 = vector.extract %slice3A_106[0] : f32 from vector<1xf32>
      %scan3A_108 = arith.constant 0 : i32
      %scan3A_109 = arith.constant 0 : i32
      %scan3A_110 = arith.constant 8 : i32
      %scan3A_111 = arith.addi %scan3A_109, %scan3A_110 : i32
      %scan3A_112 = arith.constant 1 : i32
      scf.for %scan3A_445 = %scan3A_109 to %scan3A_111 step %scan3A_112  : i32 {
        %mul3A_446 = arith.constant 16 : i32
        %mul3A_447 = arith.muli %scan3A_445, %mul3A_446 : i32
        %add3A_448 = arith.constant 0 : i32
        %add3A_449 = arith.addi %mul3A_447, %add3A_448 : i32
        %mul3A_450 = arith.constant 16 : i32
        %mul3A_451 = arith.muli %add3A_449, %mul3A_450 : i32
        %get3A_452 = arith.index_cast %mul3A_451 : i32 to index
        %get3A_453 = tpu.vector_load %arg5[%get3A_452] {strides = array<i32>} : memref<2048xf32, #tpu.memory_space<vmem>>, vector<16xf32>,
        %get3A_454 = vector.shape_cast %get3A_453 : vector<16xf32> to vector<16xf32>
        %add3A_455 = vector.broadcast %squeeze3A_107 : f32 to vector<16xf32>
        %add3A_456 = arith.addf %get3A_454, %add3A_455 : vector<16xf32>
        %swap3A = arith.index_cast %mul3A_451 : i32 to index
        %swap3A_457 = tpu.vector_load %arg8[%swap3A] {strides = array<i32>} : memref<2048xf32, #tpu.memory_space<vmem>>, vector<16xf32>,
        %swap3A_458 = vector.shape_cast %swap3A_457 : vector<16xf32> to vector<16xf32>
        %swap3A_459 = vector.shape_cast %add3A_456 : vector<16xf32> to vector<16xf32>
        tpu.vector_store %arg8[%swap3A], %swap3A_459 {strides = array<i32>} : memref<2048xf32, #tpu.memory_space<vmem>>, vector<16xf32>,
        %mul3A_460 = arith.constant 16 : i32
        %mul3A_461 = arith.muli %scan3A_445, %mul3A_460 : i32
        %add3A_462 = arith.constant 1 : i32
        %add3A_463 = arith.addi %mul3A_461, %add3A_462 : i32
        %mul3A_464 = arith.constant 16 : i32
        %mul3A_465 = arith.muli %add3A_463, %mul3A_464 : i32
        %get3A_466 = arith.index_cast %mul3A_465 : i32 to index
        %get3A_467 = tpu.vector_load %arg5[%get3A_466] {strides = array<i32>} : memref<2048xf32, #tpu.memory_space<vmem>>, vector<16xf32>,
        %get3A_468 = vector.shape_cast %get3A_467 : vector<16xf32> to vector<16xf32>
        %add3A_469 = vector.broadcast %squeeze3A_107 : f32 to vector<16xf32>
        %add3A_470 = arith.addf %get3A_468, %add3A_469 : vector<16xf32>
        %swap3A_471 = arith.index_cast %mul3A_465 : i32 to index
        %swap3A_472 = tpu.vector_load %arg8[%swap3A_471] {strides = array<i32>} : memref<2048xf32, #tpu.memory_space<vmem>>, vector<16xf32>,
        %swap3A_473 = vector.shape_cast %swap3A_472 : vector<16xf32> to vector<16xf32>
        %swap3A_474 = vector.shape_cast %add3A_470 : vector<16xf32> to vector<16xf32>
        tpu.vector_store %arg8[%swap3A_471], %swap3A_474 {strides = array<i32>} : memref<2048xf32, #tpu.memory_space<vmem>>, vector<16xf32>,
        %mul3A_475 = arith.constant 16 : i32
        %mul3A_476 = arith.muli %scan3A_445, %mul3A_475 : i32
        %add3A_477 = arith.constant 2 : i32
        %add3A_478 = arith.addi %mul3A_476, %add3A_477 : i32
        %mul3A_479 = arith.constant 16 : i32
        %mul3A_480 = arith.muli %add3A_478, %mul3A_479 : i32
        %get3A_481 = arith.index_cast %mul3A_480 : i32 to index
        %get3A_482 = tpu.vector_load %arg5[%get3A_481] {strides = array<i32>} : memref<2048xf32, #tpu.memory_space<vmem>>, vector<16xf32>,
        %get3A_483 = vector.shape_cast %get3A_482 : vector<16xf32> to vector<16xf32>
        %add3A_484 = vector.broadcast %squeeze3A_107 : f32 to vector<16xf32>
        %add3A_485 = arith.addf %get3A_483, %add3A_484 : vector<16xf32>
        %swap3A_486 = arith.index_cast %mul3A_480 : i32 to index
        %swap3A_487 = tpu.vector_load %arg8[%swap3A_486] {strides = array<i32>} : memref<2048xf32, #tpu.memory_space<vmem>>, vector<16xf32>,
        %swap3A_488 = vector.shape_cast %swap3A_487 : vector<16xf32> to vector<16xf32>
        %swap3A_489 = vector.shape_cast %add3A_485 : vector<16xf32> to vector<16xf32>
        tpu.vector_store %arg8[%swap3A_486], %swap3A_489 {strides = array<i32>} : memref<2048xf32, #tpu.memory_space<vmem>>, vector<16xf32>,
        %mul3A_490 = arith.constant 16 : i32
        %mul3A_491 = arith.muli %scan3A_445, %mul3A_490 : i32
        %add3A_492 = arith.constant 3 : i32
        %add3A_493 = arith.addi %mul3A_491, %add3A_492 : i32
        %mul3A_494 = arith.constant 16 : i32
        %mul3A_495 = arith.muli %add3A_493, %mul3A_494 : i32
        %get3A_496 = arith.index_cast %mul3A_495 : i32 to index
        %get3A_497 = tpu.vector_load %arg5[%get3A_496] {strides = array<i32>} : memref<2048xf32, #tpu.memory_space<vmem>>, vector<16xf32>,
        %get3A_498 = vector.shape_cast %get3A_497 : vector<16xf32> to vector<16xf32>
        %add3A_499 = vector.broadcast %squeeze3A_107 : f32 to vector<16xf32>
        %add3A_500 = arith.addf %get3A_498, %add3A_499 : vector<16xf32>
        %swap3A_501 = arith.index_cast %mul3A_495 : i32 to index
        %swap3A_502 = tpu.vector_load %arg8[%swap3A_501] {strides = array<i32>} : memref<2048xf32, #tpu.memory_space<vmem>>, vector<16xf32>,
        %swap3A_503 = vector.shape_cast %swap3A_502 : vector<16xf32> to vector<16xf32>
        %swap3A_504 = vector.shape_cast %add3A_500 : vector<16xf32> to vector<16xf32>
        tpu.vector_store %arg8[%swap3A_501], %swap3A_504 {strides = array<i32>} : memref<2048xf32, #tpu.memory_space<vmem>>, vector<16xf32>,
        %mul3A_505 = arith.constant 16 : i32
        %mul3A_506 = arith.muli %scan3A_445, %mul3A_505 : i32
        %add3A_507 = arith.constant 4 : i32
        %add3A_508 = arith.addi %mul3A_506, %add3A_507 : i32
        %mul3A_509 = arith.constant 16 : i32
        %mul3A_510 = arith.muli %add3A_508, %mul3A_509 : i32
        %get3A_511 = arith.index_cast %mul3A_510 : i32 to index
        %get3A_512 = tpu.vector_load %arg5[%get3A_511] {strides = array<i32>} : memref<2048xf32, #tpu.memory_space<vmem>>, vector<16xf32>,
        %get3A_513 = vector.shape_cast %get3A_512 : vector<16xf32> to vector<16xf32>
        %add3A_514 = vector.broadcast %squeeze3A_107 : f32 to vector<16xf32>
        %add3A_515 = arith.addf %get3A_513, %add3A_514 : vector<16xf32>
        %swap3A_516 = arith.index_cast %mul3A_510 : i32 to index
        %swap3A_517 = tpu.vector_load %arg8[%swap3A_516] {strides = array<i32>} : memref<2048xf32, #tpu.memory_space<vmem>>, vector<16xf32>,
        %swap3A_518 = vector.shape_cast %swap3A_517 : vector<16xf32> to vector<16xf32>
        %swap3A_519 = vector.shape_cast %add3A_515 : vector<16xf32> to vector<16xf32>
        tpu.vector_store %arg8[%swap3A_516], %swap3A_519 {strides = array<i32>} : memref<2048xf32, #tpu.memory_space<vmem>>, vector<16xf32>,
        %mul3A_520 = arith.constant 16 : i32
        %mul3A_521 = arith.muli %scan3A_445, %mul3A_520 : i32
        %add3A_522 = arith.constant 5 : i32
        %add3A_523 = arith.addi %mul3A_521, %add3A_522 : i32
        %mul3A_524 = arith.constant 16 : i32
        %mul3A_525 = arith.muli %add3A_523, %mul3A_524 : i32
        %get3A_526 = arith.index_cast %mul3A_525 : i32 to index
        %get3A_527 = tpu.vector_load %arg5[%get3A_526] {strides = array<i32>} : memref<2048xf32, #tpu.memory_space<vmem>>, vector<16xf32>,
        %get3A_528 = vector.shape_cast %get3A_527 : vector<16xf32> to vector<16xf32>
        %add3A_529 = vector.broadcast %squeeze3A_107 : f32 to vector<16xf32>
        %add3A_530 = arith.addf %get3A_528, %add3A_529 : vector<16xf32>
        %swap3A_531 = arith.index_cast %mul3A_525 : i32 to index
        %swap3A_532 = tpu.vector_load %arg8[%swap3A_531] {strides = array<i32>} : memref<2048xf32, #tpu.memory_space<vmem>>, vector<16xf32>,
        %swap3A_533 = vector.shape_cast %swap3A_532 : vector<16xf32> to vector<16xf32>
        %swap3A_534 = vector.shape_cast %add3A_530 : vector<16xf32> to vector<16xf32>
        tpu.vector_store %arg8[%swap3A_531], %swap3A_534 {strides = array<i32>} : memref<2048xf32, #tpu.memory_space<vmem>>, vector<16xf32>,
        %mul3A_535 = arith.constant 16 : i32
        %mul3A_536 = arith.muli %scan3A_445, %mul3A_535 : i32
        %add3A_537 = arith.constant 6 : i32
        %add3A_538 = arith.addi %mul3A_536, %add3A_537 : i32
        %mul3A_539 = arith.constant 16 : i32
        %mul3A_540 = arith.muli %add3A_538, %mul3A_539 : i32
        %get3A_541 = arith.index_cast %mul3A_540 : i32 to index
        %get3A_542 = tpu.vector_load %arg5[%get3A_541] {strides = array<i32>} : memref<2048xf32, #tpu.memory_space<vmem>>, vector<16xf32>,
        %get3A_543 = vector.shape_cast %get3A_542 : vector<16xf32> to vector<16xf32>
        %add3A_544 = vector.broadcast %squeeze3A_107 : f32 to vector<16xf32>
        %add3A_545 = arith.addf %get3A_543, %add3A_544 : vector<16xf32>
        %swap3A_546 = arith.index_cast %mul3A_540 : i32 to index
        %swap3A_547 = tpu.vector_load %arg8[%swap3A_546] {strides = array<i32>} : memref<2048xf32, #tpu.memory_space<vmem>>, vector<16xf32>,
        %swap3A_548 = vector.shape_cast %swap3A_547 : vector<16xf32> to vector<16xf32>
        %swap3A_549 = vector.shape_cast %add3A_545 : vector<16xf32> to vector<16xf32>
        tpu.vector_store %arg8[%swap3A_546], %swap3A_549 {strides = array<i32>} : memref<2048xf32, #tpu.memory_space<vmem>>, vector<16xf32>,
        %mul3A_550 = arith.constant 16 : i32
        %mul3A_551 = arith.muli %scan3A_445, %mul3A_550 : i32
        %add3A_552 = arith.constant 7 : i32
        %add3A_553 = arith.addi %mul3A_551, %add3A_552 : i32
        %mul3A_554 = arith.constant 16 : i32
        %mul3A_555 = arith.muli %add3A_553, %mul3A_554 : i32
        %get3A_556 = arith.index_cast %mul3A_555 : i32 to index
        %get3A_557 = tpu.vector_load %arg5[%get3A_556] {strides = array<i32>} : memref<2048xf32, #tpu.memory_space<vmem>>, vector<16xf32>,
        %get3A_558 = vector.shape_cast %get3A_557 : vector<16xf32> to vector<16xf32>
        %add3A_559 = vector.broadcast %squeeze3A_107 : f32 to vector<16xf32>
        %add3A_560 = arith.addf %get3A_558, %add3A_559 : vector<16xf32>
        %swap3A_561 = arith.index_cast %mul3A_555 : i32 to index
        %swap3A_562 = tpu.vector_load %arg8[%swap3A_561] {strides = array<i32>} : memref<2048xf32, #tpu.memory_space<vmem>>, vector<16xf32>,
        %swap3A_563 = vector.shape_cast %swap3A_562 : vector<16xf32> to vector<16xf32>
        %swap3A_564 = vector.shape_cast %add3A_560 : vector<16xf32> to vector<16xf32>
        tpu.vector_store %arg8[%swap3A_561], %swap3A_564 {strides = array<i32>} : memref<2048xf32, #tpu.memory_space<vmem>>, vector<16xf32>,
        %mul3A_565 = arith.constant 16 : i32
        %mul3A_566 = arith.muli %scan3A_445, %mul3A_565 : i32
        %add3A_567 = arith.constant 8 : i32
        %add3A_568 = arith.addi %mul3A_566, %add3A_567 : i32
        %mul3A_569 = arith.constant 16 : i32
        %mul3A_570 = arith.muli %add3A_568, %mul3A_569 : i32
        %get3A_571 = arith.index_cast %mul3A_570 : i32 to index
        %get3A_572 = tpu.vector_load %arg5[%get3A_571] {strides = array<i32>} : memref<2048xf32, #tpu.memory_space<vmem>>, vector<16xf32>,
        %get3A_573 = vector.shape_cast %get3A_572 : vector<16xf32> to vector<16xf32>
        %add3A_574 = vector.broadcast %squeeze3A_107 : f32 to vector<16xf32>
        %add3A_575 = arith.addf %get3A_573, %add3A_574 : vector<16xf32>
        %swap3A_576 = arith.index_cast %mul3A_570 : i32 to index
        %swap3A_577 = tpu.vector_load %arg8[%swap3A_576] {strides = array<i32>} : memref<2048xf32, #tpu.memory_space<vmem>>, vector<16xf32>,
        %swap3A_578 = vector.shape_cast %swap3A_577 : vector<16xf32> to vector<16xf32>
        %swap3A_579 = vector.shape_cast %add3A_575 : vector<16xf32> to vector<16xf32>
        tpu.vector_store %arg8[%swap3A_576], %swap3A_579 {strides = array<i32>} : memref<2048xf32, #tpu.memory_space<vmem>>, vector<16xf32>,
        %mul3A_580 = arith.constant 16 : i32
        %mul3A_581 = arith.muli %scan3A_445, %mul3A_580 : i32
        %add3A_582 = arith.constant 9 : i32
        %add3A_583 = arith.addi %mul3A_581, %add3A_582 : i32
        %mul3A_584 = arith.constant 16 : i32
        %mul3A_585 = arith.muli %add3A_583, %mul3A_584 : i32
        %get3A_586 = arith.index_cast %mul3A_585 : i32 to index
        %get3A_587 = tpu.vector_load %arg5[%get3A_586] {strides = array<i32>} : memref<2048xf32, #tpu.memory_space<vmem>>, vector<16xf32>,
        %get3A_588 = vector.shape_cast %get3A_587 : vector<16xf32> to vector<16xf32>
        %add3A_589 = vector.broadcast %squeeze3A_107 : f32 to vector<16xf32>
        %add3A_590 = arith.addf %get3A_588, %add3A_589 : vector<16xf32>
        %swap3A_591 = arith.index_cast %mul3A_585 : i32 to index
        %swap3A_592 = tpu.vector_load %arg8[%swap3A_591] {strides = array<i32>} : memref<2048xf32, #tpu.memory_space<vmem>>, vector<16xf32>,
        %swap3A_593 = vector.shape_cast %swap3A_592 : vector<16xf32> to vector<16xf32>
        %swap3A_594 = vector.shape_cast %add3A_590 : vector<16xf32> to vector<16xf32>
        tpu.vector_store %arg8[%swap3A_591], %swap3A_594 {strides = array<i32>} : memref<2048xf32, #tpu.memory_space<vmem>>, vector<16xf32>,
        %mul3A_595 = arith.constant 16 : i32
        %mul3A_596 = arith.muli %scan3A_445, %mul3A_595 : i32
        %add3A_597 = arith.constant 10 : i32
        %add3A_598 = arith.addi %mul3A_596, %add3A_597 : i32
        %mul3A_599 = arith.constant 16 : i32
        %mul3A_600 = arith.muli %add3A_598, %mul3A_599 : i32
        %get3A_601 = arith.index_cast %mul3A_600 : i32 to index
        %get3A_602 = tpu.vector_load %arg5[%get3A_601] {strides = array<i32>} : memref<2048xf32, #tpu.memory_space<vmem>>, vector<16xf32>,
        %get3A_603 = vector.shape_cast %get3A_602 : vector<16xf32> to vector<16xf32>
        %add3A_604 = vector.broadcast %squeeze3A_107 : f32 to vector<16xf32>
        %add3A_605 = arith.addf %get3A_603, %add3A_604 : vector<16xf32>
        %swap3A_606 = arith.index_cast %mul3A_600 : i32 to index
        %swap3A_607 = tpu.vector_load %arg8[%swap3A_606] {strides = array<i32>} : memref<2048xf32, #tpu.memory_space<vmem>>, vector<16xf32>,
        %swap3A_608 = vector.shape_cast %swap3A_607 : vector<16xf32> to vector<16xf32>
        %swap3A_609 = vector.shape_cast %add3A_605 : vector<16xf32> to vector<16xf32>
        tpu.vector_store %arg8[%swap3A_606], %swap3A_609 {strides = array<i32>} : memref<2048xf32, #tpu.memory_space<vmem>>, vector<16xf32>,
        %mul3A_610 = arith.constant 16 : i32
        %mul3A_611 = arith.muli %scan3A_445, %mul3A_610 : i32
        %add3A_612 = arith.constant 11 : i32
        %add3A_613 = arith.addi %mul3A_611, %add3A_612 : i32
        %mul3A_614 = arith.constant 16 : i32
        %mul3A_615 = arith.muli %add3A_613, %mul3A_614 : i32
        %get3A_616 = arith.index_cast %mul3A_615 : i32 to index
        %get3A_617 = tpu.vector_load %arg5[%get3A_616] {strides = array<i32>} : memref<2048xf32, #tpu.memory_space<vmem>>, vector<16xf32>,
        %get3A_618 = vector.shape_cast %get3A_617 : vector<16xf32> to vector<16xf32>
        %add3A_619 = vector.broadcast %squeeze3A_107 : f32 to vector<16xf32>
        %add3A_620 = arith.addf %get3A_618, %add3A_619 : vector<16xf32>
        %swap3A_621 = arith.index_cast %mul3A_615 : i32 to index
        %swap3A_622 = tpu.vector_load %arg8[%swap3A_621] {strides = array<i32>} : memref<2048xf32, #tpu.memory_space<vmem>>, vector<16xf32>,
        %swap3A_623 = vector.shape_cast %swap3A_622 : vector<16xf32> to vector<16xf32>
        %swap3A_624 = vector.shape_cast %add3A_620 : vector<16xf32> to vector<16xf32>
        tpu.vector_store %arg8[%swap3A_621], %swap3A_624 {strides = array<i32>} : memref<2048xf32, #tpu.memory_space<vmem>>, vector<16xf32>,
        %mul3A_625 = arith.constant 16 : i32
        %mul3A_626 = arith.muli %scan3A_445, %mul3A_625 : i32
        %add3A_627 = arith.constant 12 : i32
        %add3A_628 = arith.addi %mul3A_626, %add3A_627 : i32
        %mul3A_629 = arith.constant 16 : i32
        %mul3A_630 = arith.muli %add3A_628, %mul3A_629 : i32
        %get3A_631 = arith.index_cast %mul3A_630 : i32 to index
        %get3A_632 = tpu.vector_load %arg5[%get3A_631] {strides = array<i32>} : memref<2048xf32, #tpu.memory_space<vmem>>, vector<16xf32>,
        %get3A_633 = vector.shape_cast %get3A_632 : vector<16xf32> to vector<16xf32>
        %add3A_634 = vector.broadcast %squeeze3A_107 : f32 to vector<16xf32>
        %add3A_635 = arith.addf %get3A_633, %add3A_634 : vector<16xf32>
        %swap3A_636 = arith.index_cast %mul3A_630 : i32 to index
        %swap3A_637 = tpu.vector_load %arg8[%swap3A_636] {strides = array<i32>} : memref<2048xf32, #tpu.memory_space<vmem>>, vector<16xf32>,
        %swap3A_638 = vector.shape_cast %swap3A_637 : vector<16xf32> to vector<16xf32>
        %swap3A_639 = vector.shape_cast %add3A_635 : vector<16xf32> to vector<16xf32>
        tpu.vector_store %arg8[%swap3A_636], %swap3A_639 {strides = array<i32>} : memref<2048xf32, #tpu.memory_space<vmem>>, vector<16xf32>,
        %mul3A_640 = arith.constant 16 : i32
        %mul3A_641 = arith.muli %scan3A_445, %mul3A_640 : i32
        %add3A_642 = arith.constant 13 : i32
        %add3A_643 = arith.addi %mul3A_641, %add3A_642 : i32
        %mul3A_644 = arith.constant 16 : i32
        %mul3A_645 = arith.muli %add3A_643, %mul3A_644 : i32
        %get3A_646 = arith.index_cast %mul3A_645 : i32 to index
        %get3A_647 = tpu.vector_load %arg5[%get3A_646] {strides = array<i32>} : memref<2048xf32, #tpu.memory_space<vmem>>, vector<16xf32>,
        %get3A_648 = vector.shape_cast %get3A_647 : vector<16xf32> to vector<16xf32>
        %add3A_649 = vector.broadcast %squeeze3A_107 : f32 to vector<16xf32>
        %add3A_650 = arith.addf %get3A_648, %add3A_649 : vector<16xf32>
        %swap3A_651 = arith.index_cast %mul3A_645 : i32 to index
        %swap3A_652 = tpu.vector_load %arg8[%swap3A_651] {strides = array<i32>} : memref<2048xf32, #tpu.memory_space<vmem>>, vector<16xf32>,
        %swap3A_653 = vector.shape_cast %swap3A_652 : vector<16xf32> to vector<16xf32>
        %swap3A_654 = vector.shape_cast %add3A_650 : vector<16xf32> to vector<16xf32>
        tpu.vector_store %arg8[%swap3A_651], %swap3A_654 {strides = array<i32>} : memref<2048xf32, #tpu.memory_space<vmem>>, vector<16xf32>,
        %mul3A_655 = arith.constant 16 : i32
        %mul3A_656 = arith.muli %scan3A_445, %mul3A_655 : i32
        %add3A_657 = arith.constant 14 : i32
        %add3A_658 = arith.addi %mul3A_656, %add3A_657 : i32
        %mul3A_659 = arith.constant 16 : i32
        %mul3A_660 = arith.muli %add3A_658, %mul3A_659 : i32
        %get3A_661 = arith.index_cast %mul3A_660 : i32 to index
        %get3A_662 = tpu.vector_load %arg5[%get3A_661] {strides = array<i32>} : memref<2048xf32, #tpu.memory_space<vmem>>, vector<16xf32>,
        %get3A_663 = vector.shape_cast %get3A_662 : vector<16xf32> to vector<16xf32>
        %add3A_664 = vector.broadcast %squeeze3A_107 : f32 to vector<16xf32>
        %add3A_665 = arith.addf %get3A_663, %add3A_664 : vector<16xf32>
        %swap3A_666 = arith.index_cast %mul3A_660 : i32 to index
        %swap3A_667 = tpu.vector_load %arg8[%swap3A_666] {strides = array<i32>} : memref<2048xf32, #tpu.memory_space<vmem>>, vector<16xf32>,
        %swap3A_668 = vector.shape_cast %swap3A_667 : vector<16xf32> to vector<16xf32>
        %swap3A_669 = vector.shape_cast %add3A_665 : vector<16xf32> to vector<16xf32>
        tpu.vector_store %arg8[%swap3A_666], %swap3A_669 {strides = array<i32>} : memref<2048xf32, #tpu.memory_space<vmem>>, vector<16xf32>,
        %mul3A_670 = arith.constant 16 : i32
        %mul3A_671 = arith.muli %scan3A_445, %mul3A_670 : i32
        %add3A_672 = arith.constant 15 : i32
        %add3A_673 = arith.addi %mul3A_671, %add3A_672 : i32
        %mul3A_674 = arith.constant 16 : i32
        %mul3A_675 = arith.muli %add3A_673, %mul3A_674 : i32
        %get3A_676 = arith.index_cast %mul3A_675 : i32 to index
        %get3A_677 = tpu.vector_load %arg5[%get3A_676] {strides = array<i32>} : memref<2048xf32, #tpu.memory_space<vmem>>, vector<16xf32>,
        %get3A_678 = vector.shape_cast %get3A_677 : vector<16xf32> to vector<16xf32>
        %add3A_679 = vector.broadcast %squeeze3A_107 : f32 to vector<16xf32>
        %add3A_680 = arith.addf %get3A_678, %add3A_679 : vector<16xf32>
        %swap3A_681 = arith.index_cast %mul3A_675 : i32 to index
        %swap3A_682 = tpu.vector_load %arg8[%swap3A_681] {strides = array<i32>} : memref<2048xf32, #tpu.memory_space<vmem>>, vector<16xf32>,
        %swap3A_683 = vector.shape_cast %swap3A_682 : vector<16xf32> to vector<16xf32>
        %swap3A_684 = vector.shape_cast %add3A_680 : vector<16xf32> to vector<16xf32>
        tpu.vector_store %arg8[%swap3A_681], %swap3A_684 {strides = array<i32>} : memref<2048xf32, #tpu.memory_space<vmem>>, vector<16xf32>,
      }
      %scan3A_113 = arith.constant 8 : i32
      %dma_start3A_114 = arith.constant 3 : i32
      %dma_start3A_115 = arith.constant 0 : i32
      %dma_start3A_116 = tpu.memref_slice %arg4[%add3A_94, %dma_start3A_114, %dma_start3A_115] : memref<2048x16x2048xf32, #tpu.memory_space<hbm>> -> memref<1x1x2048xf32, #tpu.memory_space<hbm>>
      %dma_start3A_117 = tpu.memref_squeeze %dma_start3A_116 : memref<1x1x2048xf32, #tpu.memory_space<hbm>> -> memref<2048xf32, #tpu.memory_space<hbm>>
      %dma_start3A_118 = arith.constant 0 : i32
      %dma_start3A_119 = tpu.memref_slice %arg4[%add3A_94, %dma_start3A_114, %dma_start3A_118] : memref<2048x16x2048xf32, #tpu.memory_space<hbm>> -> memref<1x1x2048xf32, #tpu.memory_space<hbm>>
      %dma_start3A_120 = tpu.memref_squeeze %dma_start3A_119 : memref<1x1x2048xf32, #tpu.memory_space<hbm>> -> memref<2048xf32, #tpu.memory_space<hbm>>
      tpu.enqueue_dma source(%arg8 : memref<2048xf32, #tpu.memory_space<vmem>>) target(%dma_start3A_120 : memref<2048xf32, #tpu.memory_space<hbm>>) target_semaphore(%arg10 : memref<!tpu.dma_semaphore, #tpu.memory_space<semaphore_mem>>)
      %add3A_121 = arith.addi %mul3A_2, %scan3A_21 : i32
      %dma_wait3A_122 = arith.constant 4 : i32
      %dma_wait3A_123 = arith.constant 0 : i32
      %dma_wait3A_124 = tpu.memref_slice %arg4[%add3A_121, %dma_wait3A_122, %dma_wait3A_123] : memref<2048x16x2048xf32, #tpu.memory_space<hbm>> -> memref<1x1x2048xf32, #tpu.memory_space<hbm>>
      %dma_wait3A_125 = tpu.memref_squeeze %dma_wait3A_124 : memref<1x1x2048xf32, #tpu.memory_space<hbm>> -> memref<2048xf32, #tpu.memory_space<hbm>>
      %dma_wait3A_126 = arith.constant 0 : i32
      %dma_wait3A_127 = tpu.memref_slice %arg4[%add3A_121, %dma_wait3A_122, %dma_wait3A_126] : memref<2048x16x2048xf32, #tpu.memory_space<hbm>> -> memref<1x1x2048xf32, #tpu.memory_space<hbm>>
      %dma_wait3A_128 = tpu.memref_squeeze %dma_wait3A_127 : memref<1x1x2048xf32, #tpu.memory_space<hbm>> -> memref<2048xf32, #tpu.memory_space<hbm>>
      tpu.wait_dma2 semaphore(%arg9 : memref<!tpu.dma_semaphore, #tpu.memory_space<semaphore_mem>>) src(%arg7 : memref<2048xf32, #tpu.memory_space<vmem>>) dst(%dma_wait3A_128 : memref<2048xf32, #tpu.memory_space<hbm>>)
      %get3A_129 = arith.index_cast %scan3A_21 : i32 to index
      %get3A_130 = arith.constant 0 : index
      %get3A_131 = tpu.vector_load %arg6[%get3A_129, %get3A_130] {strides = array<i32>} : memref<64x16xf32, #tpu.memory_space<vmem>>, vector<1x16xf32>,
      %get3A_132 = vector.shape_cast %get3A_131 : vector<1x16xf32> to vector<16xf32>
      %slice3A_133 = vector.extract_strided_slice %get3A_132 {offsets = [4], sizes = [1], strides = [1]} : vector<16xf32> to vector<1xf32>
      %squeeze3A_134 = vector.extract %slice3A_133[0] : f32 from vector<1xf32>
      %scan3A_135 = arith.constant 0 : i32
      %scan3A_136 = arith.constant 0 : i32
      %scan3A_137 = arith.constant 8 : i32
      %scan3A_138 = arith.addi %scan3A_136, %scan3A_137 : i32
      %scan3A_139 = arith.constant 1 : i32
      scf.for %scan3A_445 = %scan3A_136 to %scan3A_138 step %scan3A_139  : i32 {
        %mul3A_446 = arith.constant 16 : i32
        %mul3A_447 = arith.muli %scan3A_445, %mul3A_446 : i32
        %add3A_448 = arith.constant 0 : i32
        %add3A_449 = arith.addi %mul3A_447, %add3A_448 : i32
        %mul3A_450 = arith.constant 16 : i32
        %mul3A_451 = arith.muli %add3A_449, %mul3A_450 : i32
        %get3A_452 = arith.index_cast %mul3A_451 : i32 to index
        %get3A_453 = tpu.vector_load %arg5[%get3A_452] {strides = array<i32>} : memref<2048xf32, #tpu.memory_space<vmem>>, vector<16xf32>,
        %get3A_454 = vector.shape_cast %get3A_453 : vector<16xf32> to vector<16xf32>
        %add3A_455 = vector.broadcast %squeeze3A_134 : f32 to vector<16xf32>
        %add3A_456 = arith.addf %get3A_454, %add3A_455 : vector<16xf32>
        %swap3A = arith.index_cast %mul3A_451 : i32 to index
        %swap3A_457 = tpu.vector_load %arg7[%swap3A] {strides = array<i32>} : memref<2048xf32, #tpu.memory_space<vmem>>, vector<16xf32>,
        %swap3A_458 = vector.shape_cast %swap3A_457 : vector<16xf32> to vector<16xf32>
        %swap3A_459 = vector.shape_cast %add3A_456 : vector<16xf32> to vector<16xf32>
        tpu.vector_store %arg7[%swap3A], %swap3A_459 {strides = array<i32>} : memref<2048xf32, #tpu.memory_space<vmem>>, vector<16xf32>,
        %mul3A_460 = arith.constant 16 : i32
        %mul3A_461 = arith.muli %scan3A_445, %mul3A_460 : i32
        %add3A_462 = arith.constant 1 : i32
        %add3A_463 = arith.addi %mul3A_461, %add3A_462 : i32
        %mul3A_464 = arith.constant 16 : i32
        %mul3A_465 = arith.muli %add3A_463, %mul3A_464 : i32
        %get3A_466 = arith.index_cast %mul3A_465 : i32 to index
        %get3A_467 = tpu.vector_load %arg5[%get3A_466] {strides = array<i32>} : memref<2048xf32, #tpu.memory_space<vmem>>, vector<16xf32>,
        %get3A_468 = vector.shape_cast %get3A_467 : vector<16xf32> to vector<16xf32>
        %add3A_469 = vector.broadcast %squeeze3A_134 : f32 to vector<16xf32>
        %add3A_470 = arith.addf %get3A_468, %add3A_469 : vector<16xf32>
        %swap3A_471 = arith.index_cast %mul3A_465 : i32 to index
        %swap3A_472 = tpu.vector_load %arg7[%swap3A_471] {strides = array<i32>} : memref<2048xf32, #tpu.memory_space<vmem>>, vector<16xf32>,
        %swap3A_473 = vector.shape_cast %swap3A_472 : vector<16xf32> to vector<16xf32>
        %swap3A_474 = vector.shape_cast %add3A_470 : vector<16xf32> to vector<16xf32>
        tpu.vector_store %arg7[%swap3A_471], %swap3A_474 {strides = array<i32>} : memref<2048xf32, #tpu.memory_space<vmem>>, vector<16xf32>,
        %mul3A_475 = arith.constant 16 : i32
        %mul3A_476 = arith.muli %scan3A_445, %mul3A_475 : i32
        %add3A_477 = arith.constant 2 : i32
        %add3A_478 = arith.addi %mul3A_476, %add3A_477 : i32
        %mul3A_479 = arith.constant 16 : i32
        %mul3A_480 = arith.muli %add3A_478, %mul3A_479 : i32
        %get3A_481 = arith.index_cast %mul3A_480 : i32 to index
        %get3A_482 = tpu.vector_load %arg5[%get3A_481] {strides = array<i32>} : memref<2048xf32, #tpu.memory_space<vmem>>, vector<16xf32>,
        %get3A_483 = vector.shape_cast %get3A_482 : vector<16xf32> to vector<16xf32>
        %add3A_484 = vector.broadcast %squeeze3A_134 : f32 to vector<16xf32>
        %add3A_485 = arith.addf %get3A_483, %add3A_484 : vector<16xf32>
        %swap3A_486 = arith.index_cast %mul3A_480 : i32 to index
        %swap3A_487 = tpu.vector_load %arg7[%swap3A_486] {strides = array<i32>} : memref<2048xf32, #tpu.memory_space<vmem>>, vector<16xf32>,
        %swap3A_488 = vector.shape_cast %swap3A_487 : vector<16xf32> to vector<16xf32>
        %swap3A_489 = vector.shape_cast %add3A_485 : vector<16xf32> to vector<16xf32>
        tpu.vector_store %arg7[%swap3A_486], %swap3A_489 {strides = array<i32>} : memref<2048xf32, #tpu.memory_space<vmem>>, vector<16xf32>,
        %mul3A_490 = arith.constant 16 : i32
        %mul3A_491 = arith.muli %scan3A_445, %mul3A_490 : i32
        %add3A_492 = arith.constant 3 : i32
        %add3A_493 = arith.addi %mul3A_491, %add3A_492 : i32
        %mul3A_494 = arith.constant 16 : i32
        %mul3A_495 = arith.muli %add3A_493, %mul3A_494 : i32
        %get3A_496 = arith.index_cast %mul3A_495 : i32 to index
        %get3A_497 = tpu.vector_load %arg5[%get3A_496] {strides = array<i32>} : memref<2048xf32, #tpu.memory_space<vmem>>, vector<16xf32>,
        %get3A_498 = vector.shape_cast %get3A_497 : vector<16xf32> to vector<16xf32>
        %add3A_499 = vector.broadcast %squeeze3A_134 : f32 to vector<16xf32>
        %add3A_500 = arith.addf %get3A_498, %add3A_499 : vector<16xf32>
        %swap3A_501 = arith.index_cast %mul3A_495 : i32 to index
        %swap3A_502 = tpu.vector_load %arg7[%swap3A_501] {strides = array<i32>} : memref<2048xf32, #tpu.memory_space<vmem>>, vector<16xf32>,
        %swap3A_503 = vector.shape_cast %swap3A_502 : vector<16xf32> to vector<16xf32>
        %swap3A_504 = vector.shape_cast %add3A_500 : vector<16xf32> to vector<16xf32>
        tpu.vector_store %arg7[%swap3A_501], %swap3A_504 {strides = array<i32>} : memref<2048xf32, #tpu.memory_space<vmem>>, vector<16xf32>,
        %mul3A_505 = arith.constant 16 : i32
        %mul3A_506 = arith.muli %scan3A_445, %mul3A_505 : i32
        %add3A_507 = arith.constant 4 : i32
        %add3A_508 = arith.addi %mul3A_506, %add3A_507 : i32
        %mul3A_509 = arith.constant 16 : i32
        %mul3A_510 = arith.muli %add3A_508, %mul3A_509 : i32
        %get3A_511 = arith.index_cast %mul3A_510 : i32 to index
        %get3A_512 = tpu.vector_load %arg5[%get3A_511] {strides = array<i32>} : memref<2048xf32, #tpu.memory_space<vmem>>, vector<16xf32>,
        %get3A_513 = vector.shape_cast %get3A_512 : vector<16xf32> to vector<16xf32>
        %add3A_514 = vector.broadcast %squeeze3A_134 : f32 to vector<16xf32>
        %add3A_515 = arith.addf %get3A_513, %add3A_514 : vector<16xf32>
        %swap3A_516 = arith.index_cast %mul3A_510 : i32 to index
        %swap3A_517 = tpu.vector_load %arg7[%swap3A_516] {strides = array<i32>} : memref<2048xf32, #tpu.memory_space<vmem>>, vector<16xf32>,
        %swap3A_518 = vector.shape_cast %swap3A_517 : vector<16xf32> to vector<16xf32>
        %swap3A_519 = vector.shape_cast %add3A_515 : vector<16xf32> to vector<16xf32>
        tpu.vector_store %arg7[%swap3A_516], %swap3A_519 {strides = array<i32>} : memref<2048xf32, #tpu.memory_space<vmem>>, vector<16xf32>,
        %mul3A_520 = arith.constant 16 : i32
        %mul3A_521 = arith.muli %scan3A_445, %mul3A_520 : i32
        %add3A_522 = arith.constant 5 : i32
        %add3A_523 = arith.addi %mul3A_521, %add3A_522 : i32
        %mul3A_524 = arith.constant 16 : i32
        %mul3A_525 = arith.muli %add3A_523, %mul3A_524 : i32
        %get3A_526 = arith.index_cast %mul3A_525 : i32 to index
        %get3A_527 = tpu.vector_load %arg5[%get3A_526] {strides = array<i32>} : memref<2048xf32, #tpu.memory_space<vmem>>, vector<16xf32>,
        %get3A_528 = vector.shape_cast %get3A_527 : vector<16xf32> to vector<16xf32>
        %add3A_529 = vector.broadcast %squeeze3A_134 : f32 to vector<16xf32>
        %add3A_530 = arith.addf %get3A_528, %add3A_529 : vector<16xf32>
        %swap3A_531 = arith.index_cast %mul3A_525 : i32 to index
        %swap3A_532 = tpu.vector_load %arg7[%swap3A_531] {strides = array<i32>} : memref<2048xf32, #tpu.memory_space<vmem>>, vector<16xf32>,
        %swap3A_533 = vector.shape_cast %swap3A_532 : vector<16xf32> to vector<16xf32>
        %swap3A_534 = vector.shape_cast %add3A_530 : vector<16xf32> to vector<16xf32>
        tpu.vector_store %arg7[%swap3A_531], %swap3A_534 {strides = array<i32>} : memref<2048xf32, #tpu.memory_space<vmem>>, vector<16xf32>,
        %mul3A_535 = arith.constant 16 : i32
        %mul3A_536 = arith.muli %scan3A_445, %mul3A_535 : i32
        %add3A_537 = arith.constant 6 : i32
        %add3A_538 = arith.addi %mul3A_536, %add3A_537 : i32
        %mul3A_539 = arith.constant 16 : i32
        %mul3A_540 = arith.muli %add3A_538, %mul3A_539 : i32
        %get3A_541 = arith.index_cast %mul3A_540 : i32 to index
        %get3A_542 = tpu.vector_load %arg5[%get3A_541] {strides = array<i32>} : memref<2048xf32, #tpu.memory_space<vmem>>, vector<16xf32>,
        %get3A_543 = vector.shape_cast %get3A_542 : vector<16xf32> to vector<16xf32>
        %add3A_544 = vector.broadcast %squeeze3A_134 : f32 to vector<16xf32>
        %add3A_545 = arith.addf %get3A_543, %add3A_544 : vector<16xf32>
        %swap3A_546 = arith.index_cast %mul3A_540 : i32 to index
        %swap3A_547 = tpu.vector_load %arg7[%swap3A_546] {strides = array<i32>} : memref<2048xf32, #tpu.memory_space<vmem>>, vector<16xf32>,
        %swap3A_548 = vector.shape_cast %swap3A_547 : vector<16xf32> to vector<16xf32>
        %swap3A_549 = vector.shape_cast %add3A_545 : vector<16xf32> to vector<16xf32>
        tpu.vector_store %arg7[%swap3A_546], %swap3A_549 {strides = array<i32>} : memref<2048xf32, #tpu.memory_space<vmem>>, vector<16xf32>,
        %mul3A_550 = arith.constant 16 : i32
        %mul3A_551 = arith.muli %scan3A_445, %mul3A_550 : i32
        %add3A_552 = arith.constant 7 : i32
        %add3A_553 = arith.addi %mul3A_551, %add3A_552 : i32
        %mul3A_554 = arith.constant 16 : i32
        %mul3A_555 = arith.muli %add3A_553, %mul3A_554 : i32
        %get3A_556 = arith.index_cast %mul3A_555 : i32 to index
        %get3A_557 = tpu.vector_load %arg5[%get3A_556] {strides = array<i32>} : memref<2048xf32, #tpu.memory_space<vmem>>, vector<16xf32>,
        %get3A_558 = vector.shape_cast %get3A_557 : vector<16xf32> to vector<16xf32>
        %add3A_559 = vector.broadcast %squeeze3A_134 : f32 to vector<16xf32>
        %add3A_560 = arith.addf %get3A_558, %add3A_559 : vector<16xf32>
        %swap3A_561 = arith.index_cast %mul3A_555 : i32 to index
        %swap3A_562 = tpu.vector_load %arg7[%swap3A_561] {strides = array<i32>} : memref<2048xf32, #tpu.memory_space<vmem>>, vector<16xf32>,
        %swap3A_563 = vector.shape_cast %swap3A_562 : vector<16xf32> to vector<16xf32>
        %swap3A_564 = vector.shape_cast %add3A_560 : vector<16xf32> to vector<16xf32>
        tpu.vector_store %arg7[%swap3A_561], %swap3A_564 {strides = array<i32>} : memref<2048xf32, #tpu.memory_space<vmem>>, vector<16xf32>,
        %mul3A_565 = arith.constant 16 : i32
        %mul3A_566 = arith.muli %scan3A_445, %mul3A_565 : i32
        %add3A_567 = arith.constant 8 : i32
        %add3A_568 = arith.addi %mul3A_566, %add3A_567 : i32
        %mul3A_569 = arith.constant 16 : i32
        %mul3A_570 = arith.muli %add3A_568, %mul3A_569 : i32
        %get3A_571 = arith.index_cast %mul3A_570 : i32 to index
        %get3A_572 = tpu.vector_load %arg5[%get3A_571] {strides = array<i32>} : memref<2048xf32, #tpu.memory_space<vmem>>, vector<16xf32>,
        %get3A_573 = vector.shape_cast %get3A_572 : vector<16xf32> to vector<16xf32>
        %add3A_574 = vector.broadcast %squeeze3A_134 : f32 to vector<16xf32>
        %add3A_575 = arith.addf %get3A_573, %add3A_574 : vector<16xf32>
        %swap3A_576 = arith.index_cast %mul3A_570 : i32 to index
        %swap3A_577 = tpu.vector_load %arg7[%swap3A_576] {strides = array<i32>} : memref<2048xf32, #tpu.memory_space<vmem>>, vector<16xf32>,
        %swap3A_578 = vector.shape_cast %swap3A_577 : vector<16xf32> to vector<16xf32>
        %swap3A_579 = vector.shape_cast %add3A_575 : vector<16xf32> to vector<16xf32>
        tpu.vector_store %arg7[%swap3A_576], %swap3A_579 {strides = array<i32>} : memref<2048xf32, #tpu.memory_space<vmem>>, vector<16xf32>,
        %mul3A_580 = arith.constant 16 : i32
        %mul3A_581 = arith.muli %scan3A_445, %mul3A_580 : i32
        %add3A_582 = arith.constant 9 : i32
        %add3A_583 = arith.addi %mul3A_581, %add3A_582 : i32
        %mul3A_584 = arith.constant 16 : i32
        %mul3A_585 = arith.muli %add3A_583, %mul3A_584 : i32
        %get3A_586 = arith.index_cast %mul3A_585 : i32 to index
        %get3A_587 = tpu.vector_load %arg5[%get3A_586] {strides = array<i32>} : memref<2048xf32, #tpu.memory_space<vmem>>, vector<16xf32>,
        %get3A_588 = vector.shape_cast %get3A_587 : vector<16xf32> to vector<16xf32>
        %add3A_589 = vector.broadcast %squeeze3A_134 : f32 to vector<16xf32>
        %add3A_590 = arith.addf %get3A_588, %add3A_589 : vector<16xf32>
        %swap3A_591 = arith.index_cast %mul3A_585 : i32 to index
        %swap3A_592 = tpu.vector_load %arg7[%swap3A_591] {strides = array<i32>} : memref<2048xf32, #tpu.memory_space<vmem>>, vector<16xf32>,
        %swap3A_593 = vector.shape_cast %swap3A_592 : vector<16xf32> to vector<16xf32>
        %swap3A_594 = vector.shape_cast %add3A_590 : vector<16xf32> to vector<16xf32>
        tpu.vector_store %arg7[%swap3A_591], %swap3A_594 {strides = array<i32>} : memref<2048xf32, #tpu.memory_space<vmem>>, vector<16xf32>,
        %mul3A_595 = arith.constant 16 : i32
        %mul3A_596 = arith.muli %scan3A_445, %mul3A_595 : i32
        %add3A_597 = arith.constant 10 : i32
        %add3A_598 = arith.addi %mul3A_596, %add3A_597 : i32
        %mul3A_599 = arith.constant 16 : i32
        %mul3A_600 = arith.muli %add3A_598, %mul3A_599 : i32
        %get3A_601 = arith.index_cast %mul3A_600 : i32 to index
        %get3A_602 = tpu.vector_load %arg5[%get3A_601] {strides = array<i32>} : memref<2048xf32, #tpu.memory_space<vmem>>, vector<16xf32>,
        %get3A_603 = vector.shape_cast %get3A_602 : vector<16xf32> to vector<16xf32>
        %add3A_604 = vector.broadcast %squeeze3A_134 : f32 to vector<16xf32>
        %add3A_605 = arith.addf %get3A_603, %add3A_604 : vector<16xf32>
        %swap3A_606 = arith.index_cast %mul3A_600 : i32 to index
        %swap3A_607 = tpu.vector_load %arg7[%swap3A_606] {strides = array<i32>} : memref<2048xf32, #tpu.memory_space<vmem>>, vector<16xf32>,
        %swap3A_608 = vector.shape_cast %swap3A_607 : vector<16xf32> to vector<16xf32>
        %swap3A_609 = vector.shape_cast %add3A_605 : vector<16xf32> to vector<16xf32>
        tpu.vector_store %arg7[%swap3A_606], %swap3A_609 {strides = array<i32>} : memref<2048xf32, #tpu.memory_space<vmem>>, vector<16xf32>,
        %mul3A_610 = arith.constant 16 : i32
        %mul3A_611 = arith.muli %scan3A_445, %mul3A_610 : i32
        %add3A_612 = arith.constant 11 : i32
        %add3A_613 = arith.addi %mul3A_611, %add3A_612 : i32
        %mul3A_614 = arith.constant 16 : i32
        %mul3A_615 = arith.muli %add3A_613, %mul3A_614 : i32
        %get3A_616 = arith.index_cast %mul3A_615 : i32 to index
        %get3A_617 = tpu.vector_load %arg5[%get3A_616] {strides = array<i32>} : memref<2048xf32, #tpu.memory_space<vmem>>, vector<16xf32>,
        %get3A_618 = vector.shape_cast %get3A_617 : vector<16xf32> to vector<16xf32>
        %add3A_619 = vector.broadcast %squeeze3A_134 : f32 to vector<16xf32>
        %add3A_620 = arith.addf %get3A_618, %add3A_619 : vector<16xf32>
        %swap3A_621 = arith.index_cast %mul3A_615 : i32 to index
        %swap3A_622 = tpu.vector_load %arg7[%swap3A_621] {strides = array<i32>} : memref<2048xf32, #tpu.memory_space<vmem>>, vector<16xf32>,
        %swap3A_623 = vector.shape_cast %swap3A_622 : vector<16xf32> to vector<16xf32>
        %swap3A_624 = vector.shape_cast %add3A_620 : vector<16xf32> to vector<16xf32>
        tpu.vector_store %arg7[%swap3A_621], %swap3A_624 {strides = array<i32>} : memref<2048xf32, #tpu.memory_space<vmem>>, vector<16xf32>,
        %mul3A_625 = arith.constant 16 : i32
        %mul3A_626 = arith.muli %scan3A_445, %mul3A_625 : i32
        %add3A_627 = arith.constant 12 : i32
        %add3A_628 = arith.addi %mul3A_626, %add3A_627 : i32
        %mul3A_629 = arith.constant 16 : i32
        %mul3A_630 = arith.muli %add3A_628, %mul3A_629 : i32
        %get3A_631 = arith.index_cast %mul3A_630 : i32 to index
        %get3A_632 = tpu.vector_load %arg5[%get3A_631] {strides = array<i32>} : memref<2048xf32, #tpu.memory_space<vmem>>, vector<16xf32>,
        %get3A_633 = vector.shape_cast %get3A_632 : vector<16xf32> to vector<16xf32>
        %add3A_634 = vector.broadcast %squeeze3A_134 : f32 to vector<16xf32>
        %add3A_635 = arith.addf %get3A_633, %add3A_634 : vector<16xf32>
        %swap3A_636 = arith.index_cast %mul3A_630 : i32 to index
        %swap3A_637 = tpu.vector_load %arg7[%swap3A_636] {strides = array<i32>} : memref<2048xf32, #tpu.memory_space<vmem>>, vector<16xf32>,
        %swap3A_638 = vector.shape_cast %swap3A_637 : vector<16xf32> to vector<16xf32>
        %swap3A_639 = vector.shape_cast %add3A_635 : vector<16xf32> to vector<16xf32>
        tpu.vector_store %arg7[%swap3A_636], %swap3A_639 {strides = array<i32>} : memref<2048xf32, #tpu.memory_space<vmem>>, vector<16xf32>,
        %mul3A_640 = arith.constant 16 : i32
        %mul3A_641 = arith.muli %scan3A_445, %mul3A_640 : i32
        %add3A_642 = arith.constant 13 : i32
        %add3A_643 = arith.addi %mul3A_641, %add3A_642 : i32
        %mul3A_644 = arith.constant 16 : i32
        %mul3A_645 = arith.muli %add3A_643, %mul3A_644 : i32
        %get3A_646 = arith.index_cast %mul3A_645 : i32 to index
        %get3A_647 = tpu.vector_load %arg5[%get3A_646] {strides = array<i32>} : memref<2048xf32, #tpu.memory_space<vmem>>, vector<16xf32>,
        %get3A_648 = vector.shape_cast %get3A_647 : vector<16xf32> to vector<16xf32>
        %add3A_649 = vector.broadcast %squeeze3A_134 : f32 to vector<16xf32>
        %add3A_650 = arith.addf %get3A_648, %add3A_649 : vector<16xf32>
        %swap3A_651 = arith.index_cast %mul3A_645 : i32 to index
        %swap3A_652 = tpu.vector_load %arg7[%swap3A_651] {strides = array<i32>} : memref<2048xf32, #tpu.memory_space<vmem>>, vector<16xf32>,
        %swap3A_653 = vector.shape_cast %swap3A_652 : vector<16xf32> to vector<16xf32>
        %swap3A_654 = vector.shape_cast %add3A_650 : vector<16xf32> to vector<16xf32>
        tpu.vector_store %arg7[%swap3A_651], %swap3A_654 {strides = array<i32>} : memref<2048xf32, #tpu.memory_space<vmem>>, vector<16xf32>,
        %mul3A_655 = arith.constant 16 : i32
        %mul3A_656 = arith.muli %scan3A_445, %mul3A_655 : i32
        %add3A_657 = arith.constant 14 : i32
        %add3A_658 = arith.addi %mul3A_656, %add3A_657 : i32
        %mul3A_659 = arith.constant 16 : i32
        %mul3A_660 = arith.muli %add3A_658, %mul3A_659 : i32
        %get3A_661 = arith.index_cast %mul3A_660 : i32 to index
        %get3A_662 = tpu.vector_load %arg5[%get3A_661] {strides = array<i32>} : memref<2048xf32, #tpu.memory_space<vmem>>, vector<16xf32>,
        %get3A_663 = vector.shape_cast %get3A_662 : vector<16xf32> to vector<16xf32>
        %add3A_664 = vector.broadcast %squeeze3A_134 : f32 to vector<16xf32>
        %add3A_665 = arith.addf %get3A_663, %add3A_664 : vector<16xf32>
        %swap3A_666 = arith.index_cast %mul3A_660 : i32 to index
        %swap3A_667 = tpu.vector_load %arg7[%swap3A_666] {strides = array<i32>} : memref<2048xf32, #tpu.memory_space<vmem>>, vector<16xf32>,
        %swap3A_668 = vector.shape_cast %swap3A_667 : vector<16xf32> to vector<16xf32>
        %swap3A_669 = vector.shape_cast %add3A_665 : vector<16xf32> to vector<16xf32>
        tpu.vector_store %arg7[%swap3A_666], %swap3A_669 {strides = array<i32>} : memref<2048xf32, #tpu.memory_space<vmem>>, vector<16xf32>,
        %mul3A_670 = arith.constant 16 : i32
        %mul3A_671 = arith.muli %scan3A_445, %mul3A_670 : i32
        %add3A_672 = arith.constant 15 : i32
        %add3A_673 = arith.addi %mul3A_671, %add3A_672 : i32
        %mul3A_674 = arith.constant 16 : i32
        %mul3A_675 = arith.muli %add3A_673, %mul3A_674 : i32
        %get3A_676 = arith.index_cast %mul3A_675 : i32 to index
        %get3A_677 = tpu.vector_load %arg5[%get3A_676] {strides = array<i32>} : memref<2048xf32, #tpu.memory_space<vmem>>, vector<16xf32>,
        %get3A_678 = vector.shape_cast %get3A_677 : vector<16xf32> to vector<16xf32>
        %add3A_679 = vector.broadcast %squeeze3A_134 : f32 to vector<16xf32>
        %add3A_680 = arith.addf %get3A_678, %add3A_679 : vector<16xf32>
        %swap3A_681 = arith.index_cast %mul3A_675 : i32 to index
        %swap3A_682 = tpu.vector_load %arg7[%swap3A_681] {strides = array<i32>} : memref<2048xf32, #tpu.memory_space<vmem>>, vector<16xf32>,
        %swap3A_683 = vector.shape_cast %swap3A_682 : vector<16xf32> to vector<16xf32>
        %swap3A_684 = vector.shape_cast %add3A_680 : vector<16xf32> to vector<16xf32>
        tpu.vector_store %arg7[%swap3A_681], %swap3A_684 {strides = array<i32>} : memref<2048xf32, #tpu.memory_space<vmem>>, vector<16xf32>,
      }
      %scan3A_140 = arith.constant 8 : i32
      %dma_start3A_141 = arith.constant 4 : i32
      %dma_start3A_142 = arith.constant 0 : i32
      %dma_start3A_143 = tpu.memref_slice %arg4[%add3A_121, %dma_start3A_141, %dma_start3A_142] : memref<2048x16x2048xf32, #tpu.memory_space<hbm>> -> memref<1x1x2048xf32, #tpu.memory_space<hbm>>
      %dma_start3A_144 = tpu.memref_squeeze %dma_start3A_143 : memref<1x1x2048xf32, #tpu.memory_space<hbm>> -> memref<2048xf32, #tpu.memory_space<hbm>>
      %dma_start3A_145 = arith.constant 0 : i32
      %dma_start3A_146 = tpu.memref_slice %arg4[%add3A_121, %dma_start3A_141, %dma_start3A_145] : memref<2048x16x2048xf32, #tpu.memory_space<hbm>> -> memref<1x1x2048xf32, #tpu.memory_space<hbm>>
      %dma_start3A_147 = tpu.memref_squeeze %dma_start3A_146 : memref<1x1x2048xf32, #tpu.memory_space<hbm>> -> memref<2048xf32, #tpu.memory_space<hbm>>
      tpu.enqueue_dma source(%arg7 : memref<2048xf32, #tpu.memory_space<vmem>>) target(%dma_start3A_147 : memref<2048xf32, #tpu.memory_space<hbm>>) target_semaphore(%arg9 : memref<!tpu.dma_semaphore, #tpu.memory_space<semaphore_mem>>)
      %add3A_148 = arith.addi %mul3A_2, %scan3A_21 : i32
      %dma_wait3A_149 = arith.constant 5 : i32
      %dma_wait3A_150 = arith.constant 0 : i32
      %dma_wait3A_151 = tpu.memref_slice %arg4[%add3A_148, %dma_wait3A_149, %dma_wait3A_150] : memref<2048x16x2048xf32, #tpu.memory_space<hbm>> -> memref<1x1x2048xf32, #tpu.memory_space<hbm>>
      %dma_wait3A_152 = tpu.memref_squeeze %dma_wait3A_151 : memref<1x1x2048xf32, #tpu.memory_space<hbm>> -> memref<2048xf32, #tpu.memory_space<hbm>>
      %dma_wait3A_153 = arith.constant 0 : i32
      %dma_wait3A_154 = tpu.memref_slice %arg4[%add3A_148, %dma_wait3A_149, %dma_wait3A_153] : memref<2048x16x2048xf32, #tpu.memory_space<hbm>> -> memref<1x1x2048xf32, #tpu.memory_space<hbm>>
      %dma_wait3A_155 = tpu.memref_squeeze %dma_wait3A_154 : memref<1x1x2048xf32, #tpu.memory_space<hbm>> -> memref<2048xf32, #tpu.memory_space<hbm>>
      tpu.wait_dma2 semaphore(%arg10 : memref<!tpu.dma_semaphore, #tpu.memory_space<semaphore_mem>>) src(%arg8 : memref<2048xf32, #tpu.memory_space<vmem>>) dst(%dma_wait3A_155 : memref<2048xf32, #tpu.memory_space<hbm>>)
      %get3A_156 = arith.index_cast %scan3A_21 : i32 to index
      %get3A_157 = arith.constant 0 : index
      %get3A_158 = tpu.vector_load %arg6[%get3A_156, %get3A_157] {strides = array<i32>} : memref<64x16xf32, #tpu.memory_space<vmem>>, vector<1x16xf32>,
      %get3A_159 = vector.shape_cast %get3A_158 : vector<1x16xf32> to vector<16xf32>
      %slice3A_160 = vector.extract_strided_slice %get3A_159 {offsets = [5], sizes = [1], strides = [1]} : vector<16xf32> to vector<1xf32>
      %squeeze3A_161 = vector.extract %slice3A_160[0] : f32 from vector<1xf32>
      %scan3A_162 = arith.constant 0 : i32
      %scan3A_163 = arith.constant 0 : i32
      %scan3A_164 = arith.constant 8 : i32
      %scan3A_165 = arith.addi %scan3A_163, %scan3A_164 : i32
      %scan3A_166 = arith.constant 1 : i32
      scf.for %scan3A_445 = %scan3A_163 to %scan3A_165 step %scan3A_166  : i32 {
        %mul3A_446 = arith.constant 16 : i32
        %mul3A_447 = arith.muli %scan3A_445, %mul3A_446 : i32
        %add3A_448 = arith.constant 0 : i32
        %add3A_449 = arith.addi %mul3A_447, %add3A_448 : i32
        %mul3A_450 = arith.constant 16 : i32
        %mul3A_451 = arith.muli %add3A_449, %mul3A_450 : i32
        %get3A_452 = arith.index_cast %mul3A_451 : i32 to index
        %get3A_453 = tpu.vector_load %arg5[%get3A_452] {strides = array<i32>} : memref<2048xf32, #tpu.memory_space<vmem>>, vector<16xf32>,
        %get3A_454 = vector.shape_cast %get3A_453 : vector<16xf32> to vector<16xf32>
        %add3A_455 = vector.broadcast %squeeze3A_161 : f32 to vector<16xf32>
        %add3A_456 = arith.addf %get3A_454, %add3A_455 : vector<16xf32>
        %swap3A = arith.index_cast %mul3A_451 : i32 to index
        %swap3A_457 = tpu.vector_load %arg8[%swap3A] {strides = array<i32>} : memref<2048xf32, #tpu.memory_space<vmem>>, vector<16xf32>,
        %swap3A_458 = vector.shape_cast %swap3A_457 : vector<16xf32> to vector<16xf32>
        %swap3A_459 = vector.shape_cast %add3A_456 : vector<16xf32> to vector<16xf32>
        tpu.vector_store %arg8[%swap3A], %swap3A_459 {strides = array<i32>} : memref<2048xf32, #tpu.memory_space<vmem>>, vector<16xf32>,
        %mul3A_460 = arith.constant 16 : i32
        %mul3A_461 = arith.muli %scan3A_445, %mul3A_460 : i32
        %add3A_462 = arith.constant 1 : i32
        %add3A_463 = arith.addi %mul3A_461, %add3A_462 : i32
        %mul3A_464 = arith.constant 16 : i32
        %mul3A_465 = arith.muli %add3A_463, %mul3A_464 : i32
        %get3A_466 = arith.index_cast %mul3A_465 : i32 to index
        %get3A_467 = tpu.vector_load %arg5[%get3A_466] {strides = array<i32>} : memref<2048xf32, #tpu.memory_space<vmem>>, vector<16xf32>,
        %get3A_468 = vector.shape_cast %get3A_467 : vector<16xf32> to vector<16xf32>
        %add3A_469 = vector.broadcast %squeeze3A_161 : f32 to vector<16xf32>
        %add3A_470 = arith.addf %get3A_468, %add3A_469 : vector<16xf32>
        %swap3A_471 = arith.index_cast %mul3A_465 : i32 to index
        %swap3A_472 = tpu.vector_load %arg8[%swap3A_471] {strides = array<i32>} : memref<2048xf32, #tpu.memory_space<vmem>>, vector<16xf32>,
        %swap3A_473 = vector.shape_cast %swap3A_472 : vector<16xf32> to vector<16xf32>
        %swap3A_474 = vector.shape_cast %add3A_470 : vector<16xf32> to vector<16xf32>
        tpu.vector_store %arg8[%swap3A_471], %swap3A_474 {strides = array<i32>} : memref<2048xf32, #tpu.memory_space<vmem>>, vector<16xf32>,
        %mul3A_475 = arith.constant 16 : i32
        %mul3A_476 = arith.muli %scan3A_445, %mul3A_475 : i32
        %add3A_477 = arith.constant 2 : i32
        %add3A_478 = arith.addi %mul3A_476, %add3A_477 : i32
        %mul3A_479 = arith.constant 16 : i32
        %mul3A_480 = arith.muli %add3A_478, %mul3A_479 : i32
        %get3A_481 = arith.index_cast %mul3A_480 : i32 to index
        %get3A_482 = tpu.vector_load %arg5[%get3A_481] {strides = array<i32>} : memref<2048xf32, #tpu.memory_space<vmem>>, vector<16xf32>,
        %get3A_483 = vector.shape_cast %get3A_482 : vector<16xf32> to vector<16xf32>
        %add3A_484 = vector.broadcast %squeeze3A_161 : f32 to vector<16xf32>
        %add3A_485 = arith.addf %get3A_483, %add3A_484 : vector<16xf32>
        %swap3A_486 = arith.index_cast %mul3A_480 : i32 to index
        %swap3A_487 = tpu.vector_load %arg8[%swap3A_486] {strides = array<i32>} : memref<2048xf32, #tpu.memory_space<vmem>>, vector<16xf32>,
        %swap3A_488 = vector.shape_cast %swap3A_487 : vector<16xf32> to vector<16xf32>
        %swap3A_489 = vector.shape_cast %add3A_485 : vector<16xf32> to vector<16xf32>
        tpu.vector_store %arg8[%swap3A_486], %swap3A_489 {strides = array<i32>} : memref<2048xf32, #tpu.memory_space<vmem>>, vector<16xf32>,
        %mul3A_490 = arith.constant 16 : i32
        %mul3A_491 = arith.muli %scan3A_445, %mul3A_490 : i32
        %add3A_492 = arith.constant 3 : i32
        %add3A_493 = arith.addi %mul3A_491, %add3A_492 : i32
        %mul3A_494 = arith.constant 16 : i32
        %mul3A_495 = arith.muli %add3A_493, %mul3A_494 : i32
        %get3A_496 = arith.index_cast %mul3A_495 : i32 to index
        %get3A_497 = tpu.vector_load %arg5[%get3A_496] {strides = array<i32>} : memref<2048xf32, #tpu.memory_space<vmem>>, vector<16xf32>,
        %get3A_498 = vector.shape_cast %get3A_497 : vector<16xf32> to vector<16xf32>
        %add3A_499 = vector.broadcast %squeeze3A_161 : f32 to vector<16xf32>
        %add3A_500 = arith.addf %get3A_498, %add3A_499 : vector<16xf32>
        %swap3A_501 = arith.index_cast %mul3A_495 : i32 to index
        %swap3A_502 = tpu.vector_load %arg8[%swap3A_501] {strides = array<i32>} : memref<2048xf32, #tpu.memory_space<vmem>>, vector<16xf32>,
        %swap3A_503 = vector.shape_cast %swap3A_502 : vector<16xf32> to vector<16xf32>
        %swap3A_504 = vector.shape_cast %add3A_500 : vector<16xf32> to vector<16xf32>
        tpu.vector_store %arg8[%swap3A_501], %swap3A_504 {strides = array<i32>} : memref<2048xf32, #tpu.memory_space<vmem>>, vector<16xf32>,
        %mul3A_505 = arith.constant 16 : i32
        %mul3A_506 = arith.muli %scan3A_445, %mul3A_505 : i32
        %add3A_507 = arith.constant 4 : i32
        %add3A_508 = arith.addi %mul3A_506, %add3A_507 : i32
        %mul3A_509 = arith.constant 16 : i32
        %mul3A_510 = arith.muli %add3A_508, %mul3A_509 : i32
        %get3A_511 = arith.index_cast %mul3A_510 : i32 to index
        %get3A_512 = tpu.vector_load %arg5[%get3A_511] {strides = array<i32>} : memref<2048xf32, #tpu.memory_space<vmem>>, vector<16xf32>,
        %get3A_513 = vector.shape_cast %get3A_512 : vector<16xf32> to vector<16xf32>
        %add3A_514 = vector.broadcast %squeeze3A_161 : f32 to vector<16xf32>
        %add3A_515 = arith.addf %get3A_513, %add3A_514 : vector<16xf32>
        %swap3A_516 = arith.index_cast %mul3A_510 : i32 to index
        %swap3A_517 = tpu.vector_load %arg8[%swap3A_516] {strides = array<i32>} : memref<2048xf32, #tpu.memory_space<vmem>>, vector<16xf32>,
        %swap3A_518 = vector.shape_cast %swap3A_517 : vector<16xf32> to vector<16xf32>
        %swap3A_519 = vector.shape_cast %add3A_515 : vector<16xf32> to vector<16xf32>
        tpu.vector_store %arg8[%swap3A_516], %swap3A_519 {strides = array<i32>} : memref<2048xf32, #tpu.memory_space<vmem>>, vector<16xf32>,
        %mul3A_520 = arith.constant 16 : i32
        %mul3A_521 = arith.muli %scan3A_445, %mul3A_520 : i32
        %add3A_522 = arith.constant 5 : i32
        %add3A_523 = arith.addi %mul3A_521, %add3A_522 : i32
        %mul3A_524 = arith.constant 16 : i32
        %mul3A_525 = arith.muli %add3A_523, %mul3A_524 : i32
        %get3A_526 = arith.index_cast %mul3A_525 : i32 to index
        %get3A_527 = tpu.vector_load %arg5[%get3A_526] {strides = array<i32>} : memref<2048xf32, #tpu.memory_space<vmem>>, vector<16xf32>,
        %get3A_528 = vector.shape_cast %get3A_527 : vector<16xf32> to vector<16xf32>
        %add3A_529 = vector.broadcast %squeeze3A_161 : f32 to vector<16xf32>
        %add3A_530 = arith.addf %get3A_528, %add3A_529 : vector<16xf32>
        %swap3A_531 = arith.index_cast %mul3A_525 : i32 to index
        %swap3A_532 = tpu.vector_load %arg8[%swap3A_531] {strides = array<i32>} : memref<2048xf32, #tpu.memory_space<vmem>>, vector<16xf32>,
        %swap3A_533 = vector.shape_cast %swap3A_532 : vector<16xf32> to vector<16xf32>
        %swap3A_534 = vector.shape_cast %add3A_530 : vector<16xf32> to vector<16xf32>
        tpu.vector_store %arg8[%swap3A_531], %swap3A_534 {strides = array<i32>} : memref<2048xf32, #tpu.memory_space<vmem>>, vector<16xf32>,
        %mul3A_535 = arith.constant 16 : i32
        %mul3A_536 = arith.muli %scan3A_445, %mul3A_535 : i32
        %add3A_537 = arith.constant 6 : i32
        %add3A_538 = arith.addi %mul3A_536, %add3A_537 : i32
        %mul3A_539 = arith.constant 16 : i32
        %mul3A_540 = arith.muli %add3A_538, %mul3A_539 : i32
        %get3A_541 = arith.index_cast %mul3A_540 : i32 to index
        %get3A_542 = tpu.vector_load %arg5[%get3A_541] {strides = array<i32>} : memref<2048xf32, #tpu.memory_space<vmem>>, vector<16xf32>,
        %get3A_543 = vector.shape_cast %get3A_542 : vector<16xf32> to vector<16xf32>
        %add3A_544 = vector.broadcast %squeeze3A_161 : f32 to vector<16xf32>
        %add3A_545 = arith.addf %get3A_543, %add3A_544 : vector<16xf32>
        %swap3A_546 = arith.index_cast %mul3A_540 : i32 to index
        %swap3A_547 = tpu.vector_load %arg8[%swap3A_546] {strides = array<i32>} : memref<2048xf32, #tpu.memory_space<vmem>>, vector<16xf32>,
        %swap3A_548 = vector.shape_cast %swap3A_547 : vector<16xf32> to vector<16xf32>
        %swap3A_549 = vector.shape_cast %add3A_545 : vector<16xf32> to vector<16xf32>
        tpu.vector_store %arg8[%swap3A_546], %swap3A_549 {strides = array<i32>} : memref<2048xf32, #tpu.memory_space<vmem>>, vector<16xf32>,
        %mul3A_550 = arith.constant 16 : i32
        %mul3A_551 = arith.muli %scan3A_445, %mul3A_550 : i32
        %add3A_552 = arith.constant 7 : i32
        %add3A_553 = arith.addi %mul3A_551, %add3A_552 : i32
        %mul3A_554 = arith.constant 16 : i32
        %mul3A_555 = arith.muli %add3A_553, %mul3A_554 : i32
        %get3A_556 = arith.index_cast %mul3A_555 : i32 to index
        %get3A_557 = tpu.vector_load %arg5[%get3A_556] {strides = array<i32>} : memref<2048xf32, #tpu.memory_space<vmem>>, vector<16xf32>,
        %get3A_558 = vector.shape_cast %get3A_557 : vector<16xf32> to vector<16xf32>
        %add3A_559 = vector.broadcast %squeeze3A_161 : f32 to vector<16xf32>
        %add3A_560 = arith.addf %get3A_558, %add3A_559 : vector<16xf32>
        %swap3A_561 = arith.index_cast %mul3A_555 : i32 to index
        %swap3A_562 = tpu.vector_load %arg8[%swap3A_561] {strides = array<i32>} : memref<2048xf32, #tpu.memory_space<vmem>>, vector<16xf32>,
        %swap3A_563 = vector.shape_cast %swap3A_562 : vector<16xf32> to vector<16xf32>
        %swap3A_564 = vector.shape_cast %add3A_560 : vector<16xf32> to vector<16xf32>
        tpu.vector_store %arg8[%swap3A_561], %swap3A_564 {strides = array<i32>} : memref<2048xf32, #tpu.memory_space<vmem>>, vector<16xf32>,
        %mul3A_565 = arith.constant 16 : i32
        %mul3A_566 = arith.muli %scan3A_445, %mul3A_565 : i32
        %add3A_567 = arith.constant 8 : i32
        %add3A_568 = arith.addi %mul3A_566, %add3A_567 : i32
        %mul3A_569 = arith.constant 16 : i32
        %mul3A_570 = arith.muli %add3A_568, %mul3A_569 : i32
        %get3A_571 = arith.index_cast %mul3A_570 : i32 to index
        %get3A_572 = tpu.vector_load %arg5[%get3A_571] {strides = array<i32>} : memref<2048xf32, #tpu.memory_space<vmem>>, vector<16xf32>,
        %get3A_573 = vector.shape_cast %get3A_572 : vector<16xf32> to vector<16xf32>
        %add3A_574 = vector.broadcast %squeeze3A_161 : f32 to vector<16xf32>
        %add3A_575 = arith.addf %get3A_573, %add3A_574 : vector<16xf32>
        %swap3A_576 = arith.index_cast %mul3A_570 : i32 to index
        %swap3A_577 = tpu.vector_load %arg8[%swap3A_576] {strides = array<i32>} : memref<2048xf32, #tpu.memory_space<vmem>>, vector<16xf32>,
        %swap3A_578 = vector.shape_cast %swap3A_577 : vector<16xf32> to vector<16xf32>
        %swap3A_579 = vector.shape_cast %add3A_575 : vector<16xf32> to vector<16xf32>
        tpu.vector_store %arg8[%swap3A_576], %swap3A_579 {strides = array<i32>} : memref<2048xf32, #tpu.memory_space<vmem>>, vector<16xf32>,
        %mul3A_580 = arith.constant 16 : i32
        %mul3A_581 = arith.muli %scan3A_445, %mul3A_580 : i32
        %add3A_582 = arith.constant 9 : i32
        %add3A_583 = arith.addi %mul3A_581, %add3A_582 : i32
        %mul3A_584 = arith.constant 16 : i32
        %mul3A_585 = arith.muli %add3A_583, %mul3A_584 : i32
        %get3A_586 = arith.index_cast %mul3A_585 : i32 to index
        %get3A_587 = tpu.vector_load %arg5[%get3A_586] {strides = array<i32>} : memref<2048xf32, #tpu.memory_space<vmem>>, vector<16xf32>,
        %get3A_588 = vector.shape_cast %get3A_587 : vector<16xf32> to vector<16xf32>
        %add3A_589 = vector.broadcast %squeeze3A_161 : f32 to vector<16xf32>
        %add3A_590 = arith.addf %get3A_588, %add3A_589 : vector<16xf32>
        %swap3A_591 = arith.index_cast %mul3A_585 : i32 to index
        %swap3A_592 = tpu.vector_load %arg8[%swap3A_591] {strides = array<i32>} : memref<2048xf32, #tpu.memory_space<vmem>>, vector<16xf32>,
        %swap3A_593 = vector.shape_cast %swap3A_592 : vector<16xf32> to vector<16xf32>
        %swap3A_594 = vector.shape_cast %add3A_590 : vector<16xf32> to vector<16xf32>
        tpu.vector_store %arg8[%swap3A_591], %swap3A_594 {strides = array<i32>} : memref<2048xf32, #tpu.memory_space<vmem>>, vector<16xf32>,
        %mul3A_595 = arith.constant 16 : i32
        %mul3A_596 = arith.muli %scan3A_445, %mul3A_595 : i32
        %add3A_597 = arith.constant 10 : i32
        %add3A_598 = arith.addi %mul3A_596, %add3A_597 : i32
        %mul3A_599 = arith.constant 16 : i32
        %mul3A_600 = arith.muli %add3A_598, %mul3A_599 : i32
        %get3A_601 = arith.index_cast %mul3A_600 : i32 to index
        %get3A_602 = tpu.vector_load %arg5[%get3A_601] {strides = array<i32>} : memref<2048xf32, #tpu.memory_space<vmem>>, vector<16xf32>,
        %get3A_603 = vector.shape_cast %get3A_602 : vector<16xf32> to vector<16xf32>
        %add3A_604 = vector.broadcast %squeeze3A_161 : f32 to vector<16xf32>
        %add3A_605 = arith.addf %get3A_603, %add3A_604 : vector<16xf32>
        %swap3A_606 = arith.index_cast %mul3A_600 : i32 to index
        %swap3A_607 = tpu.vector_load %arg8[%swap3A_606] {strides = array<i32>} : memref<2048xf32, #tpu.memory_space<vmem>>, vector<16xf32>,
        %swap3A_608 = vector.shape_cast %swap3A_607 : vector<16xf32> to vector<16xf32>
        %swap3A_609 = vector.shape_cast %add3A_605 : vector<16xf32> to vector<16xf32>
        tpu.vector_store %arg8[%swap3A_606], %swap3A_609 {strides = array<i32>} : memref<2048xf32, #tpu.memory_space<vmem>>, vector<16xf32>,
        %mul3A_610 = arith.constant 16 : i32
        %mul3A_611 = arith.muli %scan3A_445, %mul3A_610 : i32
        %add3A_612 = arith.constant 11 : i32
        %add3A_613 = arith.addi %mul3A_611, %add3A_612 : i32
        %mul3A_614 = arith.constant 16 : i32
        %mul3A_615 = arith.muli %add3A_613, %mul3A_614 : i32
        %get3A_616 = arith.index_cast %mul3A_615 : i32 to index
        %get3A_617 = tpu.vector_load %arg5[%get3A_616] {strides = array<i32>} : memref<2048xf32, #tpu.memory_space<vmem>>, vector<16xf32>,
        %get3A_618 = vector.shape_cast %get3A_617 : vector<16xf32> to vector<16xf32>
        %add3A_619 = vector.broadcast %squeeze3A_161 : f32 to vector<16xf32>
        %add3A_620 = arith.addf %get3A_618, %add3A_619 : vector<16xf32>
        %swap3A_621 = arith.index_cast %mul3A_615 : i32 to index
        %swap3A_622 = tpu.vector_load %arg8[%swap3A_621] {strides = array<i32>} : memref<2048xf32, #tpu.memory_space<vmem>>, vector<16xf32>,
        %swap3A_623 = vector.shape_cast %swap3A_622 : vector<16xf32> to vector<16xf32>
        %swap3A_624 = vector.shape_cast %add3A_620 : vector<16xf32> to vector<16xf32>
        tpu.vector_store %arg8[%swap3A_621], %swap3A_624 {strides = array<i32>} : memref<2048xf32, #tpu.memory_space<vmem>>, vector<16xf32>,
        %mul3A_625 = arith.constant 16 : i32
        %mul3A_626 = arith.muli %scan3A_445, %mul3A_625 : i32
        %add3A_627 = arith.constant 12 : i32
        %add3A_628 = arith.addi %mul3A_626, %add3A_627 : i32
        %mul3A_629 = arith.constant 16 : i32
        %mul3A_630 = arith.muli %add3A_628, %mul3A_629 : i32
        %get3A_631 = arith.index_cast %mul3A_630 : i32 to index
        %get3A_632 = tpu.vector_load %arg5[%get3A_631] {strides = array<i32>} : memref<2048xf32, #tpu.memory_space<vmem>>, vector<16xf32>,
        %get3A_633 = vector.shape_cast %get3A_632 : vector<16xf32> to vector<16xf32>
        %add3A_634 = vector.broadcast %squeeze3A_161 : f32 to vector<16xf32>
        %add3A_635 = arith.addf %get3A_633, %add3A_634 : vector<16xf32>
        %swap3A_636 = arith.index_cast %mul3A_630 : i32 to index
        %swap3A_637 = tpu.vector_load %arg8[%swap3A_636] {strides = array<i32>} : memref<2048xf32, #tpu.memory_space<vmem>>, vector<16xf32>,
        %swap3A_638 = vector.shape_cast %swap3A_637 : vector<16xf32> to vector<16xf32>
        %swap3A_639 = vector.shape_cast %add3A_635 : vector<16xf32> to vector<16xf32>
        tpu.vector_store %arg8[%swap3A_636], %swap3A_639 {strides = array<i32>} : memref<2048xf32, #tpu.memory_space<vmem>>, vector<16xf32>,
        %mul3A_640 = arith.constant 16 : i32
        %mul3A_641 = arith.muli %scan3A_445, %mul3A_640 : i32
        %add3A_642 = arith.constant 13 : i32
        %add3A_643 = arith.addi %mul3A_641, %add3A_642 : i32
        %mul3A_644 = arith.constant 16 : i32
        %mul3A_645 = arith.muli %add3A_643, %mul3A_644 : i32
        %get3A_646 = arith.index_cast %mul3A_645 : i32 to index
        %get3A_647 = tpu.vector_load %arg5[%get3A_646] {strides = array<i32>} : memref<2048xf32, #tpu.memory_space<vmem>>, vector<16xf32>,
        %get3A_648 = vector.shape_cast %get3A_647 : vector<16xf32> to vector<16xf32>
        %add3A_649 = vector.broadcast %squeeze3A_161 : f32 to vector<16xf32>
        %add3A_650 = arith.addf %get3A_648, %add3A_649 : vector<16xf32>
        %swap3A_651 = arith.index_cast %mul3A_645 : i32 to index
        %swap3A_652 = tpu.vector_load %arg8[%swap3A_651] {strides = array<i32>} : memref<2048xf32, #tpu.memory_space<vmem>>, vector<16xf32>,
        %swap3A_653 = vector.shape_cast %swap3A_652 : vector<16xf32> to vector<16xf32>
        %swap3A_654 = vector.shape_cast %add3A_650 : vector<16xf32> to vector<16xf32>
        tpu.vector_store %arg8[%swap3A_651], %swap3A_654 {strides = array<i32>} : memref<2048xf32, #tpu.memory_space<vmem>>, vector<16xf32>,
        %mul3A_655 = arith.constant 16 : i32
        %mul3A_656 = arith.muli %scan3A_445, %mul3A_655 : i32
        %add3A_657 = arith.constant 14 : i32
        %add3A_658 = arith.addi %mul3A_656, %add3A_657 : i32
        %mul3A_659 = arith.constant 16 : i32
        %mul3A_660 = arith.muli %add3A_658, %mul3A_659 : i32
        %get3A_661 = arith.index_cast %mul3A_660 : i32 to index
        %get3A_662 = tpu.vector_load %arg5[%get3A_661] {strides = array<i32>} : memref<2048xf32, #tpu.memory_space<vmem>>, vector<16xf32>,
        %get3A_663 = vector.shape_cast %get3A_662 : vector<16xf32> to vector<16xf32>
        %add3A_664 = vector.broadcast %squeeze3A_161 : f32 to vector<16xf32>
        %add3A_665 = arith.addf %get3A_663, %add3A_664 : vector<16xf32>
        %swap3A_666 = arith.index_cast %mul3A_660 : i32 to index
        %swap3A_667 = tpu.vector_load %arg8[%swap3A_666] {strides = array<i32>} : memref<2048xf32, #tpu.memory_space<vmem>>, vector<16xf32>,
        %swap3A_668 = vector.shape_cast %swap3A_667 : vector<16xf32> to vector<16xf32>
        %swap3A_669 = vector.shape_cast %add3A_665 : vector<16xf32> to vector<16xf32>
        tpu.vector_store %arg8[%swap3A_666], %swap3A_669 {strides = array<i32>} : memref<2048xf32, #tpu.memory_space<vmem>>, vector<16xf32>,
        %mul3A_670 = arith.constant 16 : i32
        %mul3A_671 = arith.muli %scan3A_445, %mul3A_670 : i32
        %add3A_672 = arith.constant 15 : i32
        %add3A_673 = arith.addi %mul3A_671, %add3A_672 : i32
        %mul3A_674 = arith.constant 16 : i32
        %mul3A_675 = arith.muli %add3A_673, %mul3A_674 : i32
        %get3A_676 = arith.index_cast %mul3A_675 : i32 to index
        %get3A_677 = tpu.vector_load %arg5[%get3A_676] {strides = array<i32>} : memref<2048xf32, #tpu.memory_space<vmem>>, vector<16xf32>,
        %get3A_678 = vector.shape_cast %get3A_677 : vector<16xf32> to vector<16xf32>
        %add3A_679 = vector.broadcast %squeeze3A_161 : f32 to vector<16xf32>
        %add3A_680 = arith.addf %get3A_678, %add3A_679 : vector<16xf32>
        %swap3A_681 = arith.index_cast %mul3A_675 : i32 to index
        %swap3A_682 = tpu.vector_load %arg8[%swap3A_681] {strides = array<i32>} : memref<2048xf32, #tpu.memory_space<vmem>>, vector<16xf32>,
        %swap3A_683 = vector.shape_cast %swap3A_682 : vector<16xf32> to vector<16xf32>
        %swap3A_684 = vector.shape_cast %add3A_680 : vector<16xf32> to vector<16xf32>
        tpu.vector_store %arg8[%swap3A_681], %swap3A_684 {strides = array<i32>} : memref<2048xf32, #tpu.memory_space<vmem>>, vector<16xf32>,
      }
      %scan3A_167 = arith.constant 8 : i32
      %dma_start3A_168 = arith.constant 5 : i32
      %dma_start3A_169 = arith.constant 0 : i32
      %dma_start3A_170 = tpu.memref_slice %arg4[%add3A_148, %dma_start3A_168, %dma_start3A_169] : memref<2048x16x2048xf32, #tpu.memory_space<hbm>> -> memref<1x1x2048xf32, #tpu.memory_space<hbm>>
      %dma_start3A_171 = tpu.memref_squeeze %dma_start3A_170 : memref<1x1x2048xf32, #tpu.memory_space<hbm>> -> memref<2048xf32, #tpu.memory_space<hbm>>
      %dma_start3A_172 = arith.constant 0 : i32
      %dma_start3A_173 = tpu.memref_slice %arg4[%add3A_148, %dma_start3A_168, %dma_start3A_172] : memref<2048x16x2048xf32, #tpu.memory_space<hbm>> -> memref<1x1x2048xf32, #tpu.memory_space<hbm>>
      %dma_start3A_174 = tpu.memref_squeeze %dma_start3A_173 : memref<1x1x2048xf32, #tpu.memory_space<hbm>> -> memref<2048xf32, #tpu.memory_space<hbm>>
      tpu.enqueue_dma source(%arg8 : memref<2048xf32, #tpu.memory_space<vmem>>) target(%dma_start3A_174 : memref<2048xf32, #tpu.memory_space<hbm>>) target_semaphore(%arg10 : memref<!tpu.dma_semaphore, #tpu.memory_space<semaphore_mem>>)
      %add3A_175 = arith.addi %mul3A_2, %scan3A_21 : i32
      %dma_wait3A_176 = arith.constant 6 : i32
      %dma_wait3A_177 = arith.constant 0 : i32
      %dma_wait3A_178 = tpu.memref_slice %arg4[%add3A_175, %dma_wait3A_176, %dma_wait3A_177] : memref<2048x16x2048xf32, #tpu.memory_space<hbm>> -> memref<1x1x2048xf32, #tpu.memory_space<hbm>>
      %dma_wait3A_179 = tpu.memref_squeeze %dma_wait3A_178 : memref<1x1x2048xf32, #tpu.memory_space<hbm>> -> memref<2048xf32, #tpu.memory_space<hbm>>
      %dma_wait3A_180 = arith.constant 0 : i32
      %dma_wait3A_181 = tpu.memref_slice %arg4[%add3A_175, %dma_wait3A_176, %dma_wait3A_180] : memref<2048x16x2048xf32, #tpu.memory_space<hbm>> -> memref<1x1x2048xf32, #tpu.memory_space<hbm>>
      %dma_wait3A_182 = tpu.memref_squeeze %dma_wait3A_181 : memref<1x1x2048xf32, #tpu.memory_space<hbm>> -> memref<2048xf32, #tpu.memory_space<hbm>>
      tpu.wait_dma2 semaphore(%arg9 : memref<!tpu.dma_semaphore, #tpu.memory_space<semaphore_mem>>) src(%arg7 : memref<2048xf32, #tpu.memory_space<vmem>>) dst(%dma_wait3A_182 : memref<2048xf32, #tpu.memory_space<hbm>>)
      %get3A_183 = arith.index_cast %scan3A_21 : i32 to index
      %get3A_184 = arith.constant 0 : index
      %get3A_185 = tpu.vector_load %arg6[%get3A_183, %get3A_184] {strides = array<i32>} : memref<64x16xf32, #tpu.memory_space<vmem>>, vector<1x16xf32>,
      %get3A_186 = vector.shape_cast %get3A_185 : vector<1x16xf32> to vector<16xf32>
      %slice3A_187 = vector.extract_strided_slice %get3A_186 {offsets = [6], sizes = [1], strides = [1]} : vector<16xf32> to vector<1xf32>
      %squeeze3A_188 = vector.extract %slice3A_187[0] : f32 from vector<1xf32>
      %scan3A_189 = arith.constant 0 : i32
      %scan3A_190 = arith.constant 0 : i32
      %scan3A_191 = arith.constant 8 : i32
      %scan3A_192 = arith.addi %scan3A_190, %scan3A_191 : i32
      %scan3A_193 = arith.constant 1 : i32
      scf.for %scan3A_445 = %scan3A_190 to %scan3A_192 step %scan3A_193  : i32 {
        %mul3A_446 = arith.constant 16 : i32
        %mul3A_447 = arith.muli %scan3A_445, %mul3A_446 : i32
        %add3A_448 = arith.constant 0 : i32
        %add3A_449 = arith.addi %mul3A_447, %add3A_448 : i32
        %mul3A_450 = arith.constant 16 : i32
        %mul3A_451 = arith.muli %add3A_449, %mul3A_450 : i32
        %get3A_452 = arith.index_cast %mul3A_451 : i32 to index
        %get3A_453 = tpu.vector_load %arg5[%get3A_452] {strides = array<i32>} : memref<2048xf32, #tpu.memory_space<vmem>>, vector<16xf32>,
        %get3A_454 = vector.shape_cast %get3A_453 : vector<16xf32> to vector<16xf32>
        %add3A_455 = vector.broadcast %squeeze3A_188 : f32 to vector<16xf32>
        %add3A_456 = arith.addf %get3A_454, %add3A_455 : vector<16xf32>
        %swap3A = arith.index_cast %mul3A_451 : i32 to index
        %swap3A_457 = tpu.vector_load %arg7[%swap3A] {strides = array<i32>} : memref<2048xf32, #tpu.memory_space<vmem>>, vector<16xf32>,
        %swap3A_458 = vector.shape_cast %swap3A_457 : vector<16xf32> to vector<16xf32>
        %swap3A_459 = vector.shape_cast %add3A_456 : vector<16xf32> to vector<16xf32>
        tpu.vector_store %arg7[%swap3A], %swap3A_459 {strides = array<i32>} : memref<2048xf32, #tpu.memory_space<vmem>>, vector<16xf32>,
        %mul3A_460 = arith.constant 16 : i32
        %mul3A_461 = arith.muli %scan3A_445, %mul3A_460 : i32
        %add3A_462 = arith.constant 1 : i32
        %add3A_463 = arith.addi %mul3A_461, %add3A_462 : i32
        %mul3A_464 = arith.constant 16 : i32
        %mul3A_465 = arith.muli %add3A_463, %mul3A_464 : i32
        %get3A_466 = arith.index_cast %mul3A_465 : i32 to index
        %get3A_467 = tpu.vector_load %arg5[%get3A_466] {strides = array<i32>} : memref<2048xf32, #tpu.memory_space<vmem>>, vector<16xf32>,
        %get3A_468 = vector.shape_cast %get3A_467 : vector<16xf32> to vector<16xf32>
        %add3A_469 = vector.broadcast %squeeze3A_188 : f32 to vector<16xf32>
        %add3A_470 = arith.addf %get3A_468, %add3A_469 : vector<16xf32>
        %swap3A_471 = arith.index_cast %mul3A_465 : i32 to index
        %swap3A_472 = tpu.vector_load %arg7[%swap3A_471] {strides = array<i32>} : memref<2048xf32, #tpu.memory_space<vmem>>, vector<16xf32>,
        %swap3A_473 = vector.shape_cast %swap3A_472 : vector<16xf32> to vector<16xf32>
        %swap3A_474 = vector.shape_cast %add3A_470 : vector<16xf32> to vector<16xf32>
        tpu.vector_store %arg7[%swap3A_471], %swap3A_474 {strides = array<i32>} : memref<2048xf32, #tpu.memory_space<vmem>>, vector<16xf32>,
        %mul3A_475 = arith.constant 16 : i32
        %mul3A_476 = arith.muli %scan3A_445, %mul3A_475 : i32
        %add3A_477 = arith.constant 2 : i32
        %add3A_478 = arith.addi %mul3A_476, %add3A_477 : i32
        %mul3A_479 = arith.constant 16 : i32
        %mul3A_480 = arith.muli %add3A_478, %mul3A_479 : i32
        %get3A_481 = arith.index_cast %mul3A_480 : i32 to index
        %get3A_482 = tpu.vector_load %arg5[%get3A_481] {strides = array<i32>} : memref<2048xf32, #tpu.memory_space<vmem>>, vector<16xf32>,
        %get3A_483 = vector.shape_cast %get3A_482 : vector<16xf32> to vector<16xf32>
        %add3A_484 = vector.broadcast %squeeze3A_188 : f32 to vector<16xf32>
        %add3A_485 = arith.addf %get3A_483, %add3A_484 : vector<16xf32>
        %swap3A_486 = arith.index_cast %mul3A_480 : i32 to index
        %swap3A_487 = tpu.vector_load %arg7[%swap3A_486] {strides = array<i32>} : memref<2048xf32, #tpu.memory_space<vmem>>, vector<16xf32>,
        %swap3A_488 = vector.shape_cast %swap3A_487 : vector<16xf32> to vector<16xf32>
        %swap3A_489 = vector.shape_cast %add3A_485 : vector<16xf32> to vector<16xf32>
        tpu.vector_store %arg7[%swap3A_486], %swap3A_489 {strides = array<i32>} : memref<2048xf32, #tpu.memory_space<vmem>>, vector<16xf32>,
        %mul3A_490 = arith.constant 16 : i32
        %mul3A_491 = arith.muli %scan3A_445, %mul3A_490 : i32
        %add3A_492 = arith.constant 3 : i32
        %add3A_493 = arith.addi %mul3A_491, %add3A_492 : i32
        %mul3A_494 = arith.constant 16 : i32
        %mul3A_495 = arith.muli %add3A_493, %mul3A_494 : i32
        %get3A_496 = arith.index_cast %mul3A_495 : i32 to index
        %get3A_497 = tpu.vector_load %arg5[%get3A_496] {strides = array<i32>} : memref<2048xf32, #tpu.memory_space<vmem>>, vector<16xf32>,
        %get3A_498 = vector.shape_cast %get3A_497 : vector<16xf32> to vector<16xf32>
        %add3A_499 = vector.broadcast %squeeze3A_188 : f32 to vector<16xf32>
        %add3A_500 = arith.addf %get3A_498, %add3A_499 : vector<16xf32>
        %swap3A_501 = arith.index_cast %mul3A_495 : i32 to index
        %swap3A_502 = tpu.vector_load %arg7[%swap3A_501] {strides = array<i32>} : memref<2048xf32, #tpu.memory_space<vmem>>, vector<16xf32>,
        %swap3A_503 = vector.shape_cast %swap3A_502 : vector<16xf32> to vector<16xf32>
        %swap3A_504 = vector.shape_cast %add3A_500 : vector<16xf32> to vector<16xf32>
        tpu.vector_store %arg7[%swap3A_501], %swap3A_504 {strides = array<i32>} : memref<2048xf32, #tpu.memory_space<vmem>>, vector<16xf32>,
        %mul3A_505 = arith.constant 16 : i32
        %mul3A_506 = arith.muli %scan3A_445, %mul3A_505 : i32
        %add3A_507 = arith.constant 4 : i32
        %add3A_508 = arith.addi %mul3A_506, %add3A_507 : i32
        %mul3A_509 = arith.constant 16 : i32
        %mul3A_510 = arith.muli %add3A_508, %mul3A_509 : i32
        %get3A_511 = arith.index_cast %mul3A_510 : i32 to index
        %get3A_512 = tpu.vector_load %arg5[%get3A_511] {strides = array<i32>} : memref<2048xf32, #tpu.memory_space<vmem>>, vector<16xf32>,
        %get3A_513 = vector.shape_cast %get3A_512 : vector<16xf32> to vector<16xf32>
        %add3A_514 = vector.broadcast %squeeze3A_188 : f32 to vector<16xf32>
        %add3A_515 = arith.addf %get3A_513, %add3A_514 : vector<16xf32>
        %swap3A_516 = arith.index_cast %mul3A_510 : i32 to index
        %swap3A_517 = tpu.vector_load %arg7[%swap3A_516] {strides = array<i32>} : memref<2048xf32, #tpu.memory_space<vmem>>, vector<16xf32>,
        %swap3A_518 = vector.shape_cast %swap3A_517 : vector<16xf32> to vector<16xf32>
        %swap3A_519 = vector.shape_cast %add3A_515 : vector<16xf32> to vector<16xf32>
        tpu.vector_store %arg7[%swap3A_516], %swap3A_519 {strides = array<i32>} : memref<2048xf32, #tpu.memory_space<vmem>>, vector<16xf32>,
        %mul3A_520 = arith.constant 16 : i32
        %mul3A_521 = arith.muli %scan3A_445, %mul3A_520 : i32
        %add3A_522 = arith.constant 5 : i32
        %add3A_523 = arith.addi %mul3A_521, %add3A_522 : i32
        %mul3A_524 = arith.constant 16 : i32
        %mul3A_525 = arith.muli %add3A_523, %mul3A_524 : i32
        %get3A_526 = arith.index_cast %mul3A_525 : i32 to index
        %get3A_527 = tpu.vector_load %arg5[%get3A_526] {strides = array<i32>} : memref<2048xf32, #tpu.memory_space<vmem>>, vector<16xf32>,
        %get3A_528 = vector.shape_cast %get3A_527 : vector<16xf32> to vector<16xf32>
        %add3A_529 = vector.broadcast %squeeze3A_188 : f32 to vector<16xf32>
        %add3A_530 = arith.addf %get3A_528, %add3A_529 : vector<16xf32>
        %swap3A_531 = arith.index_cast %mul3A_525 : i32 to index
        %swap3A_532 = tpu.vector_load %arg7[%swap3A_531] {strides = array<i32>} : memref<2048xf32, #tpu.memory_space<vmem>>, vector<16xf32>,
        %swap3A_533 = vector.shape_cast %swap3A_532 : vector<16xf32> to vector<16xf32>
        %swap3A_534 = vector.shape_cast %add3A_530 : vector<16xf32> to vector<16xf32>
        tpu.vector_store %arg7[%swap3A_531], %swap3A_534 {strides = array<i32>} : memref<2048xf32, #tpu.memory_space<vmem>>, vector<16xf32>,
        %mul3A_535 = arith.constant 16 : i32
        %mul3A_536 = arith.muli %scan3A_445, %mul3A_535 : i32
        %add3A_537 = arith.constant 6 : i32
        %add3A_538 = arith.addi %mul3A_536, %add3A_537 : i32
        %mul3A_539 = arith.constant 16 : i32
        %mul3A_540 = arith.muli %add3A_538, %mul3A_539 : i32
        %get3A_541 = arith.index_cast %mul3A_540 : i32 to index
        %get3A_542 = tpu.vector_load %arg5[%get3A_541] {strides = array<i32>} : memref<2048xf32, #tpu.memory_space<vmem>>, vector<16xf32>,
        %get3A_543 = vector.shape_cast %get3A_542 : vector<16xf32> to vector<16xf32>
        %add3A_544 = vector.broadcast %squeeze3A_188 : f32 to vector<16xf32>
        %add3A_545 = arith.addf %get3A_543, %add3A_544 : vector<16xf32>
        %swap3A_546 = arith.index_cast %mul3A_540 : i32 to index
        %swap3A_547 = tpu.vector_load %arg7[%swap3A_546] {strides = array<i32>} : memref<2048xf32, #tpu.memory_space<vmem>>, vector<16xf32>,
        %swap3A_548 = vector.shape_cast %swap3A_547 : vector<16xf32> to vector<16xf32>
        %swap3A_549 = vector.shape_cast %add3A_545 : vector<16xf32> to vector<16xf32>
        tpu.vector_store %arg7[%swap3A_546], %swap3A_549 {strides = array<i32>} : memref<2048xf32, #tpu.memory_space<vmem>>, vector<16xf32>,
        %mul3A_550 = arith.constant 16 : i32
        %mul3A_551 = arith.muli %scan3A_445, %mul3A_550 : i32
        %add3A_552 = arith.constant 7 : i32
        %add3A_553 = arith.addi %mul3A_551, %add3A_552 : i32
        %mul3A_554 = arith.constant 16 : i32
        %mul3A_555 = arith.muli %add3A_553, %mul3A_554 : i32
        %get3A_556 = arith.index_cast %mul3A_555 : i32 to index
        %get3A_557 = tpu.vector_load %arg5[%get3A_556] {strides = array<i32>} : memref<2048xf32, #tpu.memory_space<vmem>>, vector<16xf32>,
        %get3A_558 = vector.shape_cast %get3A_557 : vector<16xf32> to vector<16xf32>
        %add3A_559 = vector.broadcast %squeeze3A_188 : f32 to vector<16xf32>
        %add3A_560 = arith.addf %get3A_558, %add3A_559 : vector<16xf32>
        %swap3A_561 = arith.index_cast %mul3A_555 : i32 to index
        %swap3A_562 = tpu.vector_load %arg7[%swap3A_561] {strides = array<i32>} : memref<2048xf32, #tpu.memory_space<vmem>>, vector<16xf32>,
        %swap3A_563 = vector.shape_cast %swap3A_562 : vector<16xf32> to vector<16xf32>
        %swap3A_564 = vector.shape_cast %add3A_560 : vector<16xf32> to vector<16xf32>
        tpu.vector_store %arg7[%swap3A_561], %swap3A_564 {strides = array<i32>} : memref<2048xf32, #tpu.memory_space<vmem>>, vector<16xf32>,
        %mul3A_565 = arith.constant 16 : i32
        %mul3A_566 = arith.muli %scan3A_445, %mul3A_565 : i32
        %add3A_567 = arith.constant 8 : i32
        %add3A_568 = arith.addi %mul3A_566, %add3A_567 : i32
        %mul3A_569 = arith.constant 16 : i32
        %mul3A_570 = arith.muli %add3A_568, %mul3A_569 : i32
        %get3A_571 = arith.index_cast %mul3A_570 : i32 to index
        %get3A_572 = tpu.vector_load %arg5[%get3A_571] {strides = array<i32>} : memref<2048xf32, #tpu.memory_space<vmem>>, vector<16xf32>,
        %get3A_573 = vector.shape_cast %get3A_572 : vector<16xf32> to vector<16xf32>
        %add3A_574 = vector.broadcast %squeeze3A_188 : f32 to vector<16xf32>
        %add3A_575 = arith.addf %get3A_573, %add3A_574 : vector<16xf32>
        %swap3A_576 = arith.index_cast %mul3A_570 : i32 to index
        %swap3A_577 = tpu.vector_load %arg7[%swap3A_576] {strides = array<i32>} : memref<2048xf32, #tpu.memory_space<vmem>>, vector<16xf32>,
        %swap3A_578 = vector.shape_cast %swap3A_577 : vector<16xf32> to vector<16xf32>
        %swap3A_579 = vector.shape_cast %add3A_575 : vector<16xf32> to vector<16xf32>
        tpu.vector_store %arg7[%swap3A_576], %swap3A_579 {strides = array<i32>} : memref<2048xf32, #tpu.memory_space<vmem>>, vector<16xf32>,
        %mul3A_580 = arith.constant 16 : i32
        %mul3A_581 = arith.muli %scan3A_445, %mul3A_580 : i32
        %add3A_582 = arith.constant 9 : i32
        %add3A_583 = arith.addi %mul3A_581, %add3A_582 : i32
        %mul3A_584 = arith.constant 16 : i32
        %mul3A_585 = arith.muli %add3A_583, %mul3A_584 : i32
        %get3A_586 = arith.index_cast %mul3A_585 : i32 to index
        %get3A_587 = tpu.vector_load %arg5[%get3A_586] {strides = array<i32>} : memref<2048xf32, #tpu.memory_space<vmem>>, vector<16xf32>,
        %get3A_588 = vector.shape_cast %get3A_587 : vector<16xf32> to vector<16xf32>
        %add3A_589 = vector.broadcast %squeeze3A_188 : f32 to vector<16xf32>
        %add3A_590 = arith.addf %get3A_588, %add3A_589 : vector<16xf32>
        %swap3A_591 = arith.index_cast %mul3A_585 : i32 to index
        %swap3A_592 = tpu.vector_load %arg7[%swap3A_591] {strides = array<i32>} : memref<2048xf32, #tpu.memory_space<vmem>>, vector<16xf32>,
        %swap3A_593 = vector.shape_cast %swap3A_592 : vector<16xf32> to vector<16xf32>
        %swap3A_594 = vector.shape_cast %add3A_590 : vector<16xf32> to vector<16xf32>
        tpu.vector_store %arg7[%swap3A_591], %swap3A_594 {strides = array<i32>} : memref<2048xf32, #tpu.memory_space<vmem>>, vector<16xf32>,
        %mul3A_595 = arith.constant 16 : i32
        %mul3A_596 = arith.muli %scan3A_445, %mul3A_595 : i32
        %add3A_597 = arith.constant 10 : i32
        %add3A_598 = arith.addi %mul3A_596, %add3A_597 : i32
        %mul3A_599 = arith.constant 16 : i32
        %mul3A_600 = arith.muli %add3A_598, %mul3A_599 : i32
        %get3A_601 = arith.index_cast %mul3A_600 : i32 to index
        %get3A_602 = tpu.vector_load %arg5[%get3A_601] {strides = array<i32>} : memref<2048xf32, #tpu.memory_space<vmem>>, vector<16xf32>,
        %get3A_603 = vector.shape_cast %get3A_602 : vector<16xf32> to vector<16xf32>
        %add3A_604 = vector.broadcast %squeeze3A_188 : f32 to vector<16xf32>
        %add3A_605 = arith.addf %get3A_603, %add3A_604 : vector<16xf32>
        %swap3A_606 = arith.index_cast %mul3A_600 : i32 to index
        %swap3A_607 = tpu.vector_load %arg7[%swap3A_606] {strides = array<i32>} : memref<2048xf32, #tpu.memory_space<vmem>>, vector<16xf32>,
        %swap3A_608 = vector.shape_cast %swap3A_607 : vector<16xf32> to vector<16xf32>
        %swap3A_609 = vector.shape_cast %add3A_605 : vector<16xf32> to vector<16xf32>
        tpu.vector_store %arg7[%swap3A_606], %swap3A_609 {strides = array<i32>} : memref<2048xf32, #tpu.memory_space<vmem>>, vector<16xf32>,
        %mul3A_610 = arith.constant 16 : i32
        %mul3A_611 = arith.muli %scan3A_445, %mul3A_610 : i32
        %add3A_612 = arith.constant 11 : i32
        %add3A_613 = arith.addi %mul3A_611, %add3A_612 : i32
        %mul3A_614 = arith.constant 16 : i32
        %mul3A_615 = arith.muli %add3A_613, %mul3A_614 : i32
        %get3A_616 = arith.index_cast %mul3A_615 : i32 to index
        %get3A_617 = tpu.vector_load %arg5[%get3A_616] {strides = array<i32>} : memref<2048xf32, #tpu.memory_space<vmem>>, vector<16xf32>,
        %get3A_618 = vector.shape_cast %get3A_617 : vector<16xf32> to vector<16xf32>
        %add3A_619 = vector.broadcast %squeeze3A_188 : f32 to vector<16xf32>
        %add3A_620 = arith.addf %get3A_618, %add3A_619 : vector<16xf32>
        %swap3A_621 = arith.index_cast %mul3A_615 : i32 to index
        %swap3A_622 = tpu.vector_load %arg7[%swap3A_621] {strides = array<i32>} : memref<2048xf32, #tpu.memory_space<vmem>>, vector<16xf32>,
        %swap3A_623 = vector.shape_cast %swap3A_622 : vector<16xf32> to vector<16xf32>
        %swap3A_624 = vector.shape_cast %add3A_620 : vector<16xf32> to vector<16xf32>
        tpu.vector_store %arg7[%swap3A_621], %swap3A_624 {strides = array<i32>} : memref<2048xf32, #tpu.memory_space<vmem>>, vector<16xf32>,
        %mul3A_625 = arith.constant 16 : i32
        %mul3A_626 = arith.muli %scan3A_445, %mul3A_625 : i32
        %add3A_627 = arith.constant 12 : i32
        %add3A_628 = arith.addi %mul3A_626, %add3A_627 : i32
        %mul3A_629 = arith.constant 16 : i32
        %mul3A_630 = arith.muli %add3A_628, %mul3A_629 : i32
        %get3A_631 = arith.index_cast %mul3A_630 : i32 to index
        %get3A_632 = tpu.vector_load %arg5[%get3A_631] {strides = array<i32>} : memref<2048xf32, #tpu.memory_space<vmem>>, vector<16xf32>,
        %get3A_633 = vector.shape_cast %get3A_632 : vector<16xf32> to vector<16xf32>
        %add3A_634 = vector.broadcast %squeeze3A_188 : f32 to vector<16xf32>
        %add3A_635 = arith.addf %get3A_633, %add3A_634 : vector<16xf32>
        %swap3A_636 = arith.index_cast %mul3A_630 : i32 to index
        %swap3A_637 = tpu.vector_load %arg7[%swap3A_636] {strides = array<i32>} : memref<2048xf32, #tpu.memory_space<vmem>>, vector<16xf32>,
        %swap3A_638 = vector.shape_cast %swap3A_637 : vector<16xf32> to vector<16xf32>
        %swap3A_639 = vector.shape_cast %add3A_635 : vector<16xf32> to vector<16xf32>
        tpu.vector_store %arg7[%swap3A_636], %swap3A_639 {strides = array<i32>} : memref<2048xf32, #tpu.memory_space<vmem>>, vector<16xf32>,
        %mul3A_640 = arith.constant 16 : i32
        %mul3A_641 = arith.muli %scan3A_445, %mul3A_640 : i32
        %add3A_642 = arith.constant 13 : i32
        %add3A_643 = arith.addi %mul3A_641, %add3A_642 : i32
        %mul3A_644 = arith.constant 16 : i32
        %mul3A_645 = arith.muli %add3A_643, %mul3A_644 : i32
        %get3A_646 = arith.index_cast %mul3A_645 : i32 to index
        %get3A_647 = tpu.vector_load %arg5[%get3A_646] {strides = array<i32>} : memref<2048xf32, #tpu.memory_space<vmem>>, vector<16xf32>,
        %get3A_648 = vector.shape_cast %get3A_647 : vector<16xf32> to vector<16xf32>
        %add3A_649 = vector.broadcast %squeeze3A_188 : f32 to vector<16xf32>
        %add3A_650 = arith.addf %get3A_648, %add3A_649 : vector<16xf32>
        %swap3A_651 = arith.index_cast %mul3A_645 : i32 to index
        %swap3A_652 = tpu.vector_load %arg7[%swap3A_651] {strides = array<i32>} : memref<2048xf32, #tpu.memory_space<vmem>>, vector<16xf32>,
        %swap3A_653 = vector.shape_cast %swap3A_652 : vector<16xf32> to vector<16xf32>
        %swap3A_654 = vector.shape_cast %add3A_650 : vector<16xf32> to vector<16xf32>
        tpu.vector_store %arg7[%swap3A_651], %swap3A_654 {strides = array<i32>} : memref<2048xf32, #tpu.memory_space<vmem>>, vector<16xf32>,
        %mul3A_655 = arith.constant 16 : i32
        %mul3A_656 = arith.muli %scan3A_445, %mul3A_655 : i32
        %add3A_657 = arith.constant 14 : i32
        %add3A_658 = arith.addi %mul3A_656, %add3A_657 : i32
        %mul3A_659 = arith.constant 16 : i32
        %mul3A_660 = arith.muli %add3A_658, %mul3A_659 : i32
        %get3A_661 = arith.index_cast %mul3A_660 : i32 to index
        %get3A_662 = tpu.vector_load %arg5[%get3A_661] {strides = array<i32>} : memref<2048xf32, #tpu.memory_space<vmem>>, vector<16xf32>,
        %get3A_663 = vector.shape_cast %get3A_662 : vector<16xf32> to vector<16xf32>
        %add3A_664 = vector.broadcast %squeeze3A_188 : f32 to vector<16xf32>
        %add3A_665 = arith.addf %get3A_663, %add3A_664 : vector<16xf32>
        %swap3A_666 = arith.index_cast %mul3A_660 : i32 to index
        %swap3A_667 = tpu.vector_load %arg7[%swap3A_666] {strides = array<i32>} : memref<2048xf32, #tpu.memory_space<vmem>>, vector<16xf32>,
        %swap3A_668 = vector.shape_cast %swap3A_667 : vector<16xf32> to vector<16xf32>
        %swap3A_669 = vector.shape_cast %add3A_665 : vector<16xf32> to vector<16xf32>
        tpu.vector_store %arg7[%swap3A_666], %swap3A_669 {strides = array<i32>} : memref<2048xf32, #tpu.memory_space<vmem>>, vector<16xf32>,
        %mul3A_670 = arith.constant 16 : i32
        %mul3A_671 = arith.muli %scan3A_445, %mul3A_670 : i32
        %add3A_672 = arith.constant 15 : i32
        %add3A_673 = arith.addi %mul3A_671, %add3A_672 : i32
        %mul3A_674 = arith.constant 16 : i32
        %mul3A_675 = arith.muli %add3A_673, %mul3A_674 : i32
        %get3A_676 = arith.index_cast %mul3A_675 : i32 to index
        %get3A_677 = tpu.vector_load %arg5[%get3A_676] {strides = array<i32>} : memref<2048xf32, #tpu.memory_space<vmem>>, vector<16xf32>,
        %get3A_678 = vector.shape_cast %get3A_677 : vector<16xf32> to vector<16xf32>
        %add3A_679 = vector.broadcast %squeeze3A_188 : f32 to vector<16xf32>
        %add3A_680 = arith.addf %get3A_678, %add3A_679 : vector<16xf32>
        %swap3A_681 = arith.index_cast %mul3A_675 : i32 to index
        %swap3A_682 = tpu.vector_load %arg7[%swap3A_681] {strides = array<i32>} : memref<2048xf32, #tpu.memory_space<vmem>>, vector<16xf32>,
        %swap3A_683 = vector.shape_cast %swap3A_682 : vector<16xf32> to vector<16xf32>
        %swap3A_684 = vector.shape_cast %add3A_680 : vector<16xf32> to vector<16xf32>
        tpu.vector_store %arg7[%swap3A_681], %swap3A_684 {strides = array<i32>} : memref<2048xf32, #tpu.memory_space<vmem>>, vector<16xf32>,
      }
      %scan3A_194 = arith.constant 8 : i32
      %dma_start3A_195 = arith.constant 6 : i32
      %dma_start3A_196 = arith.constant 0 : i32
      %dma_start3A_197 = tpu.memref_slice %arg4[%add3A_175, %dma_start3A_195, %dma_start3A_196] : memref<2048x16x2048xf32, #tpu.memory_space<hbm>> -> memref<1x1x2048xf32, #tpu.memory_space<hbm>>
      %dma_start3A_198 = tpu.memref_squeeze %dma_start3A_197 : memref<1x1x2048xf32, #tpu.memory_space<hbm>> -> memref<2048xf32, #tpu.memory_space<hbm>>
      %dma_start3A_199 = arith.constant 0 : i32
      %dma_start3A_200 = tpu.memref_slice %arg4[%add3A_175, %dma_start3A_195, %dma_start3A_199] : memref<2048x16x2048xf32, #tpu.memory_space<hbm>> -> memref<1x1x2048xf32, #tpu.memory_space<hbm>>
      %dma_start3A_201 = tpu.memref_squeeze %dma_start3A_200 : memref<1x1x2048xf32, #tpu.memory_space<hbm>> -> memref<2048xf32, #tpu.memory_space<hbm>>
      tpu.enqueue_dma source(%arg7 : memref<2048xf32, #tpu.memory_space<vmem>>) target(%dma_start3A_201 : memref<2048xf32, #tpu.memory_space<hbm>>) target_semaphore(%arg9 : memref<!tpu.dma_semaphore, #tpu.memory_space<semaphore_mem>>)
      %add3A_202 = arith.addi %mul3A_2, %scan3A_21 : i32
      %dma_wait3A_203 = arith.constant 7 : i32
      %dma_wait3A_204 = arith.constant 0 : i32
      %dma_wait3A_205 = tpu.memref_slice %arg4[%add3A_202, %dma_wait3A_203, %dma_wait3A_204] : memref<2048x16x2048xf32, #tpu.memory_space<hbm>> -> memref<1x1x2048xf32, #tpu.memory_space<hbm>>
      %dma_wait3A_206 = tpu.memref_squeeze %dma_wait3A_205 : memref<1x1x2048xf32, #tpu.memory_space<hbm>> -> memref<2048xf32, #tpu.memory_space<hbm>>
      %dma_wait3A_207 = arith.constant 0 : i32
      %dma_wait3A_208 = tpu.memref_slice %arg4[%add3A_202, %dma_wait3A_203, %dma_wait3A_207] : memref<2048x16x2048xf32, #tpu.memory_space<hbm>> -> memref<1x1x2048xf32, #tpu.memory_space<hbm>>
      %dma_wait3A_209 = tpu.memref_squeeze %dma_wait3A_208 : memref<1x1x2048xf32, #tpu.memory_space<hbm>> -> memref<2048xf32, #tpu.memory_space<hbm>>
      tpu.wait_dma2 semaphore(%arg10 : memref<!tpu.dma_semaphore, #tpu.memory_space<semaphore_mem>>) src(%arg8 : memref<2048xf32, #tpu.memory_space<vmem>>) dst(%dma_wait3A_209 : memref<2048xf32, #tpu.memory_space<hbm>>)
      %get3A_210 = arith.index_cast %scan3A_21 : i32 to index
      %get3A_211 = arith.constant 0 : index
      %get3A_212 = tpu.vector_load %arg6[%get3A_210, %get3A_211] {strides = array<i32>} : memref<64x16xf32, #tpu.memory_space<vmem>>, vector<1x16xf32>,
      %get3A_213 = vector.shape_cast %get3A_212 : vector<1x16xf32> to vector<16xf32>
      %slice3A_214 = vector.extract_strided_slice %get3A_213 {offsets = [7], sizes = [1], strides = [1]} : vector<16xf32> to vector<1xf32>
      %squeeze3A_215 = vector.extract %slice3A_214[0] : f32 from vector<1xf32>
      %scan3A_216 = arith.constant 0 : i32
      %scan3A_217 = arith.constant 0 : i32
      %scan3A_218 = arith.constant 8 : i32
      %scan3A_219 = arith.addi %scan3A_217, %scan3A_218 : i32
      %scan3A_220 = arith.constant 1 : i32
      scf.for %scan3A_445 = %scan3A_217 to %scan3A_219 step %scan3A_220  : i32 {
        %mul3A_446 = arith.constant 16 : i32
        %mul3A_447 = arith.muli %scan3A_445, %mul3A_446 : i32
        %add3A_448 = arith.constant 0 : i32
        %add3A_449 = arith.addi %mul3A_447, %add3A_448 : i32
        %mul3A_450 = arith.constant 16 : i32
        %mul3A_451 = arith.muli %add3A_449, %mul3A_450 : i32
        %get3A_452 = arith.index_cast %mul3A_451 : i32 to index
        %get3A_453 = tpu.vector_load %arg5[%get3A_452] {strides = array<i32>} : memref<2048xf32, #tpu.memory_space<vmem>>, vector<16xf32>,
        %get3A_454 = vector.shape_cast %get3A_453 : vector<16xf32> to vector<16xf32>
        %add3A_455 = vector.broadcast %squeeze3A_215 : f32 to vector<16xf32>
        %add3A_456 = arith.addf %get3A_454, %add3A_455 : vector<16xf32>
        %swap3A = arith.index_cast %mul3A_451 : i32 to index
        %swap3A_457 = tpu.vector_load %arg8[%swap3A] {strides = array<i32>} : memref<2048xf32, #tpu.memory_space<vmem>>, vector<16xf32>,
        %swap3A_458 = vector.shape_cast %swap3A_457 : vector<16xf32> to vector<16xf32>
        %swap3A_459 = vector.shape_cast %add3A_456 : vector<16xf32> to vector<16xf32>
        tpu.vector_store %arg8[%swap3A], %swap3A_459 {strides = array<i32>} : memref<2048xf32, #tpu.memory_space<vmem>>, vector<16xf32>,
        %mul3A_460 = arith.constant 16 : i32
        %mul3A_461 = arith.muli %scan3A_445, %mul3A_460 : i32
        %add3A_462 = arith.constant 1 : i32
        %add3A_463 = arith.addi %mul3A_461, %add3A_462 : i32
        %mul3A_464 = arith.constant 16 : i32
        %mul3A_465 = arith.muli %add3A_463, %mul3A_464 : i32
        %get3A_466 = arith.index_cast %mul3A_465 : i32 to index
        %get3A_467 = tpu.vector_load %arg5[%get3A_466] {strides = array<i32>} : memref<2048xf32, #tpu.memory_space<vmem>>, vector<16xf32>,
        %get3A_468 = vector.shape_cast %get3A_467 : vector<16xf32> to vector<16xf32>
        %add3A_469 = vector.broadcast %squeeze3A_215 : f32 to vector<16xf32>
        %add3A_470 = arith.addf %get3A_468, %add3A_469 : vector<16xf32>
        %swap3A_471 = arith.index_cast %mul3A_465 : i32 to index
        %swap3A_472 = tpu.vector_load %arg8[%swap3A_471] {strides = array<i32>} : memref<2048xf32, #tpu.memory_space<vmem>>, vector<16xf32>,
        %swap3A_473 = vector.shape_cast %swap3A_472 : vector<16xf32> to vector<16xf32>
        %swap3A_474 = vector.shape_cast %add3A_470 : vector<16xf32> to vector<16xf32>
        tpu.vector_store %arg8[%swap3A_471], %swap3A_474 {strides = array<i32>} : memref<2048xf32, #tpu.memory_space<vmem>>, vector<16xf32>,
        %mul3A_475 = arith.constant 16 : i32
        %mul3A_476 = arith.muli %scan3A_445, %mul3A_475 : i32
        %add3A_477 = arith.constant 2 : i32
        %add3A_478 = arith.addi %mul3A_476, %add3A_477 : i32
        %mul3A_479 = arith.constant 16 : i32
        %mul3A_480 = arith.muli %add3A_478, %mul3A_479 : i32
        %get3A_481 = arith.index_cast %mul3A_480 : i32 to index
        %get3A_482 = tpu.vector_load %arg5[%get3A_481] {strides = array<i32>} : memref<2048xf32, #tpu.memory_space<vmem>>, vector<16xf32>,
        %get3A_483 = vector.shape_cast %get3A_482 : vector<16xf32> to vector<16xf32>
        %add3A_484 = vector.broadcast %squeeze3A_215 : f32 to vector<16xf32>
        %add3A_485 = arith.addf %get3A_483, %add3A_484 : vector<16xf32>
        %swap3A_486 = arith.index_cast %mul3A_480 : i32 to index
        %swap3A_487 = tpu.vector_load %arg8[%swap3A_486] {strides = array<i32>} : memref<2048xf32, #tpu.memory_space<vmem>>, vector<16xf32>,
        %swap3A_488 = vector.shape_cast %swap3A_487 : vector<16xf32> to vector<16xf32>
        %swap3A_489 = vector.shape_cast %add3A_485 : vector<16xf32> to vector<16xf32>
        tpu.vector_store %arg8[%swap3A_486], %swap3A_489 {strides = array<i32>} : memref<2048xf32, #tpu.memory_space<vmem>>, vector<16xf32>,
        %mul3A_490 = arith.constant 16 : i32
        %mul3A_491 = arith.muli %scan3A_445, %mul3A_490 : i32
        %add3A_492 = arith.constant 3 : i32
        %add3A_493 = arith.addi %mul3A_491, %add3A_492 : i32
        %mul3A_494 = arith.constant 16 : i32
        %mul3A_495 = arith.muli %add3A_493, %mul3A_494 : i32
        %get3A_496 = arith.index_cast %mul3A_495 : i32 to index
        %get3A_497 = tpu.vector_load %arg5[%get3A_496] {strides = array<i32>} : memref<2048xf32, #tpu.memory_space<vmem>>, vector<16xf32>,
        %get3A_498 = vector.shape_cast %get3A_497 : vector<16xf32> to vector<16xf32>
        %add3A_499 = vector.broadcast %squeeze3A_215 : f32 to vector<16xf32>
        %add3A_500 = arith.addf %get3A_498, %add3A_499 : vector<16xf32>
        %swap3A_501 = arith.index_cast %mul3A_495 : i32 to index
        %swap3A_502 = tpu.vector_load %arg8[%swap3A_501] {strides = array<i32>} : memref<2048xf32, #tpu.memory_space<vmem>>, vector<16xf32>,
        %swap3A_503 = vector.shape_cast %swap3A_502 : vector<16xf32> to vector<16xf32>
        %swap3A_504 = vector.shape_cast %add3A_500 : vector<16xf32> to vector<16xf32>
        tpu.vector_store %arg8[%swap3A_501], %swap3A_504 {strides = array<i32>} : memref<2048xf32, #tpu.memory_space<vmem>>, vector<16xf32>,
        %mul3A_505 = arith.constant 16 : i32
        %mul3A_506 = arith.muli %scan3A_445, %mul3A_505 : i32
        %add3A_507 = arith.constant 4 : i32
        %add3A_508 = arith.addi %mul3A_506, %add3A_507 : i32
        %mul3A_509 = arith.constant 16 : i32
        %mul3A_510 = arith.muli %add3A_508, %mul3A_509 : i32
        %get3A_511 = arith.index_cast %mul3A_510 : i32 to index
        %get3A_512 = tpu.vector_load %arg5[%get3A_511] {strides = array<i32>} : memref<2048xf32, #tpu.memory_space<vmem>>, vector<16xf32>,
        %get3A_513 = vector.shape_cast %get3A_512 : vector<16xf32> to vector<16xf32>
        %add3A_514 = vector.broadcast %squeeze3A_215 : f32 to vector<16xf32>
        %add3A_515 = arith.addf %get3A_513, %add3A_514 : vector<16xf32>
        %swap3A_516 = arith.index_cast %mul3A_510 : i32 to index
        %swap3A_517 = tpu.vector_load %arg8[%swap3A_516] {strides = array<i32>} : memref<2048xf32, #tpu.memory_space<vmem>>, vector<16xf32>,
        %swap3A_518 = vector.shape_cast %swap3A_517 : vector<16xf32> to vector<16xf32>
        %swap3A_519 = vector.shape_cast %add3A_515 : vector<16xf32> to vector<16xf32>
        tpu.vector_store %arg8[%swap3A_516], %swap3A_519 {strides = array<i32>} : memref<2048xf32, #tpu.memory_space<vmem>>, vector<16xf32>,
        %mul3A_520 = arith.constant 16 : i32
        %mul3A_521 = arith.muli %scan3A_445, %mul3A_520 : i32
        %add3A_522 = arith.constant 5 : i32
        %add3A_523 = arith.addi %mul3A_521, %add3A_522 : i32
        %mul3A_524 = arith.constant 16 : i32
        %mul3A_525 = arith.muli %add3A_523, %mul3A_524 : i32
        %get3A_526 = arith.index_cast %mul3A_525 : i32 to index
        %get3A_527 = tpu.vector_load %arg5[%get3A_526] {strides = array<i32>} : memref<2048xf32, #tpu.memory_space<vmem>>, vector<16xf32>,
        %get3A_528 = vector.shape_cast %get3A_527 : vector<16xf32> to vector<16xf32>
        %add3A_529 = vector.broadcast %squeeze3A_215 : f32 to vector<16xf32>
        %add3A_530 = arith.addf %get3A_528, %add3A_529 : vector<16xf32>
        %swap3A_531 = arith.index_cast %mul3A_525 : i32 to index
        %swap3A_532 = tpu.vector_load %arg8[%swap3A_531] {strides = array<i32>} : memref<2048xf32, #tpu.memory_space<vmem>>, vector<16xf32>,
        %swap3A_533 = vector.shape_cast %swap3A_532 : vector<16xf32> to vector<16xf32>
        %swap3A_534 = vector.shape_cast %add3A_530 : vector<16xf32> to vector<16xf32>
        tpu.vector_store %arg8[%swap3A_531], %swap3A_534 {strides = array<i32>} : memref<2048xf32, #tpu.memory_space<vmem>>, vector<16xf32>,
        %mul3A_535 = arith.constant 16 : i32
        %mul3A_536 = arith.muli %scan3A_445, %mul3A_535 : i32
        %add3A_537 = arith.constant 6 : i32
        %add3A_538 = arith.addi %mul3A_536, %add3A_537 : i32
        %mul3A_539 = arith.constant 16 : i32
        %mul3A_540 = arith.muli %add3A_538, %mul3A_539 : i32
        %get3A_541 = arith.index_cast %mul3A_540 : i32 to index
        %get3A_542 = tpu.vector_load %arg5[%get3A_541] {strides = array<i32>} : memref<2048xf32, #tpu.memory_space<vmem>>, vector<16xf32>,
        %get3A_543 = vector.shape_cast %get3A_542 : vector<16xf32> to vector<16xf32>
        %add3A_544 = vector.broadcast %squeeze3A_215 : f32 to vector<16xf32>
        %add3A_545 = arith.addf %get3A_543, %add3A_544 : vector<16xf32>
        %swap3A_546 = arith.index_cast %mul3A_540 : i32 to index
        %swap3A_547 = tpu.vector_load %arg8[%swap3A_546] {strides = array<i32>} : memref<2048xf32, #tpu.memory_space<vmem>>, vector<16xf32>,
        %swap3A_548 = vector.shape_cast %swap3A_547 : vector<16xf32> to vector<16xf32>
        %swap3A_549 = vector.shape_cast %add3A_545 : vector<16xf32> to vector<16xf32>
        tpu.vector_store %arg8[%swap3A_546], %swap3A_549 {strides = array<i32>} : memref<2048xf32, #tpu.memory_space<vmem>>, vector<16xf32>,
        %mul3A_550 = arith.constant 16 : i32
        %mul3A_551 = arith.muli %scan3A_445, %mul3A_550 : i32
        %add3A_552 = arith.constant 7 : i32
        %add3A_553 = arith.addi %mul3A_551, %add3A_552 : i32
        %mul3A_554 = arith.constant 16 : i32
        %mul3A_555 = arith.muli %add3A_553, %mul3A_554 : i32
        %get3A_556 = arith.index_cast %mul3A_555 : i32 to index
        %get3A_557 = tpu.vector_load %arg5[%get3A_556] {strides = array<i32>} : memref<2048xf32, #tpu.memory_space<vmem>>, vector<16xf32>,
        %get3A_558 = vector.shape_cast %get3A_557 : vector<16xf32> to vector<16xf32>
        %add3A_559 = vector.broadcast %squeeze3A_215 : f32 to vector<16xf32>
        %add3A_560 = arith.addf %get3A_558, %add3A_559 : vector<16xf32>
        %swap3A_561 = arith.index_cast %mul3A_555 : i32 to index
        %swap3A_562 = tpu.vector_load %arg8[%swap3A_561] {strides = array<i32>} : memref<2048xf32, #tpu.memory_space<vmem>>, vector<16xf32>,
        %swap3A_563 = vector.shape_cast %swap3A_562 : vector<16xf32> to vector<16xf32>
        %swap3A_564 = vector.shape_cast %add3A_560 : vector<16xf32> to vector<16xf32>
        tpu.vector_store %arg8[%swap3A_561], %swap3A_564 {strides = array<i32>} : memref<2048xf32, #tpu.memory_space<vmem>>, vector<16xf32>,
        %mul3A_565 = arith.constant 16 : i32
        %mul3A_566 = arith.muli %scan3A_445, %mul3A_565 : i32
        %add3A_567 = arith.constant 8 : i32
        %add3A_568 = arith.addi %mul3A_566, %add3A_567 : i32
        %mul3A_569 = arith.constant 16 : i32
        %mul3A_570 = arith.muli %add3A_568, %mul3A_569 : i32
        %get3A_571 = arith.index_cast %mul3A_570 : i32 to index
        %get3A_572 = tpu.vector_load %arg5[%get3A_571] {strides = array<i32>} : memref<2048xf32, #tpu.memory_space<vmem>>, vector<16xf32>,
        %get3A_573 = vector.shape_cast %get3A_572 : vector<16xf32> to vector<16xf32>
        %add3A_574 = vector.broadcast %squeeze3A_215 : f32 to vector<16xf32>
        %add3A_575 = arith.addf %get3A_573, %add3A_574 : vector<16xf32>
        %swap3A_576 = arith.index_cast %mul3A_570 : i32 to index
        %swap3A_577 = tpu.vector_load %arg8[%swap3A_576] {strides = array<i32>} : memref<2048xf32, #tpu.memory_space<vmem>>, vector<16xf32>,
        %swap3A_578 = vector.shape_cast %swap3A_577 : vector<16xf32> to vector<16xf32>
        %swap3A_579 = vector.shape_cast %add3A_575 : vector<16xf32> to vector<16xf32>
        tpu.vector_store %arg8[%swap3A_576], %swap3A_579 {strides = array<i32>} : memref<2048xf32, #tpu.memory_space<vmem>>, vector<16xf32>,
        %mul3A_580 = arith.constant 16 : i32
        %mul3A_581 = arith.muli %scan3A_445, %mul3A_580 : i32
        %add3A_582 = arith.constant 9 : i32
        %add3A_583 = arith.addi %mul3A_581, %add3A_582 : i32
        %mul3A_584 = arith.constant 16 : i32
        %mul3A_585 = arith.muli %add3A_583, %mul3A_584 : i32
        %get3A_586 = arith.index_cast %mul3A_585 : i32 to index
        %get3A_587 = tpu.vector_load %arg5[%get3A_586] {strides = array<i32>} : memref<2048xf32, #tpu.memory_space<vmem>>, vector<16xf32>,
        %get3A_588 = vector.shape_cast %get3A_587 : vector<16xf32> to vector<16xf32>
        %add3A_589 = vector.broadcast %squeeze3A_215 : f32 to vector<16xf32>
        %add3A_590 = arith.addf %get3A_588, %add3A_589 : vector<16xf32>
        %swap3A_591 = arith.index_cast %mul3A_585 : i32 to index
        %swap3A_592 = tpu.vector_load %arg8[%swap3A_591] {strides = array<i32>} : memref<2048xf32, #tpu.memory_space<vmem>>, vector<16xf32>,
        %swap3A_593 = vector.shape_cast %swap3A_592 : vector<16xf32> to vector<16xf32>
        %swap3A_594 = vector.shape_cast %add3A_590 : vector<16xf32> to vector<16xf32>
        tpu.vector_store %arg8[%swap3A_591], %swap3A_594 {strides = array<i32>} : memref<2048xf32, #tpu.memory_space<vmem>>, vector<16xf32>,
        %mul3A_595 = arith.constant 16 : i32
        %mul3A_596 = arith.muli %scan3A_445, %mul3A_595 : i32
        %add3A_597 = arith.constant 10 : i32
        %add3A_598 = arith.addi %mul3A_596, %add3A_597 : i32
        %mul3A_599 = arith.constant 16 : i32
        %mul3A_600 = arith.muli %add3A_598, %mul3A_599 : i32
        %get3A_601 = arith.index_cast %mul3A_600 : i32 to index
        %get3A_602 = tpu.vector_load %arg5[%get3A_601] {strides = array<i32>} : memref<2048xf32, #tpu.memory_space<vmem>>, vector<16xf32>,
        %get3A_603 = vector.shape_cast %get3A_602 : vector<16xf32> to vector<16xf32>
        %add3A_604 = vector.broadcast %squeeze3A_215 : f32 to vector<16xf32>
        %add3A_605 = arith.addf %get3A_603, %add3A_604 : vector<16xf32>
        %swap3A_606 = arith.index_cast %mul3A_600 : i32 to index
        %swap3A_607 = tpu.vector_load %arg8[%swap3A_606] {strides = array<i32>} : memref<2048xf32, #tpu.memory_space<vmem>>, vector<16xf32>,
        %swap3A_608 = vector.shape_cast %swap3A_607 : vector<16xf32> to vector<16xf32>
        %swap3A_609 = vector.shape_cast %add3A_605 : vector<16xf32> to vector<16xf32>
        tpu.vector_store %arg8[%swap3A_606], %swap3A_609 {strides = array<i32>} : memref<2048xf32, #tpu.memory_space<vmem>>, vector<16xf32>,
        %mul3A_610 = arith.constant 16 : i32
        %mul3A_611 = arith.muli %scan3A_445, %mul3A_610 : i32
        %add3A_612 = arith.constant 11 : i32
        %add3A_613 = arith.addi %mul3A_611, %add3A_612 : i32
        %mul3A_614 = arith.constant 16 : i32
        %mul3A_615 = arith.muli %add3A_613, %mul3A_614 : i32
        %get3A_616 = arith.index_cast %mul3A_615 : i32 to index
        %get3A_617 = tpu.vector_load %arg5[%get3A_616] {strides = array<i32>} : memref<2048xf32, #tpu.memory_space<vmem>>, vector<16xf32>,
        %get3A_618 = vector.shape_cast %get3A_617 : vector<16xf32> to vector<16xf32>
        %add3A_619 = vector.broadcast %squeeze3A_215 : f32 to vector<16xf32>
        %add3A_620 = arith.addf %get3A_618, %add3A_619 : vector<16xf32>
        %swap3A_621 = arith.index_cast %mul3A_615 : i32 to index
        %swap3A_622 = tpu.vector_load %arg8[%swap3A_621] {strides = array<i32>} : memref<2048xf32, #tpu.memory_space<vmem>>, vector<16xf32>,
        %swap3A_623 = vector.shape_cast %swap3A_622 : vector<16xf32> to vector<16xf32>
        %swap3A_624 = vector.shape_cast %add3A_620 : vector<16xf32> to vector<16xf32>
        tpu.vector_store %arg8[%swap3A_621], %swap3A_624 {strides = array<i32>} : memref<2048xf32, #tpu.memory_space<vmem>>, vector<16xf32>,
        %mul3A_625 = arith.constant 16 : i32
        %mul3A_626 = arith.muli %scan3A_445, %mul3A_625 : i32
        %add3A_627 = arith.constant 12 : i32
        %add3A_628 = arith.addi %mul3A_626, %add3A_627 : i32
        %mul3A_629 = arith.constant 16 : i32
        %mul3A_630 = arith.muli %add3A_628, %mul3A_629 : i32
        %get3A_631 = arith.index_cast %mul3A_630 : i32 to index
        %get3A_632 = tpu.vector_load %arg5[%get3A_631] {strides = array<i32>} : memref<2048xf32, #tpu.memory_space<vmem>>, vector<16xf32>,
        %get3A_633 = vector.shape_cast %get3A_632 : vector<16xf32> to vector<16xf32>
        %add3A_634 = vector.broadcast %squeeze3A_215 : f32 to vector<16xf32>
        %add3A_635 = arith.addf %get3A_633, %add3A_634 : vector<16xf32>
        %swap3A_636 = arith.index_cast %mul3A_630 : i32 to index
        %swap3A_637 = tpu.vector_load %arg8[%swap3A_636] {strides = array<i32>} : memref<2048xf32, #tpu.memory_space<vmem>>, vector<16xf32>,
        %swap3A_638 = vector.shape_cast %swap3A_637 : vector<16xf32> to vector<16xf32>
        %swap3A_639 = vector.shape_cast %add3A_635 : vector<16xf32> to vector<16xf32>
        tpu.vector_store %arg8[%swap3A_636], %swap3A_639 {strides = array<i32>} : memref<2048xf32, #tpu.memory_space<vmem>>, vector<16xf32>,
        %mul3A_640 = arith.constant 16 : i32
        %mul3A_641 = arith.muli %scan3A_445, %mul3A_640 : i32
        %add3A_642 = arith.constant 13 : i32
        %add3A_643 = arith.addi %mul3A_641, %add3A_642 : i32
        %mul3A_644 = arith.constant 16 : i32
        %mul3A_645 = arith.muli %add3A_643, %mul3A_644 : i32
        %get3A_646 = arith.index_cast %mul3A_645 : i32 to index
        %get3A_647 = tpu.vector_load %arg5[%get3A_646] {strides = array<i32>} : memref<2048xf32, #tpu.memory_space<vmem>>, vector<16xf32>,
        %get3A_648 = vector.shape_cast %get3A_647 : vector<16xf32> to vector<16xf32>
        %add3A_649 = vector.broadcast %squeeze3A_215 : f32 to vector<16xf32>
        %add3A_650 = arith.addf %get3A_648, %add3A_649 : vector<16xf32>
        %swap3A_651 = arith.index_cast %mul3A_645 : i32 to index
        %swap3A_652 = tpu.vector_load %arg8[%swap3A_651] {strides = array<i32>} : memref<2048xf32, #tpu.memory_space<vmem>>, vector<16xf32>,
        %swap3A_653 = vector.shape_cast %swap3A_652 : vector<16xf32> to vector<16xf32>
        %swap3A_654 = vector.shape_cast %add3A_650 : vector<16xf32> to vector<16xf32>
        tpu.vector_store %arg8[%swap3A_651], %swap3A_654 {strides = array<i32>} : memref<2048xf32, #tpu.memory_space<vmem>>, vector<16xf32>,
        %mul3A_655 = arith.constant 16 : i32
        %mul3A_656 = arith.muli %scan3A_445, %mul3A_655 : i32
        %add3A_657 = arith.constant 14 : i32
        %add3A_658 = arith.addi %mul3A_656, %add3A_657 : i32
        %mul3A_659 = arith.constant 16 : i32
        %mul3A_660 = arith.muli %add3A_658, %mul3A_659 : i32
        %get3A_661 = arith.index_cast %mul3A_660 : i32 to index
        %get3A_662 = tpu.vector_load %arg5[%get3A_661] {strides = array<i32>} : memref<2048xf32, #tpu.memory_space<vmem>>, vector<16xf32>,
        %get3A_663 = vector.shape_cast %get3A_662 : vector<16xf32> to vector<16xf32>
        %add3A_664 = vector.broadcast %squeeze3A_215 : f32 to vector<16xf32>
        %add3A_665 = arith.addf %get3A_663, %add3A_664 : vector<16xf32>
        %swap3A_666 = arith.index_cast %mul3A_660 : i32 to index
        %swap3A_667 = tpu.vector_load %arg8[%swap3A_666] {strides = array<i32>} : memref<2048xf32, #tpu.memory_space<vmem>>, vector<16xf32>,
        %swap3A_668 = vector.shape_cast %swap3A_667 : vector<16xf32> to vector<16xf32>
        %swap3A_669 = vector.shape_cast %add3A_665 : vector<16xf32> to vector<16xf32>
        tpu.vector_store %arg8[%swap3A_666], %swap3A_669 {strides = array<i32>} : memref<2048xf32, #tpu.memory_space<vmem>>, vector<16xf32>,
        %mul3A_670 = arith.constant 16 : i32
        %mul3A_671 = arith.muli %scan3A_445, %mul3A_670 : i32
        %add3A_672 = arith.constant 15 : i32
        %add3A_673 = arith.addi %mul3A_671, %add3A_672 : i32
        %mul3A_674 = arith.constant 16 : i32
        %mul3A_675 = arith.muli %add3A_673, %mul3A_674 : i32
        %get3A_676 = arith.index_cast %mul3A_675 : i32 to index
        %get3A_677 = tpu.vector_load %arg5[%get3A_676] {strides = array<i32>} : memref<2048xf32, #tpu.memory_space<vmem>>, vector<16xf32>,
        %get3A_678 = vector.shape_cast %get3A_677 : vector<16xf32> to vector<16xf32>
        %add3A_679 = vector.broadcast %squeeze3A_215 : f32 to vector<16xf32>
        %add3A_680 = arith.addf %get3A_678, %add3A_679 : vector<16xf32>
        %swap3A_681 = arith.index_cast %mul3A_675 : i32 to index
        %swap3A_682 = tpu.vector_load %arg8[%swap3A_681] {strides = array<i32>} : memref<2048xf32, #tpu.memory_space<vmem>>, vector<16xf32>,
        %swap3A_683 = vector.shape_cast %swap3A_682 : vector<16xf32> to vector<16xf32>
        %swap3A_684 = vector.shape_cast %add3A_680 : vector<16xf32> to vector<16xf32>
        tpu.vector_store %arg8[%swap3A_681], %swap3A_684 {strides = array<i32>} : memref<2048xf32, #tpu.memory_space<vmem>>, vector<16xf32>,
      }
      %scan3A_221 = arith.constant 8 : i32
      %dma_start3A_222 = arith.constant 7 : i32
      %dma_start3A_223 = arith.constant 0 : i32
      %dma_start3A_224 = tpu.memref_slice %arg4[%add3A_202, %dma_start3A_222, %dma_start3A_223] : memref<2048x16x2048xf32, #tpu.memory_space<hbm>> -> memref<1x1x2048xf32, #tpu.memory_space<hbm>>
      %dma_start3A_225 = tpu.memref_squeeze %dma_start3A_224 : memref<1x1x2048xf32, #tpu.memory_space<hbm>> -> memref<2048xf32, #tpu.memory_space<hbm>>
      %dma_start3A_226 = arith.constant 0 : i32
      %dma_start3A_227 = tpu.memref_slice %arg4[%add3A_202, %dma_start3A_222, %dma_start3A_226] : memref<2048x16x2048xf32, #tpu.memory_space<hbm>> -> memref<1x1x2048xf32, #tpu.memory_space<hbm>>
      %dma_start3A_228 = tpu.memref_squeeze %dma_start3A_227 : memref<1x1x2048xf32, #tpu.memory_space<hbm>> -> memref<2048xf32, #tpu.memory_space<hbm>>
      tpu.enqueue_dma source(%arg8 : memref<2048xf32, #tpu.memory_space<vmem>>) target(%dma_start3A_228 : memref<2048xf32, #tpu.memory_space<hbm>>) target_semaphore(%arg10 : memref<!tpu.dma_semaphore, #tpu.memory_space<semaphore_mem>>)
      %add3A_229 = arith.addi %mul3A_2, %scan3A_21 : i32
      %dma_wait3A_230 = arith.constant 8 : i32
      %dma_wait3A_231 = arith.constant 0 : i32
      %dma_wait3A_232 = tpu.memref_slice %arg4[%add3A_229, %dma_wait3A_230, %dma_wait3A_231] : memref<2048x16x2048xf32, #tpu.memory_space<hbm>> -> memref<1x1x2048xf32, #tpu.memory_space<hbm>>
      %dma_wait3A_233 = tpu.memref_squeeze %dma_wait3A_232 : memref<1x1x2048xf32, #tpu.memory_space<hbm>> -> memref<2048xf32, #tpu.memory_space<hbm>>
      %dma_wait3A_234 = arith.constant 0 : i32
      %dma_wait3A_235 = tpu.memref_slice %arg4[%add3A_229, %dma_wait3A_230, %dma_wait3A_234] : memref<2048x16x2048xf32, #tpu.memory_space<hbm>> -> memref<1x1x2048xf32, #tpu.memory_space<hbm>>
      %dma_wait3A_236 = tpu.memref_squeeze %dma_wait3A_235 : memref<1x1x2048xf32, #tpu.memory_space<hbm>> -> memref<2048xf32, #tpu.memory_space<hbm>>
      tpu.wait_dma2 semaphore(%arg9 : memref<!tpu.dma_semaphore, #tpu.memory_space<semaphore_mem>>) src(%arg7 : memref<2048xf32, #tpu.memory_space<vmem>>) dst(%dma_wait3A_236 : memref<2048xf32, #tpu.memory_space<hbm>>)
      %get3A_237 = arith.index_cast %scan3A_21 : i32 to index
      %get3A_238 = arith.constant 0 : index
      %get3A_239 = tpu.vector_load %arg6[%get3A_237, %get3A_238] {strides = array<i32>} : memref<64x16xf32, #tpu.memory_space<vmem>>, vector<1x16xf32>,
      %get3A_240 = vector.shape_cast %get3A_239 : vector<1x16xf32> to vector<16xf32>
      %slice3A_241 = vector.extract_strided_slice %get3A_240 {offsets = [8], sizes = [1], strides = [1]} : vector<16xf32> to vector<1xf32>
      %squeeze3A_242 = vector.extract %slice3A_241[0] : f32 from vector<1xf32>
      %scan3A_243 = arith.constant 0 : i32
      %scan3A_244 = arith.constant 0 : i32
      %scan3A_245 = arith.constant 8 : i32
      %scan3A_246 = arith.addi %scan3A_244, %scan3A_245 : i32
      %scan3A_247 = arith.constant 1 : i32
      scf.for %scan3A_445 = %scan3A_244 to %scan3A_246 step %scan3A_247  : i32 {
        %mul3A_446 = arith.constant 16 : i32
        %mul3A_447 = arith.muli %scan3A_445, %mul3A_446 : i32
        %add3A_448 = arith.constant 0 : i32
        %add3A_449 = arith.addi %mul3A_447, %add3A_448 : i32
        %mul3A_450 = arith.constant 16 : i32
        %mul3A_451 = arith.muli %add3A_449, %mul3A_450 : i32
        %get3A_452 = arith.index_cast %mul3A_451 : i32 to index
        %get3A_453 = tpu.vector_load %arg5[%get3A_452] {strides = array<i32>} : memref<2048xf32, #tpu.memory_space<vmem>>, vector<16xf32>,
        %get3A_454 = vector.shape_cast %get3A_453 : vector<16xf32> to vector<16xf32>
        %add3A_455 = vector.broadcast %squeeze3A_242 : f32 to vector<16xf32>
        %add3A_456 = arith.addf %get3A_454, %add3A_455 : vector<16xf32>
        %swap3A = arith.index_cast %mul3A_451 : i32 to index
        %swap3A_457 = tpu.vector_load %arg7[%swap3A] {strides = array<i32>} : memref<2048xf32, #tpu.memory_space<vmem>>, vector<16xf32>,
        %swap3A_458 = vector.shape_cast %swap3A_457 : vector<16xf32> to vector<16xf32>
        %swap3A_459 = vector.shape_cast %add3A_456 : vector<16xf32> to vector<16xf32>
        tpu.vector_store %arg7[%swap3A], %swap3A_459 {strides = array<i32>} : memref<2048xf32, #tpu.memory_space<vmem>>, vector<16xf32>,
        %mul3A_460 = arith.constant 16 : i32
        %mul3A_461 = arith.muli %scan3A_445, %mul3A_460 : i32
        %add3A_462 = arith.constant 1 : i32
        %add3A_463 = arith.addi %mul3A_461, %add3A_462 : i32
        %mul3A_464 = arith.constant 16 : i32
        %mul3A_465 = arith.muli %add3A_463, %mul3A_464 : i32
        %get3A_466 = arith.index_cast %mul3A_465 : i32 to index
        %get3A_467 = tpu.vector_load %arg5[%get3A_466] {strides = array<i32>} : memref<2048xf32, #tpu.memory_space<vmem>>, vector<16xf32>,
        %get3A_468 = vector.shape_cast %get3A_467 : vector<16xf32> to vector<16xf32>
        %add3A_469 = vector.broadcast %squeeze3A_242 : f32 to vector<16xf32>
        %add3A_470 = arith.addf %get3A_468, %add3A_469 : vector<16xf32>
        %swap3A_471 = arith.index_cast %mul3A_465 : i32 to index
        %swap3A_472 = tpu.vector_load %arg7[%swap3A_471] {strides = array<i32>} : memref<2048xf32, #tpu.memory_space<vmem>>, vector<16xf32>,
        %swap3A_473 = vector.shape_cast %swap3A_472 : vector<16xf32> to vector<16xf32>
        %swap3A_474 = vector.shape_cast %add3A_470 : vector<16xf32> to vector<16xf32>
        tpu.vector_store %arg7[%swap3A_471], %swap3A_474 {strides = array<i32>} : memref<2048xf32, #tpu.memory_space<vmem>>, vector<16xf32>,
        %mul3A_475 = arith.constant 16 : i32
        %mul3A_476 = arith.muli %scan3A_445, %mul3A_475 : i32
        %add3A_477 = arith.constant 2 : i32
        %add3A_478 = arith.addi %mul3A_476, %add3A_477 : i32
        %mul3A_479 = arith.constant 16 : i32
        %mul3A_480 = arith.muli %add3A_478, %mul3A_479 : i32
        %get3A_481 = arith.index_cast %mul3A_480 : i32 to index
        %get3A_482 = tpu.vector_load %arg5[%get3A_481] {strides = array<i32>} : memref<2048xf32, #tpu.memory_space<vmem>>, vector<16xf32>,
        %get3A_483 = vector.shape_cast %get3A_482 : vector<16xf32> to vector<16xf32>
        %add3A_484 = vector.broadcast %squeeze3A_242 : f32 to vector<16xf32>
        %add3A_485 = arith.addf %get3A_483, %add3A_484 : vector<16xf32>
        %swap3A_486 = arith.index_cast %mul3A_480 : i32 to index
        %swap3A_487 = tpu.vector_load %arg7[%swap3A_486] {strides = array<i32>} : memref<2048xf32, #tpu.memory_space<vmem>>, vector<16xf32>,
        %swap3A_488 = vector.shape_cast %swap3A_487 : vector<16xf32> to vector<16xf32>
        %swap3A_489 = vector.shape_cast %add3A_485 : vector<16xf32> to vector<16xf32>
        tpu.vector_store %arg7[%swap3A_486], %swap3A_489 {strides = array<i32>} : memref<2048xf32, #tpu.memory_space<vmem>>, vector<16xf32>,
        %mul3A_490 = arith.constant 16 : i32
        %mul3A_491 = arith.muli %scan3A_445, %mul3A_490 : i32
        %add3A_492 = arith.constant 3 : i32
        %add3A_493 = arith.addi %mul3A_491, %add3A_492 : i32
        %mul3A_494 = arith.constant 16 : i32
        %mul3A_495 = arith.muli %add3A_493, %mul3A_494 : i32
        %get3A_496 = arith.index_cast %mul3A_495 : i32 to index
        %get3A_497 = tpu.vector_load %arg5[%get3A_496] {strides = array<i32>} : memref<2048xf32, #tpu.memory_space<vmem>>, vector<16xf32>,
        %get3A_498 = vector.shape_cast %get3A_497 : vector<16xf32> to vector<16xf32>
        %add3A_499 = vector.broadcast %squeeze3A_242 : f32 to vector<16xf32>
        %add3A_500 = arith.addf %get3A_498, %add3A_499 : vector<16xf32>
        %swap3A_501 = arith.index_cast %mul3A_495 : i32 to index
        %swap3A_502 = tpu.vector_load %arg7[%swap3A_501] {strides = array<i32>} : memref<2048xf32, #tpu.memory_space<vmem>>, vector<16xf32>,
        %swap3A_503 = vector.shape_cast %swap3A_502 : vector<16xf32> to vector<16xf32>
        %swap3A_504 = vector.shape_cast %add3A_500 : vector<16xf32> to vector<16xf32>
        tpu.vector_store %arg7[%swap3A_501], %swap3A_504 {strides = array<i32>} : memref<2048xf32, #tpu.memory_space<vmem>>, vector<16xf32>,
        %mul3A_505 = arith.constant 16 : i32
        %mul3A_506 = arith.muli %scan3A_445, %mul3A_505 : i32
        %add3A_507 = arith.constant 4 : i32
        %add3A_508 = arith.addi %mul3A_506, %add3A_507 : i32
        %mul3A_509 = arith.constant 16 : i32
        %mul3A_510 = arith.muli %add3A_508, %mul3A_509 : i32
        %get3A_511 = arith.index_cast %mul3A_510 : i32 to index
        %get3A_512 = tpu.vector_load %arg5[%get3A_511] {strides = array<i32>} : memref<2048xf32, #tpu.memory_space<vmem>>, vector<16xf32>,
        %get3A_513 = vector.shape_cast %get3A_512 : vector<16xf32> to vector<16xf32>
        %add3A_514 = vector.broadcast %squeeze3A_242 : f32 to vector<16xf32>
        %add3A_515 = arith.addf %get3A_513, %add3A_514 : vector<16xf32>
        %swap3A_516 = arith.index_cast %mul3A_510 : i32 to index
        %swap3A_517 = tpu.vector_load %arg7[%swap3A_516] {strides = array<i32>} : memref<2048xf32, #tpu.memory_space<vmem>>, vector<16xf32>,
        %swap3A_518 = vector.shape_cast %swap3A_517 : vector<16xf32> to vector<16xf32>
        %swap3A_519 = vector.shape_cast %add3A_515 : vector<16xf32> to vector<16xf32>
        tpu.vector_store %arg7[%swap3A_516], %swap3A_519 {strides = array<i32>} : memref<2048xf32, #tpu.memory_space<vmem>>, vector<16xf32>,
        %mul3A_520 = arith.constant 16 : i32
        %mul3A_521 = arith.muli %scan3A_445, %mul3A_520 : i32
        %add3A_522 = arith.constant 5 : i32
        %add3A_523 = arith.addi %mul3A_521, %add3A_522 : i32
        %mul3A_524 = arith.constant 16 : i32
        %mul3A_525 = arith.muli %add3A_523, %mul3A_524 : i32
        %get3A_526 = arith.index_cast %mul3A_525 : i32 to index
        %get3A_527 = tpu.vector_load %arg5[%get3A_526] {strides = array<i32>} : memref<2048xf32, #tpu.memory_space<vmem>>, vector<16xf32>,
        %get3A_528 = vector.shape_cast %get3A_527 : vector<16xf32> to vector<16xf32>
        %add3A_529 = vector.broadcast %squeeze3A_242 : f32 to vector<16xf32>
        %add3A_530 = arith.addf %get3A_528, %add3A_529 : vector<16xf32>
        %swap3A_531 = arith.index_cast %mul3A_525 : i32 to index
        %swap3A_532 = tpu.vector_load %arg7[%swap3A_531] {strides = array<i32>} : memref<2048xf32, #tpu.memory_space<vmem>>, vector<16xf32>,
        %swap3A_533 = vector.shape_cast %swap3A_532 : vector<16xf32> to vector<16xf32>
        %swap3A_534 = vector.shape_cast %add3A_530 : vector<16xf32> to vector<16xf32>
        tpu.vector_store %arg7[%swap3A_531], %swap3A_534 {strides = array<i32>} : memref<2048xf32, #tpu.memory_space<vmem>>, vector<16xf32>,
        %mul3A_535 = arith.constant 16 : i32
        %mul3A_536 = arith.muli %scan3A_445, %mul3A_535 : i32
        %add3A_537 = arith.constant 6 : i32
        %add3A_538 = arith.addi %mul3A_536, %add3A_537 : i32
        %mul3A_539 = arith.constant 16 : i32
        %mul3A_540 = arith.muli %add3A_538, %mul3A_539 : i32
        %get3A_541 = arith.index_cast %mul3A_540 : i32 to index
        %get3A_542 = tpu.vector_load %arg5[%get3A_541] {strides = array<i32>} : memref<2048xf32, #tpu.memory_space<vmem>>, vector<16xf32>,
        %get3A_543 = vector.shape_cast %get3A_542 : vector<16xf32> to vector<16xf32>
        %add3A_544 = vector.broadcast %squeeze3A_242 : f32 to vector<16xf32>
        %add3A_545 = arith.addf %get3A_543, %add3A_544 : vector<16xf32>
        %swap3A_546 = arith.index_cast %mul3A_540 : i32 to index
        %swap3A_547 = tpu.vector_load %arg7[%swap3A_546] {strides = array<i32>} : memref<2048xf32, #tpu.memory_space<vmem>>, vector<16xf32>,
        %swap3A_548 = vector.shape_cast %swap3A_547 : vector<16xf32> to vector<16xf32>
        %swap3A_549 = vector.shape_cast %add3A_545 : vector<16xf32> to vector<16xf32>
        tpu.vector_store %arg7[%swap3A_546], %swap3A_549 {strides = array<i32>} : memref<2048xf32, #tpu.memory_space<vmem>>, vector<16xf32>,
        %mul3A_550 = arith.constant 16 : i32
        %mul3A_551 = arith.muli %scan3A_445, %mul3A_550 : i32
        %add3A_552 = arith.constant 7 : i32
        %add3A_553 = arith.addi %mul3A_551, %add3A_552 : i32
        %mul3A_554 = arith.constant 16 : i32
        %mul3A_555 = arith.muli %add3A_553, %mul3A_554 : i32
        %get3A_556 = arith.index_cast %mul3A_555 : i32 to index
        %get3A_557 = tpu.vector_load %arg5[%get3A_556] {strides = array<i32>} : memref<2048xf32, #tpu.memory_space<vmem>>, vector<16xf32>,
        %get3A_558 = vector.shape_cast %get3A_557 : vector<16xf32> to vector<16xf32>
        %add3A_559 = vector.broadcast %squeeze3A_242 : f32 to vector<16xf32>
        %add3A_560 = arith.addf %get3A_558, %add3A_559 : vector<16xf32>
        %swap3A_561 = arith.index_cast %mul3A_555 : i32 to index
        %swap3A_562 = tpu.vector_load %arg7[%swap3A_561] {strides = array<i32>} : memref<2048xf32, #tpu.memory_space<vmem>>, vector<16xf32>,
        %swap3A_563 = vector.shape_cast %swap3A_562 : vector<16xf32> to vector<16xf32>
        %swap3A_564 = vector.shape_cast %add3A_560 : vector<16xf32> to vector<16xf32>
        tpu.vector_store %arg7[%swap3A_561], %swap3A_564 {strides = array<i32>} : memref<2048xf32, #tpu.memory_space<vmem>>, vector<16xf32>,
        %mul3A_565 = arith.constant 16 : i32
        %mul3A_566 = arith.muli %scan3A_445, %mul3A_565 : i32
        %add3A_567 = arith.constant 8 : i32
        %add3A_568 = arith.addi %mul3A_566, %add3A_567 : i32
        %mul3A_569 = arith.constant 16 : i32
        %mul3A_570 = arith.muli %add3A_568, %mul3A_569 : i32
        %get3A_571 = arith.index_cast %mul3A_570 : i32 to index
        %get3A_572 = tpu.vector_load %arg5[%get3A_571] {strides = array<i32>} : memref<2048xf32, #tpu.memory_space<vmem>>, vector<16xf32>,
        %get3A_573 = vector.shape_cast %get3A_572 : vector<16xf32> to vector<16xf32>
        %add3A_574 = vector.broadcast %squeeze3A_242 : f32 to vector<16xf32>
        %add3A_575 = arith.addf %get3A_573, %add3A_574 : vector<16xf32>
        %swap3A_576 = arith.index_cast %mul3A_570 : i32 to index
        %swap3A_577 = tpu.vector_load %arg7[%swap3A_576] {strides = array<i32>} : memref<2048xf32, #tpu.memory_space<vmem>>, vector<16xf32>,
        %swap3A_578 = vector.shape_cast %swap3A_577 : vector<16xf32> to vector<16xf32>
        %swap3A_579 = vector.shape_cast %add3A_575 : vector<16xf32> to vector<16xf32>
        tpu.vector_store %arg7[%swap3A_576], %swap3A_579 {strides = array<i32>} : memref<2048xf32, #tpu.memory_space<vmem>>, vector<16xf32>,
        %mul3A_580 = arith.constant 16 : i32
        %mul3A_581 = arith.muli %scan3A_445, %mul3A_580 : i32
        %add3A_582 = arith.constant 9 : i32
        %add3A_583 = arith.addi %mul3A_581, %add3A_582 : i32
        %mul3A_584 = arith.constant 16 : i32
        %mul3A_585 = arith.muli %add3A_583, %mul3A_584 : i32
        %get3A_586 = arith.index_cast %mul3A_585 : i32 to index
        %get3A_587 = tpu.vector_load %arg5[%get3A_586] {strides = array<i32>} : memref<2048xf32, #tpu.memory_space<vmem>>, vector<16xf32>,
        %get3A_588 = vector.shape_cast %get3A_587 : vector<16xf32> to vector<16xf32>
        %add3A_589 = vector.broadcast %squeeze3A_242 : f32 to vector<16xf32>
        %add3A_590 = arith.addf %get3A_588, %add3A_589 : vector<16xf32>
        %swap3A_591 = arith.index_cast %mul3A_585 : i32 to index
        %swap3A_592 = tpu.vector_load %arg7[%swap3A_591] {strides = array<i32>} : memref<2048xf32, #tpu.memory_space<vmem>>, vector<16xf32>,
        %swap3A_593 = vector.shape_cast %swap3A_592 : vector<16xf32> to vector<16xf32>
        %swap3A_594 = vector.shape_cast %add3A_590 : vector<16xf32> to vector<16xf32>
        tpu.vector_store %arg7[%swap3A_591], %swap3A_594 {strides = array<i32>} : memref<2048xf32, #tpu.memory_space<vmem>>, vector<16xf32>,
        %mul3A_595 = arith.constant 16 : i32
        %mul3A_596 = arith.muli %scan3A_445, %mul3A_595 : i32
        %add3A_597 = arith.constant 10 : i32
        %add3A_598 = arith.addi %mul3A_596, %add3A_597 : i32
        %mul3A_599 = arith.constant 16 : i32
        %mul3A_600 = arith.muli %add3A_598, %mul3A_599 : i32
        %get3A_601 = arith.index_cast %mul3A_600 : i32 to index
        %get3A_602 = tpu.vector_load %arg5[%get3A_601] {strides = array<i32>} : memref<2048xf32, #tpu.memory_space<vmem>>, vector<16xf32>,
        %get3A_603 = vector.shape_cast %get3A_602 : vector<16xf32> to vector<16xf32>
        %add3A_604 = vector.broadcast %squeeze3A_242 : f32 to vector<16xf32>
        %add3A_605 = arith.addf %get3A_603, %add3A_604 : vector<16xf32>
        %swap3A_606 = arith.index_cast %mul3A_600 : i32 to index
        %swap3A_607 = tpu.vector_load %arg7[%swap3A_606] {strides = array<i32>} : memref<2048xf32, #tpu.memory_space<vmem>>, vector<16xf32>,
        %swap3A_608 = vector.shape_cast %swap3A_607 : vector<16xf32> to vector<16xf32>
        %swap3A_609 = vector.shape_cast %add3A_605 : vector<16xf32> to vector<16xf32>
        tpu.vector_store %arg7[%swap3A_606], %swap3A_609 {strides = array<i32>} : memref<2048xf32, #tpu.memory_space<vmem>>, vector<16xf32>,
        %mul3A_610 = arith.constant 16 : i32
        %mul3A_611 = arith.muli %scan3A_445, %mul3A_610 : i32
        %add3A_612 = arith.constant 11 : i32
        %add3A_613 = arith.addi %mul3A_611, %add3A_612 : i32
        %mul3A_614 = arith.constant 16 : i32
        %mul3A_615 = arith.muli %add3A_613, %mul3A_614 : i32
        %get3A_616 = arith.index_cast %mul3A_615 : i32 to index
        %get3A_617 = tpu.vector_load %arg5[%get3A_616] {strides = array<i32>} : memref<2048xf32, #tpu.memory_space<vmem>>, vector<16xf32>,
        %get3A_618 = vector.shape_cast %get3A_617 : vector<16xf32> to vector<16xf32>
        %add3A_619 = vector.broadcast %squeeze3A_242 : f32 to vector<16xf32>
        %add3A_620 = arith.addf %get3A_618, %add3A_619 : vector<16xf32>
        %swap3A_621 = arith.index_cast %mul3A_615 : i32 to index
        %swap3A_622 = tpu.vector_load %arg7[%swap3A_621] {strides = array<i32>} : memref<2048xf32, #tpu.memory_space<vmem>>, vector<16xf32>,
        %swap3A_623 = vector.shape_cast %swap3A_622 : vector<16xf32> to vector<16xf32>
        %swap3A_624 = vector.shape_cast %add3A_620 : vector<16xf32> to vector<16xf32>
        tpu.vector_store %arg7[%swap3A_621], %swap3A_624 {strides = array<i32>} : memref<2048xf32, #tpu.memory_space<vmem>>, vector<16xf32>,
        %mul3A_625 = arith.constant 16 : i32
        %mul3A_626 = arith.muli %scan3A_445, %mul3A_625 : i32
        %add3A_627 = arith.constant 12 : i32
        %add3A_628 = arith.addi %mul3A_626, %add3A_627 : i32
        %mul3A_629 = arith.constant 16 : i32
        %mul3A_630 = arith.muli %add3A_628, %mul3A_629 : i32
        %get3A_631 = arith.index_cast %mul3A_630 : i32 to index
        %get3A_632 = tpu.vector_load %arg5[%get3A_631] {strides = array<i32>} : memref<2048xf32, #tpu.memory_space<vmem>>, vector<16xf32>,
        %get3A_633 = vector.shape_cast %get3A_632 : vector<16xf32> to vector<16xf32>
        %add3A_634 = vector.broadcast %squeeze3A_242 : f32 to vector<16xf32>
        %add3A_635 = arith.addf %get3A_633, %add3A_634 : vector<16xf32>
        %swap3A_636 = arith.index_cast %mul3A_630 : i32 to index
        %swap3A_637 = tpu.vector_load %arg7[%swap3A_636] {strides = array<i32>} : memref<2048xf32, #tpu.memory_space<vmem>>, vector<16xf32>,
        %swap3A_638 = vector.shape_cast %swap3A_637 : vector<16xf32> to vector<16xf32>
        %swap3A_639 = vector.shape_cast %add3A_635 : vector<16xf32> to vector<16xf32>
        tpu.vector_store %arg7[%swap3A_636], %swap3A_639 {strides = array<i32>} : memref<2048xf32, #tpu.memory_space<vmem>>, vector<16xf32>,
        %mul3A_640 = arith.constant 16 : i32
        %mul3A_641 = arith.muli %scan3A_445, %mul3A_640 : i32
        %add3A_642 = arith.constant 13 : i32
        %add3A_643 = arith.addi %mul3A_641, %add3A_642 : i32
        %mul3A_644 = arith.constant 16 : i32
        %mul3A_645 = arith.muli %add3A_643, %mul3A_644 : i32
        %get3A_646 = arith.index_cast %mul3A_645 : i32 to index
        %get3A_647 = tpu.vector_load %arg5[%get3A_646] {strides = array<i32>} : memref<2048xf32, #tpu.memory_space<vmem>>, vector<16xf32>,
        %get3A_648 = vector.shape_cast %get3A_647 : vector<16xf32> to vector<16xf32>
        %add3A_649 = vector.broadcast %squeeze3A_242 : f32 to vector<16xf32>
        %add3A_650 = arith.addf %get3A_648, %add3A_649 : vector<16xf32>
        %swap3A_651 = arith.index_cast %mul3A_645 : i32 to index
        %swap3A_652 = tpu.vector_load %arg7[%swap3A_651] {strides = array<i32>} : memref<2048xf32, #tpu.memory_space<vmem>>, vector<16xf32>,
        %swap3A_653 = vector.shape_cast %swap3A_652 : vector<16xf32> to vector<16xf32>
        %swap3A_654 = vector.shape_cast %add3A_650 : vector<16xf32> to vector<16xf32>
        tpu.vector_store %arg7[%swap3A_651], %swap3A_654 {strides = array<i32>} : memref<2048xf32, #tpu.memory_space<vmem>>, vector<16xf32>,
        %mul3A_655 = arith.constant 16 : i32
        %mul3A_656 = arith.muli %scan3A_445, %mul3A_655 : i32
        %add3A_657 = arith.constant 14 : i32
        %add3A_658 = arith.addi %mul3A_656, %add3A_657 : i32
        %mul3A_659 = arith.constant 16 : i32
        %mul3A_660 = arith.muli %add3A_658, %mul3A_659 : i32
        %get3A_661 = arith.index_cast %mul3A_660 : i32 to index
        %get3A_662 = tpu.vector_load %arg5[%get3A_661] {strides = array<i32>} : memref<2048xf32, #tpu.memory_space<vmem>>, vector<16xf32>,
        %get3A_663 = vector.shape_cast %get3A_662 : vector<16xf32> to vector<16xf32>
        %add3A_664 = vector.broadcast %squeeze3A_242 : f32 to vector<16xf32>
        %add3A_665 = arith.addf %get3A_663, %add3A_664 : vector<16xf32>
        %swap3A_666 = arith.index_cast %mul3A_660 : i32 to index
        %swap3A_667 = tpu.vector_load %arg7[%swap3A_666] {strides = array<i32>} : memref<2048xf32, #tpu.memory_space<vmem>>, vector<16xf32>,
        %swap3A_668 = vector.shape_cast %swap3A_667 : vector<16xf32> to vector<16xf32>
        %swap3A_669 = vector.shape_cast %add3A_665 : vector<16xf32> to vector<16xf32>
        tpu.vector_store %arg7[%swap3A_666], %swap3A_669 {strides = array<i32>} : memref<2048xf32, #tpu.memory_space<vmem>>, vector<16xf32>,
        %mul3A_670 = arith.constant 16 : i32
        %mul3A_671 = arith.muli %scan3A_445, %mul3A_670 : i32
        %add3A_672 = arith.constant 15 : i32
        %add3A_673 = arith.addi %mul3A_671, %add3A_672 : i32
        %mul3A_674 = arith.constant 16 : i32
        %mul3A_675 = arith.muli %add3A_673, %mul3A_674 : i32
        %get3A_676 = arith.index_cast %mul3A_675 : i32 to index
        %get3A_677 = tpu.vector_load %arg5[%get3A_676] {strides = array<i32>} : memref<2048xf32, #tpu.memory_space<vmem>>, vector<16xf32>,
        %get3A_678 = vector.shape_cast %get3A_677 : vector<16xf32> to vector<16xf32>
        %add3A_679 = vector.broadcast %squeeze3A_242 : f32 to vector<16xf32>
        %add3A_680 = arith.addf %get3A_678, %add3A_679 : vector<16xf32>
        %swap3A_681 = arith.index_cast %mul3A_675 : i32 to index
        %swap3A_682 = tpu.vector_load %arg7[%swap3A_681] {strides = array<i32>} : memref<2048xf32, #tpu.memory_space<vmem>>, vector<16xf32>,
        %swap3A_683 = vector.shape_cast %swap3A_682 : vector<16xf32> to vector<16xf32>
        %swap3A_684 = vector.shape_cast %add3A_680 : vector<16xf32> to vector<16xf32>
        tpu.vector_store %arg7[%swap3A_681], %swap3A_684 {strides = array<i32>} : memref<2048xf32, #tpu.memory_space<vmem>>, vector<16xf32>,
      }
      %scan3A_248 = arith.constant 8 : i32
      %dma_start3A_249 = arith.constant 8 : i32
      %dma_start3A_250 = arith.constant 0 : i32
      %dma_start3A_251 = tpu.memref_slice %arg4[%add3A_229, %dma_start3A_249, %dma_start3A_250] : memref<2048x16x2048xf32, #tpu.memory_space<hbm>> -> memref<1x1x2048xf32, #tpu.memory_space<hbm>>
      %dma_start3A_252 = tpu.memref_squeeze %dma_start3A_251 : memref<1x1x2048xf32, #tpu.memory_space<hbm>> -> memref<2048xf32, #tpu.memory_space<hbm>>
      %dma_start3A_253 = arith.constant 0 : i32
      %dma_start3A_254 = tpu.memref_slice %arg4[%add3A_229, %dma_start3A_249, %dma_start3A_253] : memref<2048x16x2048xf32, #tpu.memory_space<hbm>> -> memref<1x1x2048xf32, #tpu.memory_space<hbm>>
      %dma_start3A_255 = tpu.memref_squeeze %dma_start3A_254 : memref<1x1x2048xf32, #tpu.memory_space<hbm>> -> memref<2048xf32, #tpu.memory_space<hbm>>
      tpu.enqueue_dma source(%arg7 : memref<2048xf32, #tpu.memory_space<vmem>>) target(%dma_start3A_255 : memref<2048xf32, #tpu.memory_space<hbm>>) target_semaphore(%arg9 : memref<!tpu.dma_semaphore, #tpu.memory_space<semaphore_mem>>)
      %add3A_256 = arith.addi %mul3A_2, %scan3A_21 : i32
      %dma_wait3A_257 = arith.constant 9 : i32
      %dma_wait3A_258 = arith.constant 0 : i32
      %dma_wait3A_259 = tpu.memref_slice %arg4[%add3A_256, %dma_wait3A_257, %dma_wait3A_258] : memref<2048x16x2048xf32, #tpu.memory_space<hbm>> -> memref<1x1x2048xf32, #tpu.memory_space<hbm>>
      %dma_wait3A_260 = tpu.memref_squeeze %dma_wait3A_259 : memref<1x1x2048xf32, #tpu.memory_space<hbm>> -> memref<2048xf32, #tpu.memory_space<hbm>>
      %dma_wait3A_261 = arith.constant 0 : i32
      %dma_wait3A_262 = tpu.memref_slice %arg4[%add3A_256, %dma_wait3A_257, %dma_wait3A_261] : memref<2048x16x2048xf32, #tpu.memory_space<hbm>> -> memref<1x1x2048xf32, #tpu.memory_space<hbm>>
      %dma_wait3A_263 = tpu.memref_squeeze %dma_wait3A_262 : memref<1x1x2048xf32, #tpu.memory_space<hbm>> -> memref<2048xf32, #tpu.memory_space<hbm>>
      tpu.wait_dma2 semaphore(%arg10 : memref<!tpu.dma_semaphore, #tpu.memory_space<semaphore_mem>>) src(%arg8 : memref<2048xf32, #tpu.memory_space<vmem>>) dst(%dma_wait3A_263 : memref<2048xf32, #tpu.memory_space<hbm>>)
      %get3A_264 = arith.index_cast %scan3A_21 : i32 to index
      %get3A_265 = arith.constant 0 : index
      %get3A_266 = tpu.vector_load %arg6[%get3A_264, %get3A_265] {strides = array<i32>} : memref<64x16xf32, #tpu.memory_space<vmem>>, vector<1x16xf32>,
      %get3A_267 = vector.shape_cast %get3A_266 : vector<1x16xf32> to vector<16xf32>
      %slice3A_268 = vector.extract_strided_slice %get3A_267 {offsets = [9], sizes = [1], strides = [1]} : vector<16xf32> to vector<1xf32>
      %squeeze3A_269 = vector.extract %slice3A_268[0] : f32 from vector<1xf32>
      %scan3A_270 = arith.constant 0 : i32
      %scan3A_271 = arith.constant 0 : i32
      %scan3A_272 = arith.constant 8 : i32
      %scan3A_273 = arith.addi %scan3A_271, %scan3A_272 : i32
      %scan3A_274 = arith.constant 1 : i32
      scf.for %scan3A_445 = %scan3A_271 to %scan3A_273 step %scan3A_274  : i32 {
        %mul3A_446 = arith.constant 16 : i32
        %mul3A_447 = arith.muli %scan3A_445, %mul3A_446 : i32
        %add3A_448 = arith.constant 0 : i32
        %add3A_449 = arith.addi %mul3A_447, %add3A_448 : i32
        %mul3A_450 = arith.constant 16 : i32
        %mul3A_451 = arith.muli %add3A_449, %mul3A_450 : i32
        %get3A_452 = arith.index_cast %mul3A_451 : i32 to index
        %get3A_453 = tpu.vector_load %arg5[%get3A_452] {strides = array<i32>} : memref<2048xf32, #tpu.memory_space<vmem>>, vector<16xf32>,
        %get3A_454 = vector.shape_cast %get3A_453 : vector<16xf32> to vector<16xf32>
        %add3A_455 = vector.broadcast %squeeze3A_269 : f32 to vector<16xf32>
        %add3A_456 = arith.addf %get3A_454, %add3A_455 : vector<16xf32>
        %swap3A = arith.index_cast %mul3A_451 : i32 to index
        %swap3A_457 = tpu.vector_load %arg8[%swap3A] {strides = array<i32>} : memref<2048xf32, #tpu.memory_space<vmem>>, vector<16xf32>,
        %swap3A_458 = vector.shape_cast %swap3A_457 : vector<16xf32> to vector<16xf32>
        %swap3A_459 = vector.shape_cast %add3A_456 : vector<16xf32> to vector<16xf32>
        tpu.vector_store %arg8[%swap3A], %swap3A_459 {strides = array<i32>} : memref<2048xf32, #tpu.memory_space<vmem>>, vector<16xf32>,
        %mul3A_460 = arith.constant 16 : i32
        %mul3A_461 = arith.muli %scan3A_445, %mul3A_460 : i32
        %add3A_462 = arith.constant 1 : i32
        %add3A_463 = arith.addi %mul3A_461, %add3A_462 : i32
        %mul3A_464 = arith.constant 16 : i32
        %mul3A_465 = arith.muli %add3A_463, %mul3A_464 : i32
        %get3A_466 = arith.index_cast %mul3A_465 : i32 to index
        %get3A_467 = tpu.vector_load %arg5[%get3A_466] {strides = array<i32>} : memref<2048xf32, #tpu.memory_space<vmem>>, vector<16xf32>,
        %get3A_468 = vector.shape_cast %get3A_467 : vector<16xf32> to vector<16xf32>
        %add3A_469 = vector.broadcast %squeeze3A_269 : f32 to vector<16xf32>
        %add3A_470 = arith.addf %get3A_468, %add3A_469 : vector<16xf32>
        %swap3A_471 = arith.index_cast %mul3A_465 : i32 to index
        %swap3A_472 = tpu.vector_load %arg8[%swap3A_471] {strides = array<i32>} : memref<2048xf32, #tpu.memory_space<vmem>>, vector<16xf32>,
        %swap3A_473 = vector.shape_cast %swap3A_472 : vector<16xf32> to vector<16xf32>
        %swap3A_474 = vector.shape_cast %add3A_470 : vector<16xf32> to vector<16xf32>
        tpu.vector_store %arg8[%swap3A_471], %swap3A_474 {strides = array<i32>} : memref<2048xf32, #tpu.memory_space<vmem>>, vector<16xf32>,
        %mul3A_475 = arith.constant 16 : i32
        %mul3A_476 = arith.muli %scan3A_445, %mul3A_475 : i32
        %add3A_477 = arith.constant 2 : i32
        %add3A_478 = arith.addi %mul3A_476, %add3A_477 : i32
        %mul3A_479 = arith.constant 16 : i32
        %mul3A_480 = arith.muli %add3A_478, %mul3A_479 : i32
        %get3A_481 = arith.index_cast %mul3A_480 : i32 to index
        %get3A_482 = tpu.vector_load %arg5[%get3A_481] {strides = array<i32>} : memref<2048xf32, #tpu.memory_space<vmem>>, vector<16xf32>,
        %get3A_483 = vector.shape_cast %get3A_482 : vector<16xf32> to vector<16xf32>
        %add3A_484 = vector.broadcast %squeeze3A_269 : f32 to vector<16xf32>
        %add3A_485 = arith.addf %get3A_483, %add3A_484 : vector<16xf32>
        %swap3A_486 = arith.index_cast %mul3A_480 : i32 to index
        %swap3A_487 = tpu.vector_load %arg8[%swap3A_486] {strides = array<i32>} : memref<2048xf32, #tpu.memory_space<vmem>>, vector<16xf32>,
        %swap3A_488 = vector.shape_cast %swap3A_487 : vector<16xf32> to vector<16xf32>
        %swap3A_489 = vector.shape_cast %add3A_485 : vector<16xf32> to vector<16xf32>
        tpu.vector_store %arg8[%swap3A_486], %swap3A_489 {strides = array<i32>} : memref<2048xf32, #tpu.memory_space<vmem>>, vector<16xf32>,
        %mul3A_490 = arith.constant 16 : i32
        %mul3A_491 = arith.muli %scan3A_445, %mul3A_490 : i32
        %add3A_492 = arith.constant 3 : i32
        %add3A_493 = arith.addi %mul3A_491, %add3A_492 : i32
        %mul3A_494 = arith.constant 16 : i32
        %mul3A_495 = arith.muli %add3A_493, %mul3A_494 : i32
        %get3A_496 = arith.index_cast %mul3A_495 : i32 to index
        %get3A_497 = tpu.vector_load %arg5[%get3A_496] {strides = array<i32>} : memref<2048xf32, #tpu.memory_space<vmem>>, vector<16xf32>,
        %get3A_498 = vector.shape_cast %get3A_497 : vector<16xf32> to vector<16xf32>
        %add3A_499 = vector.broadcast %squeeze3A_269 : f32 to vector<16xf32>
        %add3A_500 = arith.addf %get3A_498, %add3A_499 : vector<16xf32>
        %swap3A_501 = arith.index_cast %mul3A_495 : i32 to index
        %swap3A_502 = tpu.vector_load %arg8[%swap3A_501] {strides = array<i32>} : memref<2048xf32, #tpu.memory_space<vmem>>, vector<16xf32>,
        %swap3A_503 = vector.shape_cast %swap3A_502 : vector<16xf32> to vector<16xf32>
        %swap3A_504 = vector.shape_cast %add3A_500 : vector<16xf32> to vector<16xf32>
        tpu.vector_store %arg8[%swap3A_501], %swap3A_504 {strides = array<i32>} : memref<2048xf32, #tpu.memory_space<vmem>>, vector<16xf32>,
        %mul3A_505 = arith.constant 16 : i32
        %mul3A_506 = arith.muli %scan3A_445, %mul3A_505 : i32
        %add3A_507 = arith.constant 4 : i32
        %add3A_508 = arith.addi %mul3A_506, %add3A_507 : i32
        %mul3A_509 = arith.constant 16 : i32
        %mul3A_510 = arith.muli %add3A_508, %mul3A_509 : i32
        %get3A_511 = arith.index_cast %mul3A_510 : i32 to index
        %get3A_512 = tpu.vector_load %arg5[%get3A_511] {strides = array<i32>} : memref<2048xf32, #tpu.memory_space<vmem>>, vector<16xf32>,
        %get3A_513 = vector.shape_cast %get3A_512 : vector<16xf32> to vector<16xf32>
        %add3A_514 = vector.broadcast %squeeze3A_269 : f32 to vector<16xf32>
        %add3A_515 = arith.addf %get3A_513, %add3A_514 : vector<16xf32>
        %swap3A_516 = arith.index_cast %mul3A_510 : i32 to index
        %swap3A_517 = tpu.vector_load %arg8[%swap3A_516] {strides = array<i32>} : memref<2048xf32, #tpu.memory_space<vmem>>, vector<16xf32>,
        %swap3A_518 = vector.shape_cast %swap3A_517 : vector<16xf32> to vector<16xf32>
        %swap3A_519 = vector.shape_cast %add3A_515 : vector<16xf32> to vector<16xf32>
        tpu.vector_store %arg8[%swap3A_516], %swap3A_519 {strides = array<i32>} : memref<2048xf32, #tpu.memory_space<vmem>>, vector<16xf32>,
        %mul3A_520 = arith.constant 16 : i32
        %mul3A_521 = arith.muli %scan3A_445, %mul3A_520 : i32
        %add3A_522 = arith.constant 5 : i32
        %add3A_523 = arith.addi %mul3A_521, %add3A_522 : i32
        %mul3A_524 = arith.constant 16 : i32
        %mul3A_525 = arith.muli %add3A_523, %mul3A_524 : i32
        %get3A_526 = arith.index_cast %mul3A_525 : i32 to index
        %get3A_527 = tpu.vector_load %arg5[%get3A_526] {strides = array<i32>} : memref<2048xf32, #tpu.memory_space<vmem>>, vector<16xf32>,
        %get3A_528 = vector.shape_cast %get3A_527 : vector<16xf32> to vector<16xf32>
        %add3A_529 = vector.broadcast %squeeze3A_269 : f32 to vector<16xf32>
        %add3A_530 = arith.addf %get3A_528, %add3A_529 : vector<16xf32>
        %swap3A_531 = arith.index_cast %mul3A_525 : i32 to index
        %swap3A_532 = tpu.vector_load %arg8[%swap3A_531] {strides = array<i32>} : memref<2048xf32, #tpu.memory_space<vmem>>, vector<16xf32>,
        %swap3A_533 = vector.shape_cast %swap3A_532 : vector<16xf32> to vector<16xf32>
        %swap3A_534 = vector.shape_cast %add3A_530 : vector<16xf32> to vector<16xf32>
        tpu.vector_store %arg8[%swap3A_531], %swap3A_534 {strides = array<i32>} : memref<2048xf32, #tpu.memory_space<vmem>>, vector<16xf32>,
        %mul3A_535 = arith.constant 16 : i32
        %mul3A_536 = arith.muli %scan3A_445, %mul3A_535 : i32
        %add3A_537 = arith.constant 6 : i32
        %add3A_538 = arith.addi %mul3A_536, %add3A_537 : i32
        %mul3A_539 = arith.constant 16 : i32
        %mul3A_540 = arith.muli %add3A_538, %mul3A_539 : i32
        %get3A_541 = arith.index_cast %mul3A_540 : i32 to index
        %get3A_542 = tpu.vector_load %arg5[%get3A_541] {strides = array<i32>} : memref<2048xf32, #tpu.memory_space<vmem>>, vector<16xf32>,
        %get3A_543 = vector.shape_cast %get3A_542 : vector<16xf32> to vector<16xf32>
        %add3A_544 = vector.broadcast %squeeze3A_269 : f32 to vector<16xf32>
        %add3A_545 = arith.addf %get3A_543, %add3A_544 : vector<16xf32>
        %swap3A_546 = arith.index_cast %mul3A_540 : i32 to index
        %swap3A_547 = tpu.vector_load %arg8[%swap3A_546] {strides = array<i32>} : memref<2048xf32, #tpu.memory_space<vmem>>, vector<16xf32>,
        %swap3A_548 = vector.shape_cast %swap3A_547 : vector<16xf32> to vector<16xf32>
        %swap3A_549 = vector.shape_cast %add3A_545 : vector<16xf32> to vector<16xf32>
        tpu.vector_store %arg8[%swap3A_546], %swap3A_549 {strides = array<i32>} : memref<2048xf32, #tpu.memory_space<vmem>>, vector<16xf32>,
        %mul3A_550 = arith.constant 16 : i32
        %mul3A_551 = arith.muli %scan3A_445, %mul3A_550 : i32
        %add3A_552 = arith.constant 7 : i32
        %add3A_553 = arith.addi %mul3A_551, %add3A_552 : i32
        %mul3A_554 = arith.constant 16 : i32
        %mul3A_555 = arith.muli %add3A_553, %mul3A_554 : i32
        %get3A_556 = arith.index_cast %mul3A_555 : i32 to index
        %get3A_557 = tpu.vector_load %arg5[%get3A_556] {strides = array<i32>} : memref<2048xf32, #tpu.memory_space<vmem>>, vector<16xf32>,
        %get3A_558 = vector.shape_cast %get3A_557 : vector<16xf32> to vector<16xf32>
        %add3A_559 = vector.broadcast %squeeze3A_269 : f32 to vector<16xf32>
        %add3A_560 = arith.addf %get3A_558, %add3A_559 : vector<16xf32>
        %swap3A_561 = arith.index_cast %mul3A_555 : i32 to index
        %swap3A_562 = tpu.vector_load %arg8[%swap3A_561] {strides = array<i32>} : memref<2048xf32, #tpu.memory_space<vmem>>, vector<16xf32>,
        %swap3A_563 = vector.shape_cast %swap3A_562 : vector<16xf32> to vector<16xf32>
        %swap3A_564 = vector.shape_cast %add3A_560 : vector<16xf32> to vector<16xf32>
        tpu.vector_store %arg8[%swap3A_561], %swap3A_564 {strides = array<i32>} : memref<2048xf32, #tpu.memory_space<vmem>>, vector<16xf32>,
        %mul3A_565 = arith.constant 16 : i32
        %mul3A_566 = arith.muli %scan3A_445, %mul3A_565 : i32
        %add3A_567 = arith.constant 8 : i32
        %add3A_568 = arith.addi %mul3A_566, %add3A_567 : i32
        %mul3A_569 = arith.constant 16 : i32
        %mul3A_570 = arith.muli %add3A_568, %mul3A_569 : i32
        %get3A_571 = arith.index_cast %mul3A_570 : i32 to index
        %get3A_572 = tpu.vector_load %arg5[%get3A_571] {strides = array<i32>} : memref<2048xf32, #tpu.memory_space<vmem>>, vector<16xf32>,
        %get3A_573 = vector.shape_cast %get3A_572 : vector<16xf32> to vector<16xf32>
        %add3A_574 = vector.broadcast %squeeze3A_269 : f32 to vector<16xf32>
        %add3A_575 = arith.addf %get3A_573, %add3A_574 : vector<16xf32>
        %swap3A_576 = arith.index_cast %mul3A_570 : i32 to index
        %swap3A_577 = tpu.vector_load %arg8[%swap3A_576] {strides = array<i32>} : memref<2048xf32, #tpu.memory_space<vmem>>, vector<16xf32>,
        %swap3A_578 = vector.shape_cast %swap3A_577 : vector<16xf32> to vector<16xf32>
        %swap3A_579 = vector.shape_cast %add3A_575 : vector<16xf32> to vector<16xf32>
        tpu.vector_store %arg8[%swap3A_576], %swap3A_579 {strides = array<i32>} : memref<2048xf32, #tpu.memory_space<vmem>>, vector<16xf32>,
        %mul3A_580 = arith.constant 16 : i32
        %mul3A_581 = arith.muli %scan3A_445, %mul3A_580 : i32
        %add3A_582 = arith.constant 9 : i32
        %add3A_583 = arith.addi %mul3A_581, %add3A_582 : i32
        %mul3A_584 = arith.constant 16 : i32
        %mul3A_585 = arith.muli %add3A_583, %mul3A_584 : i32
        %get3A_586 = arith.index_cast %mul3A_585 : i32 to index
        %get3A_587 = tpu.vector_load %arg5[%get3A_586] {strides = array<i32>} : memref<2048xf32, #tpu.memory_space<vmem>>, vector<16xf32>,
        %get3A_588 = vector.shape_cast %get3A_587 : vector<16xf32> to vector<16xf32>
        %add3A_589 = vector.broadcast %squeeze3A_269 : f32 to vector<16xf32>
        %add3A_590 = arith.addf %get3A_588, %add3A_589 : vector<16xf32>
        %swap3A_591 = arith.index_cast %mul3A_585 : i32 to index
        %swap3A_592 = tpu.vector_load %arg8[%swap3A_591] {strides = array<i32>} : memref<2048xf32, #tpu.memory_space<vmem>>, vector<16xf32>,
        %swap3A_593 = vector.shape_cast %swap3A_592 : vector<16xf32> to vector<16xf32>
        %swap3A_594 = vector.shape_cast %add3A_590 : vector<16xf32> to vector<16xf32>
        tpu.vector_store %arg8[%swap3A_591], %swap3A_594 {strides = array<i32>} : memref<2048xf32, #tpu.memory_space<vmem>>, vector<16xf32>,
        %mul3A_595 = arith.constant 16 : i32
        %mul3A_596 = arith.muli %scan3A_445, %mul3A_595 : i32
        %add3A_597 = arith.constant 10 : i32
        %add3A_598 = arith.addi %mul3A_596, %add3A_597 : i32
        %mul3A_599 = arith.constant 16 : i32
        %mul3A_600 = arith.muli %add3A_598, %mul3A_599 : i32
        %get3A_601 = arith.index_cast %mul3A_600 : i32 to index
        %get3A_602 = tpu.vector_load %arg5[%get3A_601] {strides = array<i32>} : memref<2048xf32, #tpu.memory_space<vmem>>, vector<16xf32>,
        %get3A_603 = vector.shape_cast %get3A_602 : vector<16xf32> to vector<16xf32>
        %add3A_604 = vector.broadcast %squeeze3A_269 : f32 to vector<16xf32>
        %add3A_605 = arith.addf %get3A_603, %add3A_604 : vector<16xf32>
        %swap3A_606 = arith.index_cast %mul3A_600 : i32 to index
        %swap3A_607 = tpu.vector_load %arg8[%swap3A_606] {strides = array<i32>} : memref<2048xf32, #tpu.memory_space<vmem>>, vector<16xf32>,
        %swap3A_608 = vector.shape_cast %swap3A_607 : vector<16xf32> to vector<16xf32>
        %swap3A_609 = vector.shape_cast %add3A_605 : vector<16xf32> to vector<16xf32>
        tpu.vector_store %arg8[%swap3A_606], %swap3A_609 {strides = array<i32>} : memref<2048xf32, #tpu.memory_space<vmem>>, vector<16xf32>,
        %mul3A_610 = arith.constant 16 : i32
        %mul3A_611 = arith.muli %scan3A_445, %mul3A_610 : i32
        %add3A_612 = arith.constant 11 : i32
        %add3A_613 = arith.addi %mul3A_611, %add3A_612 : i32
        %mul3A_614 = arith.constant 16 : i32
        %mul3A_615 = arith.muli %add3A_613, %mul3A_614 : i32
        %get3A_616 = arith.index_cast %mul3A_615 : i32 to index
        %get3A_617 = tpu.vector_load %arg5[%get3A_616] {strides = array<i32>} : memref<2048xf32, #tpu.memory_space<vmem>>, vector<16xf32>,
        %get3A_618 = vector.shape_cast %get3A_617 : vector<16xf32> to vector<16xf32>
        %add3A_619 = vector.broadcast %squeeze3A_269 : f32 to vector<16xf32>
        %add3A_620 = arith.addf %get3A_618, %add3A_619 : vector<16xf32>
        %swap3A_621 = arith.index_cast %mul3A_615 : i32 to index
        %swap3A_622 = tpu.vector_load %arg8[%swap3A_621] {strides = array<i32>} : memref<2048xf32, #tpu.memory_space<vmem>>, vector<16xf32>,
        %swap3A_623 = vector.shape_cast %swap3A_622 : vector<16xf32> to vector<16xf32>
        %swap3A_624 = vector.shape_cast %add3A_620 : vector<16xf32> to vector<16xf32>
        tpu.vector_store %arg8[%swap3A_621], %swap3A_624 {strides = array<i32>} : memref<2048xf32, #tpu.memory_space<vmem>>, vector<16xf32>,
        %mul3A_625 = arith.constant 16 : i32
        %mul3A_626 = arith.muli %scan3A_445, %mul3A_625 : i32
        %add3A_627 = arith.constant 12 : i32
        %add3A_628 = arith.addi %mul3A_626, %add3A_627 : i32
        %mul3A_629 = arith.constant 16 : i32
        %mul3A_630 = arith.muli %add3A_628, %mul3A_629 : i32
        %get3A_631 = arith.index_cast %mul3A_630 : i32 to index
        %get3A_632 = tpu.vector_load %arg5[%get3A_631] {strides = array<i32>} : memref<2048xf32, #tpu.memory_space<vmem>>, vector<16xf32>,
        %get3A_633 = vector.shape_cast %get3A_632 : vector<16xf32> to vector<16xf32>
        %add3A_634 = vector.broadcast %squeeze3A_269 : f32 to vector<16xf32>
        %add3A_635 = arith.addf %get3A_633, %add3A_634 : vector<16xf32>
        %swap3A_636 = arith.index_cast %mul3A_630 : i32 to index
        %swap3A_637 = tpu.vector_load %arg8[%swap3A_636] {strides = array<i32>} : memref<2048xf32, #tpu.memory_space<vmem>>, vector<16xf32>,
        %swap3A_638 = vector.shape_cast %swap3A_637 : vector<16xf32> to vector<16xf32>
        %swap3A_639 = vector.shape_cast %add3A_635 : vector<16xf32> to vector<16xf32>
        tpu.vector_store %arg8[%swap3A_636], %swap3A_639 {strides = array<i32>} : memref<2048xf32, #tpu.memory_space<vmem>>, vector<16xf32>,
        %mul3A_640 = arith.constant 16 : i32
        %mul3A_641 = arith.muli %scan3A_445, %mul3A_640 : i32
        %add3A_642 = arith.constant 13 : i32
        %add3A_643 = arith.addi %mul3A_641, %add3A_642 : i32
        %mul3A_644 = arith.constant 16 : i32
        %mul3A_645 = arith.muli %add3A_643, %mul3A_644 : i32
        %get3A_646 = arith.index_cast %mul3A_645 : i32 to index
        %get3A_647 = tpu.vector_load %arg5[%get3A_646] {strides = array<i32>} : memref<2048xf32, #tpu.memory_space<vmem>>, vector<16xf32>,
        %get3A_648 = vector.shape_cast %get3A_647 : vector<16xf32> to vector<16xf32>
        %add3A_649 = vector.broadcast %squeeze3A_269 : f32 to vector<16xf32>
        %add3A_650 = arith.addf %get3A_648, %add3A_649 : vector<16xf32>
        %swap3A_651 = arith.index_cast %mul3A_645 : i32 to index
        %swap3A_652 = tpu.vector_load %arg8[%swap3A_651] {strides = array<i32>} : memref<2048xf32, #tpu.memory_space<vmem>>, vector<16xf32>,
        %swap3A_653 = vector.shape_cast %swap3A_652 : vector<16xf32> to vector<16xf32>
        %swap3A_654 = vector.shape_cast %add3A_650 : vector<16xf32> to vector<16xf32>
        tpu.vector_store %arg8[%swap3A_651], %swap3A_654 {strides = array<i32>} : memref<2048xf32, #tpu.memory_space<vmem>>, vector<16xf32>,
        %mul3A_655 = arith.constant 16 : i32
        %mul3A_656 = arith.muli %scan3A_445, %mul3A_655 : i32
        %add3A_657 = arith.constant 14 : i32
        %add3A_658 = arith.addi %mul3A_656, %add3A_657 : i32
        %mul3A_659 = arith.constant 16 : i32
        %mul3A_660 = arith.muli %add3A_658, %mul3A_659 : i32
        %get3A_661 = arith.index_cast %mul3A_660 : i32 to index
        %get3A_662 = tpu.vector_load %arg5[%get3A_661] {strides = array<i32>} : memref<2048xf32, #tpu.memory_space<vmem>>, vector<16xf32>,
        %get3A_663 = vector.shape_cast %get3A_662 : vector<16xf32> to vector<16xf32>
        %add3A_664 = vector.broadcast %squeeze3A_269 : f32 to vector<16xf32>
        %add3A_665 = arith.addf %get3A_663, %add3A_664 : vector<16xf32>
        %swap3A_666 = arith.index_cast %mul3A_660 : i32 to index
        %swap3A_667 = tpu.vector_load %arg8[%swap3A_666] {strides = array<i32>} : memref<2048xf32, #tpu.memory_space<vmem>>, vector<16xf32>,
        %swap3A_668 = vector.shape_cast %swap3A_667 : vector<16xf32> to vector<16xf32>
        %swap3A_669 = vector.shape_cast %add3A_665 : vector<16xf32> to vector<16xf32>
        tpu.vector_store %arg8[%swap3A_666], %swap3A_669 {strides = array<i32>} : memref<2048xf32, #tpu.memory_space<vmem>>, vector<16xf32>,
        %mul3A_670 = arith.constant 16 : i32
        %mul3A_671 = arith.muli %scan3A_445, %mul3A_670 : i32
        %add3A_672 = arith.constant 15 : i32
        %add3A_673 = arith.addi %mul3A_671, %add3A_672 : i32
        %mul3A_674 = arith.constant 16 : i32
        %mul3A_675 = arith.muli %add3A_673, %mul3A_674 : i32
        %get3A_676 = arith.index_cast %mul3A_675 : i32 to index
        %get3A_677 = tpu.vector_load %arg5[%get3A_676] {strides = array<i32>} : memref<2048xf32, #tpu.memory_space<vmem>>, vector<16xf32>,
        %get3A_678 = vector.shape_cast %get3A_677 : vector<16xf32> to vector<16xf32>
        %add3A_679 = vector.broadcast %squeeze3A_269 : f32 to vector<16xf32>
        %add3A_680 = arith.addf %get3A_678, %add3A_679 : vector<16xf32>
        %swap3A_681 = arith.index_cast %mul3A_675 : i32 to index
        %swap3A_682 = tpu.vector_load %arg8[%swap3A_681] {strides = array<i32>} : memref<2048xf32, #tpu.memory_space<vmem>>, vector<16xf32>,
        %swap3A_683 = vector.shape_cast %swap3A_682 : vector<16xf32> to vector<16xf32>
        %swap3A_684 = vector.shape_cast %add3A_680 : vector<16xf32> to vector<16xf32>
        tpu.vector_store %arg8[%swap3A_681], %swap3A_684 {strides = array<i32>} : memref<2048xf32, #tpu.memory_space<vmem>>, vector<16xf32>,
      }
      %scan3A_275 = arith.constant 8 : i32
      %dma_start3A_276 = arith.constant 9 : i32
      %dma_start3A_277 = arith.constant 0 : i32
      %dma_start3A_278 = tpu.memref_slice %arg4[%add3A_256, %dma_start3A_276, %dma_start3A_277] : memref<2048x16x2048xf32, #tpu.memory_space<hbm>> -> memref<1x1x2048xf32, #tpu.memory_space<hbm>>
      %dma_start3A_279 = tpu.memref_squeeze %dma_start3A_278 : memref<1x1x2048xf32, #tpu.memory_space<hbm>> -> memref<2048xf32, #tpu.memory_space<hbm>>
      %dma_start3A_280 = arith.constant 0 : i32
      %dma_start3A_281 = tpu.memref_slice %arg4[%add3A_256, %dma_start3A_276, %dma_start3A_280] : memref<2048x16x2048xf32, #tpu.memory_space<hbm>> -> memref<1x1x2048xf32, #tpu.memory_space<hbm>>
      %dma_start3A_282 = tpu.memref_squeeze %dma_start3A_281 : memref<1x1x2048xf32, #tpu.memory_space<hbm>> -> memref<2048xf32, #tpu.memory_space<hbm>>
      tpu.enqueue_dma source(%arg8 : memref<2048xf32, #tpu.memory_space<vmem>>) target(%dma_start3A_282 : memref<2048xf32, #tpu.memory_space<hbm>>) target_semaphore(%arg10 : memref<!tpu.dma_semaphore, #tpu.memory_space<semaphore_mem>>)
      %add3A_283 = arith.addi %mul3A_2, %scan3A_21 : i32
      %dma_wait3A_284 = arith.constant 10 : i32
      %dma_wait3A_285 = arith.constant 0 : i32
      %dma_wait3A_286 = tpu.memref_slice %arg4[%add3A_283, %dma_wait3A_284, %dma_wait3A_285] : memref<2048x16x2048xf32, #tpu.memory_space<hbm>> -> memref<1x1x2048xf32, #tpu.memory_space<hbm>>
      %dma_wait3A_287 = tpu.memref_squeeze %dma_wait3A_286 : memref<1x1x2048xf32, #tpu.memory_space<hbm>> -> memref<2048xf32, #tpu.memory_space<hbm>>
      %dma_wait3A_288 = arith.constant 0 : i32
      %dma_wait3A_289 = tpu.memref_slice %arg4[%add3A_283, %dma_wait3A_284, %dma_wait3A_288] : memref<2048x16x2048xf32, #tpu.memory_space<hbm>> -> memref<1x1x2048xf32, #tpu.memory_space<hbm>>
      %dma_wait3A_290 = tpu.memref_squeeze %dma_wait3A_289 : memref<1x1x2048xf32, #tpu.memory_space<hbm>> -> memref<2048xf32, #tpu.memory_space<hbm>>
      tpu.wait_dma2 semaphore(%arg9 : memref<!tpu.dma_semaphore, #tpu.memory_space<semaphore_mem>>) src(%arg7 : memref<2048xf32, #tpu.memory_space<vmem>>) dst(%dma_wait3A_290 : memref<2048xf32, #tpu.memory_space<hbm>>)
      %get3A_291 = arith.index_cast %scan3A_21 : i32 to index
      %get3A_292 = arith.constant 0 : index
      %get3A_293 = tpu.vector_load %arg6[%get3A_291, %get3A_292] {strides = array<i32>} : memref<64x16xf32, #tpu.memory_space<vmem>>, vector<1x16xf32>,
      %get3A_294 = vector.shape_cast %get3A_293 : vector<1x16xf32> to vector<16xf32>
      %slice3A_295 = vector.extract_strided_slice %get3A_294 {offsets = [10], sizes = [1], strides = [1]} : vector<16xf32> to vector<1xf32>
      %squeeze3A_296 = vector.extract %slice3A_295[0] : f32 from vector<1xf32>
      %scan3A_297 = arith.constant 0 : i32
      %scan3A_298 = arith.constant 0 : i32
      %scan3A_299 = arith.constant 8 : i32
      %scan3A_300 = arith.addi %scan3A_298, %scan3A_299 : i32
      %scan3A_301 = arith.constant 1 : i32
      scf.for %scan3A_445 = %scan3A_298 to %scan3A_300 step %scan3A_301  : i32 {
        %mul3A_446 = arith.constant 16 : i32
        %mul3A_447 = arith.muli %scan3A_445, %mul3A_446 : i32
        %add3A_448 = arith.constant 0 : i32
        %add3A_449 = arith.addi %mul3A_447, %add3A_448 : i32
        %mul3A_450 = arith.constant 16 : i32
        %mul3A_451 = arith.muli %add3A_449, %mul3A_450 : i32
        %get3A_452 = arith.index_cast %mul3A_451 : i32 to index
        %get3A_453 = tpu.vector_load %arg5[%get3A_452] {strides = array<i32>} : memref<2048xf32, #tpu.memory_space<vmem>>, vector<16xf32>,
        %get3A_454 = vector.shape_cast %get3A_453 : vector<16xf32> to vector<16xf32>
        %add3A_455 = vector.broadcast %squeeze3A_296 : f32 to vector<16xf32>
        %add3A_456 = arith.addf %get3A_454, %add3A_455 : vector<16xf32>
        %swap3A = arith.index_cast %mul3A_451 : i32 to index
        %swap3A_457 = tpu.vector_load %arg7[%swap3A] {strides = array<i32>} : memref<2048xf32, #tpu.memory_space<vmem>>, vector<16xf32>,
        %swap3A_458 = vector.shape_cast %swap3A_457 : vector<16xf32> to vector<16xf32>
        %swap3A_459 = vector.shape_cast %add3A_456 : vector<16xf32> to vector<16xf32>
        tpu.vector_store %arg7[%swap3A], %swap3A_459 {strides = array<i32>} : memref<2048xf32, #tpu.memory_space<vmem>>, vector<16xf32>,
        %mul3A_460 = arith.constant 16 : i32
        %mul3A_461 = arith.muli %scan3A_445, %mul3A_460 : i32
        %add3A_462 = arith.constant 1 : i32
        %add3A_463 = arith.addi %mul3A_461, %add3A_462 : i32
        %mul3A_464 = arith.constant 16 : i32
        %mul3A_465 = arith.muli %add3A_463, %mul3A_464 : i32
        %get3A_466 = arith.index_cast %mul3A_465 : i32 to index
        %get3A_467 = tpu.vector_load %arg5[%get3A_466] {strides = array<i32>} : memref<2048xf32, #tpu.memory_space<vmem>>, vector<16xf32>,
        %get3A_468 = vector.shape_cast %get3A_467 : vector<16xf32> to vector<16xf32>
        %add3A_469 = vector.broadcast %squeeze3A_296 : f32 to vector<16xf32>
        %add3A_470 = arith.addf %get3A_468, %add3A_469 : vector<16xf32>
        %swap3A_471 = arith.index_cast %mul3A_465 : i32 to index
        %swap3A_472 = tpu.vector_load %arg7[%swap3A_471] {strides = array<i32>} : memref<2048xf32, #tpu.memory_space<vmem>>, vector<16xf32>,
        %swap3A_473 = vector.shape_cast %swap3A_472 : vector<16xf32> to vector<16xf32>
        %swap3A_474 = vector.shape_cast %add3A_470 : vector<16xf32> to vector<16xf32>
        tpu.vector_store %arg7[%swap3A_471], %swap3A_474 {strides = array<i32>} : memref<2048xf32, #tpu.memory_space<vmem>>, vector<16xf32>,
        %mul3A_475 = arith.constant 16 : i32
        %mul3A_476 = arith.muli %scan3A_445, %mul3A_475 : i32
        %add3A_477 = arith.constant 2 : i32
        %add3A_478 = arith.addi %mul3A_476, %add3A_477 : i32
        %mul3A_479 = arith.constant 16 : i32
        %mul3A_480 = arith.muli %add3A_478, %mul3A_479 : i32
        %get3A_481 = arith.index_cast %mul3A_480 : i32 to index
        %get3A_482 = tpu.vector_load %arg5[%get3A_481] {strides = array<i32>} : memref<2048xf32, #tpu.memory_space<vmem>>, vector<16xf32>,
        %get3A_483 = vector.shape_cast %get3A_482 : vector<16xf32> to vector<16xf32>
        %add3A_484 = vector.broadcast %squeeze3A_296 : f32 to vector<16xf32>
        %add3A_485 = arith.addf %get3A_483, %add3A_484 : vector<16xf32>
        %swap3A_486 = arith.index_cast %mul3A_480 : i32 to index
        %swap3A_487 = tpu.vector_load %arg7[%swap3A_486] {strides = array<i32>} : memref<2048xf32, #tpu.memory_space<vmem>>, vector<16xf32>,
        %swap3A_488 = vector.shape_cast %swap3A_487 : vector<16xf32> to vector<16xf32>
        %swap3A_489 = vector.shape_cast %add3A_485 : vector<16xf32> to vector<16xf32>
        tpu.vector_store %arg7[%swap3A_486], %swap3A_489 {strides = array<i32>} : memref<2048xf32, #tpu.memory_space<vmem>>, vector<16xf32>,
        %mul3A_490 = arith.constant 16 : i32
        %mul3A_491 = arith.muli %scan3A_445, %mul3A_490 : i32
        %add3A_492 = arith.constant 3 : i32
        %add3A_493 = arith.addi %mul3A_491, %add3A_492 : i32
        %mul3A_494 = arith.constant 16 : i32
        %mul3A_495 = arith.muli %add3A_493, %mul3A_494 : i32
        %get3A_496 = arith.index_cast %mul3A_495 : i32 to index
        %get3A_497 = tpu.vector_load %arg5[%get3A_496] {strides = array<i32>} : memref<2048xf32, #tpu.memory_space<vmem>>, vector<16xf32>,
        %get3A_498 = vector.shape_cast %get3A_497 : vector<16xf32> to vector<16xf32>
        %add3A_499 = vector.broadcast %squeeze3A_296 : f32 to vector<16xf32>
        %add3A_500 = arith.addf %get3A_498, %add3A_499 : vector<16xf32>
        %swap3A_501 = arith.index_cast %mul3A_495 : i32 to index
        %swap3A_502 = tpu.vector_load %arg7[%swap3A_501] {strides = array<i32>} : memref<2048xf32, #tpu.memory_space<vmem>>, vector<16xf32>,
        %swap3A_503 = vector.shape_cast %swap3A_502 : vector<16xf32> to vector<16xf32>
        %swap3A_504 = vector.shape_cast %add3A_500 : vector<16xf32> to vector<16xf32>
        tpu.vector_store %arg7[%swap3A_501], %swap3A_504 {strides = array<i32>} : memref<2048xf32, #tpu.memory_space<vmem>>, vector<16xf32>,
        %mul3A_505 = arith.constant 16 : i32
        %mul3A_506 = arith.muli %scan3A_445, %mul3A_505 : i32
        %add3A_507 = arith.constant 4 : i32
        %add3A_508 = arith.addi %mul3A_506, %add3A_507 : i32
        %mul3A_509 = arith.constant 16 : i32
        %mul3A_510 = arith.muli %add3A_508, %mul3A_509 : i32
        %get3A_511 = arith.index_cast %mul3A_510 : i32 to index
        %get3A_512 = tpu.vector_load %arg5[%get3A_511] {strides = array<i32>} : memref<2048xf32, #tpu.memory_space<vmem>>, vector<16xf32>,
        %get3A_513 = vector.shape_cast %get3A_512 : vector<16xf32> to vector<16xf32>
        %add3A_514 = vector.broadcast %squeeze3A_296 : f32 to vector<16xf32>
        %add3A_515 = arith.addf %get3A_513, %add3A_514 : vector<16xf32>
        %swap3A_516 = arith.index_cast %mul3A_510 : i32 to index
        %swap3A_517 = tpu.vector_load %arg7[%swap3A_516] {strides = array<i32>} : memref<2048xf32, #tpu.memory_space<vmem>>, vector<16xf32>,
        %swap3A_518 = vector.shape_cast %swap3A_517 : vector<16xf32> to vector<16xf32>
        %swap3A_519 = vector.shape_cast %add3A_515 : vector<16xf32> to vector<16xf32>
        tpu.vector_store %arg7[%swap3A_516], %swap3A_519 {strides = array<i32>} : memref<2048xf32, #tpu.memory_space<vmem>>, vector<16xf32>,
        %mul3A_520 = arith.constant 16 : i32
        %mul3A_521 = arith.muli %scan3A_445, %mul3A_520 : i32
        %add3A_522 = arith.constant 5 : i32
        %add3A_523 = arith.addi %mul3A_521, %add3A_522 : i32
        %mul3A_524 = arith.constant 16 : i32
        %mul3A_525 = arith.muli %add3A_523, %mul3A_524 : i32
        %get3A_526 = arith.index_cast %mul3A_525 : i32 to index
        %get3A_527 = tpu.vector_load %arg5[%get3A_526] {strides = array<i32>} : memref<2048xf32, #tpu.memory_space<vmem>>, vector<16xf32>,
        %get3A_528 = vector.shape_cast %get3A_527 : vector<16xf32> to vector<16xf32>
        %add3A_529 = vector.broadcast %squeeze3A_296 : f32 to vector<16xf32>
        %add3A_530 = arith.addf %get3A_528, %add3A_529 : vector<16xf32>
        %swap3A_531 = arith.index_cast %mul3A_525 : i32 to index
        %swap3A_532 = tpu.vector_load %arg7[%swap3A_531] {strides = array<i32>} : memref<2048xf32, #tpu.memory_space<vmem>>, vector<16xf32>,
        %swap3A_533 = vector.shape_cast %swap3A_532 : vector<16xf32> to vector<16xf32>
        %swap3A_534 = vector.shape_cast %add3A_530 : vector<16xf32> to vector<16xf32>
        tpu.vector_store %arg7[%swap3A_531], %swap3A_534 {strides = array<i32>} : memref<2048xf32, #tpu.memory_space<vmem>>, vector<16xf32>,
        %mul3A_535 = arith.constant 16 : i32
        %mul3A_536 = arith.muli %scan3A_445, %mul3A_535 : i32
        %add3A_537 = arith.constant 6 : i32
        %add3A_538 = arith.addi %mul3A_536, %add3A_537 : i32
        %mul3A_539 = arith.constant 16 : i32
        %mul3A_540 = arith.muli %add3A_538, %mul3A_539 : i32
        %get3A_541 = arith.index_cast %mul3A_540 : i32 to index
        %get3A_542 = tpu.vector_load %arg5[%get3A_541] {strides = array<i32>} : memref<2048xf32, #tpu.memory_space<vmem>>, vector<16xf32>,
        %get3A_543 = vector.shape_cast %get3A_542 : vector<16xf32> to vector<16xf32>
        %add3A_544 = vector.broadcast %squeeze3A_296 : f32 to vector<16xf32>
        %add3A_545 = arith.addf %get3A_543, %add3A_544 : vector<16xf32>
        %swap3A_546 = arith.index_cast %mul3A_540 : i32 to index
        %swap3A_547 = tpu.vector_load %arg7[%swap3A_546] {strides = array<i32>} : memref<2048xf32, #tpu.memory_space<vmem>>, vector<16xf32>,
        %swap3A_548 = vector.shape_cast %swap3A_547 : vector<16xf32> to vector<16xf32>
        %swap3A_549 = vector.shape_cast %add3A_545 : vector<16xf32> to vector<16xf32>
        tpu.vector_store %arg7[%swap3A_546], %swap3A_549 {strides = array<i32>} : memref<2048xf32, #tpu.memory_space<vmem>>, vector<16xf32>,
        %mul3A_550 = arith.constant 16 : i32
        %mul3A_551 = arith.muli %scan3A_445, %mul3A_550 : i32
        %add3A_552 = arith.constant 7 : i32
        %add3A_553 = arith.addi %mul3A_551, %add3A_552 : i32
        %mul3A_554 = arith.constant 16 : i32
        %mul3A_555 = arith.muli %add3A_553, %mul3A_554 : i32
        %get3A_556 = arith.index_cast %mul3A_555 : i32 to index
        %get3A_557 = tpu.vector_load %arg5[%get3A_556] {strides = array<i32>} : memref<2048xf32, #tpu.memory_space<vmem>>, vector<16xf32>,
        %get3A_558 = vector.shape_cast %get3A_557 : vector<16xf32> to vector<16xf32>
        %add3A_559 = vector.broadcast %squeeze3A_296 : f32 to vector<16xf32>
        %add3A_560 = arith.addf %get3A_558, %add3A_559 : vector<16xf32>
        %swap3A_561 = arith.index_cast %mul3A_555 : i32 to index
        %swap3A_562 = tpu.vector_load %arg7[%swap3A_561] {strides = array<i32>} : memref<2048xf32, #tpu.memory_space<vmem>>, vector<16xf32>,
        %swap3A_563 = vector.shape_cast %swap3A_562 : vector<16xf32> to vector<16xf32>
        %swap3A_564 = vector.shape_cast %add3A_560 : vector<16xf32> to vector<16xf32>
        tpu.vector_store %arg7[%swap3A_561], %swap3A_564 {strides = array<i32>} : memref<2048xf32, #tpu.memory_space<vmem>>, vector<16xf32>,
        %mul3A_565 = arith.constant 16 : i32
        %mul3A_566 = arith.muli %scan3A_445, %mul3A_565 : i32
        %add3A_567 = arith.constant 8 : i32
        %add3A_568 = arith.addi %mul3A_566, %add3A_567 : i32
        %mul3A_569 = arith.constant 16 : i32
        %mul3A_570 = arith.muli %add3A_568, %mul3A_569 : i32
        %get3A_571 = arith.index_cast %mul3A_570 : i32 to index
        %get3A_572 = tpu.vector_load %arg5[%get3A_571] {strides = array<i32>} : memref<2048xf32, #tpu.memory_space<vmem>>, vector<16xf32>,
        %get3A_573 = vector.shape_cast %get3A_572 : vector<16xf32> to vector<16xf32>
        %add3A_574 = vector.broadcast %squeeze3A_296 : f32 to vector<16xf32>
        %add3A_575 = arith.addf %get3A_573, %add3A_574 : vector<16xf32>
        %swap3A_576 = arith.index_cast %mul3A_570 : i32 to index
        %swap3A_577 = tpu.vector_load %arg7[%swap3A_576] {strides = array<i32>} : memref<2048xf32, #tpu.memory_space<vmem>>, vector<16xf32>,
        %swap3A_578 = vector.shape_cast %swap3A_577 : vector<16xf32> to vector<16xf32>
        %swap3A_579 = vector.shape_cast %add3A_575 : vector<16xf32> to vector<16xf32>
        tpu.vector_store %arg7[%swap3A_576], %swap3A_579 {strides = array<i32>} : memref<2048xf32, #tpu.memory_space<vmem>>, vector<16xf32>,
        %mul3A_580 = arith.constant 16 : i32
        %mul3A_581 = arith.muli %scan3A_445, %mul3A_580 : i32
        %add3A_582 = arith.constant 9 : i32
        %add3A_583 = arith.addi %mul3A_581, %add3A_582 : i32
        %mul3A_584 = arith.constant 16 : i32
        %mul3A_585 = arith.muli %add3A_583, %mul3A_584 : i32
        %get3A_586 = arith.index_cast %mul3A_585 : i32 to index
        %get3A_587 = tpu.vector_load %arg5[%get3A_586] {strides = array<i32>} : memref<2048xf32, #tpu.memory_space<vmem>>, vector<16xf32>,
        %get3A_588 = vector.shape_cast %get3A_587 : vector<16xf32> to vector<16xf32>
        %add3A_589 = vector.broadcast %squeeze3A_296 : f32 to vector<16xf32>
        %add3A_590 = arith.addf %get3A_588, %add3A_589 : vector<16xf32>
        %swap3A_591 = arith.index_cast %mul3A_585 : i32 to index
        %swap3A_592 = tpu.vector_load %arg7[%swap3A_591] {strides = array<i32>} : memref<2048xf32, #tpu.memory_space<vmem>>, vector<16xf32>,
        %swap3A_593 = vector.shape_cast %swap3A_592 : vector<16xf32> to vector<16xf32>
        %swap3A_594 = vector.shape_cast %add3A_590 : vector<16xf32> to vector<16xf32>
        tpu.vector_store %arg7[%swap3A_591], %swap3A_594 {strides = array<i32>} : memref<2048xf32, #tpu.memory_space<vmem>>, vector<16xf32>,
        %mul3A_595 = arith.constant 16 : i32
        %mul3A_596 = arith.muli %scan3A_445, %mul3A_595 : i32
        %add3A_597 = arith.constant 10 : i32
        %add3A_598 = arith.addi %mul3A_596, %add3A_597 : i32
        %mul3A_599 = arith.constant 16 : i32
        %mul3A_600 = arith.muli %add3A_598, %mul3A_599 : i32
        %get3A_601 = arith.index_cast %mul3A_600 : i32 to index
        %get3A_602 = tpu.vector_load %arg5[%get3A_601] {strides = array<i32>} : memref<2048xf32, #tpu.memory_space<vmem>>, vector<16xf32>,
        %get3A_603 = vector.shape_cast %get3A_602 : vector<16xf32> to vector<16xf32>
        %add3A_604 = vector.broadcast %squeeze3A_296 : f32 to vector<16xf32>
        %add3A_605 = arith.addf %get3A_603, %add3A_604 : vector<16xf32>
        %swap3A_606 = arith.index_cast %mul3A_600 : i32 to index
        %swap3A_607 = tpu.vector_load %arg7[%swap3A_606] {strides = array<i32>} : memref<2048xf32, #tpu.memory_space<vmem>>, vector<16xf32>,
        %swap3A_608 = vector.shape_cast %swap3A_607 : vector<16xf32> to vector<16xf32>
        %swap3A_609 = vector.shape_cast %add3A_605 : vector<16xf32> to vector<16xf32>
        tpu.vector_store %arg7[%swap3A_606], %swap3A_609 {strides = array<i32>} : memref<2048xf32, #tpu.memory_space<vmem>>, vector<16xf32>,
        %mul3A_610 = arith.constant 16 : i32
        %mul3A_611 = arith.muli %scan3A_445, %mul3A_610 : i32
        %add3A_612 = arith.constant 11 : i32
        %add3A_613 = arith.addi %mul3A_611, %add3A_612 : i32
        %mul3A_614 = arith.constant 16 : i32
        %mul3A_615 = arith.muli %add3A_613, %mul3A_614 : i32
        %get3A_616 = arith.index_cast %mul3A_615 : i32 to index
        %get3A_617 = tpu.vector_load %arg5[%get3A_616] {strides = array<i32>} : memref<2048xf32, #tpu.memory_space<vmem>>, vector<16xf32>,
        %get3A_618 = vector.shape_cast %get3A_617 : vector<16xf32> to vector<16xf32>
        %add3A_619 = vector.broadcast %squeeze3A_296 : f32 to vector<16xf32>
        %add3A_620 = arith.addf %get3A_618, %add3A_619 : vector<16xf32>
        %swap3A_621 = arith.index_cast %mul3A_615 : i32 to index
        %swap3A_622 = tpu.vector_load %arg7[%swap3A_621] {strides = array<i32>} : memref<2048xf32, #tpu.memory_space<vmem>>, vector<16xf32>,
        %swap3A_623 = vector.shape_cast %swap3A_622 : vector<16xf32> to vector<16xf32>
        %swap3A_624 = vector.shape_cast %add3A_620 : vector<16xf32> to vector<16xf32>
        tpu.vector_store %arg7[%swap3A_621], %swap3A_624 {strides = array<i32>} : memref<2048xf32, #tpu.memory_space<vmem>>, vector<16xf32>,
        %mul3A_625 = arith.constant 16 : i32
        %mul3A_626 = arith.muli %scan3A_445, %mul3A_625 : i32
        %add3A_627 = arith.constant 12 : i32
        %add3A_628 = arith.addi %mul3A_626, %add3A_627 : i32
        %mul3A_629 = arith.constant 16 : i32
        %mul3A_630 = arith.muli %add3A_628, %mul3A_629 : i32
        %get3A_631 = arith.index_cast %mul3A_630 : i32 to index
        %get3A_632 = tpu.vector_load %arg5[%get3A_631] {strides = array<i32>} : memref<2048xf32, #tpu.memory_space<vmem>>, vector<16xf32>,
        %get3A_633 = vector.shape_cast %get3A_632 : vector<16xf32> to vector<16xf32>
        %add3A_634 = vector.broadcast %squeeze3A_296 : f32 to vector<16xf32>
        %add3A_635 = arith.addf %get3A_633, %add3A_634 : vector<16xf32>
        %swap3A_636 = arith.index_cast %mul3A_630 : i32 to index
        %swap3A_637 = tpu.vector_load %arg7[%swap3A_636] {strides = array<i32>} : memref<2048xf32, #tpu.memory_space<vmem>>, vector<16xf32>,
        %swap3A_638 = vector.shape_cast %swap3A_637 : vector<16xf32> to vector<16xf32>
        %swap3A_639 = vector.shape_cast %add3A_635 : vector<16xf32> to vector<16xf32>
        tpu.vector_store %arg7[%swap3A_636], %swap3A_639 {strides = array<i32>} : memref<2048xf32, #tpu.memory_space<vmem>>, vector<16xf32>,
        %mul3A_640 = arith.constant 16 : i32
        %mul3A_641 = arith.muli %scan3A_445, %mul3A_640 : i32
        %add3A_642 = arith.constant 13 : i32
        %add3A_643 = arith.addi %mul3A_641, %add3A_642 : i32
        %mul3A_644 = arith.constant 16 : i32
        %mul3A_645 = arith.muli %add3A_643, %mul3A_644 : i32
        %get3A_646 = arith.index_cast %mul3A_645 : i32 to index
        %get3A_647 = tpu.vector_load %arg5[%get3A_646] {strides = array<i32>} : memref<2048xf32, #tpu.memory_space<vmem>>, vector<16xf32>,
        %get3A_648 = vector.shape_cast %get3A_647 : vector<16xf32> to vector<16xf32>
        %add3A_649 = vector.broadcast %squeeze3A_296 : f32 to vector<16xf32>
        %add3A_650 = arith.addf %get3A_648, %add3A_649 : vector<16xf32>
        %swap3A_651 = arith.index_cast %mul3A_645 : i32 to index
        %swap3A_652 = tpu.vector_load %arg7[%swap3A_651] {strides = array<i32>} : memref<2048xf32, #tpu.memory_space<vmem>>, vector<16xf32>,
        %swap3A_653 = vector.shape_cast %swap3A_652 : vector<16xf32> to vector<16xf32>
        %swap3A_654 = vector.shape_cast %add3A_650 : vector<16xf32> to vector<16xf32>
        tpu.vector_store %arg7[%swap3A_651], %swap3A_654 {strides = array<i32>} : memref<2048xf32, #tpu.memory_space<vmem>>, vector<16xf32>,
        %mul3A_655 = arith.constant 16 : i32
        %mul3A_656 = arith.muli %scan3A_445, %mul3A_655 : i32
        %add3A_657 = arith.constant 14 : i32
        %add3A_658 = arith.addi %mul3A_656, %add3A_657 : i32
        %mul3A_659 = arith.constant 16 : i32
        %mul3A_660 = arith.muli %add3A_658, %mul3A_659 : i32
        %get3A_661 = arith.index_cast %mul3A_660 : i32 to index
        %get3A_662 = tpu.vector_load %arg5[%get3A_661] {strides = array<i32>} : memref<2048xf32, #tpu.memory_space<vmem>>, vector<16xf32>,
        %get3A_663 = vector.shape_cast %get3A_662 : vector<16xf32> to vector<16xf32>
        %add3A_664 = vector.broadcast %squeeze3A_296 : f32 to vector<16xf32>
        %add3A_665 = arith.addf %get3A_663, %add3A_664 : vector<16xf32>
        %swap3A_666 = arith.index_cast %mul3A_660 : i32 to index
        %swap3A_667 = tpu.vector_load %arg7[%swap3A_666] {strides = array<i32>} : memref<2048xf32, #tpu.memory_space<vmem>>, vector<16xf32>,
        %swap3A_668 = vector.shape_cast %swap3A_667 : vector<16xf32> to vector<16xf32>
        %swap3A_669 = vector.shape_cast %add3A_665 : vector<16xf32> to vector<16xf32>
        tpu.vector_store %arg7[%swap3A_666], %swap3A_669 {strides = array<i32>} : memref<2048xf32, #tpu.memory_space<vmem>>, vector<16xf32>,
        %mul3A_670 = arith.constant 16 : i32
        %mul3A_671 = arith.muli %scan3A_445, %mul3A_670 : i32
        %add3A_672 = arith.constant 15 : i32
        %add3A_673 = arith.addi %mul3A_671, %add3A_672 : i32
        %mul3A_674 = arith.constant 16 : i32
        %mul3A_675 = arith.muli %add3A_673, %mul3A_674 : i32
        %get3A_676 = arith.index_cast %mul3A_675 : i32 to index
        %get3A_677 = tpu.vector_load %arg5[%get3A_676] {strides = array<i32>} : memref<2048xf32, #tpu.memory_space<vmem>>, vector<16xf32>,
        %get3A_678 = vector.shape_cast %get3A_677 : vector<16xf32> to vector<16xf32>
        %add3A_679 = vector.broadcast %squeeze3A_296 : f32 to vector<16xf32>
        %add3A_680 = arith.addf %get3A_678, %add3A_679 : vector<16xf32>
        %swap3A_681 = arith.index_cast %mul3A_675 : i32 to index
        %swap3A_682 = tpu.vector_load %arg7[%swap3A_681] {strides = array<i32>} : memref<2048xf32, #tpu.memory_space<vmem>>, vector<16xf32>,
        %swap3A_683 = vector.shape_cast %swap3A_682 : vector<16xf32> to vector<16xf32>
        %swap3A_684 = vector.shape_cast %add3A_680 : vector<16xf32> to vector<16xf32>
        tpu.vector_store %arg7[%swap3A_681], %swap3A_684 {strides = array<i32>} : memref<2048xf32, #tpu.memory_space<vmem>>, vector<16xf32>,
      }
      %scan3A_302 = arith.constant 8 : i32
      %dma_start3A_303 = arith.constant 10 : i32
      %dma_start3A_304 = arith.constant 0 : i32
      %dma_start3A_305 = tpu.memref_slice %arg4[%add3A_283, %dma_start3A_303, %dma_start3A_304] : memref<2048x16x2048xf32, #tpu.memory_space<hbm>> -> memref<1x1x2048xf32, #tpu.memory_space<hbm>>
      %dma_start3A_306 = tpu.memref_squeeze %dma_start3A_305 : memref<1x1x2048xf32, #tpu.memory_space<hbm>> -> memref<2048xf32, #tpu.memory_space<hbm>>
      %dma_start3A_307 = arith.constant 0 : i32
      %dma_start3A_308 = tpu.memref_slice %arg4[%add3A_283, %dma_start3A_303, %dma_start3A_307] : memref<2048x16x2048xf32, #tpu.memory_space<hbm>> -> memref<1x1x2048xf32, #tpu.memory_space<hbm>>
      %dma_start3A_309 = tpu.memref_squeeze %dma_start3A_308 : memref<1x1x2048xf32, #tpu.memory_space<hbm>> -> memref<2048xf32, #tpu.memory_space<hbm>>
      tpu.enqueue_dma source(%arg7 : memref<2048xf32, #tpu.memory_space<vmem>>) target(%dma_start3A_309 : memref<2048xf32, #tpu.memory_space<hbm>>) target_semaphore(%arg9 : memref<!tpu.dma_semaphore, #tpu.memory_space<semaphore_mem>>)
      %add3A_310 = arith.addi %mul3A_2, %scan3A_21 : i32
      %dma_wait3A_311 = arith.constant 11 : i32
      %dma_wait3A_312 = arith.constant 0 : i32
      %dma_wait3A_313 = tpu.memref_slice %arg4[%add3A_310, %dma_wait3A_311, %dma_wait3A_312] : memref<2048x16x2048xf32, #tpu.memory_space<hbm>> -> memref<1x1x2048xf32, #tpu.memory_space<hbm>>
      %dma_wait3A_314 = tpu.memref_squeeze %dma_wait3A_313 : memref<1x1x2048xf32, #tpu.memory_space<hbm>> -> memref<2048xf32, #tpu.memory_space<hbm>>
      %dma_wait3A_315 = arith.constant 0 : i32
      %dma_wait3A_316 = tpu.memref_slice %arg4[%add3A_310, %dma_wait3A_311, %dma_wait3A_315] : memref<2048x16x2048xf32, #tpu.memory_space<hbm>> -> memref<1x1x2048xf32, #tpu.memory_space<hbm>>
      %dma_wait3A_317 = tpu.memref_squeeze %dma_wait3A_316 : memref<1x1x2048xf32, #tpu.memory_space<hbm>> -> memref<2048xf32, #tpu.memory_space<hbm>>
      tpu.wait_dma2 semaphore(%arg10 : memref<!tpu.dma_semaphore, #tpu.memory_space<semaphore_mem>>) src(%arg8 : memref<2048xf32, #tpu.memory_space<vmem>>) dst(%dma_wait3A_317 : memref<2048xf32, #tpu.memory_space<hbm>>)
      %get3A_318 = arith.index_cast %scan3A_21 : i32 to index
      %get3A_319 = arith.constant 0 : index
      %get3A_320 = tpu.vector_load %arg6[%get3A_318, %get3A_319] {strides = array<i32>} : memref<64x16xf32, #tpu.memory_space<vmem>>, vector<1x16xf32>,
      %get3A_321 = vector.shape_cast %get3A_320 : vector<1x16xf32> to vector<16xf32>
      %slice3A_322 = vector.extract_strided_slice %get3A_321 {offsets = [11], sizes = [1], strides = [1]} : vector<16xf32> to vector<1xf32>
      %squeeze3A_323 = vector.extract %slice3A_322[0] : f32 from vector<1xf32>
      %scan3A_324 = arith.constant 0 : i32
      %scan3A_325 = arith.constant 0 : i32
      %scan3A_326 = arith.constant 8 : i32
      %scan3A_327 = arith.addi %scan3A_325, %scan3A_326 : i32
      %scan3A_328 = arith.constant 1 : i32
      scf.for %scan3A_445 = %scan3A_325 to %scan3A_327 step %scan3A_328  : i32 {
        %mul3A_446 = arith.constant 16 : i32
        %mul3A_447 = arith.muli %scan3A_445, %mul3A_446 : i32
        %add3A_448 = arith.constant 0 : i32
        %add3A_449 = arith.addi %mul3A_447, %add3A_448 : i32
        %mul3A_450 = arith.constant 16 : i32
        %mul3A_451 = arith.muli %add3A_449, %mul3A_450 : i32
        %get3A_452 = arith.index_cast %mul3A_451 : i32 to index
        %get3A_453 = tpu.vector_load %arg5[%get3A_452] {strides = array<i32>} : memref<2048xf32, #tpu.memory_space<vmem>>, vector<16xf32>,
        %get3A_454 = vector.shape_cast %get3A_453 : vector<16xf32> to vector<16xf32>
        %add3A_455 = vector.broadcast %squeeze3A_323 : f32 to vector<16xf32>
        %add3A_456 = arith.addf %get3A_454, %add3A_455 : vector<16xf32>
        %swap3A = arith.index_cast %mul3A_451 : i32 to index
        %swap3A_457 = tpu.vector_load %arg8[%swap3A] {strides = array<i32>} : memref<2048xf32, #tpu.memory_space<vmem>>, vector<16xf32>,
        %swap3A_458 = vector.shape_cast %swap3A_457 : vector<16xf32> to vector<16xf32>
        %swap3A_459 = vector.shape_cast %add3A_456 : vector<16xf32> to vector<16xf32>
        tpu.vector_store %arg8[%swap3A], %swap3A_459 {strides = array<i32>} : memref<2048xf32, #tpu.memory_space<vmem>>, vector<16xf32>,
        %mul3A_460 = arith.constant 16 : i32
        %mul3A_461 = arith.muli %scan3A_445, %mul3A_460 : i32
        %add3A_462 = arith.constant 1 : i32
        %add3A_463 = arith.addi %mul3A_461, %add3A_462 : i32
        %mul3A_464 = arith.constant 16 : i32
        %mul3A_465 = arith.muli %add3A_463, %mul3A_464 : i32
        %get3A_466 = arith.index_cast %mul3A_465 : i32 to index
        %get3A_467 = tpu.vector_load %arg5[%get3A_466] {strides = array<i32>} : memref<2048xf32, #tpu.memory_space<vmem>>, vector<16xf32>,
        %get3A_468 = vector.shape_cast %get3A_467 : vector<16xf32> to vector<16xf32>
        %add3A_469 = vector.broadcast %squeeze3A_323 : f32 to vector<16xf32>
        %add3A_470 = arith.addf %get3A_468, %add3A_469 : vector<16xf32>
        %swap3A_471 = arith.index_cast %mul3A_465 : i32 to index
        %swap3A_472 = tpu.vector_load %arg8[%swap3A_471] {strides = array<i32>} : memref<2048xf32, #tpu.memory_space<vmem>>, vector<16xf32>,
        %swap3A_473 = vector.shape_cast %swap3A_472 : vector<16xf32> to vector<16xf32>
        %swap3A_474 = vector.shape_cast %add3A_470 : vector<16xf32> to vector<16xf32>
        tpu.vector_store %arg8[%swap3A_471], %swap3A_474 {strides = array<i32>} : memref<2048xf32, #tpu.memory_space<vmem>>, vector<16xf32>,
        %mul3A_475 = arith.constant 16 : i32
        %mul3A_476 = arith.muli %scan3A_445, %mul3A_475 : i32
        %add3A_477 = arith.constant 2 : i32
        %add3A_478 = arith.addi %mul3A_476, %add3A_477 : i32
        %mul3A_479 = arith.constant 16 : i32
        %mul3A_480 = arith.muli %add3A_478, %mul3A_479 : i32
        %get3A_481 = arith.index_cast %mul3A_480 : i32 to index
        %get3A_482 = tpu.vector_load %arg5[%get3A_481] {strides = array<i32>} : memref<2048xf32, #tpu.memory_space<vmem>>, vector<16xf32>,
        %get3A_483 = vector.shape_cast %get3A_482 : vector<16xf32> to vector<16xf32>
        %add3A_484 = vector.broadcast %squeeze3A_323 : f32 to vector<16xf32>
        %add3A_485 = arith.addf %get3A_483, %add3A_484 : vector<16xf32>
        %swap3A_486 = arith.index_cast %mul3A_480 : i32 to index
        %swap3A_487 = tpu.vector_load %arg8[%swap3A_486] {strides = array<i32>} : memref<2048xf32, #tpu.memory_space<vmem>>, vector<16xf32>,
        %swap3A_488 = vector.shape_cast %swap3A_487 : vector<16xf32> to vector<16xf32>
        %swap3A_489 = vector.shape_cast %add3A_485 : vector<16xf32> to vector<16xf32>
        tpu.vector_store %arg8[%swap3A_486], %swap3A_489 {strides = array<i32>} : memref<2048xf32, #tpu.memory_space<vmem>>, vector<16xf32>,
        %mul3A_490 = arith.constant 16 : i32
        %mul3A_491 = arith.muli %scan3A_445, %mul3A_490 : i32
        %add3A_492 = arith.constant 3 : i32
        %add3A_493 = arith.addi %mul3A_491, %add3A_492 : i32
        %mul3A_494 = arith.constant 16 : i32
        %mul3A_495 = arith.muli %add3A_493, %mul3A_494 : i32
        %get3A_496 = arith.index_cast %mul3A_495 : i32 to index
        %get3A_497 = tpu.vector_load %arg5[%get3A_496] {strides = array<i32>} : memref<2048xf32, #tpu.memory_space<vmem>>, vector<16xf32>,
        %get3A_498 = vector.shape_cast %get3A_497 : vector<16xf32> to vector<16xf32>
        %add3A_499 = vector.broadcast %squeeze3A_323 : f32 to vector<16xf32>
        %add3A_500 = arith.addf %get3A_498, %add3A_499 : vector<16xf32>
        %swap3A_501 = arith.index_cast %mul3A_495 : i32 to index
        %swap3A_502 = tpu.vector_load %arg8[%swap3A_501] {strides = array<i32>} : memref<2048xf32, #tpu.memory_space<vmem>>, vector<16xf32>,
        %swap3A_503 = vector.shape_cast %swap3A_502 : vector<16xf32> to vector<16xf32>
        %swap3A_504 = vector.shape_cast %add3A_500 : vector<16xf32> to vector<16xf32>
        tpu.vector_store %arg8[%swap3A_501], %swap3A_504 {strides = array<i32>} : memref<2048xf32, #tpu.memory_space<vmem>>, vector<16xf32>,
        %mul3A_505 = arith.constant 16 : i32
        %mul3A_506 = arith.muli %scan3A_445, %mul3A_505 : i32
        %add3A_507 = arith.constant 4 : i32
        %add3A_508 = arith.addi %mul3A_506, %add3A_507 : i32
        %mul3A_509 = arith.constant 16 : i32
        %mul3A_510 = arith.muli %add3A_508, %mul3A_509 : i32
        %get3A_511 = arith.index_cast %mul3A_510 : i32 to index
        %get3A_512 = tpu.vector_load %arg5[%get3A_511] {strides = array<i32>} : memref<2048xf32, #tpu.memory_space<vmem>>, vector<16xf32>,
        %get3A_513 = vector.shape_cast %get3A_512 : vector<16xf32> to vector<16xf32>
        %add3A_514 = vector.broadcast %squeeze3A_323 : f32 to vector<16xf32>
        %add3A_515 = arith.addf %get3A_513, %add3A_514 : vector<16xf32>
        %swap3A_516 = arith.index_cast %mul3A_510 : i32 to index
        %swap3A_517 = tpu.vector_load %arg8[%swap3A_516] {strides = array<i32>} : memref<2048xf32, #tpu.memory_space<vmem>>, vector<16xf32>,
        %swap3A_518 = vector.shape_cast %swap3A_517 : vector<16xf32> to vector<16xf32>
        %swap3A_519 = vector.shape_cast %add3A_515 : vector<16xf32> to vector<16xf32>
        tpu.vector_store %arg8[%swap3A_516], %swap3A_519 {strides = array<i32>} : memref<2048xf32, #tpu.memory_space<vmem>>, vector<16xf32>,
        %mul3A_520 = arith.constant 16 : i32
        %mul3A_521 = arith.muli %scan3A_445, %mul3A_520 : i32
        %add3A_522 = arith.constant 5 : i32
        %add3A_523 = arith.addi %mul3A_521, %add3A_522 : i32
        %mul3A_524 = arith.constant 16 : i32
        %mul3A_525 = arith.muli %add3A_523, %mul3A_524 : i32
        %get3A_526 = arith.index_cast %mul3A_525 : i32 to index
        %get3A_527 = tpu.vector_load %arg5[%get3A_526] {strides = array<i32>} : memref<2048xf32, #tpu.memory_space<vmem>>, vector<16xf32>,
        %get3A_528 = vector.shape_cast %get3A_527 : vector<16xf32> to vector<16xf32>
        %add3A_529 = vector.broadcast %squeeze3A_323 : f32 to vector<16xf32>
        %add3A_530 = arith.addf %get3A_528, %add3A_529 : vector<16xf32>
        %swap3A_531 = arith.index_cast %mul3A_525 : i32 to index
        %swap3A_532 = tpu.vector_load %arg8[%swap3A_531] {strides = array<i32>} : memref<2048xf32, #tpu.memory_space<vmem>>, vector<16xf32>,
        %swap3A_533 = vector.shape_cast %swap3A_532 : vector<16xf32> to vector<16xf32>
        %swap3A_534 = vector.shape_cast %add3A_530 : vector<16xf32> to vector<16xf32>
        tpu.vector_store %arg8[%swap3A_531], %swap3A_534 {strides = array<i32>} : memref<2048xf32, #tpu.memory_space<vmem>>, vector<16xf32>,
        %mul3A_535 = arith.constant 16 : i32
        %mul3A_536 = arith.muli %scan3A_445, %mul3A_535 : i32
        %add3A_537 = arith.constant 6 : i32
        %add3A_538 = arith.addi %mul3A_536, %add3A_537 : i32
        %mul3A_539 = arith.constant 16 : i32
        %mul3A_540 = arith.muli %add3A_538, %mul3A_539 : i32
        %get3A_541 = arith.index_cast %mul3A_540 : i32 to index
        %get3A_542 = tpu.vector_load %arg5[%get3A_541] {strides = array<i32>} : memref<2048xf32, #tpu.memory_space<vmem>>, vector<16xf32>,
        %get3A_543 = vector.shape_cast %get3A_542 : vector<16xf32> to vector<16xf32>
        %add3A_544 = vector.broadcast %squeeze3A_323 : f32 to vector<16xf32>
        %add3A_545 = arith.addf %get3A_543, %add3A_544 : vector<16xf32>
        %swap3A_546 = arith.index_cast %mul3A_540 : i32 to index
        %swap3A_547 = tpu.vector_load %arg8[%swap3A_546] {strides = array<i32>} : memref<2048xf32, #tpu.memory_space<vmem>>, vector<16xf32>,
        %swap3A_548 = vector.shape_cast %swap3A_547 : vector<16xf32> to vector<16xf32>
        %swap3A_549 = vector.shape_cast %add3A_545 : vector<16xf32> to vector<16xf32>
        tpu.vector_store %arg8[%swap3A_546], %swap3A_549 {strides = array<i32>} : memref<2048xf32, #tpu.memory_space<vmem>>, vector<16xf32>,
        %mul3A_550 = arith.constant 16 : i32
        %mul3A_551 = arith.muli %scan3A_445, %mul3A_550 : i32
        %add3A_552 = arith.constant 7 : i32
        %add3A_553 = arith.addi %mul3A_551, %add3A_552 : i32
        %mul3A_554 = arith.constant 16 : i32
        %mul3A_555 = arith.muli %add3A_553, %mul3A_554 : i32
        %get3A_556 = arith.index_cast %mul3A_555 : i32 to index
        %get3A_557 = tpu.vector_load %arg5[%get3A_556] {strides = array<i32>} : memref<2048xf32, #tpu.memory_space<vmem>>, vector<16xf32>,
        %get3A_558 = vector.shape_cast %get3A_557 : vector<16xf32> to vector<16xf32>
        %add3A_559 = vector.broadcast %squeeze3A_323 : f32 to vector<16xf32>
        %add3A_560 = arith.addf %get3A_558, %add3A_559 : vector<16xf32>
        %swap3A_561 = arith.index_cast %mul3A_555 : i32 to index
        %swap3A_562 = tpu.vector_load %arg8[%swap3A_561] {strides = array<i32>} : memref<2048xf32, #tpu.memory_space<vmem>>, vector<16xf32>,
        %swap3A_563 = vector.shape_cast %swap3A_562 : vector<16xf32> to vector<16xf32>
        %swap3A_564 = vector.shape_cast %add3A_560 : vector<16xf32> to vector<16xf32>
        tpu.vector_store %arg8[%swap3A_561], %swap3A_564 {strides = array<i32>} : memref<2048xf32, #tpu.memory_space<vmem>>, vector<16xf32>,
        %mul3A_565 = arith.constant 16 : i32
        %mul3A_566 = arith.muli %scan3A_445, %mul3A_565 : i32
        %add3A_567 = arith.constant 8 : i32
        %add3A_568 = arith.addi %mul3A_566, %add3A_567 : i32
        %mul3A_569 = arith.constant 16 : i32
        %mul3A_570 = arith.muli %add3A_568, %mul3A_569 : i32
        %get3A_571 = arith.index_cast %mul3A_570 : i32 to index
        %get3A_572 = tpu.vector_load %arg5[%get3A_571] {strides = array<i32>} : memref<2048xf32, #tpu.memory_space<vmem>>, vector<16xf32>,
        %get3A_573 = vector.shape_cast %get3A_572 : vector<16xf32> to vector<16xf32>
        %add3A_574 = vector.broadcast %squeeze3A_323 : f32 to vector<16xf32>
        %add3A_575 = arith.addf %get3A_573, %add3A_574 : vector<16xf32>
        %swap3A_576 = arith.index_cast %mul3A_570 : i32 to index
        %swap3A_577 = tpu.vector_load %arg8[%swap3A_576] {strides = array<i32>} : memref<2048xf32, #tpu.memory_space<vmem>>, vector<16xf32>,
        %swap3A_578 = vector.shape_cast %swap3A_577 : vector<16xf32> to vector<16xf32>
        %swap3A_579 = vector.shape_cast %add3A_575 : vector<16xf32> to vector<16xf32>
        tpu.vector_store %arg8[%swap3A_576], %swap3A_579 {strides = array<i32>} : memref<2048xf32, #tpu.memory_space<vmem>>, vector<16xf32>,
        %mul3A_580 = arith.constant 16 : i32
        %mul3A_581 = arith.muli %scan3A_445, %mul3A_580 : i32
        %add3A_582 = arith.constant 9 : i32
        %add3A_583 = arith.addi %mul3A_581, %add3A_582 : i32
        %mul3A_584 = arith.constant 16 : i32
        %mul3A_585 = arith.muli %add3A_583, %mul3A_584 : i32
        %get3A_586 = arith.index_cast %mul3A_585 : i32 to index
        %get3A_587 = tpu.vector_load %arg5[%get3A_586] {strides = array<i32>} : memref<2048xf32, #tpu.memory_space<vmem>>, vector<16xf32>,
        %get3A_588 = vector.shape_cast %get3A_587 : vector<16xf32> to vector<16xf32>
        %add3A_589 = vector.broadcast %squeeze3A_323 : f32 to vector<16xf32>
        %add3A_590 = arith.addf %get3A_588, %add3A_589 : vector<16xf32>
        %swap3A_591 = arith.index_cast %mul3A_585 : i32 to index
        %swap3A_592 = tpu.vector_load %arg8[%swap3A_591] {strides = array<i32>} : memref<2048xf32, #tpu.memory_space<vmem>>, vector<16xf32>,
        %swap3A_593 = vector.shape_cast %swap3A_592 : vector<16xf32> to vector<16xf32>
        %swap3A_594 = vector.shape_cast %add3A_590 : vector<16xf32> to vector<16xf32>
        tpu.vector_store %arg8[%swap3A_591], %swap3A_594 {strides = array<i32>} : memref<2048xf32, #tpu.memory_space<vmem>>, vector<16xf32>,
        %mul3A_595 = arith.constant 16 : i32
        %mul3A_596 = arith.muli %scan3A_445, %mul3A_595 : i32
        %add3A_597 = arith.constant 10 : i32
        %add3A_598 = arith.addi %mul3A_596, %add3A_597 : i32
        %mul3A_599 = arith.constant 16 : i32
        %mul3A_600 = arith.muli %add3A_598, %mul3A_599 : i32
        %get3A_601 = arith.index_cast %mul3A_600 : i32 to index
        %get3A_602 = tpu.vector_load %arg5[%get3A_601] {strides = array<i32>} : memref<2048xf32, #tpu.memory_space<vmem>>, vector<16xf32>,
        %get3A_603 = vector.shape_cast %get3A_602 : vector<16xf32> to vector<16xf32>
        %add3A_604 = vector.broadcast %squeeze3A_323 : f32 to vector<16xf32>
        %add3A_605 = arith.addf %get3A_603, %add3A_604 : vector<16xf32>
        %swap3A_606 = arith.index_cast %mul3A_600 : i32 to index
        %swap3A_607 = tpu.vector_load %arg8[%swap3A_606] {strides = array<i32>} : memref<2048xf32, #tpu.memory_space<vmem>>, vector<16xf32>,
        %swap3A_608 = vector.shape_cast %swap3A_607 : vector<16xf32> to vector<16xf32>
        %swap3A_609 = vector.shape_cast %add3A_605 : vector<16xf32> to vector<16xf32>
        tpu.vector_store %arg8[%swap3A_606], %swap3A_609 {strides = array<i32>} : memref<2048xf32, #tpu.memory_space<vmem>>, vector<16xf32>,
        %mul3A_610 = arith.constant 16 : i32
        %mul3A_611 = arith.muli %scan3A_445, %mul3A_610 : i32
        %add3A_612 = arith.constant 11 : i32
        %add3A_613 = arith.addi %mul3A_611, %add3A_612 : i32
        %mul3A_614 = arith.constant 16 : i32
        %mul3A_615 = arith.muli %add3A_613, %mul3A_614 : i32
        %get3A_616 = arith.index_cast %mul3A_615 : i32 to index
        %get3A_617 = tpu.vector_load %arg5[%get3A_616] {strides = array<i32>} : memref<2048xf32, #tpu.memory_space<vmem>>, vector<16xf32>,
        %get3A_618 = vector.shape_cast %get3A_617 : vector<16xf32> to vector<16xf32>
        %add3A_619 = vector.broadcast %squeeze3A_323 : f32 to vector<16xf32>
        %add3A_620 = arith.addf %get3A_618, %add3A_619 : vector<16xf32>
        %swap3A_621 = arith.index_cast %mul3A_615 : i32 to index
        %swap3A_622 = tpu.vector_load %arg8[%swap3A_621] {strides = array<i32>} : memref<2048xf32, #tpu.memory_space<vmem>>, vector<16xf32>,
        %swap3A_623 = vector.shape_cast %swap3A_622 : vector<16xf32> to vector<16xf32>
        %swap3A_624 = vector.shape_cast %add3A_620 : vector<16xf32> to vector<16xf32>
        tpu.vector_store %arg8[%swap3A_621], %swap3A_624 {strides = array<i32>} : memref<2048xf32, #tpu.memory_space<vmem>>, vector<16xf32>,
        %mul3A_625 = arith.constant 16 : i32
        %mul3A_626 = arith.muli %scan3A_445, %mul3A_625 : i32
        %add3A_627 = arith.constant 12 : i32
        %add3A_628 = arith.addi %mul3A_626, %add3A_627 : i32
        %mul3A_629 = arith.constant 16 : i32
        %mul3A_630 = arith.muli %add3A_628, %mul3A_629 : i32
        %get3A_631 = arith.index_cast %mul3A_630 : i32 to index
        %get3A_632 = tpu.vector_load %arg5[%get3A_631] {strides = array<i32>} : memref<2048xf32, #tpu.memory_space<vmem>>, vector<16xf32>,
        %get3A_633 = vector.shape_cast %get3A_632 : vector<16xf32> to vector<16xf32>
        %add3A_634 = vector.broadcast %squeeze3A_323 : f32 to vector<16xf32>
        %add3A_635 = arith.addf %get3A_633, %add3A_634 : vector<16xf32>
        %swap3A_636 = arith.index_cast %mul3A_630 : i32 to index
        %swap3A_637 = tpu.vector_load %arg8[%swap3A_636] {strides = array<i32>} : memref<2048xf32, #tpu.memory_space<vmem>>, vector<16xf32>,
        %swap3A_638 = vector.shape_cast %swap3A_637 : vector<16xf32> to vector<16xf32>
        %swap3A_639 = vector.shape_cast %add3A_635 : vector<16xf32> to vector<16xf32>
        tpu.vector_store %arg8[%swap3A_636], %swap3A_639 {strides = array<i32>} : memref<2048xf32, #tpu.memory_space<vmem>>, vector<16xf32>,
        %mul3A_640 = arith.constant 16 : i32
        %mul3A_641 = arith.muli %scan3A_445, %mul3A_640 : i32
        %add3A_642 = arith.constant 13 : i32
        %add3A_643 = arith.addi %mul3A_641, %add3A_642 : i32
        %mul3A_644 = arith.constant 16 : i32
        %mul3A_645 = arith.muli %add3A_643, %mul3A_644 : i32
        %get3A_646 = arith.index_cast %mul3A_645 : i32 to index
        %get3A_647 = tpu.vector_load %arg5[%get3A_646] {strides = array<i32>} : memref<2048xf32, #tpu.memory_space<vmem>>, vector<16xf32>,
        %get3A_648 = vector.shape_cast %get3A_647 : vector<16xf32> to vector<16xf32>
        %add3A_649 = vector.broadcast %squeeze3A_323 : f32 to vector<16xf32>
        %add3A_650 = arith.addf %get3A_648, %add3A_649 : vector<16xf32>
        %swap3A_651 = arith.index_cast %mul3A_645 : i32 to index
        %swap3A_652 = tpu.vector_load %arg8[%swap3A_651] {strides = array<i32>} : memref<2048xf32, #tpu.memory_space<vmem>>, vector<16xf32>,
        %swap3A_653 = vector.shape_cast %swap3A_652 : vector<16xf32> to vector<16xf32>
        %swap3A_654 = vector.shape_cast %add3A_650 : vector<16xf32> to vector<16xf32>
        tpu.vector_store %arg8[%swap3A_651], %swap3A_654 {strides = array<i32>} : memref<2048xf32, #tpu.memory_space<vmem>>, vector<16xf32>,
        %mul3A_655 = arith.constant 16 : i32
        %mul3A_656 = arith.muli %scan3A_445, %mul3A_655 : i32
        %add3A_657 = arith.constant 14 : i32
        %add3A_658 = arith.addi %mul3A_656, %add3A_657 : i32
        %mul3A_659 = arith.constant 16 : i32
        %mul3A_660 = arith.muli %add3A_658, %mul3A_659 : i32
        %get3A_661 = arith.index_cast %mul3A_660 : i32 to index
        %get3A_662 = tpu.vector_load %arg5[%get3A_661] {strides = array<i32>} : memref<2048xf32, #tpu.memory_space<vmem>>, vector<16xf32>,
        %get3A_663 = vector.shape_cast %get3A_662 : vector<16xf32> to vector<16xf32>
        %add3A_664 = vector.broadcast %squeeze3A_323 : f32 to vector<16xf32>
        %add3A_665 = arith.addf %get3A_663, %add3A_664 : vector<16xf32>
        %swap3A_666 = arith.index_cast %mul3A_660 : i32 to index
        %swap3A_667 = tpu.vector_load %arg8[%swap3A_666] {strides = array<i32>} : memref<2048xf32, #tpu.memory_space<vmem>>, vector<16xf32>,
        %swap3A_668 = vector.shape_cast %swap3A_667 : vector<16xf32> to vector<16xf32>
        %swap3A_669 = vector.shape_cast %add3A_665 : vector<16xf32> to vector<16xf32>
        tpu.vector_store %arg8[%swap3A_666], %swap3A_669 {strides = array<i32>} : memref<2048xf32, #tpu.memory_space<vmem>>, vector<16xf32>,
        %mul3A_670 = arith.constant 16 : i32
        %mul3A_671 = arith.muli %scan3A_445, %mul3A_670 : i32
        %add3A_672 = arith.constant 15 : i32
        %add3A_673 = arith.addi %mul3A_671, %add3A_672 : i32
        %mul3A_674 = arith.constant 16 : i32
        %mul3A_675 = arith.muli %add3A_673, %mul3A_674 : i32
        %get3A_676 = arith.index_cast %mul3A_675 : i32 to index
        %get3A_677 = tpu.vector_load %arg5[%get3A_676] {strides = array<i32>} : memref<2048xf32, #tpu.memory_space<vmem>>, vector<16xf32>,
        %get3A_678 = vector.shape_cast %get3A_677 : vector<16xf32> to vector<16xf32>
        %add3A_679 = vector.broadcast %squeeze3A_323 : f32 to vector<16xf32>
        %add3A_680 = arith.addf %get3A_678, %add3A_679 : vector<16xf32>
        %swap3A_681 = arith.index_cast %mul3A_675 : i32 to index
        %swap3A_682 = tpu.vector_load %arg8[%swap3A_681] {strides = array<i32>} : memref<2048xf32, #tpu.memory_space<vmem>>, vector<16xf32>,
        %swap3A_683 = vector.shape_cast %swap3A_682 : vector<16xf32> to vector<16xf32>
        %swap3A_684 = vector.shape_cast %add3A_680 : vector<16xf32> to vector<16xf32>
        tpu.vector_store %arg8[%swap3A_681], %swap3A_684 {strides = array<i32>} : memref<2048xf32, #tpu.memory_space<vmem>>, vector<16xf32>,
      }
      %scan3A_329 = arith.constant 8 : i32
      %dma_start3A_330 = arith.constant 11 : i32
      %dma_start3A_331 = arith.constant 0 : i32
      %dma_start3A_332 = tpu.memref_slice %arg4[%add3A_310, %dma_start3A_330, %dma_start3A_331] : memref<2048x16x2048xf32, #tpu.memory_space<hbm>> -> memref<1x1x2048xf32, #tpu.memory_space<hbm>>
      %dma_start3A_333 = tpu.memref_squeeze %dma_start3A_332 : memref<1x1x2048xf32, #tpu.memory_space<hbm>> -> memref<2048xf32, #tpu.memory_space<hbm>>
      %dma_start3A_334 = arith.constant 0 : i32
      %dma_start3A_335 = tpu.memref_slice %arg4[%add3A_310, %dma_start3A_330, %dma_start3A_334] : memref<2048x16x2048xf32, #tpu.memory_space<hbm>> -> memref<1x1x2048xf32, #tpu.memory_space<hbm>>
      %dma_start3A_336 = tpu.memref_squeeze %dma_start3A_335 : memref<1x1x2048xf32, #tpu.memory_space<hbm>> -> memref<2048xf32, #tpu.memory_space<hbm>>
      tpu.enqueue_dma source(%arg8 : memref<2048xf32, #tpu.memory_space<vmem>>) target(%dma_start3A_336 : memref<2048xf32, #tpu.memory_space<hbm>>) target_semaphore(%arg10 : memref<!tpu.dma_semaphore, #tpu.memory_space<semaphore_mem>>)
      %add3A_337 = arith.addi %mul3A_2, %scan3A_21 : i32
      %dma_wait3A_338 = arith.constant 12 : i32
      %dma_wait3A_339 = arith.constant 0 : i32
      %dma_wait3A_340 = tpu.memref_slice %arg4[%add3A_337, %dma_wait3A_338, %dma_wait3A_339] : memref<2048x16x2048xf32, #tpu.memory_space<hbm>> -> memref<1x1x2048xf32, #tpu.memory_space<hbm>>
      %dma_wait3A_341 = tpu.memref_squeeze %dma_wait3A_340 : memref<1x1x2048xf32, #tpu.memory_space<hbm>> -> memref<2048xf32, #tpu.memory_space<hbm>>
      %dma_wait3A_342 = arith.constant 0 : i32
      %dma_wait3A_343 = tpu.memref_slice %arg4[%add3A_337, %dma_wait3A_338, %dma_wait3A_342] : memref<2048x16x2048xf32, #tpu.memory_space<hbm>> -> memref<1x1x2048xf32, #tpu.memory_space<hbm>>
      %dma_wait3A_344 = tpu.memref_squeeze %dma_wait3A_343 : memref<1x1x2048xf32, #tpu.memory_space<hbm>> -> memref<2048xf32, #tpu.memory_space<hbm>>
      tpu.wait_dma2 semaphore(%arg9 : memref<!tpu.dma_semaphore, #tpu.memory_space<semaphore_mem>>) src(%arg7 : memref<2048xf32, #tpu.memory_space<vmem>>) dst(%dma_wait3A_344 : memref<2048xf32, #tpu.memory_space<hbm>>)
      %get3A_345 = arith.index_cast %scan3A_21 : i32 to index
      %get3A_346 = arith.constant 0 : index
      %get3A_347 = tpu.vector_load %arg6[%get3A_345, %get3A_346] {strides = array<i32>} : memref<64x16xf32, #tpu.memory_space<vmem>>, vector<1x16xf32>,
      %get3A_348 = vector.shape_cast %get3A_347 : vector<1x16xf32> to vector<16xf32>
      %slice3A_349 = vector.extract_strided_slice %get3A_348 {offsets = [12], sizes = [1], strides = [1]} : vector<16xf32> to vector<1xf32>
      %squeeze3A_350 = vector.extract %slice3A_349[0] : f32 from vector<1xf32>
      %scan3A_351 = arith.constant 0 : i32
      %scan3A_352 = arith.constant 0 : i32
      %scan3A_353 = arith.constant 8 : i32
      %scan3A_354 = arith.addi %scan3A_352, %scan3A_353 : i32
      %scan3A_355 = arith.constant 1 : i32
      scf.for %scan3A_445 = %scan3A_352 to %scan3A_354 step %scan3A_355  : i32 {
        %mul3A_446 = arith.constant 16 : i32
        %mul3A_447 = arith.muli %scan3A_445, %mul3A_446 : i32
        %add3A_448 = arith.constant 0 : i32
        %add3A_449 = arith.addi %mul3A_447, %add3A_448 : i32
        %mul3A_450 = arith.constant 16 : i32
        %mul3A_451 = arith.muli %add3A_449, %mul3A_450 : i32
        %get3A_452 = arith.index_cast %mul3A_451 : i32 to index
        %get3A_453 = tpu.vector_load %arg5[%get3A_452] {strides = array<i32>} : memref<2048xf32, #tpu.memory_space<vmem>>, vector<16xf32>,
        %get3A_454 = vector.shape_cast %get3A_453 : vector<16xf32> to vector<16xf32>
        %add3A_455 = vector.broadcast %squeeze3A_350 : f32 to vector<16xf32>
        %add3A_456 = arith.addf %get3A_454, %add3A_455 : vector<16xf32>
        %swap3A = arith.index_cast %mul3A_451 : i32 to index
        %swap3A_457 = tpu.vector_load %arg7[%swap3A] {strides = array<i32>} : memref<2048xf32, #tpu.memory_space<vmem>>, vector<16xf32>,
        %swap3A_458 = vector.shape_cast %swap3A_457 : vector<16xf32> to vector<16xf32>
        %swap3A_459 = vector.shape_cast %add3A_456 : vector<16xf32> to vector<16xf32>
        tpu.vector_store %arg7[%swap3A], %swap3A_459 {strides = array<i32>} : memref<2048xf32, #tpu.memory_space<vmem>>, vector<16xf32>,
        %mul3A_460 = arith.constant 16 : i32
        %mul3A_461 = arith.muli %scan3A_445, %mul3A_460 : i32
        %add3A_462 = arith.constant 1 : i32
        %add3A_463 = arith.addi %mul3A_461, %add3A_462 : i32
        %mul3A_464 = arith.constant 16 : i32
        %mul3A_465 = arith.muli %add3A_463, %mul3A_464 : i32
        %get3A_466 = arith.index_cast %mul3A_465 : i32 to index
        %get3A_467 = tpu.vector_load %arg5[%get3A_466] {strides = array<i32>} : memref<2048xf32, #tpu.memory_space<vmem>>, vector<16xf32>,
        %get3A_468 = vector.shape_cast %get3A_467 : vector<16xf32> to vector<16xf32>
        %add3A_469 = vector.broadcast %squeeze3A_350 : f32 to vector<16xf32>
        %add3A_470 = arith.addf %get3A_468, %add3A_469 : vector<16xf32>
        %swap3A_471 = arith.index_cast %mul3A_465 : i32 to index
        %swap3A_472 = tpu.vector_load %arg7[%swap3A_471] {strides = array<i32>} : memref<2048xf32, #tpu.memory_space<vmem>>, vector<16xf32>,
        %swap3A_473 = vector.shape_cast %swap3A_472 : vector<16xf32> to vector<16xf32>
        %swap3A_474 = vector.shape_cast %add3A_470 : vector<16xf32> to vector<16xf32>
        tpu.vector_store %arg7[%swap3A_471], %swap3A_474 {strides = array<i32>} : memref<2048xf32, #tpu.memory_space<vmem>>, vector<16xf32>,
        %mul3A_475 = arith.constant 16 : i32
        %mul3A_476 = arith.muli %scan3A_445, %mul3A_475 : i32
        %add3A_477 = arith.constant 2 : i32
        %add3A_478 = arith.addi %mul3A_476, %add3A_477 : i32
        %mul3A_479 = arith.constant 16 : i32
        %mul3A_480 = arith.muli %add3A_478, %mul3A_479 : i32
        %get3A_481 = arith.index_cast %mul3A_480 : i32 to index
        %get3A_482 = tpu.vector_load %arg5[%get3A_481] {strides = array<i32>} : memref<2048xf32, #tpu.memory_space<vmem>>, vector<16xf32>,
        %get3A_483 = vector.shape_cast %get3A_482 : vector<16xf32> to vector<16xf32>
        %add3A_484 = vector.broadcast %squeeze3A_350 : f32 to vector<16xf32>
        %add3A_485 = arith.addf %get3A_483, %add3A_484 : vector<16xf32>
        %swap3A_486 = arith.index_cast %mul3A_480 : i32 to index
        %swap3A_487 = tpu.vector_load %arg7[%swap3A_486] {strides = array<i32>} : memref<2048xf32, #tpu.memory_space<vmem>>, vector<16xf32>,
        %swap3A_488 = vector.shape_cast %swap3A_487 : vector<16xf32> to vector<16xf32>
        %swap3A_489 = vector.shape_cast %add3A_485 : vector<16xf32> to vector<16xf32>
        tpu.vector_store %arg7[%swap3A_486], %swap3A_489 {strides = array<i32>} : memref<2048xf32, #tpu.memory_space<vmem>>, vector<16xf32>,
        %mul3A_490 = arith.constant 16 : i32
        %mul3A_491 = arith.muli %scan3A_445, %mul3A_490 : i32
        %add3A_492 = arith.constant 3 : i32
        %add3A_493 = arith.addi %mul3A_491, %add3A_492 : i32
        %mul3A_494 = arith.constant 16 : i32
        %mul3A_495 = arith.muli %add3A_493, %mul3A_494 : i32
        %get3A_496 = arith.index_cast %mul3A_495 : i32 to index
        %get3A_497 = tpu.vector_load %arg5[%get3A_496] {strides = array<i32>} : memref<2048xf32, #tpu.memory_space<vmem>>, vector<16xf32>,
        %get3A_498 = vector.shape_cast %get3A_497 : vector<16xf32> to vector<16xf32>
        %add3A_499 = vector.broadcast %squeeze3A_350 : f32 to vector<16xf32>
        %add3A_500 = arith.addf %get3A_498, %add3A_499 : vector<16xf32>
        %swap3A_501 = arith.index_cast %mul3A_495 : i32 to index
        %swap3A_502 = tpu.vector_load %arg7[%swap3A_501] {strides = array<i32>} : memref<2048xf32, #tpu.memory_space<vmem>>, vector<16xf32>,
        %swap3A_503 = vector.shape_cast %swap3A_502 : vector<16xf32> to vector<16xf32>
        %swap3A_504 = vector.shape_cast %add3A_500 : vector<16xf32> to vector<16xf32>
        tpu.vector_store %arg7[%swap3A_501], %swap3A_504 {strides = array<i32>} : memref<2048xf32, #tpu.memory_space<vmem>>, vector<16xf32>,
        %mul3A_505 = arith.constant 16 : i32
        %mul3A_506 = arith.muli %scan3A_445, %mul3A_505 : i32
        %add3A_507 = arith.constant 4 : i32
        %add3A_508 = arith.addi %mul3A_506, %add3A_507 : i32
        %mul3A_509 = arith.constant 16 : i32
        %mul3A_510 = arith.muli %add3A_508, %mul3A_509 : i32
        %get3A_511 = arith.index_cast %mul3A_510 : i32 to index
        %get3A_512 = tpu.vector_load %arg5[%get3A_511] {strides = array<i32>} : memref<2048xf32, #tpu.memory_space<vmem>>, vector<16xf32>,
        %get3A_513 = vector.shape_cast %get3A_512 : vector<16xf32> to vector<16xf32>
        %add3A_514 = vector.broadcast %squeeze3A_350 : f32 to vector<16xf32>
        %add3A_515 = arith.addf %get3A_513, %add3A_514 : vector<16xf32>
        %swap3A_516 = arith.index_cast %mul3A_510 : i32 to index
        %swap3A_517 = tpu.vector_load %arg7[%swap3A_516] {strides = array<i32>} : memref<2048xf32, #tpu.memory_space<vmem>>, vector<16xf32>,
        %swap3A_518 = vector.shape_cast %swap3A_517 : vector<16xf32> to vector<16xf32>
        %swap3A_519 = vector.shape_cast %add3A_515 : vector<16xf32> to vector<16xf32>
        tpu.vector_store %arg7[%swap3A_516], %swap3A_519 {strides = array<i32>} : memref<2048xf32, #tpu.memory_space<vmem>>, vector<16xf32>,
        %mul3A_520 = arith.constant 16 : i32
        %mul3A_521 = arith.muli %scan3A_445, %mul3A_520 : i32
        %add3A_522 = arith.constant 5 : i32
        %add3A_523 = arith.addi %mul3A_521, %add3A_522 : i32
        %mul3A_524 = arith.constant 16 : i32
        %mul3A_525 = arith.muli %add3A_523, %mul3A_524 : i32
        %get3A_526 = arith.index_cast %mul3A_525 : i32 to index
        %get3A_527 = tpu.vector_load %arg5[%get3A_526] {strides = array<i32>} : memref<2048xf32, #tpu.memory_space<vmem>>, vector<16xf32>,
        %get3A_528 = vector.shape_cast %get3A_527 : vector<16xf32> to vector<16xf32>
        %add3A_529 = vector.broadcast %squeeze3A_350 : f32 to vector<16xf32>
        %add3A_530 = arith.addf %get3A_528, %add3A_529 : vector<16xf32>
        %swap3A_531 = arith.index_cast %mul3A_525 : i32 to index
        %swap3A_532 = tpu.vector_load %arg7[%swap3A_531] {strides = array<i32>} : memref<2048xf32, #tpu.memory_space<vmem>>, vector<16xf32>,
        %swap3A_533 = vector.shape_cast %swap3A_532 : vector<16xf32> to vector<16xf32>
        %swap3A_534 = vector.shape_cast %add3A_530 : vector<16xf32> to vector<16xf32>
        tpu.vector_store %arg7[%swap3A_531], %swap3A_534 {strides = array<i32>} : memref<2048xf32, #tpu.memory_space<vmem>>, vector<16xf32>,
        %mul3A_535 = arith.constant 16 : i32
        %mul3A_536 = arith.muli %scan3A_445, %mul3A_535 : i32
        %add3A_537 = arith.constant 6 : i32
        %add3A_538 = arith.addi %mul3A_536, %add3A_537 : i32
        %mul3A_539 = arith.constant 16 : i32
        %mul3A_540 = arith.muli %add3A_538, %mul3A_539 : i32
        %get3A_541 = arith.index_cast %mul3A_540 : i32 to index
        %get3A_542 = tpu.vector_load %arg5[%get3A_541] {strides = array<i32>} : memref<2048xf32, #tpu.memory_space<vmem>>, vector<16xf32>,
        %get3A_543 = vector.shape_cast %get3A_542 : vector<16xf32> to vector<16xf32>
        %add3A_544 = vector.broadcast %squeeze3A_350 : f32 to vector<16xf32>
        %add3A_545 = arith.addf %get3A_543, %add3A_544 : vector<16xf32>
        %swap3A_546 = arith.index_cast %mul3A_540 : i32 to index
        %swap3A_547 = tpu.vector_load %arg7[%swap3A_546] {strides = array<i32>} : memref<2048xf32, #tpu.memory_space<vmem>>, vector<16xf32>,
        %swap3A_548 = vector.shape_cast %swap3A_547 : vector<16xf32> to vector<16xf32>
        %swap3A_549 = vector.shape_cast %add3A_545 : vector<16xf32> to vector<16xf32>
        tpu.vector_store %arg7[%swap3A_546], %swap3A_549 {strides = array<i32>} : memref<2048xf32, #tpu.memory_space<vmem>>, vector<16xf32>,
        %mul3A_550 = arith.constant 16 : i32
        %mul3A_551 = arith.muli %scan3A_445, %mul3A_550 : i32
        %add3A_552 = arith.constant 7 : i32
        %add3A_553 = arith.addi %mul3A_551, %add3A_552 : i32
        %mul3A_554 = arith.constant 16 : i32
        %mul3A_555 = arith.muli %add3A_553, %mul3A_554 : i32
        %get3A_556 = arith.index_cast %mul3A_555 : i32 to index
        %get3A_557 = tpu.vector_load %arg5[%get3A_556] {strides = array<i32>} : memref<2048xf32, #tpu.memory_space<vmem>>, vector<16xf32>,
        %get3A_558 = vector.shape_cast %get3A_557 : vector<16xf32> to vector<16xf32>
        %add3A_559 = vector.broadcast %squeeze3A_350 : f32 to vector<16xf32>
        %add3A_560 = arith.addf %get3A_558, %add3A_559 : vector<16xf32>
        %swap3A_561 = arith.index_cast %mul3A_555 : i32 to index
        %swap3A_562 = tpu.vector_load %arg7[%swap3A_561] {strides = array<i32>} : memref<2048xf32, #tpu.memory_space<vmem>>, vector<16xf32>,
        %swap3A_563 = vector.shape_cast %swap3A_562 : vector<16xf32> to vector<16xf32>
        %swap3A_564 = vector.shape_cast %add3A_560 : vector<16xf32> to vector<16xf32>
        tpu.vector_store %arg7[%swap3A_561], %swap3A_564 {strides = array<i32>} : memref<2048xf32, #tpu.memory_space<vmem>>, vector<16xf32>,
        %mul3A_565 = arith.constant 16 : i32
        %mul3A_566 = arith.muli %scan3A_445, %mul3A_565 : i32
        %add3A_567 = arith.constant 8 : i32
        %add3A_568 = arith.addi %mul3A_566, %add3A_567 : i32
        %mul3A_569 = arith.constant 16 : i32
        %mul3A_570 = arith.muli %add3A_568, %mul3A_569 : i32
        %get3A_571 = arith.index_cast %mul3A_570 : i32 to index
        %get3A_572 = tpu.vector_load %arg5[%get3A_571] {strides = array<i32>} : memref<2048xf32, #tpu.memory_space<vmem>>, vector<16xf32>,
        %get3A_573 = vector.shape_cast %get3A_572 : vector<16xf32> to vector<16xf32>
        %add3A_574 = vector.broadcast %squeeze3A_350 : f32 to vector<16xf32>
        %add3A_575 = arith.addf %get3A_573, %add3A_574 : vector<16xf32>
        %swap3A_576 = arith.index_cast %mul3A_570 : i32 to index
        %swap3A_577 = tpu.vector_load %arg7[%swap3A_576] {strides = array<i32>} : memref<2048xf32, #tpu.memory_space<vmem>>, vector<16xf32>,
        %swap3A_578 = vector.shape_cast %swap3A_577 : vector<16xf32> to vector<16xf32>
        %swap3A_579 = vector.shape_cast %add3A_575 : vector<16xf32> to vector<16xf32>
        tpu.vector_store %arg7[%swap3A_576], %swap3A_579 {strides = array<i32>} : memref<2048xf32, #tpu.memory_space<vmem>>, vector<16xf32>,
        %mul3A_580 = arith.constant 16 : i32
        %mul3A_581 = arith.muli %scan3A_445, %mul3A_580 : i32
        %add3A_582 = arith.constant 9 : i32
        %add3A_583 = arith.addi %mul3A_581, %add3A_582 : i32
        %mul3A_584 = arith.constant 16 : i32
        %mul3A_585 = arith.muli %add3A_583, %mul3A_584 : i32
        %get3A_586 = arith.index_cast %mul3A_585 : i32 to index
        %get3A_587 = tpu.vector_load %arg5[%get3A_586] {strides = array<i32>} : memref<2048xf32, #tpu.memory_space<vmem>>, vector<16xf32>,
        %get3A_588 = vector.shape_cast %get3A_587 : vector<16xf32> to vector<16xf32>
        %add3A_589 = vector.broadcast %squeeze3A_350 : f32 to vector<16xf32>
        %add3A_590 = arith.addf %get3A_588, %add3A_589 : vector<16xf32>
        %swap3A_591 = arith.index_cast %mul3A_585 : i32 to index
        %swap3A_592 = tpu.vector_load %arg7[%swap3A_591] {strides = array<i32>} : memref<2048xf32, #tpu.memory_space<vmem>>, vector<16xf32>,
        %swap3A_593 = vector.shape_cast %swap3A_592 : vector<16xf32> to vector<16xf32>
        %swap3A_594 = vector.shape_cast %add3A_590 : vector<16xf32> to vector<16xf32>
        tpu.vector_store %arg7[%swap3A_591], %swap3A_594 {strides = array<i32>} : memref<2048xf32, #tpu.memory_space<vmem>>, vector<16xf32>,
        %mul3A_595 = arith.constant 16 : i32
        %mul3A_596 = arith.muli %scan3A_445, %mul3A_595 : i32
        %add3A_597 = arith.constant 10 : i32
        %add3A_598 = arith.addi %mul3A_596, %add3A_597 : i32
        %mul3A_599 = arith.constant 16 : i32
        %mul3A_600 = arith.muli %add3A_598, %mul3A_599 : i32
        %get3A_601 = arith.index_cast %mul3A_600 : i32 to index
        %get3A_602 = tpu.vector_load %arg5[%get3A_601] {strides = array<i32>} : memref<2048xf32, #tpu.memory_space<vmem>>, vector<16xf32>,
        %get3A_603 = vector.shape_cast %get3A_602 : vector<16xf32> to vector<16xf32>
        %add3A_604 = vector.broadcast %squeeze3A_350 : f32 to vector<16xf32>
        %add3A_605 = arith.addf %get3A_603, %add3A_604 : vector<16xf32>
        %swap3A_606 = arith.index_cast %mul3A_600 : i32 to index
        %swap3A_607 = tpu.vector_load %arg7[%swap3A_606] {strides = array<i32>} : memref<2048xf32, #tpu.memory_space<vmem>>, vector<16xf32>,
        %swap3A_608 = vector.shape_cast %swap3A_607 : vector<16xf32> to vector<16xf32>
        %swap3A_609 = vector.shape_cast %add3A_605 : vector<16xf32> to vector<16xf32>
        tpu.vector_store %arg7[%swap3A_606], %swap3A_609 {strides = array<i32>} : memref<2048xf32, #tpu.memory_space<vmem>>, vector<16xf32>,
        %mul3A_610 = arith.constant 16 : i32
        %mul3A_611 = arith.muli %scan3A_445, %mul3A_610 : i32
        %add3A_612 = arith.constant 11 : i32
        %add3A_613 = arith.addi %mul3A_611, %add3A_612 : i32
        %mul3A_614 = arith.constant 16 : i32
        %mul3A_615 = arith.muli %add3A_613, %mul3A_614 : i32
        %get3A_616 = arith.index_cast %mul3A_615 : i32 to index
        %get3A_617 = tpu.vector_load %arg5[%get3A_616] {strides = array<i32>} : memref<2048xf32, #tpu.memory_space<vmem>>, vector<16xf32>,
        %get3A_618 = vector.shape_cast %get3A_617 : vector<16xf32> to vector<16xf32>
        %add3A_619 = vector.broadcast %squeeze3A_350 : f32 to vector<16xf32>
        %add3A_620 = arith.addf %get3A_618, %add3A_619 : vector<16xf32>
        %swap3A_621 = arith.index_cast %mul3A_615 : i32 to index
        %swap3A_622 = tpu.vector_load %arg7[%swap3A_621] {strides = array<i32>} : memref<2048xf32, #tpu.memory_space<vmem>>, vector<16xf32>,
        %swap3A_623 = vector.shape_cast %swap3A_622 : vector<16xf32> to vector<16xf32>
        %swap3A_624 = vector.shape_cast %add3A_620 : vector<16xf32> to vector<16xf32>
        tpu.vector_store %arg7[%swap3A_621], %swap3A_624 {strides = array<i32>} : memref<2048xf32, #tpu.memory_space<vmem>>, vector<16xf32>,
        %mul3A_625 = arith.constant 16 : i32
        %mul3A_626 = arith.muli %scan3A_445, %mul3A_625 : i32
        %add3A_627 = arith.constant 12 : i32
        %add3A_628 = arith.addi %mul3A_626, %add3A_627 : i32
        %mul3A_629 = arith.constant 16 : i32
        %mul3A_630 = arith.muli %add3A_628, %mul3A_629 : i32
        %get3A_631 = arith.index_cast %mul3A_630 : i32 to index
        %get3A_632 = tpu.vector_load %arg5[%get3A_631] {strides = array<i32>} : memref<2048xf32, #tpu.memory_space<vmem>>, vector<16xf32>,
        %get3A_633 = vector.shape_cast %get3A_632 : vector<16xf32> to vector<16xf32>
        %add3A_634 = vector.broadcast %squeeze3A_350 : f32 to vector<16xf32>
        %add3A_635 = arith.addf %get3A_633, %add3A_634 : vector<16xf32>
        %swap3A_636 = arith.index_cast %mul3A_630 : i32 to index
        %swap3A_637 = tpu.vector_load %arg7[%swap3A_636] {strides = array<i32>} : memref<2048xf32, #tpu.memory_space<vmem>>, vector<16xf32>,
        %swap3A_638 = vector.shape_cast %swap3A_637 : vector<16xf32> to vector<16xf32>
        %swap3A_639 = vector.shape_cast %add3A_635 : vector<16xf32> to vector<16xf32>
        tpu.vector_store %arg7[%swap3A_636], %swap3A_639 {strides = array<i32>} : memref<2048xf32, #tpu.memory_space<vmem>>, vector<16xf32>,
        %mul3A_640 = arith.constant 16 : i32
        %mul3A_641 = arith.muli %scan3A_445, %mul3A_640 : i32
        %add3A_642 = arith.constant 13 : i32
        %add3A_643 = arith.addi %mul3A_641, %add3A_642 : i32
        %mul3A_644 = arith.constant 16 : i32
        %mul3A_645 = arith.muli %add3A_643, %mul3A_644 : i32
        %get3A_646 = arith.index_cast %mul3A_645 : i32 to index
        %get3A_647 = tpu.vector_load %arg5[%get3A_646] {strides = array<i32>} : memref<2048xf32, #tpu.memory_space<vmem>>, vector<16xf32>,
        %get3A_648 = vector.shape_cast %get3A_647 : vector<16xf32> to vector<16xf32>
        %add3A_649 = vector.broadcast %squeeze3A_350 : f32 to vector<16xf32>
        %add3A_650 = arith.addf %get3A_648, %add3A_649 : vector<16xf32>
        %swap3A_651 = arith.index_cast %mul3A_645 : i32 to index
        %swap3A_652 = tpu.vector_load %arg7[%swap3A_651] {strides = array<i32>} : memref<2048xf32, #tpu.memory_space<vmem>>, vector<16xf32>,
        %swap3A_653 = vector.shape_cast %swap3A_652 : vector<16xf32> to vector<16xf32>
        %swap3A_654 = vector.shape_cast %add3A_650 : vector<16xf32> to vector<16xf32>
        tpu.vector_store %arg7[%swap3A_651], %swap3A_654 {strides = array<i32>} : memref<2048xf32, #tpu.memory_space<vmem>>, vector<16xf32>,
        %mul3A_655 = arith.constant 16 : i32
        %mul3A_656 = arith.muli %scan3A_445, %mul3A_655 : i32
        %add3A_657 = arith.constant 14 : i32
        %add3A_658 = arith.addi %mul3A_656, %add3A_657 : i32
        %mul3A_659 = arith.constant 16 : i32
        %mul3A_660 = arith.muli %add3A_658, %mul3A_659 : i32
        %get3A_661 = arith.index_cast %mul3A_660 : i32 to index
        %get3A_662 = tpu.vector_load %arg5[%get3A_661] {strides = array<i32>} : memref<2048xf32, #tpu.memory_space<vmem>>, vector<16xf32>,
        %get3A_663 = vector.shape_cast %get3A_662 : vector<16xf32> to vector<16xf32>
        %add3A_664 = vector.broadcast %squeeze3A_350 : f32 to vector<16xf32>
        %add3A_665 = arith.addf %get3A_663, %add3A_664 : vector<16xf32>
        %swap3A_666 = arith.index_cast %mul3A_660 : i32 to index
        %swap3A_667 = tpu.vector_load %arg7[%swap3A_666] {strides = array<i32>} : memref<2048xf32, #tpu.memory_space<vmem>>, vector<16xf32>,
        %swap3A_668 = vector.shape_cast %swap3A_667 : vector<16xf32> to vector<16xf32>
        %swap3A_669 = vector.shape_cast %add3A_665 : vector<16xf32> to vector<16xf32>
        tpu.vector_store %arg7[%swap3A_666], %swap3A_669 {strides = array<i32>} : memref<2048xf32, #tpu.memory_space<vmem>>, vector<16xf32>,
        %mul3A_670 = arith.constant 16 : i32
        %mul3A_671 = arith.muli %scan3A_445, %mul3A_670 : i32
        %add3A_672 = arith.constant 15 : i32
        %add3A_673 = arith.addi %mul3A_671, %add3A_672 : i32
        %mul3A_674 = arith.constant 16 : i32
        %mul3A_675 = arith.muli %add3A_673, %mul3A_674 : i32
        %get3A_676 = arith.index_cast %mul3A_675 : i32 to index
        %get3A_677 = tpu.vector_load %arg5[%get3A_676] {strides = array<i32>} : memref<2048xf32, #tpu.memory_space<vmem>>, vector<16xf32>,
        %get3A_678 = vector.shape_cast %get3A_677 : vector<16xf32> to vector<16xf32>
        %add3A_679 = vector.broadcast %squeeze3A_350 : f32 to vector<16xf32>
        %add3A_680 = arith.addf %get3A_678, %add3A_679 : vector<16xf32>
        %swap3A_681 = arith.index_cast %mul3A_675 : i32 to index
        %swap3A_682 = tpu.vector_load %arg7[%swap3A_681] {strides = array<i32>} : memref<2048xf32, #tpu.memory_space<vmem>>, vector<16xf32>,
        %swap3A_683 = vector.shape_cast %swap3A_682 : vector<16xf32> to vector<16xf32>
        %swap3A_684 = vector.shape_cast %add3A_680 : vector<16xf32> to vector<16xf32>
        tpu.vector_store %arg7[%swap3A_681], %swap3A_684 {strides = array<i32>} : memref<2048xf32, #tpu.memory_space<vmem>>, vector<16xf32>,
      }
      %scan3A_356 = arith.constant 8 : i32
      %dma_start3A_357 = arith.constant 12 : i32
      %dma_start3A_358 = arith.constant 0 : i32
      %dma_start3A_359 = tpu.memref_slice %arg4[%add3A_337, %dma_start3A_357, %dma_start3A_358] : memref<2048x16x2048xf32, #tpu.memory_space<hbm>> -> memref<1x1x2048xf32, #tpu.memory_space<hbm>>
      %dma_start3A_360 = tpu.memref_squeeze %dma_start3A_359 : memref<1x1x2048xf32, #tpu.memory_space<hbm>> -> memref<2048xf32, #tpu.memory_space<hbm>>
      %dma_start3A_361 = arith.constant 0 : i32
      %dma_start3A_362 = tpu.memref_slice %arg4[%add3A_337, %dma_start3A_357, %dma_start3A_361] : memref<2048x16x2048xf32, #tpu.memory_space<hbm>> -> memref<1x1x2048xf32, #tpu.memory_space<hbm>>
      %dma_start3A_363 = tpu.memref_squeeze %dma_start3A_362 : memref<1x1x2048xf32, #tpu.memory_space<hbm>> -> memref<2048xf32, #tpu.memory_space<hbm>>
      tpu.enqueue_dma source(%arg7 : memref<2048xf32, #tpu.memory_space<vmem>>) target(%dma_start3A_363 : memref<2048xf32, #tpu.memory_space<hbm>>) target_semaphore(%arg9 : memref<!tpu.dma_semaphore, #tpu.memory_space<semaphore_mem>>)
      %add3A_364 = arith.addi %mul3A_2, %scan3A_21 : i32
      %dma_wait3A_365 = arith.constant 13 : i32
      %dma_wait3A_366 = arith.constant 0 : i32
      %dma_wait3A_367 = tpu.memref_slice %arg4[%add3A_364, %dma_wait3A_365, %dma_wait3A_366] : memref<2048x16x2048xf32, #tpu.memory_space<hbm>> -> memref<1x1x2048xf32, #tpu.memory_space<hbm>>
      %dma_wait3A_368 = tpu.memref_squeeze %dma_wait3A_367 : memref<1x1x2048xf32, #tpu.memory_space<hbm>> -> memref<2048xf32, #tpu.memory_space<hbm>>
      %dma_wait3A_369 = arith.constant 0 : i32
      %dma_wait3A_370 = tpu.memref_slice %arg4[%add3A_364, %dma_wait3A_365, %dma_wait3A_369] : memref<2048x16x2048xf32, #tpu.memory_space<hbm>> -> memref<1x1x2048xf32, #tpu.memory_space<hbm>>
      %dma_wait3A_371 = tpu.memref_squeeze %dma_wait3A_370 : memref<1x1x2048xf32, #tpu.memory_space<hbm>> -> memref<2048xf32, #tpu.memory_space<hbm>>
      tpu.wait_dma2 semaphore(%arg10 : memref<!tpu.dma_semaphore, #tpu.memory_space<semaphore_mem>>) src(%arg8 : memref<2048xf32, #tpu.memory_space<vmem>>) dst(%dma_wait3A_371 : memref<2048xf32, #tpu.memory_space<hbm>>)
      %get3A_372 = arith.index_cast %scan3A_21 : i32 to index
      %get3A_373 = arith.constant 0 : index
      %get3A_374 = tpu.vector_load %arg6[%get3A_372, %get3A_373] {strides = array<i32>} : memref<64x16xf32, #tpu.memory_space<vmem>>, vector<1x16xf32>,
      %get3A_375 = vector.shape_cast %get3A_374 : vector<1x16xf32> to vector<16xf32>
      %slice3A_376 = vector.extract_strided_slice %get3A_375 {offsets = [13], sizes = [1], strides = [1]} : vector<16xf32> to vector<1xf32>
      %squeeze3A_377 = vector.extract %slice3A_376[0] : f32 from vector<1xf32>
      %scan3A_378 = arith.constant 0 : i32
      %scan3A_379 = arith.constant 0 : i32
      %scan3A_380 = arith.constant 8 : i32
      %scan3A_381 = arith.addi %scan3A_379, %scan3A_380 : i32
      %scan3A_382 = arith.constant 1 : i32
      scf.for %scan3A_445 = %scan3A_379 to %scan3A_381 step %scan3A_382  : i32 {
        %mul3A_446 = arith.constant 16 : i32
        %mul3A_447 = arith.muli %scan3A_445, %mul3A_446 : i32
        %add3A_448 = arith.constant 0 : i32
        %add3A_449 = arith.addi %mul3A_447, %add3A_448 : i32
        %mul3A_450 = arith.constant 16 : i32
        %mul3A_451 = arith.muli %add3A_449, %mul3A_450 : i32
        %get3A_452 = arith.index_cast %mul3A_451 : i32 to index
        %get3A_453 = tpu.vector_load %arg5[%get3A_452] {strides = array<i32>} : memref<2048xf32, #tpu.memory_space<vmem>>, vector<16xf32>,
        %get3A_454 = vector.shape_cast %get3A_453 : vector<16xf32> to vector<16xf32>
        %add3A_455 = vector.broadcast %squeeze3A_377 : f32 to vector<16xf32>
        %add3A_456 = arith.addf %get3A_454, %add3A_455 : vector<16xf32>
        %swap3A = arith.index_cast %mul3A_451 : i32 to index
        %swap3A_457 = tpu.vector_load %arg8[%swap3A] {strides = array<i32>} : memref<2048xf32, #tpu.memory_space<vmem>>, vector<16xf32>,
        %swap3A_458 = vector.shape_cast %swap3A_457 : vector<16xf32> to vector<16xf32>
        %swap3A_459 = vector.shape_cast %add3A_456 : vector<16xf32> to vector<16xf32>
        tpu.vector_store %arg8[%swap3A], %swap3A_459 {strides = array<i32>} : memref<2048xf32, #tpu.memory_space<vmem>>, vector<16xf32>,
        %mul3A_460 = arith.constant 16 : i32
        %mul3A_461 = arith.muli %scan3A_445, %mul3A_460 : i32
        %add3A_462 = arith.constant 1 : i32
        %add3A_463 = arith.addi %mul3A_461, %add3A_462 : i32
        %mul3A_464 = arith.constant 16 : i32
        %mul3A_465 = arith.muli %add3A_463, %mul3A_464 : i32
        %get3A_466 = arith.index_cast %mul3A_465 : i32 to index
        %get3A_467 = tpu.vector_load %arg5[%get3A_466] {strides = array<i32>} : memref<2048xf32, #tpu.memory_space<vmem>>, vector<16xf32>,
        %get3A_468 = vector.shape_cast %get3A_467 : vector<16xf32> to vector<16xf32>
        %add3A_469 = vector.broadcast %squeeze3A_377 : f32 to vector<16xf32>
        %add3A_470 = arith.addf %get3A_468, %add3A_469 : vector<16xf32>
        %swap3A_471 = arith.index_cast %mul3A_465 : i32 to index
        %swap3A_472 = tpu.vector_load %arg8[%swap3A_471] {strides = array<i32>} : memref<2048xf32, #tpu.memory_space<vmem>>, vector<16xf32>,
        %swap3A_473 = vector.shape_cast %swap3A_472 : vector<16xf32> to vector<16xf32>
        %swap3A_474 = vector.shape_cast %add3A_470 : vector<16xf32> to vector<16xf32>
        tpu.vector_store %arg8[%swap3A_471], %swap3A_474 {strides = array<i32>} : memref<2048xf32, #tpu.memory_space<vmem>>, vector<16xf32>,
        %mul3A_475 = arith.constant 16 : i32
        %mul3A_476 = arith.muli %scan3A_445, %mul3A_475 : i32
        %add3A_477 = arith.constant 2 : i32
        %add3A_478 = arith.addi %mul3A_476, %add3A_477 : i32
        %mul3A_479 = arith.constant 16 : i32
        %mul3A_480 = arith.muli %add3A_478, %mul3A_479 : i32
        %get3A_481 = arith.index_cast %mul3A_480 : i32 to index
        %get3A_482 = tpu.vector_load %arg5[%get3A_481] {strides = array<i32>} : memref<2048xf32, #tpu.memory_space<vmem>>, vector<16xf32>,
        %get3A_483 = vector.shape_cast %get3A_482 : vector<16xf32> to vector<16xf32>
        %add3A_484 = vector.broadcast %squeeze3A_377 : f32 to vector<16xf32>
        %add3A_485 = arith.addf %get3A_483, %add3A_484 : vector<16xf32>
        %swap3A_486 = arith.index_cast %mul3A_480 : i32 to index
        %swap3A_487 = tpu.vector_load %arg8[%swap3A_486] {strides = array<i32>} : memref<2048xf32, #tpu.memory_space<vmem>>, vector<16xf32>,
        %swap3A_488 = vector.shape_cast %swap3A_487 : vector<16xf32> to vector<16xf32>
        %swap3A_489 = vector.shape_cast %add3A_485 : vector<16xf32> to vector<16xf32>
        tpu.vector_store %arg8[%swap3A_486], %swap3A_489 {strides = array<i32>} : memref<2048xf32, #tpu.memory_space<vmem>>, vector<16xf32>,
        %mul3A_490 = arith.constant 16 : i32
        %mul3A_491 = arith.muli %scan3A_445, %mul3A_490 : i32
        %add3A_492 = arith.constant 3 : i32
        %add3A_493 = arith.addi %mul3A_491, %add3A_492 : i32
        %mul3A_494 = arith.constant 16 : i32
        %mul3A_495 = arith.muli %add3A_493, %mul3A_494 : i32
        %get3A_496 = arith.index_cast %mul3A_495 : i32 to index
        %get3A_497 = tpu.vector_load %arg5[%get3A_496] {strides = array<i32>} : memref<2048xf32, #tpu.memory_space<vmem>>, vector<16xf32>,
        %get3A_498 = vector.shape_cast %get3A_497 : vector<16xf32> to vector<16xf32>
        %add3A_499 = vector.broadcast %squeeze3A_377 : f32 to vector<16xf32>
        %add3A_500 = arith.addf %get3A_498, %add3A_499 : vector<16xf32>
        %swap3A_501 = arith.index_cast %mul3A_495 : i32 to index
        %swap3A_502 = tpu.vector_load %arg8[%swap3A_501] {strides = array<i32>} : memref<2048xf32, #tpu.memory_space<vmem>>, vector<16xf32>,
        %swap3A_503 = vector.shape_cast %swap3A_502 : vector<16xf32> to vector<16xf32>
        %swap3A_504 = vector.shape_cast %add3A_500 : vector<16xf32> to vector<16xf32>
        tpu.vector_store %arg8[%swap3A_501], %swap3A_504 {strides = array<i32>} : memref<2048xf32, #tpu.memory_space<vmem>>, vector<16xf32>,
        %mul3A_505 = arith.constant 16 : i32
        %mul3A_506 = arith.muli %scan3A_445, %mul3A_505 : i32
        %add3A_507 = arith.constant 4 : i32
        %add3A_508 = arith.addi %mul3A_506, %add3A_507 : i32
        %mul3A_509 = arith.constant 16 : i32
        %mul3A_510 = arith.muli %add3A_508, %mul3A_509 : i32
        %get3A_511 = arith.index_cast %mul3A_510 : i32 to index
        %get3A_512 = tpu.vector_load %arg5[%get3A_511] {strides = array<i32>} : memref<2048xf32, #tpu.memory_space<vmem>>, vector<16xf32>,
        %get3A_513 = vector.shape_cast %get3A_512 : vector<16xf32> to vector<16xf32>
        %add3A_514 = vector.broadcast %squeeze3A_377 : f32 to vector<16xf32>
        %add3A_515 = arith.addf %get3A_513, %add3A_514 : vector<16xf32>
        %swap3A_516 = arith.index_cast %mul3A_510 : i32 to index
        %swap3A_517 = tpu.vector_load %arg8[%swap3A_516] {strides = array<i32>} : memref<2048xf32, #tpu.memory_space<vmem>>, vector<16xf32>,
        %swap3A_518 = vector.shape_cast %swap3A_517 : vector<16xf32> to vector<16xf32>
        %swap3A_519 = vector.shape_cast %add3A_515 : vector<16xf32> to vector<16xf32>
        tpu.vector_store %arg8[%swap3A_516], %swap3A_519 {strides = array<i32>} : memref<2048xf32, #tpu.memory_space<vmem>>, vector<16xf32>,
        %mul3A_520 = arith.constant 16 : i32
        %mul3A_521 = arith.muli %scan3A_445, %mul3A_520 : i32
        %add3A_522 = arith.constant 5 : i32
        %add3A_523 = arith.addi %mul3A_521, %add3A_522 : i32
        %mul3A_524 = arith.constant 16 : i32
        %mul3A_525 = arith.muli %add3A_523, %mul3A_524 : i32
        %get3A_526 = arith.index_cast %mul3A_525 : i32 to index
        %get3A_527 = tpu.vector_load %arg5[%get3A_526] {strides = array<i32>} : memref<2048xf32, #tpu.memory_space<vmem>>, vector<16xf32>,
        %get3A_528 = vector.shape_cast %get3A_527 : vector<16xf32> to vector<16xf32>
        %add3A_529 = vector.broadcast %squeeze3A_377 : f32 to vector<16xf32>
        %add3A_530 = arith.addf %get3A_528, %add3A_529 : vector<16xf32>
        %swap3A_531 = arith.index_cast %mul3A_525 : i32 to index
        %swap3A_532 = tpu.vector_load %arg8[%swap3A_531] {strides = array<i32>} : memref<2048xf32, #tpu.memory_space<vmem>>, vector<16xf32>,
        %swap3A_533 = vector.shape_cast %swap3A_532 : vector<16xf32> to vector<16xf32>
        %swap3A_534 = vector.shape_cast %add3A_530 : vector<16xf32> to vector<16xf32>
        tpu.vector_store %arg8[%swap3A_531], %swap3A_534 {strides = array<i32>} : memref<2048xf32, #tpu.memory_space<vmem>>, vector<16xf32>,
        %mul3A_535 = arith.constant 16 : i32
        %mul3A_536 = arith.muli %scan3A_445, %mul3A_535 : i32
        %add3A_537 = arith.constant 6 : i32
        %add3A_538 = arith.addi %mul3A_536, %add3A_537 : i32
        %mul3A_539 = arith.constant 16 : i32
        %mul3A_540 = arith.muli %add3A_538, %mul3A_539 : i32
        %get3A_541 = arith.index_cast %mul3A_540 : i32 to index
        %get3A_542 = tpu.vector_load %arg5[%get3A_541] {strides = array<i32>} : memref<2048xf32, #tpu.memory_space<vmem>>, vector<16xf32>,
        %get3A_543 = vector.shape_cast %get3A_542 : vector<16xf32> to vector<16xf32>
        %add3A_544 = vector.broadcast %squeeze3A_377 : f32 to vector<16xf32>
        %add3A_545 = arith.addf %get3A_543, %add3A_544 : vector<16xf32>
        %swap3A_546 = arith.index_cast %mul3A_540 : i32 to index
        %swap3A_547 = tpu.vector_load %arg8[%swap3A_546] {strides = array<i32>} : memref<2048xf32, #tpu.memory_space<vmem>>, vector<16xf32>,
        %swap3A_548 = vector.shape_cast %swap3A_547 : vector<16xf32> to vector<16xf32>
        %swap3A_549 = vector.shape_cast %add3A_545 : vector<16xf32> to vector<16xf32>
        tpu.vector_store %arg8[%swap3A_546], %swap3A_549 {strides = array<i32>} : memref<2048xf32, #tpu.memory_space<vmem>>, vector<16xf32>,
        %mul3A_550 = arith.constant 16 : i32
        %mul3A_551 = arith.muli %scan3A_445, %mul3A_550 : i32
        %add3A_552 = arith.constant 7 : i32
        %add3A_553 = arith.addi %mul3A_551, %add3A_552 : i32
        %mul3A_554 = arith.constant 16 : i32
        %mul3A_555 = arith.muli %add3A_553, %mul3A_554 : i32
        %get3A_556 = arith.index_cast %mul3A_555 : i32 to index
        %get3A_557 = tpu.vector_load %arg5[%get3A_556] {strides = array<i32>} : memref<2048xf32, #tpu.memory_space<vmem>>, vector<16xf32>,
        %get3A_558 = vector.shape_cast %get3A_557 : vector<16xf32> to vector<16xf32>
        %add3A_559 = vector.broadcast %squeeze3A_377 : f32 to vector<16xf32>
        %add3A_560 = arith.addf %get3A_558, %add3A_559 : vector<16xf32>
        %swap3A_561 = arith.index_cast %mul3A_555 : i32 to index
        %swap3A_562 = tpu.vector_load %arg8[%swap3A_561] {strides = array<i32>} : memref<2048xf32, #tpu.memory_space<vmem>>, vector<16xf32>,
        %swap3A_563 = vector.shape_cast %swap3A_562 : vector<16xf32> to vector<16xf32>
        %swap3A_564 = vector.shape_cast %add3A_560 : vector<16xf32> to vector<16xf32>
        tpu.vector_store %arg8[%swap3A_561], %swap3A_564 {strides = array<i32>} : memref<2048xf32, #tpu.memory_space<vmem>>, vector<16xf32>,
        %mul3A_565 = arith.constant 16 : i32
        %mul3A_566 = arith.muli %scan3A_445, %mul3A_565 : i32
        %add3A_567 = arith.constant 8 : i32
        %add3A_568 = arith.addi %mul3A_566, %add3A_567 : i32
        %mul3A_569 = arith.constant 16 : i32
        %mul3A_570 = arith.muli %add3A_568, %mul3A_569 : i32
        %get3A_571 = arith.index_cast %mul3A_570 : i32 to index
        %get3A_572 = tpu.vector_load %arg5[%get3A_571] {strides = array<i32>} : memref<2048xf32, #tpu.memory_space<vmem>>, vector<16xf32>,
        %get3A_573 = vector.shape_cast %get3A_572 : vector<16xf32> to vector<16xf32>
        %add3A_574 = vector.broadcast %squeeze3A_377 : f32 to vector<16xf32>
        %add3A_575 = arith.addf %get3A_573, %add3A_574 : vector<16xf32>
        %swap3A_576 = arith.index_cast %mul3A_570 : i32 to index
        %swap3A_577 = tpu.vector_load %arg8[%swap3A_576] {strides = array<i32>} : memref<2048xf32, #tpu.memory_space<vmem>>, vector<16xf32>,
        %swap3A_578 = vector.shape_cast %swap3A_577 : vector<16xf32> to vector<16xf32>
        %swap3A_579 = vector.shape_cast %add3A_575 : vector<16xf32> to vector<16xf32>
        tpu.vector_store %arg8[%swap3A_576], %swap3A_579 {strides = array<i32>} : memref<2048xf32, #tpu.memory_space<vmem>>, vector<16xf32>,
        %mul3A_580 = arith.constant 16 : i32
        %mul3A_581 = arith.muli %scan3A_445, %mul3A_580 : i32
        %add3A_582 = arith.constant 9 : i32
        %add3A_583 = arith.addi %mul3A_581, %add3A_582 : i32
        %mul3A_584 = arith.constant 16 : i32
        %mul3A_585 = arith.muli %add3A_583, %mul3A_584 : i32
        %get3A_586 = arith.index_cast %mul3A_585 : i32 to index
        %get3A_587 = tpu.vector_load %arg5[%get3A_586] {strides = array<i32>} : memref<2048xf32, #tpu.memory_space<vmem>>, vector<16xf32>,
        %get3A_588 = vector.shape_cast %get3A_587 : vector<16xf32> to vector<16xf32>
        %add3A_589 = vector.broadcast %squeeze3A_377 : f32 to vector<16xf32>
        %add3A_590 = arith.addf %get3A_588, %add3A_589 : vector<16xf32>
        %swap3A_591 = arith.index_cast %mul3A_585 : i32 to index
        %swap3A_592 = tpu.vector_load %arg8[%swap3A_591] {strides = array<i32>} : memref<2048xf32, #tpu.memory_space<vmem>>, vector<16xf32>,
        %swap3A_593 = vector.shape_cast %swap3A_592 : vector<16xf32> to vector<16xf32>
        %swap3A_594 = vector.shape_cast %add3A_590 : vector<16xf32> to vector<16xf32>
        tpu.vector_store %arg8[%swap3A_591], %swap3A_594 {strides = array<i32>} : memref<2048xf32, #tpu.memory_space<vmem>>, vector<16xf32>,
        %mul3A_595 = arith.constant 16 : i32
        %mul3A_596 = arith.muli %scan3A_445, %mul3A_595 : i32
        %add3A_597 = arith.constant 10 : i32
        %add3A_598 = arith.addi %mul3A_596, %add3A_597 : i32
        %mul3A_599 = arith.constant 16 : i32
        %mul3A_600 = arith.muli %add3A_598, %mul3A_599 : i32
        %get3A_601 = arith.index_cast %mul3A_600 : i32 to index
        %get3A_602 = tpu.vector_load %arg5[%get3A_601] {strides = array<i32>} : memref<2048xf32, #tpu.memory_space<vmem>>, vector<16xf32>,
        %get3A_603 = vector.shape_cast %get3A_602 : vector<16xf32> to vector<16xf32>
        %add3A_604 = vector.broadcast %squeeze3A_377 : f32 to vector<16xf32>
        %add3A_605 = arith.addf %get3A_603, %add3A_604 : vector<16xf32>
        %swap3A_606 = arith.index_cast %mul3A_600 : i32 to index
        %swap3A_607 = tpu.vector_load %arg8[%swap3A_606] {strides = array<i32>} : memref<2048xf32, #tpu.memory_space<vmem>>, vector<16xf32>,
        %swap3A_608 = vector.shape_cast %swap3A_607 : vector<16xf32> to vector<16xf32>
        %swap3A_609 = vector.shape_cast %add3A_605 : vector<16xf32> to vector<16xf32>
        tpu.vector_store %arg8[%swap3A_606], %swap3A_609 {strides = array<i32>} : memref<2048xf32, #tpu.memory_space<vmem>>, vector<16xf32>,
        %mul3A_610 = arith.constant 16 : i32
        %mul3A_611 = arith.muli %scan3A_445, %mul3A_610 : i32
        %add3A_612 = arith.constant 11 : i32
        %add3A_613 = arith.addi %mul3A_611, %add3A_612 : i32
        %mul3A_614 = arith.constant 16 : i32
        %mul3A_615 = arith.muli %add3A_613, %mul3A_614 : i32
        %get3A_616 = arith.index_cast %mul3A_615 : i32 to index
        %get3A_617 = tpu.vector_load %arg5[%get3A_616] {strides = array<i32>} : memref<2048xf32, #tpu.memory_space<vmem>>, vector<16xf32>,
        %get3A_618 = vector.shape_cast %get3A_617 : vector<16xf32> to vector<16xf32>
        %add3A_619 = vector.broadcast %squeeze3A_377 : f32 to vector<16xf32>
        %add3A_620 = arith.addf %get3A_618, %add3A_619 : vector<16xf32>
        %swap3A_621 = arith.index_cast %mul3A_615 : i32 to index
        %swap3A_622 = tpu.vector_load %arg8[%swap3A_621] {strides = array<i32>} : memref<2048xf32, #tpu.memory_space<vmem>>, vector<16xf32>,
        %swap3A_623 = vector.shape_cast %swap3A_622 : vector<16xf32> to vector<16xf32>
        %swap3A_624 = vector.shape_cast %add3A_620 : vector<16xf32> to vector<16xf32>
        tpu.vector_store %arg8[%swap3A_621], %swap3A_624 {strides = array<i32>} : memref<2048xf32, #tpu.memory_space<vmem>>, vector<16xf32>,
        %mul3A_625 = arith.constant 16 : i32
        %mul3A_626 = arith.muli %scan3A_445, %mul3A_625 : i32
        %add3A_627 = arith.constant 12 : i32
        %add3A_628 = arith.addi %mul3A_626, %add3A_627 : i32
        %mul3A_629 = arith.constant 16 : i32
        %mul3A_630 = arith.muli %add3A_628, %mul3A_629 : i32
        %get3A_631 = arith.index_cast %mul3A_630 : i32 to index
        %get3A_632 = tpu.vector_load %arg5[%get3A_631] {strides = array<i32>} : memref<2048xf32, #tpu.memory_space<vmem>>, vector<16xf32>,
        %get3A_633 = vector.shape_cast %get3A_632 : vector<16xf32> to vector<16xf32>
        %add3A_634 = vector.broadcast %squeeze3A_377 : f32 to vector<16xf32>
        %add3A_635 = arith.addf %get3A_633, %add3A_634 : vector<16xf32>
        %swap3A_636 = arith.index_cast %mul3A_630 : i32 to index
        %swap3A_637 = tpu.vector_load %arg8[%swap3A_636] {strides = array<i32>} : memref<2048xf32, #tpu.memory_space<vmem>>, vector<16xf32>,
        %swap3A_638 = vector.shape_cast %swap3A_637 : vector<16xf32> to vector<16xf32>
        %swap3A_639 = vector.shape_cast %add3A_635 : vector<16xf32> to vector<16xf32>
        tpu.vector_store %arg8[%swap3A_636], %swap3A_639 {strides = array<i32>} : memref<2048xf32, #tpu.memory_space<vmem>>, vector<16xf32>,
        %mul3A_640 = arith.constant 16 : i32
        %mul3A_641 = arith.muli %scan3A_445, %mul3A_640 : i32
        %add3A_642 = arith.constant 13 : i32
        %add3A_643 = arith.addi %mul3A_641, %add3A_642 : i32
        %mul3A_644 = arith.constant 16 : i32
        %mul3A_645 = arith.muli %add3A_643, %mul3A_644 : i32
        %get3A_646 = arith.index_cast %mul3A_645 : i32 to index
        %get3A_647 = tpu.vector_load %arg5[%get3A_646] {strides = array<i32>} : memref<2048xf32, #tpu.memory_space<vmem>>, vector<16xf32>,
        %get3A_648 = vector.shape_cast %get3A_647 : vector<16xf32> to vector<16xf32>
        %add3A_649 = vector.broadcast %squeeze3A_377 : f32 to vector<16xf32>
        %add3A_650 = arith.addf %get3A_648, %add3A_649 : vector<16xf32>
        %swap3A_651 = arith.index_cast %mul3A_645 : i32 to index
        %swap3A_652 = tpu.vector_load %arg8[%swap3A_651] {strides = array<i32>} : memref<2048xf32, #tpu.memory_space<vmem>>, vector<16xf32>,
        %swap3A_653 = vector.shape_cast %swap3A_652 : vector<16xf32> to vector<16xf32>
        %swap3A_654 = vector.shape_cast %add3A_650 : vector<16xf32> to vector<16xf32>
        tpu.vector_store %arg8[%swap3A_651], %swap3A_654 {strides = array<i32>} : memref<2048xf32, #tpu.memory_space<vmem>>, vector<16xf32>,
        %mul3A_655 = arith.constant 16 : i32
        %mul3A_656 = arith.muli %scan3A_445, %mul3A_655 : i32
        %add3A_657 = arith.constant 14 : i32
        %add3A_658 = arith.addi %mul3A_656, %add3A_657 : i32
        %mul3A_659 = arith.constant 16 : i32
        %mul3A_660 = arith.muli %add3A_658, %mul3A_659 : i32
        %get3A_661 = arith.index_cast %mul3A_660 : i32 to index
        %get3A_662 = tpu.vector_load %arg5[%get3A_661] {strides = array<i32>} : memref<2048xf32, #tpu.memory_space<vmem>>, vector<16xf32>,
        %get3A_663 = vector.shape_cast %get3A_662 : vector<16xf32> to vector<16xf32>
        %add3A_664 = vector.broadcast %squeeze3A_377 : f32 to vector<16xf32>
        %add3A_665 = arith.addf %get3A_663, %add3A_664 : vector<16xf32>
        %swap3A_666 = arith.index_cast %mul3A_660 : i32 to index
        %swap3A_667 = tpu.vector_load %arg8[%swap3A_666] {strides = array<i32>} : memref<2048xf32, #tpu.memory_space<vmem>>, vector<16xf32>,
        %swap3A_668 = vector.shape_cast %swap3A_667 : vector<16xf32> to vector<16xf32>
        %swap3A_669 = vector.shape_cast %add3A_665 : vector<16xf32> to vector<16xf32>
        tpu.vector_store %arg8[%swap3A_666], %swap3A_669 {strides = array<i32>} : memref<2048xf32, #tpu.memory_space<vmem>>, vector<16xf32>,
        %mul3A_670 = arith.constant 16 : i32
        %mul3A_671 = arith.muli %scan3A_445, %mul3A_670 : i32
        %add3A_672 = arith.constant 15 : i32
        %add3A_673 = arith.addi %mul3A_671, %add3A_672 : i32
        %mul3A_674 = arith.constant 16 : i32
        %mul3A_675 = arith.muli %add3A_673, %mul3A_674 : i32
        %get3A_676 = arith.index_cast %mul3A_675 : i32 to index
        %get3A_677 = tpu.vector_load %arg5[%get3A_676] {strides = array<i32>} : memref<2048xf32, #tpu.memory_space<vmem>>, vector<16xf32>,
        %get3A_678 = vector.shape_cast %get3A_677 : vector<16xf32> to vector<16xf32>
        %add3A_679 = vector.broadcast %squeeze3A_377 : f32 to vector<16xf32>
        %add3A_680 = arith.addf %get3A_678, %add3A_679 : vector<16xf32>
        %swap3A_681 = arith.index_cast %mul3A_675 : i32 to index
        %swap3A_682 = tpu.vector_load %arg8[%swap3A_681] {strides = array<i32>} : memref<2048xf32, #tpu.memory_space<vmem>>, vector<16xf32>,
        %swap3A_683 = vector.shape_cast %swap3A_682 : vector<16xf32> to vector<16xf32>
        %swap3A_684 = vector.shape_cast %add3A_680 : vector<16xf32> to vector<16xf32>
        tpu.vector_store %arg8[%swap3A_681], %swap3A_684 {strides = array<i32>} : memref<2048xf32, #tpu.memory_space<vmem>>, vector<16xf32>,
      }
      %scan3A_383 = arith.constant 8 : i32
      %dma_start3A_384 = arith.constant 13 : i32
      %dma_start3A_385 = arith.constant 0 : i32
      %dma_start3A_386 = tpu.memref_slice %arg4[%add3A_364, %dma_start3A_384, %dma_start3A_385] : memref<2048x16x2048xf32, #tpu.memory_space<hbm>> -> memref<1x1x2048xf32, #tpu.memory_space<hbm>>
      %dma_start3A_387 = tpu.memref_squeeze %dma_start3A_386 : memref<1x1x2048xf32, #tpu.memory_space<hbm>> -> memref<2048xf32, #tpu.memory_space<hbm>>
      %dma_start3A_388 = arith.constant 0 : i32
      %dma_start3A_389 = tpu.memref_slice %arg4[%add3A_364, %dma_start3A_384, %dma_start3A_388] : memref<2048x16x2048xf32, #tpu.memory_space<hbm>> -> memref<1x1x2048xf32, #tpu.memory_space<hbm>>
      %dma_start3A_390 = tpu.memref_squeeze %dma_start3A_389 : memref<1x1x2048xf32, #tpu.memory_space<hbm>> -> memref<2048xf32, #tpu.memory_space<hbm>>
      tpu.enqueue_dma source(%arg8 : memref<2048xf32, #tpu.memory_space<vmem>>) target(%dma_start3A_390 : memref<2048xf32, #tpu.memory_space<hbm>>) target_semaphore(%arg10 : memref<!tpu.dma_semaphore, #tpu.memory_space<semaphore_mem>>)
      %add3A_391 = arith.addi %mul3A_2, %scan3A_21 : i32
      %dma_wait3A_392 = arith.constant 14 : i32
      %dma_wait3A_393 = arith.constant 0 : i32
      %dma_wait3A_394 = tpu.memref_slice %arg4[%add3A_391, %dma_wait3A_392, %dma_wait3A_393] : memref<2048x16x2048xf32, #tpu.memory_space<hbm>> -> memref<1x1x2048xf32, #tpu.memory_space<hbm>>
      %dma_wait3A_395 = tpu.memref_squeeze %dma_wait3A_394 : memref<1x1x2048xf32, #tpu.memory_space<hbm>> -> memref<2048xf32, #tpu.memory_space<hbm>>
      %dma_wait3A_396 = arith.constant 0 : i32
      %dma_wait3A_397 = tpu.memref_slice %arg4[%add3A_391, %dma_wait3A_392, %dma_wait3A_396] : memref<2048x16x2048xf32, #tpu.memory_space<hbm>> -> memref<1x1x2048xf32, #tpu.memory_space<hbm>>
      %dma_wait3A_398 = tpu.memref_squeeze %dma_wait3A_397 : memref<1x1x2048xf32, #tpu.memory_space<hbm>> -> memref<2048xf32, #tpu.memory_space<hbm>>
      tpu.wait_dma2 semaphore(%arg9 : memref<!tpu.dma_semaphore, #tpu.memory_space<semaphore_mem>>) src(%arg7 : memref<2048xf32, #tpu.memory_space<vmem>>) dst(%dma_wait3A_398 : memref<2048xf32, #tpu.memory_space<hbm>>)
      %get3A_399 = arith.index_cast %scan3A_21 : i32 to index
      %get3A_400 = arith.constant 0 : index
      %get3A_401 = tpu.vector_load %arg6[%get3A_399, %get3A_400] {strides = array<i32>} : memref<64x16xf32, #tpu.memory_space<vmem>>, vector<1x16xf32>,
      %get3A_402 = vector.shape_cast %get3A_401 : vector<1x16xf32> to vector<16xf32>
      %slice3A_403 = vector.extract_strided_slice %get3A_402 {offsets = [14], sizes = [1], strides = [1]} : vector<16xf32> to vector<1xf32>
      %squeeze3A_404 = vector.extract %slice3A_403[0] : f32 from vector<1xf32>
      %scan3A_405 = arith.constant 0 : i32
      %scan3A_406 = arith.constant 0 : i32
      %scan3A_407 = arith.constant 8 : i32
      %scan3A_408 = arith.addi %scan3A_406, %scan3A_407 : i32
      %scan3A_409 = arith.constant 1 : i32
      scf.for %scan3A_445 = %scan3A_406 to %scan3A_408 step %scan3A_409  : i32 {
        %mul3A_446 = arith.constant 16 : i32
        %mul3A_447 = arith.muli %scan3A_445, %mul3A_446 : i32
        %add3A_448 = arith.constant 0 : i32
        %add3A_449 = arith.addi %mul3A_447, %add3A_448 : i32
        %mul3A_450 = arith.constant 16 : i32
        %mul3A_451 = arith.muli %add3A_449, %mul3A_450 : i32
        %get3A_452 = arith.index_cast %mul3A_451 : i32 to index
        %get3A_453 = tpu.vector_load %arg5[%get3A_452] {strides = array<i32>} : memref<2048xf32, #tpu.memory_space<vmem>>, vector<16xf32>,
        %get3A_454 = vector.shape_cast %get3A_453 : vector<16xf32> to vector<16xf32>
        %add3A_455 = vector.broadcast %squeeze3A_404 : f32 to vector<16xf32>
        %add3A_456 = arith.addf %get3A_454, %add3A_455 : vector<16xf32>
        %swap3A = arith.index_cast %mul3A_451 : i32 to index
        %swap3A_457 = tpu.vector_load %arg7[%swap3A] {strides = array<i32>} : memref<2048xf32, #tpu.memory_space<vmem>>, vector<16xf32>,
        %swap3A_458 = vector.shape_cast %swap3A_457 : vector<16xf32> to vector<16xf32>
        %swap3A_459 = vector.shape_cast %add3A_456 : vector<16xf32> to vector<16xf32>
        tpu.vector_store %arg7[%swap3A], %swap3A_459 {strides = array<i32>} : memref<2048xf32, #tpu.memory_space<vmem>>, vector<16xf32>,
        %mul3A_460 = arith.constant 16 : i32
        %mul3A_461 = arith.muli %scan3A_445, %mul3A_460 : i32
        %add3A_462 = arith.constant 1 : i32
        %add3A_463 = arith.addi %mul3A_461, %add3A_462 : i32
        %mul3A_464 = arith.constant 16 : i32
        %mul3A_465 = arith.muli %add3A_463, %mul3A_464 : i32
        %get3A_466 = arith.index_cast %mul3A_465 : i32 to index
        %get3A_467 = tpu.vector_load %arg5[%get3A_466] {strides = array<i32>} : memref<2048xf32, #tpu.memory_space<vmem>>, vector<16xf32>,
        %get3A_468 = vector.shape_cast %get3A_467 : vector<16xf32> to vector<16xf32>
        %add3A_469 = vector.broadcast %squeeze3A_404 : f32 to vector<16xf32>
        %add3A_470 = arith.addf %get3A_468, %add3A_469 : vector<16xf32>
        %swap3A_471 = arith.index_cast %mul3A_465 : i32 to index
        %swap3A_472 = tpu.vector_load %arg7[%swap3A_471] {strides = array<i32>} : memref<2048xf32, #tpu.memory_space<vmem>>, vector<16xf32>,
        %swap3A_473 = vector.shape_cast %swap3A_472 : vector<16xf32> to vector<16xf32>
        %swap3A_474 = vector.shape_cast %add3A_470 : vector<16xf32> to vector<16xf32>
        tpu.vector_store %arg7[%swap3A_471], %swap3A_474 {strides = array<i32>} : memref<2048xf32, #tpu.memory_space<vmem>>, vector<16xf32>,
        %mul3A_475 = arith.constant 16 : i32
        %mul3A_476 = arith.muli %scan3A_445, %mul3A_475 : i32
        %add3A_477 = arith.constant 2 : i32
        %add3A_478 = arith.addi %mul3A_476, %add3A_477 : i32
        %mul3A_479 = arith.constant 16 : i32
        %mul3A_480 = arith.muli %add3A_478, %mul3A_479 : i32
        %get3A_481 = arith.index_cast %mul3A_480 : i32 to index
        %get3A_482 = tpu.vector_load %arg5[%get3A_481] {strides = array<i32>} : memref<2048xf32, #tpu.memory_space<vmem>>, vector<16xf32>,
        %get3A_483 = vector.shape_cast %get3A_482 : vector<16xf32> to vector<16xf32>
        %add3A_484 = vector.broadcast %squeeze3A_404 : f32 to vector<16xf32>
        %add3A_485 = arith.addf %get3A_483, %add3A_484 : vector<16xf32>
        %swap3A_486 = arith.index_cast %mul3A_480 : i32 to index
        %swap3A_487 = tpu.vector_load %arg7[%swap3A_486] {strides = array<i32>} : memref<2048xf32, #tpu.memory_space<vmem>>, vector<16xf32>,
        %swap3A_488 = vector.shape_cast %swap3A_487 : vector<16xf32> to vector<16xf32>
        %swap3A_489 = vector.shape_cast %add3A_485 : vector<16xf32> to vector<16xf32>
        tpu.vector_store %arg7[%swap3A_486], %swap3A_489 {strides = array<i32>} : memref<2048xf32, #tpu.memory_space<vmem>>, vector<16xf32>,
        %mul3A_490 = arith.constant 16 : i32
        %mul3A_491 = arith.muli %scan3A_445, %mul3A_490 : i32
        %add3A_492 = arith.constant 3 : i32
        %add3A_493 = arith.addi %mul3A_491, %add3A_492 : i32
        %mul3A_494 = arith.constant 16 : i32
        %mul3A_495 = arith.muli %add3A_493, %mul3A_494 : i32
        %get3A_496 = arith.index_cast %mul3A_495 : i32 to index
        %get3A_497 = tpu.vector_load %arg5[%get3A_496] {strides = array<i32>} : memref<2048xf32, #tpu.memory_space<vmem>>, vector<16xf32>,
        %get3A_498 = vector.shape_cast %get3A_497 : vector<16xf32> to vector<16xf32>
        %add3A_499 = vector.broadcast %squeeze3A_404 : f32 to vector<16xf32>
        %add3A_500 = arith.addf %get3A_498, %add3A_499 : vector<16xf32>
        %swap3A_501 = arith.index_cast %mul3A_495 : i32 to index
        %swap3A_502 = tpu.vector_load %arg7[%swap3A_501] {strides = array<i32>} : memref<2048xf32, #tpu.memory_space<vmem>>, vector<16xf32>,
        %swap3A_503 = vector.shape_cast %swap3A_502 : vector<16xf32> to vector<16xf32>
        %swap3A_504 = vector.shape_cast %add3A_500 : vector<16xf32> to vector<16xf32>
        tpu.vector_store %arg7[%swap3A_501], %swap3A_504 {strides = array<i32>} : memref<2048xf32, #tpu.memory_space<vmem>>, vector<16xf32>,
        %mul3A_505 = arith.constant 16 : i32
        %mul3A_506 = arith.muli %scan3A_445, %mul3A_505 : i32
        %add3A_507 = arith.constant 4 : i32
        %add3A_508 = arith.addi %mul3A_506, %add3A_507 : i32
        %mul3A_509 = arith.constant 16 : i32
        %mul3A_510 = arith.muli %add3A_508, %mul3A_509 : i32
        %get3A_511 = arith.index_cast %mul3A_510 : i32 to index
        %get3A_512 = tpu.vector_load %arg5[%get3A_511] {strides = array<i32>} : memref<2048xf32, #tpu.memory_space<vmem>>, vector<16xf32>,
        %get3A_513 = vector.shape_cast %get3A_512 : vector<16xf32> to vector<16xf32>
        %add3A_514 = vector.broadcast %squeeze3A_404 : f32 to vector<16xf32>
        %add3A_515 = arith.addf %get3A_513, %add3A_514 : vector<16xf32>
        %swap3A_516 = arith.index_cast %mul3A_510 : i32 to index
        %swap3A_517 = tpu.vector_load %arg7[%swap3A_516] {strides = array<i32>} : memref<2048xf32, #tpu.memory_space<vmem>>, vector<16xf32>,
        %swap3A_518 = vector.shape_cast %swap3A_517 : vector<16xf32> to vector<16xf32>
        %swap3A_519 = vector.shape_cast %add3A_515 : vector<16xf32> to vector<16xf32>
        tpu.vector_store %arg7[%swap3A_516], %swap3A_519 {strides = array<i32>} : memref<2048xf32, #tpu.memory_space<vmem>>, vector<16xf32>,
        %mul3A_520 = arith.constant 16 : i32
        %mul3A_521 = arith.muli %scan3A_445, %mul3A_520 : i32
        %add3A_522 = arith.constant 5 : i32
        %add3A_523 = arith.addi %mul3A_521, %add3A_522 : i32
        %mul3A_524 = arith.constant 16 : i32
        %mul3A_525 = arith.muli %add3A_523, %mul3A_524 : i32
        %get3A_526 = arith.index_cast %mul3A_525 : i32 to index
        %get3A_527 = tpu.vector_load %arg5[%get3A_526] {strides = array<i32>} : memref<2048xf32, #tpu.memory_space<vmem>>, vector<16xf32>,
        %get3A_528 = vector.shape_cast %get3A_527 : vector<16xf32> to vector<16xf32>
        %add3A_529 = vector.broadcast %squeeze3A_404 : f32 to vector<16xf32>
        %add3A_530 = arith.addf %get3A_528, %add3A_529 : vector<16xf32>
        %swap3A_531 = arith.index_cast %mul3A_525 : i32 to index
        %swap3A_532 = tpu.vector_load %arg7[%swap3A_531] {strides = array<i32>} : memref<2048xf32, #tpu.memory_space<vmem>>, vector<16xf32>,
        %swap3A_533 = vector.shape_cast %swap3A_532 : vector<16xf32> to vector<16xf32>
        %swap3A_534 = vector.shape_cast %add3A_530 : vector<16xf32> to vector<16xf32>
        tpu.vector_store %arg7[%swap3A_531], %swap3A_534 {strides = array<i32>} : memref<2048xf32, #tpu.memory_space<vmem>>, vector<16xf32>,
        %mul3A_535 = arith.constant 16 : i32
        %mul3A_536 = arith.muli %scan3A_445, %mul3A_535 : i32
        %add3A_537 = arith.constant 6 : i32
        %add3A_538 = arith.addi %mul3A_536, %add3A_537 : i32
        %mul3A_539 = arith.constant 16 : i32
        %mul3A_540 = arith.muli %add3A_538, %mul3A_539 : i32
        %get3A_541 = arith.index_cast %mul3A_540 : i32 to index
        %get3A_542 = tpu.vector_load %arg5[%get3A_541] {strides = array<i32>} : memref<2048xf32, #tpu.memory_space<vmem>>, vector<16xf32>,
        %get3A_543 = vector.shape_cast %get3A_542 : vector<16xf32> to vector<16xf32>
        %add3A_544 = vector.broadcast %squeeze3A_404 : f32 to vector<16xf32>
        %add3A_545 = arith.addf %get3A_543, %add3A_544 : vector<16xf32>
        %swap3A_546 = arith.index_cast %mul3A_540 : i32 to index
        %swap3A_547 = tpu.vector_load %arg7[%swap3A_546] {strides = array<i32>} : memref<2048xf32, #tpu.memory_space<vmem>>, vector<16xf32>,
        %swap3A_548 = vector.shape_cast %swap3A_547 : vector<16xf32> to vector<16xf32>
        %swap3A_549 = vector.shape_cast %add3A_545 : vector<16xf32> to vector<16xf32>
        tpu.vector_store %arg7[%swap3A_546], %swap3A_549 {strides = array<i32>} : memref<2048xf32, #tpu.memory_space<vmem>>, vector<16xf32>,
        %mul3A_550 = arith.constant 16 : i32
        %mul3A_551 = arith.muli %scan3A_445, %mul3A_550 : i32
        %add3A_552 = arith.constant 7 : i32
        %add3A_553 = arith.addi %mul3A_551, %add3A_552 : i32
        %mul3A_554 = arith.constant 16 : i32
        %mul3A_555 = arith.muli %add3A_553, %mul3A_554 : i32
        %get3A_556 = arith.index_cast %mul3A_555 : i32 to index
        %get3A_557 = tpu.vector_load %arg5[%get3A_556] {strides = array<i32>} : memref<2048xf32, #tpu.memory_space<vmem>>, vector<16xf32>,
        %get3A_558 = vector.shape_cast %get3A_557 : vector<16xf32> to vector<16xf32>
        %add3A_559 = vector.broadcast %squeeze3A_404 : f32 to vector<16xf32>
        %add3A_560 = arith.addf %get3A_558, %add3A_559 : vector<16xf32>
        %swap3A_561 = arith.index_cast %mul3A_555 : i32 to index
        %swap3A_562 = tpu.vector_load %arg7[%swap3A_561] {strides = array<i32>} : memref<2048xf32, #tpu.memory_space<vmem>>, vector<16xf32>,
        %swap3A_563 = vector.shape_cast %swap3A_562 : vector<16xf32> to vector<16xf32>
        %swap3A_564 = vector.shape_cast %add3A_560 : vector<16xf32> to vector<16xf32>
        tpu.vector_store %arg7[%swap3A_561], %swap3A_564 {strides = array<i32>} : memref<2048xf32, #tpu.memory_space<vmem>>, vector<16xf32>,
        %mul3A_565 = arith.constant 16 : i32
        %mul3A_566 = arith.muli %scan3A_445, %mul3A_565 : i32
        %add3A_567 = arith.constant 8 : i32
        %add3A_568 = arith.addi %mul3A_566, %add3A_567 : i32
        %mul3A_569 = arith.constant 16 : i32
        %mul3A_570 = arith.muli %add3A_568, %mul3A_569 : i32
        %get3A_571 = arith.index_cast %mul3A_570 : i32 to index
        %get3A_572 = tpu.vector_load %arg5[%get3A_571] {strides = array<i32>} : memref<2048xf32, #tpu.memory_space<vmem>>, vector<16xf32>,
        %get3A_573 = vector.shape_cast %get3A_572 : vector<16xf32> to vector<16xf32>
        %add3A_574 = vector.broadcast %squeeze3A_404 : f32 to vector<16xf32>
        %add3A_575 = arith.addf %get3A_573, %add3A_574 : vector<16xf32>
        %swap3A_576 = arith.index_cast %mul3A_570 : i32 to index
        %swap3A_577 = tpu.vector_load %arg7[%swap3A_576] {strides = array<i32>} : memref<2048xf32, #tpu.memory_space<vmem>>, vector<16xf32>,
        %swap3A_578 = vector.shape_cast %swap3A_577 : vector<16xf32> to vector<16xf32>
        %swap3A_579 = vector.shape_cast %add3A_575 : vector<16xf32> to vector<16xf32>
        tpu.vector_store %arg7[%swap3A_576], %swap3A_579 {strides = array<i32>} : memref<2048xf32, #tpu.memory_space<vmem>>, vector<16xf32>,
        %mul3A_580 = arith.constant 16 : i32
        %mul3A_581 = arith.muli %scan3A_445, %mul3A_580 : i32
        %add3A_582 = arith.constant 9 : i32
        %add3A_583 = arith.addi %mul3A_581, %add3A_582 : i32
        %mul3A_584 = arith.constant 16 : i32
        %mul3A_585 = arith.muli %add3A_583, %mul3A_584 : i32
        %get3A_586 = arith.index_cast %mul3A_585 : i32 to index
        %get3A_587 = tpu.vector_load %arg5[%get3A_586] {strides = array<i32>} : memref<2048xf32, #tpu.memory_space<vmem>>, vector<16xf32>,
        %get3A_588 = vector.shape_cast %get3A_587 : vector<16xf32> to vector<16xf32>
        %add3A_589 = vector.broadcast %squeeze3A_404 : f32 to vector<16xf32>
        %add3A_590 = arith.addf %get3A_588, %add3A_589 : vector<16xf32>
        %swap3A_591 = arith.index_cast %mul3A_585 : i32 to index
        %swap3A_592 = tpu.vector_load %arg7[%swap3A_591] {strides = array<i32>} : memref<2048xf32, #tpu.memory_space<vmem>>, vector<16xf32>,
        %swap3A_593 = vector.shape_cast %swap3A_592 : vector<16xf32> to vector<16xf32>
        %swap3A_594 = vector.shape_cast %add3A_590 : vector<16xf32> to vector<16xf32>
        tpu.vector_store %arg7[%swap3A_591], %swap3A_594 {strides = array<i32>} : memref<2048xf32, #tpu.memory_space<vmem>>, vector<16xf32>,
        %mul3A_595 = arith.constant 16 : i32
        %mul3A_596 = arith.muli %scan3A_445, %mul3A_595 : i32
        %add3A_597 = arith.constant 10 : i32
        %add3A_598 = arith.addi %mul3A_596, %add3A_597 : i32
        %mul3A_599 = arith.constant 16 : i32
        %mul3A_600 = arith.muli %add3A_598, %mul3A_599 : i32
        %get3A_601 = arith.index_cast %mul3A_600 : i32 to index
        %get3A_602 = tpu.vector_load %arg5[%get3A_601] {strides = array<i32>} : memref<2048xf32, #tpu.memory_space<vmem>>, vector<16xf32>,
        %get3A_603 = vector.shape_cast %get3A_602 : vector<16xf32> to vector<16xf32>
        %add3A_604 = vector.broadcast %squeeze3A_404 : f32 to vector<16xf32>
        %add3A_605 = arith.addf %get3A_603, %add3A_604 : vector<16xf32>
        %swap3A_606 = arith.index_cast %mul3A_600 : i32 to index
        %swap3A_607 = tpu.vector_load %arg7[%swap3A_606] {strides = array<i32>} : memref<2048xf32, #tpu.memory_space<vmem>>, vector<16xf32>,
        %swap3A_608 = vector.shape_cast %swap3A_607 : vector<16xf32> to vector<16xf32>
        %swap3A_609 = vector.shape_cast %add3A_605 : vector<16xf32> to vector<16xf32>
        tpu.vector_store %arg7[%swap3A_606], %swap3A_609 {strides = array<i32>} : memref<2048xf32, #tpu.memory_space<vmem>>, vector<16xf32>,
        %mul3A_610 = arith.constant 16 : i32
        %mul3A_611 = arith.muli %scan3A_445, %mul3A_610 : i32
        %add3A_612 = arith.constant 11 : i32
        %add3A_613 = arith.addi %mul3A_611, %add3A_612 : i32
        %mul3A_614 = arith.constant 16 : i32
        %mul3A_615 = arith.muli %add3A_613, %mul3A_614 : i32
        %get3A_616 = arith.index_cast %mul3A_615 : i32 to index
        %get3A_617 = tpu.vector_load %arg5[%get3A_616] {strides = array<i32>} : memref<2048xf32, #tpu.memory_space<vmem>>, vector<16xf32>,
        %get3A_618 = vector.shape_cast %get3A_617 : vector<16xf32> to vector<16xf32>
        %add3A_619 = vector.broadcast %squeeze3A_404 : f32 to vector<16xf32>
        %add3A_620 = arith.addf %get3A_618, %add3A_619 : vector<16xf32>
        %swap3A_621 = arith.index_cast %mul3A_615 : i32 to index
        %swap3A_622 = tpu.vector_load %arg7[%swap3A_621] {strides = array<i32>} : memref<2048xf32, #tpu.memory_space<vmem>>, vector<16xf32>,
        %swap3A_623 = vector.shape_cast %swap3A_622 : vector<16xf32> to vector<16xf32>
        %swap3A_624 = vector.shape_cast %add3A_620 : vector<16xf32> to vector<16xf32>
        tpu.vector_store %arg7[%swap3A_621], %swap3A_624 {strides = array<i32>} : memref<2048xf32, #tpu.memory_space<vmem>>, vector<16xf32>,
        %mul3A_625 = arith.constant 16 : i32
        %mul3A_626 = arith.muli %scan3A_445, %mul3A_625 : i32
        %add3A_627 = arith.constant 12 : i32
        %add3A_628 = arith.addi %mul3A_626, %add3A_627 : i32
        %mul3A_629 = arith.constant 16 : i32
        %mul3A_630 = arith.muli %add3A_628, %mul3A_629 : i32
        %get3A_631 = arith.index_cast %mul3A_630 : i32 to index
        %get3A_632 = tpu.vector_load %arg5[%get3A_631] {strides = array<i32>} : memref<2048xf32, #tpu.memory_space<vmem>>, vector<16xf32>,
        %get3A_633 = vector.shape_cast %get3A_632 : vector<16xf32> to vector<16xf32>
        %add3A_634 = vector.broadcast %squeeze3A_404 : f32 to vector<16xf32>
        %add3A_635 = arith.addf %get3A_633, %add3A_634 : vector<16xf32>
        %swap3A_636 = arith.index_cast %mul3A_630 : i32 to index
        %swap3A_637 = tpu.vector_load %arg7[%swap3A_636] {strides = array<i32>} : memref<2048xf32, #tpu.memory_space<vmem>>, vector<16xf32>,
        %swap3A_638 = vector.shape_cast %swap3A_637 : vector<16xf32> to vector<16xf32>
        %swap3A_639 = vector.shape_cast %add3A_635 : vector<16xf32> to vector<16xf32>
        tpu.vector_store %arg7[%swap3A_636], %swap3A_639 {strides = array<i32>} : memref<2048xf32, #tpu.memory_space<vmem>>, vector<16xf32>,
        %mul3A_640 = arith.constant 16 : i32
        %mul3A_641 = arith.muli %scan3A_445, %mul3A_640 : i32
        %add3A_642 = arith.constant 13 : i32
        %add3A_643 = arith.addi %mul3A_641, %add3A_642 : i32
        %mul3A_644 = arith.constant 16 : i32
        %mul3A_645 = arith.muli %add3A_643, %mul3A_644 : i32
        %get3A_646 = arith.index_cast %mul3A_645 : i32 to index
        %get3A_647 = tpu.vector_load %arg5[%get3A_646] {strides = array<i32>} : memref<2048xf32, #tpu.memory_space<vmem>>, vector<16xf32>,
        %get3A_648 = vector.shape_cast %get3A_647 : vector<16xf32> to vector<16xf32>
        %add3A_649 = vector.broadcast %squeeze3A_404 : f32 to vector<16xf32>
        %add3A_650 = arith.addf %get3A_648, %add3A_649 : vector<16xf32>
        %swap3A_651 = arith.index_cast %mul3A_645 : i32 to index
        %swap3A_652 = tpu.vector_load %arg7[%swap3A_651] {strides = array<i32>} : memref<2048xf32, #tpu.memory_space<vmem>>, vector<16xf32>,
        %swap3A_653 = vector.shape_cast %swap3A_652 : vector<16xf32> to vector<16xf32>
        %swap3A_654 = vector.shape_cast %add3A_650 : vector<16xf32> to vector<16xf32>
        tpu.vector_store %arg7[%swap3A_651], %swap3A_654 {strides = array<i32>} : memref<2048xf32, #tpu.memory_space<vmem>>, vector<16xf32>,
        %mul3A_655 = arith.constant 16 : i32
        %mul3A_656 = arith.muli %scan3A_445, %mul3A_655 : i32
        %add3A_657 = arith.constant 14 : i32
        %add3A_658 = arith.addi %mul3A_656, %add3A_657 : i32
        %mul3A_659 = arith.constant 16 : i32
        %mul3A_660 = arith.muli %add3A_658, %mul3A_659 : i32
        %get3A_661 = arith.index_cast %mul3A_660 : i32 to index
        %get3A_662 = tpu.vector_load %arg5[%get3A_661] {strides = array<i32>} : memref<2048xf32, #tpu.memory_space<vmem>>, vector<16xf32>,
        %get3A_663 = vector.shape_cast %get3A_662 : vector<16xf32> to vector<16xf32>
        %add3A_664 = vector.broadcast %squeeze3A_404 : f32 to vector<16xf32>
        %add3A_665 = arith.addf %get3A_663, %add3A_664 : vector<16xf32>
        %swap3A_666 = arith.index_cast %mul3A_660 : i32 to index
        %swap3A_667 = tpu.vector_load %arg7[%swap3A_666] {strides = array<i32>} : memref<2048xf32, #tpu.memory_space<vmem>>, vector<16xf32>,
        %swap3A_668 = vector.shape_cast %swap3A_667 : vector<16xf32> to vector<16xf32>
        %swap3A_669 = vector.shape_cast %add3A_665 : vector<16xf32> to vector<16xf32>
        tpu.vector_store %arg7[%swap3A_666], %swap3A_669 {strides = array<i32>} : memref<2048xf32, #tpu.memory_space<vmem>>, vector<16xf32>,
        %mul3A_670 = arith.constant 16 : i32
        %mul3A_671 = arith.muli %scan3A_445, %mul3A_670 : i32
        %add3A_672 = arith.constant 15 : i32
        %add3A_673 = arith.addi %mul3A_671, %add3A_672 : i32
        %mul3A_674 = arith.constant 16 : i32
        %mul3A_675 = arith.muli %add3A_673, %mul3A_674 : i32
        %get3A_676 = arith.index_cast %mul3A_675 : i32 to index
        %get3A_677 = tpu.vector_load %arg5[%get3A_676] {strides = array<i32>} : memref<2048xf32, #tpu.memory_space<vmem>>, vector<16xf32>,
        %get3A_678 = vector.shape_cast %get3A_677 : vector<16xf32> to vector<16xf32>
        %add3A_679 = vector.broadcast %squeeze3A_404 : f32 to vector<16xf32>
        %add3A_680 = arith.addf %get3A_678, %add3A_679 : vector<16xf32>
        %swap3A_681 = arith.index_cast %mul3A_675 : i32 to index
        %swap3A_682 = tpu.vector_load %arg7[%swap3A_681] {strides = array<i32>} : memref<2048xf32, #tpu.memory_space<vmem>>, vector<16xf32>,
        %swap3A_683 = vector.shape_cast %swap3A_682 : vector<16xf32> to vector<16xf32>
        %swap3A_684 = vector.shape_cast %add3A_680 : vector<16xf32> to vector<16xf32>
        tpu.vector_store %arg7[%swap3A_681], %swap3A_684 {strides = array<i32>} : memref<2048xf32, #tpu.memory_space<vmem>>, vector<16xf32>,
      }
      %scan3A_410 = arith.constant 8 : i32
      %dma_start3A_411 = arith.constant 14 : i32
      %dma_start3A_412 = arith.constant 0 : i32
      %dma_start3A_413 = tpu.memref_slice %arg4[%add3A_391, %dma_start3A_411, %dma_start3A_412] : memref<2048x16x2048xf32, #tpu.memory_space<hbm>> -> memref<1x1x2048xf32, #tpu.memory_space<hbm>>
      %dma_start3A_414 = tpu.memref_squeeze %dma_start3A_413 : memref<1x1x2048xf32, #tpu.memory_space<hbm>> -> memref<2048xf32, #tpu.memory_space<hbm>>
      %dma_start3A_415 = arith.constant 0 : i32
      %dma_start3A_416 = tpu.memref_slice %arg4[%add3A_391, %dma_start3A_411, %dma_start3A_415] : memref<2048x16x2048xf32, #tpu.memory_space<hbm>> -> memref<1x1x2048xf32, #tpu.memory_space<hbm>>
      %dma_start3A_417 = tpu.memref_squeeze %dma_start3A_416 : memref<1x1x2048xf32, #tpu.memory_space<hbm>> -> memref<2048xf32, #tpu.memory_space<hbm>>
      tpu.enqueue_dma source(%arg7 : memref<2048xf32, #tpu.memory_space<vmem>>) target(%dma_start3A_417 : memref<2048xf32, #tpu.memory_space<hbm>>) target_semaphore(%arg9 : memref<!tpu.dma_semaphore, #tpu.memory_space<semaphore_mem>>)
      %add3A_418 = arith.addi %mul3A_2, %scan3A_21 : i32
      %dma_wait3A_419 = arith.constant 15 : i32
      %dma_wait3A_420 = arith.constant 0 : i32
      %dma_wait3A_421 = tpu.memref_slice %arg4[%add3A_418, %dma_wait3A_419, %dma_wait3A_420] : memref<2048x16x2048xf32, #tpu.memory_space<hbm>> -> memref<1x1x2048xf32, #tpu.memory_space<hbm>>
      %dma_wait3A_422 = tpu.memref_squeeze %dma_wait3A_421 : memref<1x1x2048xf32, #tpu.memory_space<hbm>> -> memref<2048xf32, #tpu.memory_space<hbm>>
      %dma_wait3A_423 = arith.constant 0 : i32
      %dma_wait3A_424 = tpu.memref_slice %arg4[%add3A_418, %dma_wait3A_419, %dma_wait3A_423] : memref<2048x16x2048xf32, #tpu.memory_space<hbm>> -> memref<1x1x2048xf32, #tpu.memory_space<hbm>>
      %dma_wait3A_425 = tpu.memref_squeeze %dma_wait3A_424 : memref<1x1x2048xf32, #tpu.memory_space<hbm>> -> memref<2048xf32, #tpu.memory_space<hbm>>
      tpu.wait_dma2 semaphore(%arg10 : memref<!tpu.dma_semaphore, #tpu.memory_space<semaphore_mem>>) src(%arg8 : memref<2048xf32, #tpu.memory_space<vmem>>) dst(%dma_wait3A_425 : memref<2048xf32, #tpu.memory_space<hbm>>)
      %get3A_426 = arith.index_cast %scan3A_21 : i32 to index
      %get3A_427 = arith.constant 0 : index
      %get3A_428 = tpu.vector_load %arg6[%get3A_426, %get3A_427] {strides = array<i32>} : memref<64x16xf32, #tpu.memory_space<vmem>>, vector<1x16xf32>,
      %get3A_429 = vector.shape_cast %get3A_428 : vector<1x16xf32> to vector<16xf32>
      %slice3A_430 = vector.extract_strided_slice %get3A_429 {offsets = [15], sizes = [1], strides = [1]} : vector<16xf32> to vector<1xf32>
      %squeeze3A_431 = vector.extract %slice3A_430[0] : f32 from vector<1xf32>
      %scan3A_432 = arith.constant 0 : i32
      %scan3A_433 = arith.constant 0 : i32
      %scan3A_434 = arith.constant 8 : i32
      %scan3A_435 = arith.addi %scan3A_433, %scan3A_434 : i32
      %scan3A_436 = arith.constant 1 : i32
      scf.for %scan3A_445 = %scan3A_433 to %scan3A_435 step %scan3A_436  : i32 {
        %mul3A_446 = arith.constant 16 : i32
        %mul3A_447 = arith.muli %scan3A_445, %mul3A_446 : i32
        %add3A_448 = arith.constant 0 : i32
        %add3A_449 = arith.addi %mul3A_447, %add3A_448 : i32
        %mul3A_450 = arith.constant 16 : i32
        %mul3A_451 = arith.muli %add3A_449, %mul3A_450 : i32
        %get3A_452 = arith.index_cast %mul3A_451 : i32 to index
        %get3A_453 = tpu.vector_load %arg5[%get3A_452] {strides = array<i32>} : memref<2048xf32, #tpu.memory_space<vmem>>, vector<16xf32>,
        %get3A_454 = vector.shape_cast %get3A_453 : vector<16xf32> to vector<16xf32>
        %add3A_455 = vector.broadcast %squeeze3A_431 : f32 to vector<16xf32>
        %add3A_456 = arith.addf %get3A_454, %add3A_455 : vector<16xf32>
        %swap3A = arith.index_cast %mul3A_451 : i32 to index
        %swap3A_457 = tpu.vector_load %arg8[%swap3A] {strides = array<i32>} : memref<2048xf32, #tpu.memory_space<vmem>>, vector<16xf32>,
        %swap3A_458 = vector.shape_cast %swap3A_457 : vector<16xf32> to vector<16xf32>
        %swap3A_459 = vector.shape_cast %add3A_456 : vector<16xf32> to vector<16xf32>
        tpu.vector_store %arg8[%swap3A], %swap3A_459 {strides = array<i32>} : memref<2048xf32, #tpu.memory_space<vmem>>, vector<16xf32>,
        %mul3A_460 = arith.constant 16 : i32
        %mul3A_461 = arith.muli %scan3A_445, %mul3A_460 : i32
        %add3A_462 = arith.constant 1 : i32
        %add3A_463 = arith.addi %mul3A_461, %add3A_462 : i32
        %mul3A_464 = arith.constant 16 : i32
        %mul3A_465 = arith.muli %add3A_463, %mul3A_464 : i32
        %get3A_466 = arith.index_cast %mul3A_465 : i32 to index
        %get3A_467 = tpu.vector_load %arg5[%get3A_466] {strides = array<i32>} : memref<2048xf32, #tpu.memory_space<vmem>>, vector<16xf32>,
        %get3A_468 = vector.shape_cast %get3A_467 : vector<16xf32> to vector<16xf32>
        %add3A_469 = vector.broadcast %squeeze3A_431 : f32 to vector<16xf32>
        %add3A_470 = arith.addf %get3A_468, %add3A_469 : vector<16xf32>
        %swap3A_471 = arith.index_cast %mul3A_465 : i32 to index
        %swap3A_472 = tpu.vector_load %arg8[%swap3A_471] {strides = array<i32>} : memref<2048xf32, #tpu.memory_space<vmem>>, vector<16xf32>,
        %swap3A_473 = vector.shape_cast %swap3A_472 : vector<16xf32> to vector<16xf32>
        %swap3A_474 = vector.shape_cast %add3A_470 : vector<16xf32> to vector<16xf32>
        tpu.vector_store %arg8[%swap3A_471], %swap3A_474 {strides = array<i32>} : memref<2048xf32, #tpu.memory_space<vmem>>, vector<16xf32>,
        %mul3A_475 = arith.constant 16 : i32
        %mul3A_476 = arith.muli %scan3A_445, %mul3A_475 : i32
        %add3A_477 = arith.constant 2 : i32
        %add3A_478 = arith.addi %mul3A_476, %add3A_477 : i32
        %mul3A_479 = arith.constant 16 : i32
        %mul3A_480 = arith.muli %add3A_478, %mul3A_479 : i32
        %get3A_481 = arith.index_cast %mul3A_480 : i32 to index
        %get3A_482 = tpu.vector_load %arg5[%get3A_481] {strides = array<i32>} : memref<2048xf32, #tpu.memory_space<vmem>>, vector<16xf32>,
        %get3A_483 = vector.shape_cast %get3A_482 : vector<16xf32> to vector<16xf32>
        %add3A_484 = vector.broadcast %squeeze3A_431 : f32 to vector<16xf32>
        %add3A_485 = arith.addf %get3A_483, %add3A_484 : vector<16xf32>
        %swap3A_486 = arith.index_cast %mul3A_480 : i32 to index
        %swap3A_487 = tpu.vector_load %arg8[%swap3A_486] {strides = array<i32>} : memref<2048xf32, #tpu.memory_space<vmem>>, vector<16xf32>,
        %swap3A_488 = vector.shape_cast %swap3A_487 : vector<16xf32> to vector<16xf32>
        %swap3A_489 = vector.shape_cast %add3A_485 : vector<16xf32> to vector<16xf32>
        tpu.vector_store %arg8[%swap3A_486], %swap3A_489 {strides = array<i32>} : memref<2048xf32, #tpu.memory_space<vmem>>, vector<16xf32>,
        %mul3A_490 = arith.constant 16 : i32
        %mul3A_491 = arith.muli %scan3A_445, %mul3A_490 : i32
        %add3A_492 = arith.constant 3 : i32
        %add3A_493 = arith.addi %mul3A_491, %add3A_492 : i32
        %mul3A_494 = arith.constant 16 : i32
        %mul3A_495 = arith.muli %add3A_493, %mul3A_494 : i32
        %get3A_496 = arith.index_cast %mul3A_495 : i32 to index
        %get3A_497 = tpu.vector_load %arg5[%get3A_496] {strides = array<i32>} : memref<2048xf32, #tpu.memory_space<vmem>>, vector<16xf32>,
        %get3A_498 = vector.shape_cast %get3A_497 : vector<16xf32> to vector<16xf32>
        %add3A_499 = vector.broadcast %squeeze3A_431 : f32 to vector<16xf32>
        %add3A_500 = arith.addf %get3A_498, %add3A_499 : vector<16xf32>
        %swap3A_501 = arith.index_cast %mul3A_495 : i32 to index
        %swap3A_502 = tpu.vector_load %arg8[%swap3A_501] {strides = array<i32>} : memref<2048xf32, #tpu.memory_space<vmem>>, vector<16xf32>,
        %swap3A_503 = vector.shape_cast %swap3A_502 : vector<16xf32> to vector<16xf32>
        %swap3A_504 = vector.shape_cast %add3A_500 : vector<16xf32> to vector<16xf32>
        tpu.vector_store %arg8[%swap3A_501], %swap3A_504 {strides = array<i32>} : memref<2048xf32, #tpu.memory_space<vmem>>, vector<16xf32>,
        %mul3A_505 = arith.constant 16 : i32
        %mul3A_506 = arith.muli %scan3A_445, %mul3A_505 : i32
        %add3A_507 = arith.constant 4 : i32
        %add3A_508 = arith.addi %mul3A_506, %add3A_507 : i32
        %mul3A_509 = arith.constant 16 : i32
        %mul3A_510 = arith.muli %add3A_508, %mul3A_509 : i32
        %get3A_511 = arith.index_cast %mul3A_510 : i32 to index
        %get3A_512 = tpu.vector_load %arg5[%get3A_511] {strides = array<i32>} : memref<2048xf32, #tpu.memory_space<vmem>>, vector<16xf32>,
        %get3A_513 = vector.shape_cast %get3A_512 : vector<16xf32> to vector<16xf32>
        %add3A_514 = vector.broadcast %squeeze3A_431 : f32 to vector<16xf32>
        %add3A_515 = arith.addf %get3A_513, %add3A_514 : vector<16xf32>
        %swap3A_516 = arith.index_cast %mul3A_510 : i32 to index
        %swap3A_517 = tpu.vector_load %arg8[%swap3A_516] {strides = array<i32>} : memref<2048xf32, #tpu.memory_space<vmem>>, vector<16xf32>,
        %swap3A_518 = vector.shape_cast %swap3A_517 : vector<16xf32> to vector<16xf32>
        %swap3A_519 = vector.shape_cast %add3A_515 : vector<16xf32> to vector<16xf32>
        tpu.vector_store %arg8[%swap3A_516], %swap3A_519 {strides = array<i32>} : memref<2048xf32, #tpu.memory_space<vmem>>, vector<16xf32>,
        %mul3A_520 = arith.constant 16 : i32
        %mul3A_521 = arith.muli %scan3A_445, %mul3A_520 : i32
        %add3A_522 = arith.constant 5 : i32
        %add3A_523 = arith.addi %mul3A_521, %add3A_522 : i32
        %mul3A_524 = arith.constant 16 : i32
        %mul3A_525 = arith.muli %add3A_523, %mul3A_524 : i32
        %get3A_526 = arith.index_cast %mul3A_525 : i32 to index
        %get3A_527 = tpu.vector_load %arg5[%get3A_526] {strides = array<i32>} : memref<2048xf32, #tpu.memory_space<vmem>>, vector<16xf32>,
        %get3A_528 = vector.shape_cast %get3A_527 : vector<16xf32> to vector<16xf32>
        %add3A_529 = vector.broadcast %squeeze3A_431 : f32 to vector<16xf32>
        %add3A_530 = arith.addf %get3A_528, %add3A_529 : vector<16xf32>
        %swap3A_531 = arith.index_cast %mul3A_525 : i32 to index
        %swap3A_532 = tpu.vector_load %arg8[%swap3A_531] {strides = array<i32>} : memref<2048xf32, #tpu.memory_space<vmem>>, vector<16xf32>,
        %swap3A_533 = vector.shape_cast %swap3A_532 : vector<16xf32> to vector<16xf32>
        %swap3A_534 = vector.shape_cast %add3A_530 : vector<16xf32> to vector<16xf32>
        tpu.vector_store %arg8[%swap3A_531], %swap3A_534 {strides = array<i32>} : memref<2048xf32, #tpu.memory_space<vmem>>, vector<16xf32>,
        %mul3A_535 = arith.constant 16 : i32
        %mul3A_536 = arith.muli %scan3A_445, %mul3A_535 : i32
        %add3A_537 = arith.constant 6 : i32
        %add3A_538 = arith.addi %mul3A_536, %add3A_537 : i32
        %mul3A_539 = arith.constant 16 : i32
        %mul3A_540 = arith.muli %add3A_538, %mul3A_539 : i32
        %get3A_541 = arith.index_cast %mul3A_540 : i32 to index
        %get3A_542 = tpu.vector_load %arg5[%get3A_541] {strides = array<i32>} : memref<2048xf32, #tpu.memory_space<vmem>>, vector<16xf32>,
        %get3A_543 = vector.shape_cast %get3A_542 : vector<16xf32> to vector<16xf32>
        %add3A_544 = vector.broadcast %squeeze3A_431 : f32 to vector<16xf32>
        %add3A_545 = arith.addf %get3A_543, %add3A_544 : vector<16xf32>
        %swap3A_546 = arith.index_cast %mul3A_540 : i32 to index
        %swap3A_547 = tpu.vector_load %arg8[%swap3A_546] {strides = array<i32>} : memref<2048xf32, #tpu.memory_space<vmem>>, vector<16xf32>,
        %swap3A_548 = vector.shape_cast %swap3A_547 : vector<16xf32> to vector<16xf32>
        %swap3A_549 = vector.shape_cast %add3A_545 : vector<16xf32> to vector<16xf32>
        tpu.vector_store %arg8[%swap3A_546], %swap3A_549 {strides = array<i32>} : memref<2048xf32, #tpu.memory_space<vmem>>, vector<16xf32>,
        %mul3A_550 = arith.constant 16 : i32
        %mul3A_551 = arith.muli %scan3A_445, %mul3A_550 : i32
        %add3A_552 = arith.constant 7 : i32
        %add3A_553 = arith.addi %mul3A_551, %add3A_552 : i32
        %mul3A_554 = arith.constant 16 : i32
        %mul3A_555 = arith.muli %add3A_553, %mul3A_554 : i32
        %get3A_556 = arith.index_cast %mul3A_555 : i32 to index
        %get3A_557 = tpu.vector_load %arg5[%get3A_556] {strides = array<i32>} : memref<2048xf32, #tpu.memory_space<vmem>>, vector<16xf32>,
        %get3A_558 = vector.shape_cast %get3A_557 : vector<16xf32> to vector<16xf32>
        %add3A_559 = vector.broadcast %squeeze3A_431 : f32 to vector<16xf32>
        %add3A_560 = arith.addf %get3A_558, %add3A_559 : vector<16xf32>
        %swap3A_561 = arith.index_cast %mul3A_555 : i32 to index
        %swap3A_562 = tpu.vector_load %arg8[%swap3A_561] {strides = array<i32>} : memref<2048xf32, #tpu.memory_space<vmem>>, vector<16xf32>,
        %swap3A_563 = vector.shape_cast %swap3A_562 : vector<16xf32> to vector<16xf32>
        %swap3A_564 = vector.shape_cast %add3A_560 : vector<16xf32> to vector<16xf32>
        tpu.vector_store %arg8[%swap3A_561], %swap3A_564 {strides = array<i32>} : memref<2048xf32, #tpu.memory_space<vmem>>, vector<16xf32>,
        %mul3A_565 = arith.constant 16 : i32
        %mul3A_566 = arith.muli %scan3A_445, %mul3A_565 : i32
        %add3A_567 = arith.constant 8 : i32
        %add3A_568 = arith.addi %mul3A_566, %add3A_567 : i32
        %mul3A_569 = arith.constant 16 : i32
        %mul3A_570 = arith.muli %add3A_568, %mul3A_569 : i32
        %get3A_571 = arith.index_cast %mul3A_570 : i32 to index
        %get3A_572 = tpu.vector_load %arg5[%get3A_571] {strides = array<i32>} : memref<2048xf32, #tpu.memory_space<vmem>>, vector<16xf32>,
        %get3A_573 = vector.shape_cast %get3A_572 : vector<16xf32> to vector<16xf32>
        %add3A_574 = vector.broadcast %squeeze3A_431 : f32 to vector<16xf32>
        %add3A_575 = arith.addf %get3A_573, %add3A_574 : vector<16xf32>
        %swap3A_576 = arith.index_cast %mul3A_570 : i32 to index
        %swap3A_577 = tpu.vector_load %arg8[%swap3A_576] {strides = array<i32>} : memref<2048xf32, #tpu.memory_space<vmem>>, vector<16xf32>,
        %swap3A_578 = vector.shape_cast %swap3A_577 : vector<16xf32> to vector<16xf32>
        %swap3A_579 = vector.shape_cast %add3A_575 : vector<16xf32> to vector<16xf32>
        tpu.vector_store %arg8[%swap3A_576], %swap3A_579 {strides = array<i32>} : memref<2048xf32, #tpu.memory_space<vmem>>, vector<16xf32>,
        %mul3A_580 = arith.constant 16 : i32
        %mul3A_581 = arith.muli %scan3A_445, %mul3A_580 : i32
        %add3A_582 = arith.constant 9 : i32
        %add3A_583 = arith.addi %mul3A_581, %add3A_582 : i32
        %mul3A_584 = arith.constant 16 : i32
        %mul3A_585 = arith.muli %add3A_583, %mul3A_584 : i32
        %get3A_586 = arith.index_cast %mul3A_585 : i32 to index
        %get3A_587 = tpu.vector_load %arg5[%get3A_586] {strides = array<i32>} : memref<2048xf32, #tpu.memory_space<vmem>>, vector<16xf32>,
        %get3A_588 = vector.shape_cast %get3A_587 : vector<16xf32> to vector<16xf32>
        %add3A_589 = vector.broadcast %squeeze3A_431 : f32 to vector<16xf32>
        %add3A_590 = arith.addf %get3A_588, %add3A_589 : vector<16xf32>
        %swap3A_591 = arith.index_cast %mul3A_585 : i32 to index
        %swap3A_592 = tpu.vector_load %arg8[%swap3A_591] {strides = array<i32>} : memref<2048xf32, #tpu.memory_space<vmem>>, vector<16xf32>,
        %swap3A_593 = vector.shape_cast %swap3A_592 : vector<16xf32> to vector<16xf32>
        %swap3A_594 = vector.shape_cast %add3A_590 : vector<16xf32> to vector<16xf32>
        tpu.vector_store %arg8[%swap3A_591], %swap3A_594 {strides = array<i32>} : memref<2048xf32, #tpu.memory_space<vmem>>, vector<16xf32>,
        %mul3A_595 = arith.constant 16 : i32
        %mul3A_596 = arith.muli %scan3A_445, %mul3A_595 : i32
        %add3A_597 = arith.constant 10 : i32
        %add3A_598 = arith.addi %mul3A_596, %add3A_597 : i32
        %mul3A_599 = arith.constant 16 : i32
        %mul3A_600 = arith.muli %add3A_598, %mul3A_599 : i32
        %get3A_601 = arith.index_cast %mul3A_600 : i32 to index
        %get3A_602 = tpu.vector_load %arg5[%get3A_601] {strides = array<i32>} : memref<2048xf32, #tpu.memory_space<vmem>>, vector<16xf32>,
        %get3A_603 = vector.shape_cast %get3A_602 : vector<16xf32> to vector<16xf32>
        %add3A_604 = vector.broadcast %squeeze3A_431 : f32 to vector<16xf32>
        %add3A_605 = arith.addf %get3A_603, %add3A_604 : vector<16xf32>
        %swap3A_606 = arith.index_cast %mul3A_600 : i32 to index
        %swap3A_607 = tpu.vector_load %arg8[%swap3A_606] {strides = array<i32>} : memref<2048xf32, #tpu.memory_space<vmem>>, vector<16xf32>,
        %swap3A_608 = vector.shape_cast %swap3A_607 : vector<16xf32> to vector<16xf32>
        %swap3A_609 = vector.shape_cast %add3A_605 : vector<16xf32> to vector<16xf32>
        tpu.vector_store %arg8[%swap3A_606], %swap3A_609 {strides = array<i32>} : memref<2048xf32, #tpu.memory_space<vmem>>, vector<16xf32>,
        %mul3A_610 = arith.constant 16 : i32
        %mul3A_611 = arith.muli %scan3A_445, %mul3A_610 : i32
        %add3A_612 = arith.constant 11 : i32
        %add3A_613 = arith.addi %mul3A_611, %add3A_612 : i32
        %mul3A_614 = arith.constant 16 : i32
        %mul3A_615 = arith.muli %add3A_613, %mul3A_614 : i32
        %get3A_616 = arith.index_cast %mul3A_615 : i32 to index
        %get3A_617 = tpu.vector_load %arg5[%get3A_616] {strides = array<i32>} : memref<2048xf32, #tpu.memory_space<vmem>>, vector<16xf32>,
        %get3A_618 = vector.shape_cast %get3A_617 : vector<16xf32> to vector<16xf32>
        %add3A_619 = vector.broadcast %squeeze3A_431 : f32 to vector<16xf32>
        %add3A_620 = arith.addf %get3A_618, %add3A_619 : vector<16xf32>
        %swap3A_621 = arith.index_cast %mul3A_615 : i32 to index
        %swap3A_622 = tpu.vector_load %arg8[%swap3A_621] {strides = array<i32>} : memref<2048xf32, #tpu.memory_space<vmem>>, vector<16xf32>,
        %swap3A_623 = vector.shape_cast %swap3A_622 : vector<16xf32> to vector<16xf32>
        %swap3A_624 = vector.shape_cast %add3A_620 : vector<16xf32> to vector<16xf32>
        tpu.vector_store %arg8[%swap3A_621], %swap3A_624 {strides = array<i32>} : memref<2048xf32, #tpu.memory_space<vmem>>, vector<16xf32>,
        %mul3A_625 = arith.constant 16 : i32
        %mul3A_626 = arith.muli %scan3A_445, %mul3A_625 : i32
        %add3A_627 = arith.constant 12 : i32
        %add3A_628 = arith.addi %mul3A_626, %add3A_627 : i32
        %mul3A_629 = arith.constant 16 : i32
        %mul3A_630 = arith.muli %add3A_628, %mul3A_629 : i32
        %get3A_631 = arith.index_cast %mul3A_630 : i32 to index
        %get3A_632 = tpu.vector_load %arg5[%get3A_631] {strides = array<i32>} : memref<2048xf32, #tpu.memory_space<vmem>>, vector<16xf32>,
        %get3A_633 = vector.shape_cast %get3A_632 : vector<16xf32> to vector<16xf32>
        %add3A_634 = vector.broadcast %squeeze3A_431 : f32 to vector<16xf32>
        %add3A_635 = arith.addf %get3A_633, %add3A_634 : vector<16xf32>
        %swap3A_636 = arith.index_cast %mul3A_630 : i32 to index
        %swap3A_637 = tpu.vector_load %arg8[%swap3A_636] {strides = array<i32>} : memref<2048xf32, #tpu.memory_space<vmem>>, vector<16xf32>,
        %swap3A_638 = vector.shape_cast %swap3A_637 : vector<16xf32> to vector<16xf32>
        %swap3A_639 = vector.shape_cast %add3A_635 : vector<16xf32> to vector<16xf32>
        tpu.vector_store %arg8[%swap3A_636], %swap3A_639 {strides = array<i32>} : memref<2048xf32, #tpu.memory_space<vmem>>, vector<16xf32>,
        %mul3A_640 = arith.constant 16 : i32
        %mul3A_641 = arith.muli %scan3A_445, %mul3A_640 : i32
        %add3A_642 = arith.constant 13 : i32
        %add3A_643 = arith.addi %mul3A_641, %add3A_642 : i32
        %mul3A_644 = arith.constant 16 : i32
        %mul3A_645 = arith.muli %add3A_643, %mul3A_644 : i32
        %get3A_646 = arith.index_cast %mul3A_645 : i32 to index
        %get3A_647 = tpu.vector_load %arg5[%get3A_646] {strides = array<i32>} : memref<2048xf32, #tpu.memory_space<vmem>>, vector<16xf32>,
        %get3A_648 = vector.shape_cast %get3A_647 : vector<16xf32> to vector<16xf32>
        %add3A_649 = vector.broadcast %squeeze3A_431 : f32 to vector<16xf32>
        %add3A_650 = arith.addf %get3A_648, %add3A_649 : vector<16xf32>
        %swap3A_651 = arith.index_cast %mul3A_645 : i32 to index
        %swap3A_652 = tpu.vector_load %arg8[%swap3A_651] {strides = array<i32>} : memref<2048xf32, #tpu.memory_space<vmem>>, vector<16xf32>,
        %swap3A_653 = vector.shape_cast %swap3A_652 : vector<16xf32> to vector<16xf32>
        %swap3A_654 = vector.shape_cast %add3A_650 : vector<16xf32> to vector<16xf32>
        tpu.vector_store %arg8[%swap3A_651], %swap3A_654 {strides = array<i32>} : memref<2048xf32, #tpu.memory_space<vmem>>, vector<16xf32>,
        %mul3A_655 = arith.constant 16 : i32
        %mul3A_656 = arith.muli %scan3A_445, %mul3A_655 : i32
        %add3A_657 = arith.constant 14 : i32
        %add3A_658 = arith.addi %mul3A_656, %add3A_657 : i32
        %mul3A_659 = arith.constant 16 : i32
        %mul3A_660 = arith.muli %add3A_658, %mul3A_659 : i32
        %get3A_661 = arith.index_cast %mul3A_660 : i32 to index
        %get3A_662 = tpu.vector_load %arg5[%get3A_661] {strides = array<i32>} : memref<2048xf32, #tpu.memory_space<vmem>>, vector<16xf32>,
        %get3A_663 = vector.shape_cast %get3A_662 : vector<16xf32> to vector<16xf32>
        %add3A_664 = vector.broadcast %squeeze3A_431 : f32 to vector<16xf32>
        %add3A_665 = arith.addf %get3A_663, %add3A_664 : vector<16xf32>
        %swap3A_666 = arith.index_cast %mul3A_660 : i32 to index
        %swap3A_667 = tpu.vector_load %arg8[%swap3A_666] {strides = array<i32>} : memref<2048xf32, #tpu.memory_space<vmem>>, vector<16xf32>,
        %swap3A_668 = vector.shape_cast %swap3A_667 : vector<16xf32> to vector<16xf32>
        %swap3A_669 = vector.shape_cast %add3A_665 : vector<16xf32> to vector<16xf32>
        tpu.vector_store %arg8[%swap3A_666], %swap3A_669 {strides = array<i32>} : memref<2048xf32, #tpu.memory_space<vmem>>, vector<16xf32>,
        %mul3A_670 = arith.constant 16 : i32
        %mul3A_671 = arith.muli %scan3A_445, %mul3A_670 : i32
        %add3A_672 = arith.constant 15 : i32
        %add3A_673 = arith.addi %mul3A_671, %add3A_672 : i32
        %mul3A_674 = arith.constant 16 : i32
        %mul3A_675 = arith.muli %add3A_673, %mul3A_674 : i32
        %get3A_676 = arith.index_cast %mul3A_675 : i32 to index
        %get3A_677 = tpu.vector_load %arg5[%get3A_676] {strides = array<i32>} : memref<2048xf32, #tpu.memory_space<vmem>>, vector<16xf32>,
        %get3A_678 = vector.shape_cast %get3A_677 : vector<16xf32> to vector<16xf32>
        %add3A_679 = vector.broadcast %squeeze3A_431 : f32 to vector<16xf32>
        %add3A_680 = arith.addf %get3A_678, %add3A_679 : vector<16xf32>
        %swap3A_681 = arith.index_cast %mul3A_675 : i32 to index
        %swap3A_682 = tpu.vector_load %arg8[%swap3A_681] {strides = array<i32>} : memref<2048xf32, #tpu.memory_space<vmem>>, vector<16xf32>,
        %swap3A_683 = vector.shape_cast %swap3A_682 : vector<16xf32> to vector<16xf32>
        %swap3A_684 = vector.shape_cast %add3A_680 : vector<16xf32> to vector<16xf32>
        tpu.vector_store %arg8[%swap3A_681], %swap3A_684 {strides = array<i32>} : memref<2048xf32, #tpu.memory_space<vmem>>, vector<16xf32>,
      }
      %scan3A_437 = arith.constant 8 : i32
      %dma_start3A_438 = arith.constant 15 : i32
      %dma_start3A_439 = arith.constant 0 : i32
      %dma_start3A_440 = tpu.memref_slice %arg4[%add3A_418, %dma_start3A_438, %dma_start3A_439] : memref<2048x16x2048xf32, #tpu.memory_space<hbm>> -> memref<1x1x2048xf32, #tpu.memory_space<hbm>>
      %dma_start3A_441 = tpu.memref_squeeze %dma_start3A_440 : memref<1x1x2048xf32, #tpu.memory_space<hbm>> -> memref<2048xf32, #tpu.memory_space<hbm>>
      %dma_start3A_442 = arith.constant 0 : i32
      %dma_start3A_443 = tpu.memref_slice %arg4[%add3A_418, %dma_start3A_438, %dma_start3A_442] : memref<2048x16x2048xf32, #tpu.memory_space<hbm>> -> memref<1x1x2048xf32, #tpu.memory_space<hbm>>
      %dma_start3A_444 = tpu.memref_squeeze %dma_start3A_443 : memref<1x1x2048xf32, #tpu.memory_space<hbm>> -> memref<2048xf32, #tpu.memory_space<hbm>>
      tpu.enqueue_dma source(%arg8 : memref<2048xf32, #tpu.memory_space<vmem>>) target(%dma_start3A_444 : memref<2048xf32, #tpu.memory_space<hbm>>) target_semaphore(%arg10 : memref<!tpu.dma_semaphore, #tpu.memory_space<semaphore_mem>>)
    }
    %scan3A_7 = arith.constant 64 : i32
    %dma_wait3A = arith.constant 0 : i32
    %dma_wait3A_8 = arith.constant 0 : i32
    %dma_wait3A_9 = tpu.memref_slice %arg4[%mul3A_2, %dma_wait3A, %dma_wait3A_8] : memref<2048x16x2048xf32, #tpu.memory_space<hbm>> -> memref<1x1x2048xf32, #tpu.memory_space<hbm>>
    %dma_wait3A_10 = tpu.memref_squeeze %dma_wait3A_9 : memref<1x1x2048xf32, #tpu.memory_space<hbm>> -> memref<2048xf32, #tpu.memory_space<hbm>>
    %dma_wait3A_11 = arith.constant 0 : i32
    %dma_wait3A_12 = tpu.memref_slice %arg4[%mul3A_2, %dma_wait3A, %dma_wait3A_11] : memref<2048x16x2048xf32, #tpu.memory_space<hbm>> -> memref<1x1x2048xf32, #tpu.memory_space<hbm>>
    %dma_wait3A_13 = tpu.memref_squeeze %dma_wait3A_12 : memref<1x1x2048xf32, #tpu.memory_space<hbm>> -> memref<2048xf32, #tpu.memory_space<hbm>>
    tpu.wait_dma2 semaphore(%arg9 : memref<!tpu.dma_semaphore, #tpu.memory_space<semaphore_mem>>) src(%arg7 : memref<2048xf32, #tpu.memory_space<vmem>>) dst(%dma_wait3A_13 : memref<2048xf32, #tpu.memory_space<hbm>>)
    %dma_wait3A_14 = arith.constant 0 : i32
    %dma_wait3A_15 = arith.constant 0 : i32
    %dma_wait3A_16 = tpu.memref_slice %arg4[%mul3A_2, %dma_wait3A_14, %dma_wait3A_15] : memref<2048x16x2048xf32, #tpu.memory_space<hbm>> -> memref<1x1x2048xf32, #tpu.memory_space<hbm>>
    %dma_wait3A_17 = tpu.memref_squeeze %dma_wait3A_16 : memref<1x1x2048xf32, #tpu.memory_space<hbm>> -> memref<2048xf32, #tpu.memory_space<hbm>>
    %dma_wait3A_18 = arith.constant 0 : i32
    %dma_wait3A_19 = tpu.memref_slice %arg4[%mul3A_2, %dma_wait3A_14, %dma_wait3A_18] : memref<2048x16x2048xf32, #tpu.memory_space<hbm>> -> memref<1x1x2048xf32, #tpu.memory_space<hbm>>
    %dma_wait3A_20 = tpu.memref_squeeze %dma_wait3A_19 : memref<1x1x2048xf32, #tpu.memory_space<hbm>> -> memref<2048xf32, #tpu.memory_space<hbm>>
    tpu.wait_dma2 semaphore(%arg10 : memref<!tpu.dma_semaphore, #tpu.memory_space<semaphore_mem>>) src(%arg8 : memref<2048xf32, #tpu.memory_space<vmem>>) dst(%dma_wait3A_20 : memref<2048xf32, #tpu.memory_space<hbm>>)
    return
  }
}

</mosaic_0001>

<sc_bundles>
// kernel: kernel.3.cloned.1.call-start
scs
__scs_entry_jumppad:
0x0: {  	(pc) =	sbr.rel $0x88, $3  }
0x1: {  	(tag) =	ssettag $0x0;
	lr =	simm.s32 $0x1  }
0x2: {  	[smem:$0x3F9F] =	sst lr;
	_ =	strace $0xD0000000  }
0x3: {  	_ = 	snop  }
0x4: {  	_ = 	snop  }
0x5: {  	_ = 	snop  }
0x6: {  	_ = 	snop  }
0x7: {  	_ = 	snop  }
__scs_overlays_trampoline_lowered:
0x8: {  	[smem:$0x3FAE] =	sst s0  }
0x9: {  	[smem:$0x3FAF] =	sst s1  }
0xa: {  	[smem:$0x3FB0] =	sst s2  }
0xb: {  	[smem:$0x3FB1] =	sst s3  }
0xc: {  	[smem:$0x3FB2] =	sst s4  }
0xd: {  	[smem:$0x3FB3] =	sst s5  }
0xe: {  	[smem:$0x3FB4] =	sst s6  }
0xf: {  	[smem:$0x3FB5] =	sst s7  }
0x10: {  	[smem:$0x3FB6] =	sst s8  }
0x11: {  	[smem:$0x3FB7] =	sst s9;
	s0 =	simm.s32 @!p0 $0x0  }
0x12: {  	s1 =	sld [smem:$0x3F9D];
	s0 =	simm.s32 @p0 $0x1  }
0x13: {  	[smem:$0x3FB8] =	sst s0;
	s0 =	simm.s32 @!p1 $0x0  }
0x14: {  	s2 =	sld [smem:$0x3F9C];
	s0 =	simm.s32 @p1 $0x1  }
0x15: {  	[smem:$0x3FB9] =	sst s0;
	s0 =	simm.s32 @!p2 $0x0  }
0x16: {  	s3 =	sld [smem:$0x3FDB];
	s0 =	simm.s32 @p2 $0x1  }
0x17: {  	s4 =	simm.s32 $0x1BF5;
	[smem:$0x3FBB] =	sst s0  }
0x18: {  	s0 =	sld [smem:$0x3F9E];
	_ =	swait.ge [sflag:s4], $0x0  }
0x19: {  	s7 =	sld [smem:$0x3F9F]  }
0x1a: {  	s8 =	sadd.s32 $0xFFFFE003, lr  }
0x1b: {  	s9 =	sadd.s32 $0xFFFFFEF7, lr;
	s5 =	simm.s32 $0xFFFFFFFF;
	p2 =	slt.u32 s8, $0xFFFFF086  }
0x1c: {  	p1 =	slt.u32 s9, $0xF7A;
	s5 =	simm.s32 @!p2 $0x0  }
0x1d: {  	s5 =	simm.s32 @p1 $0x1;
	p0 =	seq.s32 s7, s2  }
0x1e: {  	s7 =	smul.u32 @!p0 $0xF7A, s2;
	p2 =	seq.s32 @!p0 s5, $0x0  }
0x1f: {  	s9 =	smul.u32 $0xF7A, s1;
	s8 =	simm.s32 @!p0 $0x1BF5;
	p2 =	por !p2, p0  }
0x20: {  	[sflag:s8] =	ssyncset.s32 @!p0 $0xFFFFF086;
	s6 =	sadd.s32 @!p0 s3, s7;
	s7 =	simm.s32 @!p0 $0x108  }
0x21: {  	s3 =	sadd.s32 s3, s9;
	s6 =	sadd.s32 @!p0 $0x88, s6;
	s7 =	simm.s32 @p2 $0x1082  }
0x22: {  	[simem:s7], [sflag:s8] =	dma.local @!p0 [hbm:s6], $0xF7A  }
0x23: {  	s9 =	sor.u32 $0xD0000000, s2;
	s6 =	simm.s32 $0x108;
	_ =	swait.ge @!p0 [sflag:s8], $0x0  }
0x24: {  	s3 =	sadd.s32 $0x88, s3;
	s6 =	simm.s32 @!p1 $0x1082;
	[sflag:s4] =	ssyncset.s32 $0xFFFFF086  }
0x25: {  	[simem:s6], [sflag:s4] =	dma.local [hbm:s3], $0xF7A  }
0x26: {  	[smem:$0x3F9F] =	sst s1;
	(tag) =	ssettag s2;
	_ =	strace s9  }
0x27: {  	s1 =	sld [smem:$0x3FAF]  }
0x28: {  	s2 =	sld [smem:$0x3FB0]  }
0x29: {  	s4 =	sld [smem:$0x3FB2]  }
0x2a: {  	p0 =	seq.s32 s5, $0x0;
	s5 =	sld [smem:$0x3FB3]  }
0x2b: {  	s6 =	sld [smem:$0x3FB4]  }
0x2c: {  	s7 =	sld [smem:$0x3FB5]  }
0x2d: {  	s3 =	simm.s32 $0x108;
	s8 =	sld [smem:$0x3FB6]  }
0x2e: {  	s3 =	simm.s32 @!p0 $0x1082;
	s9 =	sld [smem:$0x3FB7]  }
0x2f: {  	lr =	sadd.s32 s0, s3;
	s0 =	sld [smem:$0x3FAE]  }
0x30: {  	s3 =	sld [smem:$0x3FB1]  }
0x31: {  	[smem:$0x3FBA] =	sst s10  }
0x32: {  	s10 =	sld [smem:$0x3FB8];
	_ =	sdelay $0x3  }
0x33: {  	p0 =	seq.s32 s10, $0x1;
	s10 =	sld [smem:$0x3FBA];
	_ =	sdelay $0x3  }
0x34: {  	[smem:$0x3FBA] =	sst s10  }
0x35: {  	s10 =	sld [smem:$0x3FB9];
	_ =	sdelay $0x3  }
0x36: {  	p1 =	seq.s32 s10, $0x1;
	s10 =	sld [smem:$0x3FBA];
	_ =	sdelay $0x3  }
0x37: {  	[smem:$0x3FBA] =	sst s10  }
0x38: {  	s10 =	sld [smem:$0x3FBB]  }
0x39: {  	_ = 	snop;
	(pc) =	sbr.ind lr, $3  }
0x3a: {  	_ = 	snop  }
0x3b: {  	_ = 	snop  }
0x3c: {  	p2 =	seq.s32 s10, $0x1;
	s10 =	sld [smem:$0x3FBA]  }
0x3d: {  	_ =	shalt  }
0x3e: {  	_ =	shalt  }
0x3f: {  	_ =	shalt  }
0x40: {  	_ =	shalt  }
0x41: {  	_ =	shalt  }
0x42: {  	_ =	shalt  }
0x43: {  	_ =	shalt  }
0x44: {  	_ =	shalt  }
0x45: {  	_ =	shalt  }
0x46: {  	_ =	shalt  }
0x47: {  	_ =	shalt  }
0x48: {  	_ =	shalt  }
0x49: {  	_ =	shalt  }
0x4a: {  	_ =	shalt  }
0x4b: {  	_ =	shalt  }
0x4c: {  	_ =	shalt  }
0x4d: {  	_ =	shalt  }
0x4e: {  	_ =	shalt  }
0x4f: {  	_ =	shalt  }
0x50: {  	_ =	shalt  }
0x51: {  	_ =	shalt  }
0x52: {  	_ =	shalt  }
0x53: {  	_ =	shalt  }
0x54: {  	_ =	shalt  }
0x55: {  	_ =	shalt  }
0x56: {  	_ =	shalt  }
0x57: {  	_ =	shalt  }
0x58: {  	_ =	shalt  }
0x59: {  	_ =	shalt  }
0x5a: {  	_ =	shalt  }
0x5b: {  	_ =	shalt  }
0x5c: {  	_ =	shalt  }
0x5d: {  	_ =	shalt  }
0x5e: {  	_ =	shalt  }
0x5f: {  	_ =	shalt  }
0x60: {  	_ =	shalt  }
0x61: {  	_ =	shalt  }
0x62: {  	_ =	shalt  }
0x63: {  	_ =	shalt  }
0x64: {  	_ =	shalt  }
0x65: {  	_ =	shalt  }
0x66: {  	_ =	shalt  }
0x67: {  	_ =	shalt  }
0x68: {  	_ =	shalt  }
0x69: {  	_ =	shalt  }
0x6a: {  	_ =	shalt  }
0x6b: {  	_ =	shalt  }
0x6c: {  	_ =	shalt  }
0x6d: {  	_ =	shalt  }
0x6e: {  	_ =	shalt  }
0x6f: {  	_ =	shalt  }
0x70: {  	_ =	shalt  }
0x71: {  	_ =	shalt  }
0x72: {  	_ =	shalt  }
0x73: {  	_ =	shalt  }
0x74: {  	_ =	shalt  }
0x75: {  	_ =	shalt  }
0x76: {  	_ =	shalt  }
0x77: {  	_ =	shalt  }
0x78: {  	_ =	shalt  }
0x79: {  	_ =	shalt  }
0x7a: {  	_ =	shalt  }
0x7b: {  	_ =	shalt  }
0x7c: {  	_ =	shalt  }
0x7d: {  	_ =	shalt  }
0x7e: {  	_ =	shalt  }
0x7f: {  	_ =	shalt  }
0x80: {  	_ =	shalt  }
0x81: {  	_ =	shalt  }
0x82: {  	_ =	shalt  }
0x83: {  	_ =	shalt  }
0x84: {  	_ =	shalt  }
0x85: {  	_ =	shalt  }
0x86: {  	_ =	shalt  }
0x87: {  	_ =	shalt  }
.Lfunc_end0:
.L_simem_size_0:
called_computation_lowered:
.L_overlay_start_0:
0x88: {  	s2 =	sld [smem:$0x3FD9]  }
0x89: {  	s3 =	sld [smem:$0x3FFE];
	_ =	sdelay $0x1  }
0x8a: {  	s1 =	srdreg.scid  }
0x8b: {  	s0 =	sand.u32 $0x1, s1  }
0x8c: {  	s17 =	sshll.u32 s0, $0xA;
	s2 =	sadd.s32 s3, s2  }
0x8d: {  	s2 =	sadd.s32 s2, s17  }
0x8e: {  	[smem:$0x3FC6] =	sst s2  }
0x8f: {  	_ = 	snop  }
0x90: {  	s2 =	sld [smem:$0x3FC9]  }
0x91: {  	s18 =	sld [smem:$0x3FD0];
	(tm) =	ssettm $0x1  }
0x92: {  	s4 =	sld [smem:$0x3FFB];
	_ =	sdelay $0x3  }
0x93: {  	_ =	strace s4  }
0x94: {  	s4 =	sld [smem:$0x3FFC];
	_ =	sdelay $0x3  }
0x95: {  	_ =	strace s4  }
0x96: {  	s4 =	sld [smem:$0x3FFD];
	_ =	sdelay $0x3  }
0x97: {  	_ =	strace s4  }
0x98: {  	_ =	strace $0x8FFFFFFF  }
0x99: {  	s19 =	sld [smem:$0x3FDB];
	_ =	sdelay $0x1  }
0x9a: {  	s5 =	simm.s32 $_scs_section_size  }
0x9b: {  	s6 =	simm.s32 $_size__tile_overlayer_lowered;
	s7 =	simm.s32 $_tile_overlayer_lowered  }
0x9c: {  	s22 =	simm.s32 $0x1BFF;
	s21 =	sshll.u32 s7, $0x1;
	s4 =	sadd.s32 s5, s19  }
0x9d: {  	s8 =	simm.s32 $0x0;
	s20 =	sshll.u32 s6, $0x1;
	s6 =	sadd.s32 s21, s4  }
0x9e: {  	[timem:s8], [sflag:s22] =	dma.local [hbm:s6], s20  }
0x9f: {  	_ =	swait.ge [sflag:s22], s20  }
0xa0: {  	s5 =	ssub.s32 $0x0, s20;
	[sflag:s22] =	ssyncset.done $0x0  }
0xa1: {  	[sflag:s22] =	ssyncadd.s32 s5;
	_ =	sdelay $0x1  }
0xa2: {  	s23 =	simm.s32 $0x1B8B  }
0xa3: {  	_ =	swait.ge [sflag:s23], $0x1  }
0xa4: {  	[sflag:s23] =	ssyncset.done $0x0  }
0xa5: {  	s25 =	simm.s32 $0x1B8E;
	s24 =	sld [smem:$0x3FFE];
	[sflag:s23] =	ssyncadd.s32 $0xFFFFFFFF  }
0xa6: {  	s26 =	simm.s32 $execute0_lowered;
	[smem:$0x3FD2] =	sst s25  }
0xa7: {  	s6 =	sshll.u32 s26, $0x1;
	_ =	strace $0x80000046;
	[dreg:$0x1] =	wrdreg $0xFFFFFFFF  }
0xa8: {  	s28 =	simm.s32 $_size_execute0_lowered;
	s4 =	sadd.s32 s4, s6;
	[dreg:$0x0] =	wrdreg $0x0  }
0xa9: {  	s6 =	sshll.u32 s28, $0x1;
	[dreg:$0x2] =	wrdreg s4  }
0xaa: {  	[dreg:$0x3] =	wrdreg s6  }
0xab: {  	[dreg:$0x4] =	wrdreg $0xC0  }
0xac: {  	_ =	task [dreg:s8], $0x5FFFF  }
0xad: {  	[dreg:$0x1] =	wrdreg $0xFFFFFFFF  }
0xae: {  	[dreg:$0x0] =	wrdreg $0x60  }
0xaf: {  	[dreg:$0x2] =	wrdreg s2  }
0xb0: {  	[dreg:$0x3] =	wrdreg s18  }
0xb1: {  	[dreg:$0x4] =	wrdreg s24  }
0xb2: {  	[dreg:$0x5] =	wrdreg $0x9  }
0xb3: {  	_ =	task.clear_ibuf [dreg:s8], $0x6FFFF;
	_ =	strace $0x90000046  }
0xb4: {  	s29 =	simm.s32 $0x9;
	_ =	strace $0x80000048  }
0xb5: {  	_ =	swait.ge [sflag:s29], $0x1  }
0xb6: {  	[sflag:s29] =	ssyncadd.s32 $0xFFFFFFFF  }
0xb7: {  	_ =	strace $0x90000048  }
0xb8: {  	_ =	sfence  }
0xb9: {  	s30 =	sld [smem:$0x0];
	_ =	sdelay $0x2  }
0xba: {  	s31 =	sshll.u32 s1, $0xD;
	s1 =	sshrl.u32 s1, $0x2  }
0xbb: {  	s3 =	sand.u32 $0x4000, s31;
	s1 =	sadd.s32 s1, s30  }
0xbc: {  	s0 =	sor.u32 s3, s0;
	s1 =	sshll.u32 s1, $0x11  }
0xbd: {  	s0 =	sor.u32 s1, s0  }
0xbe: {  	s0 =	sadd.s32 $0x8F2B, s0  }
0xbf: {  	[sflag:s0] =	ssyncadd.remote.s32 $0x1  }
0xc0: {  	_ =	sfence.sel $0xFFFF  }
0xc1: {  	[dreg:$0x0] =	wrdreg $0xFFFFFFFF;
	(pc) =	sbr.abs _section_cstart, $3  }
0xc2: {  	[dreg:$0x1] =	wrdreg $0xFFFFFFFF  }
0xc3: {  	_ =	task.clear_ibuf [dreg:s8], $0x2FFFF;
	_ =	strace $0x9FFFFFFF  }
0xc4: {  	(tm) =	ssettm $0x7FFFFFFF  }
0xc5: {  	_ =	shalt  }
tec
execute0_lowered:
.L_overlay_start_1:
0x0: {  	(tag) =	ssettag $0x1  }
0x1: {  	s0 =	rddreg [dreg:$0x1]  }
0x2: {  	s1 =	rddreg [dreg:$0x2]  }
0x3: {  	s3 =	simm.s32 $0x0;
	s2 =	srdreg.scid;
	s4 =	stileid.u32  }
0x4: {  	s23 =	simm.s32 $0x3;
	s28 =	simm.s32 $0x1;
	s29 =	simm.s32 $0x2  }
0x5: {  	s30 =	simm.s32 $0x0;
	[smem:$0x7FF] =	sst s3;
	s2 =	sand.u32 $0x1, s2  }
0x6: {  	s4 =	sshll.u32 s4, $0x7;
	s5 =	sadd.s32 $0x400, s1;
	s8 =	sadd.s32 $0x600, s1  }
0x7: {  	s9 =	sadd.s32 $0x700, s1;
	s10 =	sadd.s32 $0x800, s1;
	s11 =	sadd.s32 $0x900, s1  }
0x8: {  	s12 =	sadd.s32 $0xA00, s1;
	s13 =	sadd.s32 $0xB00, s1;
	s14 =	sadd.s32 $0xC00, s1  }
0x9: {  	s15 =	sadd.s32 $0xD00, s1;
	s16 =	sadd.s32 $0xE00, s1;
	s17 =	sadd.s32 $0xF00, s1  }
0xa: {  	s18 =	sadd.s32 $0x1000, s1;
	s6 =	ssub.s32 $0x2, s2;
	s2 =	sshll.u32 s2, $0x6  }
0xb: {  	s19 =	sadd.s32 $0x1100, s1;
	s20 =	sadd.s32 $0x1200, s1;
	s4 =	sor.u32 s2, s4  }
0xc: {  	s21 =	sadd.s32 $0x1300, s1;
	s7 =	sshrl.u32 s6, $0x1;
	s26 =	sshll.u32 s4, $0x1  }
0xd: {  	_ =	strace $0x80000047;
	s25 =	ssub.s32 s6, s7;
	s0 =	sadd.s32 s0, s26  }
0xe: {  	s7 =	sadd.s32 $0x500, s1;
	s31 =	smax.u32 s25, $0x1;
	[dreg:$0x4] =	wrdreg s0  }
0xf: {  	s25 =	simm.s32 $0xC00;
	s26 =	simm.s32 $0x1400;
	[dreg:$0x5] =	wrdreg s31  }
.LBB2_1:
0x10: {  	s0 =	rddreg [dreg:$0x0]  }
0x11: {  	[tilespmem:s3], [sflag:$0x3] =	stream.linear.gather [hbm4b:s0+s3], $0x800, $0x38;
	[tilespmem:$0x1C00] =	vst v63  }
0x12: {  	_ =	swait.ge [sflag:s23], $0x800  }
0x13: {  	[sflag:s23] =	ssyncset.done $0x0  }
0x14: {  	s1 =	simm.s32 $0x800;
	s24 =	rddreg [dreg:$0x4];
	[sflag:s23] =	ssyncadd.s32 $0xFFFFF800  }
0x15: {  	[tilespmem:s1], [sflag:$0x3] =	stream.linear.gather [hbm4b:s24+s3], $0x400, $0x38;
	[tilespmem:$0x1C00] =	vst v63  }
0x16: {  	_ =	swait.ge [sflag:s23], $0x400  }
0x17: {  	[sflag:s23] =	ssyncset.done $0x0  }
0x18: {  	s31 =	simm.s32 $0x0;
	[sflag:s23] =	ssyncadd.s32 $0xFFFFFC00  }
.LBB2_2:
0x19: {  	p0 =	seq.s32 s31, $0x0  }
0x1a: {  	s0 =	simm.s32 @!p0 $0x1  }
0x1b: {  	_ =	swait.ge @!p0 [sflag:s0], $0x800  }
0x1c: {  	s1 =	sshll.u32 s31, $0x6;
	[sflag:s0] =	ssyncset.done @!p0 $0x0  }
0x1d: {  	[sflag:s0] =	ssyncadd.s32 @!p0 $0xFFFFF800;
	s0 =	sshrl.u32 s1, $0x2  }
0x1e: {  	s2 =	simm.s32 $0x0;
	v0 =	vld.msk [tilespmem:s0+$0x800 ss:$0x0], $0xffff  }
0x1f: {  	v1 =	vld [tilespmem:s2+$0xF0]  }
0x20: {  	v2 =	vld [tilespmem:s2+$0x0]  }
0x21: {  	v3 =	vld [tilespmem:s2+$0x10]  }
0x22: {  	v4 =	vld [tilespmem:s2+$0x20]  }
0x23: {  	v7 =	vld [tilespmem:s2+$0x50]  }
0x24: {  	v5 =	vld [tilespmem:s2+$0x30];
	v1 =	vadd.f32 v1, v0  }
0x25: {  	v6 =	vld [tilespmem:s2+$0x40];
	v2 =	vadd.f32 v2, v0  }
0x26: {  	v8 =	vld [tilespmem:s2+$0x60];
	[tilespmem:s2+$0xCF0] =	vst v1;
	v1 =	vadd.f32 v3, v0  }
0x27: {  	v9 =	vld [tilespmem:s2+$0x70];
	[tilespmem:s2+$0xC00] =	vst v2;
	v2 =	vadd.f32 v4, v0  }
0x28: {  	v3 =	vadd.f32 v7, v0;
	[tilespmem:s2+$0xC10] =	vst v1  }
0x29: {  	v10 =	vld [tilespmem:s2+$0x80];
	v1 =	vadd.f32 v5, v0;
	[tilespmem:s2+$0xC20] =	vst v2  }
0x2a: {  	v5 =	vld [tilespmem:s2+$0x90];
	v2 =	vadd.f32 v6, v0;
	[tilespmem:s2+$0xC50] =	vst v3  }
0x2b: {  	v4 =	vadd.f32 v8, v0;
	[tilespmem:s2+$0xC30] =	vst v1;
	v1 =	vld [tilespmem:s2+$0xA0]  }
0x2c: {  	v6 =	vadd.f32 v9, v0;
	[tilespmem:s2+$0xC40] =	vst v2;
	v2 =	vld [tilespmem:s2+$0xB0]  }
0x2d: {  	v3 =	vld [tilespmem:s2+$0xC0];
	[tilespmem:s2+$0xC60] =	vst v4  }
0x2e: {  	v4 =	vld [tilespmem:s2+$0xD0];
	[tilespmem:s2+$0xC70] =	vst v6;
	v6 =	vadd.f32 v10, v0  }
0x2f: {  	s24 =	simm.s32 $0x100;
	s6 =	simm.s32 $0x800;
	s1 =	sor.u32 s4, s31;
	v7 =	vadd.f32 v5, v0;
	v5 =	vld [tilespmem:s2+$0xE0]  }
.LBB2_3:
0x30: {  	p1 =	sne.s32 s6, $0x1C00;
	v8 =	vld [tilespmem:s24+$0xF0];
	[tilespmem:s2+$0xC80] =	vst v6;
	v1 =	vadd.f32 v1, v0  }
0x31: {  	v6 =	vld [tilespmem:s24+$0x0];
	[tilespmem:s2+$0xC90] =	vst v7;
	v2 =	vadd.f32 v2, v0  }
0x32: {  	v7 =	vld [tilespmem:s24+$0x10];
	[tilespmem:s2+$0xCA0] =	vst v1;
	v1 =	vadd.f32 v3, v0  }
0x33: {  	v3 =	vld [tilespmem:s24+$0x20];
	[tilespmem:s2+$0xCB0] =	vst v2;
	v2 =	vadd.f32 v4, v0  }
0x34: {  	v4 =	vld [tilespmem:s24+$0x30];
	[tilespmem:s2+$0xCC0] =	vst v1;
	v1 =	vadd.f32 v5, v0  }
0x35: {  	v5 =	vld [tilespmem:s24+$0x40];
	v8 =	vadd.f32 v8, v0;
	[tilespmem:s2+$0xCD0] =	vst v2  }
0x36: {  	v2 =	vadd.f32 v6, v0;
	v6 =	vld [tilespmem:s24+$0x50];
	[tilespmem:s2+$0xCE0] =	vst v1;
	s2 =	smov.u32 s24  }
0x37: {  	v1 =	vadd.f32 v7, v0;
	v7 =	vld [tilespmem:s2+$0x60];
	[tilespmem:s2+$0xCF0] =	vst v8  }
0x38: {  	[tilespmem:s2+$0xC00] =	vst v2;
	v2 =	vadd.f32 v3, v0;
	v3 =	vld [tilespmem:s2+$0x70]  }
0x39: {  	[tilespmem:s2+$0xC10] =	vst v1;
	v1 =	vadd.f32 v4, v0;
	v4 =	vld [tilespmem:s2+$0x80]  }
0x3a: {  	[tilespmem:s2+$0xC20] =	vst v2;
	v2 =	vadd.f32 v5, v0;
	v5 =	vld [tilespmem:s2+$0x90]  }
.Ltmp0:
0x3b: {  	[tilespmem:s2+$0xC30] =	vst v1;
	v6 =	vadd.f32 v6, v0;
	v1 =	vld [tilespmem:s2+$0xA0];
	(pc) =	sbr.rel @p1 .LBB2_3-.Ltmp0, $4  }
0x3c: {  	[tilespmem:s2+$0xC40] =	vst v2;
	v7 =	vadd.f32 v7, v0;
	v2 =	vld [tilespmem:s2+$0xB0]  }
0x3d: {  	[tilespmem:s2+$0xC50] =	vst v6;
	v8 =	vadd.f32 v3, v0;
	v3 =	vld [tilespmem:s2+$0xC0]  }
0x3e: {  	[tilespmem:s2+$0xC60] =	vst v7;
	v6 =	vadd.f32 v4, v0;
	v4 =	vld [tilespmem:s2+$0xD0]  }
0x3f: {  	s24 =	sshra.s32 s6, $0x2;
	s6 =	sadd.s32 $0x400, s6;
	[tilespmem:s2+$0xC70] =	vst v8;
	v7 =	vadd.f32 v5, v0;
	v5 =	vld [tilespmem:s2+$0xE0]  }
0x40: {  	v8 =	vld [tilespmem:s24+$0xF0];
	[tilespmem:s2+$0xC80] =	vst v6;
	v1 =	vadd.f32 v1, v0  }
0x41: {  	v6 =	vld [tilespmem:s24+$0x0];
	[tilespmem:s2+$0xC90] =	vst v7;
	v2 =	vadd.f32 v2, v0  }
0x42: {  	v7 =	vld [tilespmem:s24+$0x10];
	[tilespmem:s2+$0xCA0] =	vst v1;
	v3 =	vadd.f32 v3, v0  }
0x43: {  	v1 =	vld [tilespmem:s24+$0x20];
	[tilespmem:s2+$0xCB0] =	vst v2;
	v4 =	vadd.f32 v4, v0  }
0x44: {  	v2 =	vld [tilespmem:s24+$0x30];
	[tilespmem:s2+$0xCC0] =	vst v3;
	v5 =	vadd.f32 v5, v0  }
0x45: {  	v3 =	vld [tilespmem:s24+$0x40];
	[tilespmem:s2+$0xCD0] =	vst v4;
	v8 =	vadd.f32 v8, v0  }
0x46: {  	v4 =	vld [tilespmem:s24+$0x50];
	[tilespmem:s2+$0xCE0] =	vst v5;
	v5 =	vadd.f32 v6, v0  }
0x47: {  	v6 =	vld [tilespmem:s24+$0x60];
	[tilespmem:s24+$0xCF0] =	vst v8;
	v7 =	vadd.f32 v7, v0  }
0x48: {  	[tilespmem:s24+$0xC00] =	vst v5;
	v5 =	vld [tilespmem:s24+$0x70];
	v1 =	vadd.f32 v1, v0  }
0x49: {  	[tilespmem:s24+$0xC10] =	vst v7;
	v7 =	vld [tilespmem:s24+$0x80];
	v2 =	vadd.f32 v2, v0  }
0x4a: {  	[tilespmem:s24+$0xC20] =	vst v1;
	v1 =	vld [tilespmem:s24+$0x90];
	v3 =	vadd.f32 v3, v0  }
0x4b: {  	[tilespmem:s24+$0xC30] =	vst v2;
	v2 =	vld [tilespmem:s24+$0xA0];
	v4 =	vadd.f32 v4, v0  }
0x4c: {  	[tilespmem:s24+$0xC40] =	vst v3;
	v3 =	vld [tilespmem:s24+$0xB0];
	v6 =	vadd.f32 v6, v0  }
0x4d: {  	[tilespmem:s24+$0xC50] =	vst v4;
	v4 =	vld [tilespmem:s24+$0xC0];
	v5 =	vadd.f32 v5, v0  }
0x4e: {  	[tilespmem:s24+$0xC60] =	vst v6;
	v6 =	vld [tilespmem:s24+$0xD0];
	v7 =	vadd.f32 v7, v0  }
0x4f: {  	[tilespmem:s24+$0xC70] =	vst v5;
	v1 =	vadd.f32 v1, v0;
	v5 =	vld [tilespmem:s24+$0xE0]  }
0x50: {  	[tilespmem:s24+$0xC80] =	vst v7;
	v2 =	vadd.f32 v2, v0  }
0x51: {  	[tilespmem:s24+$0xC90] =	vst v1;
	v1 =	vadd.f32 v3, v0  }
0x52: {  	[tilespmem:s24+$0xCA0] =	vst v2;
	v2 =	vadd.f32 v4, v0  }
0x53: {  	[tilespmem:s24+$0xCB0] =	vst v1;
	v1 =	vadd.f32 v6, v0  }
0x54: {  	[tilespmem:s24+$0xCC0] =	vst v2;
	v0 =	vadd.f32 v5, v0  }
0x55: {  	s2 =	sshll.u32 s1, $0xC;
	[tilespmem:s24+$0xCD0] =	vst v1  }
0x56: {  	s1 =	sadd.s32 s5, s2;
	[tilespmem:s24+$0xCE0] =	vst v0  }
0x57: {  	[hbm4b:s1+s3] =	stream.linear.scatter [tilespmem:s25], [sflag:$0x1], $0x800, $0x38;
	[tilespmem:$0x1C00] =	vst v63  }
0x58: {  	s1 =	simm.s32 @!p0 $0x2  }
0x59: {  	_ =	swait.ge @!p0 [sflag:s1], $0x800  }
0x5a: {  	[sflag:s1] =	ssyncset.done @!p0 $0x0  }
0x5b: {  	[sflag:s1] =	ssyncadd.s32 @!p0 $0xFFFFF800  }
0x5c: {  	v0 =	vld [tilespmem:s0+$0x800]  }
0x5d: {  	s1 =	simm.s32 $0x0  }
0x5e: {  	v1 =	vld [tilespmem:s1+$0xF0]  }
0x5f: {  	v2 =	vld [tilespmem:s1+$0x0]  }
0x60: {  	v3 =	vld [tilespmem:s1+$0x10]  }
0x61: {  	v4 =	vld [tilespmem:s1+$0x20];
	v0 =	vbroadcast v0, $0x1  }
0x62: {  	v7 =	vld [tilespmem:s1+$0x50]  }
0x63: {  	v5 =	vld [tilespmem:s1+$0x30];
	v1 =	vadd.f32 v1, v0  }
0x64: {  	v6 =	vld [tilespmem:s1+$0x40];
	v2 =	vadd.f32 v2, v0  }
0x65: {  	v8 =	vld [tilespmem:s1+$0x60];
	[tilespmem:s1+$0x14F0] =	vst v1;
	v1 =	vadd.f32 v3, v0  }
0x66: {  	v9 =	vld [tilespmem:s1+$0x70];
	[tilespmem:s1+$0x1400] =	vst v2;
	v2 =	vadd.f32 v4, v0  }
0x67: {  	v3 =	vadd.f32 v7, v0;
	[tilespmem:s1+$0x1410] =	vst v1  }
0x68: {  	v10 =	vld [tilespmem:s1+$0x80];
	v1 =	vadd.f32 v5, v0;
	[tilespmem:s1+$0x1420] =	vst v2  }
0x69: {  	v5 =	vld [tilespmem:s1+$0x90];
	v2 =	vadd.f32 v6, v0;
	[tilespmem:s1+$0x1450] =	vst v3  }
0x6a: {  	v4 =	vadd.f32 v8, v0;
	[tilespmem:s1+$0x1430] =	vst v1;
	v1 =	vld [tilespmem:s1+$0xA0]  }
0x6b: {  	v6 =	vadd.f32 v9, v0;
	[tilespmem:s1+$0x1440] =	vst v2;
	v2 =	vld [tilespmem:s1+$0xB0]  }
0x6c: {  	v3 =	vld [tilespmem:s1+$0xC0];
	[tilespmem:s1+$0x1460] =	vst v4  }
0x6d: {  	v4 =	vld [tilespmem:s1+$0xD0];
	[tilespmem:s1+$0x1470] =	vst v6;
	v6 =	vadd.f32 v10, v0  }
0x6e: {  	s6 =	simm.s32 $0x800;
	s24 =	simm.s32 $0x100;
	v7 =	vadd.f32 v5, v0;
	v5 =	vld [tilespmem:s1+$0xE0]  }
.LBB2_5:
0x6f: {  	p0 =	sne.s32 s6, $0x1C00;
	v8 =	vld [tilespmem:s24+$0xF0];
	[tilespmem:s1+$0x1480] =	vst v6;
	v1 =	vadd.f32 v1, v0  }
0x70: {  	v6 =	vld [tilespmem:s24+$0x0];
	[tilespmem:s1+$0x1490] =	vst v7;
	v2 =	vadd.f32 v2, v0  }
0x71: {  	v7 =	vld [tilespmem:s24+$0x10];
	[tilespmem:s1+$0x14A0] =	vst v1;
	v1 =	vadd.f32 v3, v0  }
0x72: {  	v3 =	vld [tilespmem:s24+$0x20];
	[tilespmem:s1+$0x14B0] =	vst v2;
	v2 =	vadd.f32 v4, v0  }
0x73: {  	v4 =	vld [tilespmem:s24+$0x30];
	[tilespmem:s1+$0x14C0] =	vst v1;
	v1 =	vadd.f32 v5, v0  }
0x74: {  	v5 =	vld [tilespmem:s24+$0x40];
	v8 =	vadd.f32 v8, v0;
	[tilespmem:s1+$0x14D0] =	vst v2  }
0x75: {  	v2 =	vadd.f32 v6, v0;
	v6 =	vld [tilespmem:s24+$0x50];
	[tilespmem:s1+$0x14E0] =	vst v1;
	s1 =	smov.u32 s24  }
0x76: {  	v1 =	vadd.f32 v7, v0;
	v7 =	vld [tilespmem:s1+$0x60];
	[tilespmem:s1+$0x14F0] =	vst v8  }
0x77: {  	[tilespmem:s1+$0x1400] =	vst v2;
	v2 =	vadd.f32 v3, v0;
	v3 =	vld [tilespmem:s1+$0x70]  }
0x78: {  	[tilespmem:s1+$0x1410] =	vst v1;
	v1 =	vadd.f32 v4, v0;
	v4 =	vld [tilespmem:s1+$0x80]  }
0x79: {  	[tilespmem:s1+$0x1420] =	vst v2;
	v2 =	vadd.f32 v5, v0;
	v5 =	vld [tilespmem:s1+$0x90]  }
.Ltmp1:
0x7a: {  	[tilespmem:s1+$0x1430] =	vst v1;
	v6 =	vadd.f32 v6, v0;
	v1 =	vld [tilespmem:s1+$0xA0];
	(pc) =	sbr.rel @p0 .LBB2_5-.Ltmp1, $4  }
0x7b: {  	[tilespmem:s1+$0x1440] =	vst v2;
	v7 =	vadd.f32 v7, v0;
	v2 =	vld [tilespmem:s1+$0xB0]  }
0x7c: {  	[tilespmem:s1+$0x1450] =	vst v6;
	v8 =	vadd.f32 v3, v0;
	v3 =	vld [tilespmem:s1+$0xC0]  }
0x7d: {  	[tilespmem:s1+$0x1460] =	vst v7;
	v6 =	vadd.f32 v4, v0;
	v4 =	vld [tilespmem:s1+$0xD0]  }
0x7e: {  	s24 =	sshra.s32 s6, $0x2;
	s6 =	sadd.s32 $0x400, s6;
	[tilespmem:s1+$0x1470] =	vst v8;
	v7 =	vadd.f32 v5, v0;
	v5 =	vld [tilespmem:s1+$0xE0]  }
0x7f: {  	v8 =	vld [tilespmem:s24+$0xF0];
	[tilespmem:s1+$0x1480] =	vst v6;
	v1 =	vadd.f32 v1, v0  }
0x80: {  	v6 =	vld [tilespmem:s24+$0x0];
	[tilespmem:s1+$0x1490] =	vst v7;
	v2 =	vadd.f32 v2, v0  }
0x81: {  	v7 =	vld [tilespmem:s24+$0x10];
	[tilespmem:s1+$0x14A0] =	vst v1;
	v3 =	vadd.f32 v3, v0  }
0x82: {  	v1 =	vld [tilespmem:s24+$0x20];
	[tilespmem:s1+$0x14B0] =	vst v2;
	v4 =	vadd.f32 v4, v0  }
0x83: {  	v2 =	vld [tilespmem:s24+$0x30];
	[tilespmem:s1+$0x14C0] =	vst v3;
	v5 =	vadd.f32 v5, v0  }
0x84: {  	v3 =	vld [tilespmem:s24+$0x40];
	[tilespmem:s1+$0x14D0] =	vst v4;
	v8 =	vadd.f32 v8, v0  }
0x85: {  	v4 =	vld [tilespmem:s24+$0x50];
	[tilespmem:s1+$0x14E0] =	vst v5;
	v5 =	vadd.f32 v6, v0  }
0x86: {  	v6 =	vld [tilespmem:s24+$0x60];
	[tilespmem:s24+$0x14F0] =	vst v8;
	v7 =	vadd.f32 v7, v0  }
0x87: {  	[tilespmem:s24+$0x1400] =	vst v5;
	v5 =	vld [tilespmem:s24+$0x70];
	v1 =	vadd.f32 v1, v0  }
0x88: {  	[tilespmem:s24+$0x1410] =	vst v7;
	v7 =	vld [tilespmem:s24+$0x80];
	v2 =	vadd.f32 v2, v0  }
0x89: {  	[tilespmem:s24+$0x1420] =	vst v1;
	v1 =	vld [tilespmem:s24+$0x90];
	v3 =	vadd.f32 v3, v0  }
0x8a: {  	[tilespmem:s24+$0x1430] =	vst v2;
	v2 =	vld [tilespmem:s24+$0xA0];
	v4 =	vadd.f32 v4, v0  }
0x8b: {  	[tilespmem:s24+$0x1440] =	vst v3;
	v3 =	vld [tilespmem:s24+$0xB0];
	v6 =	vadd.f32 v6, v0  }
0x8c: {  	[tilespmem:s24+$0x1450] =	vst v4;
	v4 =	vld [tilespmem:s24+$0xC0];
	v5 =	vadd.f32 v5, v0  }
0x8d: {  	[tilespmem:s24+$0x1460] =	vst v6;
	v6 =	vld [tilespmem:s24+$0xD0];
	v7 =	vadd.f32 v7, v0  }
0x8e: {  	[tilespmem:s24+$0x1470] =	vst v5;
	v1 =	vadd.f32 v1, v0;
	v5 =	vld [tilespmem:s24+$0xE0]  }
0x8f: {  	[tilespmem:s24+$0x1480] =	vst v7;
	v2 =	vadd.f32 v2, v0  }
0x90: {  	[tilespmem:s24+$0x1490] =	vst v1;
	v1 =	vadd.f32 v3, v0  }
0x91: {  	[tilespmem:s24+$0x14A0] =	vst v2;
	v2 =	vadd.f32 v4, v0  }
0x92: {  	[tilespmem:s24+$0x14B0] =	vst v1;
	v1 =	vadd.f32 v6, v0  }
0x93: {  	[tilespmem:s24+$0x14C0] =	vst v2;
	v0 =	vadd.f32 v5, v0  }
0x94: {  	[tilespmem:s24+$0x14D0] =	vst v1  }
0x95: {  	s6 =	simm.s32 $0x0;
	[tilespmem:s24+$0x14E0] =	vst v0;
	s24 =	sadd.s32 s2, s7  }
0x96: {  	[hbm4b:s24+s6] =	stream.linear.scatter [tilespmem:s26], [sflag:$0x2], $0x800, $0x38;
	[tilespmem:$0x1C00] =	vst v63  }
0x97: {  	_ =	swait.ge [sflag:s28], $0x800  }
0x98: {  	[sflag:s28] =	ssyncset.done $0x0  }
0x99: {  	[sflag:s28] =	ssyncadd.s32 $0xFFFFF800  }
0x9a: {  	v0 =	vld [tilespmem:s0+$0x800]  }
0x9b: {  	s24 =	simm.s32 $0x0  }
0x9c: {  	v1 =	vld [tilespmem:s24+$0xF0]  }
0x9d: {  	v2 =	vld [tilespmem:s24+$0x0]  }
0x9e: {  	v3 =	vld [tilespmem:s24+$0x10]  }
0x9f: {  	v4 =	vld [tilespmem:s24+$0x20];
	v0 =	vbroadcast v0, $0x2  }
0xa0: {  	v7 =	vld [tilespmem:s24+$0x50]  }
0xa1: {  	v5 =	vld [tilespmem:s24+$0x30];
	v1 =	vadd.f32 v1, v0  }
0xa2: {  	v6 =	vld [tilespmem:s24+$0x40];
	v2 =	vadd.f32 v2, v0  }
0xa3: {  	v8 =	vld [tilespmem:s24+$0x60];
	[tilespmem:s24+$0xCF0] =	vst v1;
	v1 =	vadd.f32 v3, v0  }
0xa4: {  	v9 =	vld [tilespmem:s24+$0x70];
	[tilespmem:s24+$0xC00] =	vst v2;
	v2 =	vadd.f32 v4, v0  }
0xa5: {  	v3 =	vadd.f32 v7, v0;
	[tilespmem:s24+$0xC10] =	vst v1  }
0xa6: {  	v10 =	vld [tilespmem:s24+$0x80];
	v1 =	vadd.f32 v5, v0;
	[tilespmem:s24+$0xC20] =	vst v2  }
0xa7: {  	v5 =	vld [tilespmem:s24+$0x90];
	v2 =	vadd.f32 v6, v0;
	[tilespmem:s24+$0xC50] =	vst v3  }
0xa8: {  	v4 =	vadd.f32 v8, v0;
	[tilespmem:s24+$0xC30] =	vst v1;
	v1 =	vld [tilespmem:s24+$0xA0]  }
0xa9: {  	v6 =	vadd.f32 v9, v0;
	[tilespmem:s24+$0xC40] =	vst v2;
	v2 =	vld [tilespmem:s24+$0xB0]  }
0xaa: {  	v3 =	vld [tilespmem:s24+$0xC0];
	[tilespmem:s24+$0xC60] =	vst v4  }
0xab: {  	v4 =	vld [tilespmem:s24+$0xD0];
	[tilespmem:s24+$0xC70] =	vst v6;
	v6 =	vadd.f32 v10, v0  }
0xac: {  	s22 =	simm.s32 $0x800;
	s1 =	sadd.s32 s2, s8;
	s6 =	simm.s32 $0x100;
	v7 =	vadd.f32 v5, v0;
	v5 =	vld [tilespmem:s24+$0xE0]  }
.LBB2_7:
0xad: {  	p0 =	sne.s32 s22, $0x1C00;
	v8 =	vld [tilespmem:s6+$0xF0];
	[tilespmem:s24+$0xC80] =	vst v6;
	v1 =	vadd.f32 v1, v0  }
0xae: {  	v6 =	vld [tilespmem:s6+$0x0];
	[tilespmem:s24+$0xC90] =	vst v7;
	v2 =	vadd.f32 v2, v0  }
0xaf: {  	v7 =	vld [tilespmem:s6+$0x10];
	[tilespmem:s24+$0xCA0] =	vst v1;
	v1 =	vadd.f32 v3, v0  }
0xb0: {  	v3 =	vld [tilespmem:s6+$0x20];
	[tilespmem:s24+$0xCB0] =	vst v2;
	v2 =	vadd.f32 v4, v0  }
0xb1: {  	v4 =	vld [tilespmem:s6+$0x30];
	[tilespmem:s24+$0xCC0] =	vst v1;
	v1 =	vadd.f32 v5, v0  }
0xb2: {  	v5 =	vld [tilespmem:s6+$0x40];
	v8 =	vadd.f32 v8, v0;
	[tilespmem:s24+$0xCD0] =	vst v2  }
0xb3: {  	v2 =	vadd.f32 v6, v0;
	v6 =	vld [tilespmem:s6+$0x50];
	[tilespmem:s24+$0xCE0] =	vst v1;
	s24 =	smov.u32 s6  }
0xb4: {  	v1 =	vadd.f32 v7, v0;
	v7 =	vld [tilespmem:s24+$0x60];
	[tilespmem:s24+$0xCF0] =	vst v8  }
0xb5: {  	[tilespmem:s24+$0xC00] =	vst v2;
	v2 =	vadd.f32 v3, v0;
	v3 =	vld [tilespmem:s24+$0x70]  }
0xb6: {  	[tilespmem:s24+$0xC10] =	vst v1;
	v1 =	vadd.f32 v4, v0;
	v4 =	vld [tilespmem:s24+$0x80]  }
0xb7: {  	[tilespmem:s24+$0xC20] =	vst v2;
	v2 =	vadd.f32 v5, v0;
	v5 =	vld [tilespmem:s24+$0x90]  }
.Ltmp2:
0xb8: {  	[tilespmem:s24+$0xC30] =	vst v1;
	v6 =	vadd.f32 v6, v0;
	v1 =	vld [tilespmem:s24+$0xA0];
	(pc) =	sbr.rel @p0 .LBB2_7-.Ltmp2, $4  }
0xb9: {  	[tilespmem:s24+$0xC40] =	vst v2;
	v7 =	vadd.f32 v7, v0;
	v2 =	vld [tilespmem:s24+$0xB0]  }
0xba: {  	[tilespmem:s24+$0xC50] =	vst v6;
	v8 =	vadd.f32 v3, v0;
	v3 =	vld [tilespmem:s24+$0xC0]  }
0xbb: {  	[tilespmem:s24+$0xC60] =	vst v7;
	v6 =	vadd.f32 v4, v0;
	v4 =	vld [tilespmem:s24+$0xD0]  }
0xbc: {  	s6 =	sshra.s32 s22, $0x2;
	s22 =	sadd.s32 $0x400, s22;
	[tilespmem:s24+$0xC70] =	vst v8;
	v7 =	vadd.f32 v5, v0;
	v5 =	vld [tilespmem:s24+$0xE0]  }
0xbd: {  	v8 =	vld [tilespmem:s6+$0xF0];
	[tilespmem:s24+$0xC80] =	vst v6;
	v1 =	vadd.f32 v1, v0  }
0xbe: {  	v6 =	vld [tilespmem:s6+$0x0];
	[tilespmem:s24+$0xC90] =	vst v7;
	v2 =	vadd.f32 v2, v0  }
0xbf: {  	v7 =	vld [tilespmem:s6+$0x10];
	[tilespmem:s24+$0xCA0] =	vst v1;
	v3 =	vadd.f32 v3, v0  }
0xc0: {  	v1 =	vld [tilespmem:s6+$0x20];
	[tilespmem:s24+$0xCB0] =	vst v2;
	v4 =	vadd.f32 v4, v0  }
0xc1: {  	v2 =	vld [tilespmem:s6+$0x30];
	[tilespmem:s24+$0xCC0] =	vst v3;
	v5 =	vadd.f32 v5, v0  }
0xc2: {  	v3 =	vld [tilespmem:s6+$0x40];
	[tilespmem:s24+$0xCD0] =	vst v4;
	v8 =	vadd.f32 v8, v0  }
0xc3: {  	v4 =	vld [tilespmem:s6+$0x50];
	[tilespmem:s24+$0xCE0] =	vst v5;
	v5 =	vadd.f32 v6, v0  }
0xc4: {  	v6 =	vld [tilespmem:s6+$0x60];
	[tilespmem:s6+$0xCF0] =	vst v8;
	v7 =	vadd.f32 v7, v0  }
0xc5: {  	[tilespmem:s6+$0xC00] =	vst v5;
	v5 =	vld [tilespmem:s6+$0x70];
	v1 =	vadd.f32 v1, v0  }
0xc6: {  	[tilespmem:s6+$0xC10] =	vst v7;
	v7 =	vld [tilespmem:s6+$0x80];
	v2 =	vadd.f32 v2, v0  }
0xc7: {  	[tilespmem:s6+$0xC20] =	vst v1;
	v1 =	vld [tilespmem:s6+$0x90];
	v3 =	vadd.f32 v3, v0  }
0xc8: {  	[tilespmem:s6+$0xC30] =	vst v2;
	v2 =	vld [tilespmem:s6+$0xA0];
	v4 =	vadd.f32 v4, v0  }
0xc9: {  	[tilespmem:s6+$0xC40] =	vst v3;
	v3 =	vld [tilespmem:s6+$0xB0];
	v6 =	vadd.f32 v6, v0  }
0xca: {  	[tilespmem:s6+$0xC50] =	vst v4;
	v4 =	vld [tilespmem:s6+$0xC0];
	v5 =	vadd.f32 v5, v0  }
0xcb: {  	[tilespmem:s6+$0xC60] =	vst v6;
	v6 =	vld [tilespmem:s6+$0xD0];
	v7 =	vadd.f32 v7, v0  }
0xcc: {  	[tilespmem:s6+$0xC70] =	vst v5;
	v1 =	vadd.f32 v1, v0;
	v5 =	vld [tilespmem:s6+$0xE0]  }
0xcd: {  	[tilespmem:s6+$0xC80] =	vst v7;
	v2 =	vadd.f32 v2, v0  }
0xce: {  	[tilespmem:s6+$0xC90] =	vst v1;
	v1 =	vadd.f32 v3, v0  }
0xcf: {  	[tilespmem:s6+$0xCA0] =	vst v2;
	v2 =	vadd.f32 v4, v0  }
0xd0: {  	[tilespmem:s6+$0xCB0] =	vst v1;
	v1 =	vadd.f32 v6, v0  }
0xd1: {  	[tilespmem:s6+$0xCC0] =	vst v2;
	v0 =	vadd.f32 v5, v0  }
0xd2: {  	[tilespmem:s6+$0xCD0] =	vst v1  }
0xd3: {  	s24 =	simm.s32 $0x0;
	[tilespmem:s6+$0xCE0] =	vst v0  }
0xd4: {  	[hbm4b:s1+s24] =	stream.linear.scatter [tilespmem:s25], [sflag:$0x1], $0x800, $0x38;
	[tilespmem:$0x1C00] =	vst v63  }
0xd5: {  	_ =	swait.ge [sflag:s29], $0x800  }
0xd6: {  	[sflag:s29] =	ssyncset.done $0x0  }
0xd7: {  	[sflag:s29] =	ssyncadd.s32 $0xFFFFF800  }
0xd8: {  	v0 =	vld [tilespmem:s0+$0x800]  }
0xd9: {  	s24 =	simm.s32 $0x0  }
0xda: {  	v1 =	vld [tilespmem:s24+$0xF0]  }
0xdb: {  	v2 =	vld [tilespmem:s24+$0x0]  }
0xdc: {  	v3 =	vld [tilespmem:s24+$0x10]  }
0xdd: {  	v4 =	vld [tilespmem:s24+$0x20];
	v0 =	vbroadcast v0, $0x3  }
0xde: {  	v7 =	vld [tilespmem:s24+$0x50]  }
0xdf: {  	v5 =	vld [tilespmem:s24+$0x30];
	v1 =	vadd.f32 v1, v0  }
0xe0: {  	v6 =	vld [tilespmem:s24+$0x40];
	v2 =	vadd.f32 v2, v0  }
0xe1: {  	v8 =	vld [tilespmem:s24+$0x60];
	[tilespmem:s24+$0x14F0] =	vst v1;
	v1 =	vadd.f32 v3, v0  }
0xe2: {  	v9 =	vld [tilespmem:s24+$0x70];
	[tilespmem:s24+$0x1400] =	vst v2;
	v2 =	vadd.f32 v4, v0  }
0xe3: {  	v3 =	vadd.f32 v7, v0;
	[tilespmem:s24+$0x1410] =	vst v1  }
0xe4: {  	v10 =	vld [tilespmem:s24+$0x80];
	v1 =	vadd.f32 v5, v0;
	[tilespmem:s24+$0x1420] =	vst v2  }
0xe5: {  	v5 =	vld [tilespmem:s24+$0x90];
	v2 =	vadd.f32 v6, v0;
	[tilespmem:s24+$0x1450] =	vst v3  }
0xe6: {  	v4 =	vadd.f32 v8, v0;
	[tilespmem:s24+$0x1430] =	vst v1;
	v1 =	vld [tilespmem:s24+$0xA0]  }
0xe7: {  	v6 =	vadd.f32 v9, v0;
	[tilespmem:s24+$0x1440] =	vst v2;
	v2 =	vld [tilespmem:s24+$0xB0]  }
0xe8: {  	v3 =	vld [tilespmem:s24+$0xC0];
	[tilespmem:s24+$0x1460] =	vst v4  }
0xe9: {  	v4 =	vld [tilespmem:s24+$0xD0];
	[tilespmem:s24+$0x1470] =	vst v6;
	v6 =	vadd.f32 v10, v0  }
0xea: {  	s22 =	simm.s32 $0x800;
	s6 =	simm.s32 $0x100;
	s1 =	sadd.s32 s2, s9;
	v7 =	vadd.f32 v5, v0;
	v5 =	vld [tilespmem:s24+$0xE0]  }
.LBB2_9:
0xeb: {  	p0 =	sne.s32 s22, $0x1C00;
	v8 =	vld [tilespmem:s6+$0xF0];
	[tilespmem:s24+$0x1480] =	vst v6;
	v1 =	vadd.f32 v1, v0  }
0xec: {  	v6 =	vld [tilespmem:s6+$0x0];
	[tilespmem:s24+$0x1490] =	vst v7;
	v2 =	vadd.f32 v2, v0  }
0xed: {  	v7 =	vld [tilespmem:s6+$0x10];
	[tilespmem:s24+$0x14A0] =	vst v1;
	v1 =	vadd.f32 v3, v0  }
0xee: {  	v3 =	vld [tilespmem:s6+$0x20];
	[tilespmem:s24+$0x14B0] =	vst v2;
	v2 =	vadd.f32 v4, v0  }
0xef: {  	v4 =	vld [tilespmem:s6+$0x30];
	[tilespmem:s24+$0x14C0] =	vst v1;
	v1 =	vadd.f32 v5, v0  }
0xf0: {  	v5 =	vld [tilespmem:s6+$0x40];
	v8 =	vadd.f32 v8, v0;
	[tilespmem:s24+$0x14D0] =	vst v2  }
0xf1: {  	v2 =	vadd.f32 v6, v0;
	v6 =	vld [tilespmem:s6+$0x50];
	[tilespmem:s24+$0x14E0] =	vst v1;
	s24 =	smov.u32 s6  }
0xf2: {  	v1 =	vadd.f32 v7, v0;
	v7 =	vld [tilespmem:s24+$0x60];
	[tilespmem:s24+$0x14F0] =	vst v8  }
0xf3: {  	[tilespmem:s24+$0x1400] =	vst v2;
	v2 =	vadd.f32 v3, v0;
	v3 =	vld [tilespmem:s24+$0x70]  }
0xf4: {  	[tilespmem:s24+$0x1410] =	vst v1;
	v1 =	vadd.f32 v4, v0;
	v4 =	vld [tilespmem:s24+$0x80]  }
0xf5: {  	[tilespmem:s24+$0x1420] =	vst v2;
	v2 =	vadd.f32 v5, v0;
	v5 =	vld [tilespmem:s24+$0x90]  }
.Ltmp3:
0xf6: {  	[tilespmem:s24+$0x1430] =	vst v1;
	v6 =	vadd.f32 v6, v0;
	v1 =	vld [tilespmem:s24+$0xA0];
	(pc) =	sbr.rel @p0 .LBB2_9-.Ltmp3, $4  }
0xf7: {  	[tilespmem:s24+$0x1440] =	vst v2;
	v7 =	vadd.f32 v7, v0;
	v2 =	vld [tilespmem:s24+$0xB0]  }
0xf8: {  	[tilespmem:s24+$0x1450] =	vst v6;
	v8 =	vadd.f32 v3, v0;
	v3 =	vld [tilespmem:s24+$0xC0]  }
0xf9: {  	[tilespmem:s24+$0x1460] =	vst v7;
	v6 =	vadd.f32 v4, v0;
	v4 =	vld [tilespmem:s24+$0xD0]  }
0xfa: {  	s6 =	sshra.s32 s22, $0x2;
	s22 =	sadd.s32 $0x400, s22;
	[tilespmem:s24+$0x1470] =	vst v8;
	v7 =	vadd.f32 v5, v0;
	v5 =	vld [tilespmem:s24+$0xE0]  }
0xfb: {  	v8 =	vld [tilespmem:s6+$0xF0];
	[tilespmem:s24+$0x1480] =	vst v6;
	v1 =	vadd.f32 v1, v0  }
0xfc: {  	v6 =	vld [tilespmem:s6+$0x0];
	[tilespmem:s24+$0x1490] =	vst v7;
	v2 =	vadd.f32 v2, v0  }
0xfd: {  	v7 =	vld [tilespmem:s6+$0x10];
	[tilespmem:s24+$0x14A0] =	vst v1;
	v3 =	vadd.f32 v3, v0  }
0xfe: {  	v1 =	vld [tilespmem:s6+$0x20];
	[tilespmem:s24+$0x14B0] =	vst v2;
	v4 =	vadd.f32 v4, v0  }
0xff: {  	v2 =	vld [tilespmem:s6+$0x30];
	[tilespmem:s24+$0x14C0] =	vst v3;
	v5 =	vadd.f32 v5, v0  }
0x100: {  	v3 =	vld [tilespmem:s6+$0x40];
	[tilespmem:s24+$0x14D0] =	vst v4;
	v8 =	vadd.f32 v8, v0  }
0x101: {  	v4 =	vld [tilespmem:s6+$0x50];
	[tilespmem:s24+$0x14E0] =	vst v5;
	v5 =	vadd.f32 v6, v0  }
0x102: {  	v6 =	vld [tilespmem:s6+$0x60];
	[tilespmem:s6+$0x14F0] =	vst v8;
	v7 =	vadd.f32 v7, v0  }
0x103: {  	[tilespmem:s6+$0x1400] =	vst v5;
	v5 =	vld [tilespmem:s6+$0x70];
	v1 =	vadd.f32 v1, v0  }
0x104: {  	[tilespmem:s6+$0x1410] =	vst v7;
	v7 =	vld [tilespmem:s6+$0x80];
	v2 =	vadd.f32 v2, v0  }
0x105: {  	[tilespmem:s6+$0x1420] =	vst v1;
	v1 =	vld [tilespmem:s6+$0x90];
	v3 =	vadd.f32 v3, v0  }
0x106: {  	[tilespmem:s6+$0x1430] =	vst v2;
	v2 =	vld [tilespmem:s6+$0xA0];
	v4 =	vadd.f32 v4, v0  }
0x107: {  	[tilespmem:s6+$0x1440] =	vst v3;
	v3 =	vld [tilespmem:s6+$0xB0];
	v6 =	vadd.f32 v6, v0  }
0x108: {  	[tilespmem:s6+$0x1450] =	vst v4;
	v4 =	vld [tilespmem:s6+$0xC0];
	v5 =	vadd.f32 v5, v0  }
0x109: {  	[tilespmem:s6+$0x1460] =	vst v6;
	v6 =	vld [tilespmem:s6+$0xD0];
	v7 =	vadd.f32 v7, v0  }
0x10a: {  	[tilespmem:s6+$0x1470] =	vst v5;
	v1 =	vadd.f32 v1, v0;
	v5 =	vld [tilespmem:s6+$0xE0]  }
0x10b: {  	[tilespmem:s6+$0x1480] =	vst v7;
	v2 =	vadd.f32 v2, v0  }
0x10c: {  	[tilespmem:s6+$0x1490] =	vst v1;
	v1 =	vadd.f32 v3, v0  }
0x10d: {  	[tilespmem:s6+$0x14A0] =	vst v2;
	v2 =	vadd.f32 v4, v0  }
0x10e: {  	[tilespmem:s6+$0x14B0] =	vst v1;
	v1 =	vadd.f32 v6, v0  }
0x10f: {  	[tilespmem:s6+$0x14C0] =	vst v2;
	v0 =	vadd.f32 v5, v0  }
0x110: {  	[tilespmem:s6+$0x14D0] =	vst v1  }
0x111: {  	s24 =	simm.s32 $0x0;
	[tilespmem:s6+$0x14E0] =	vst v0  }
0x112: {  	[hbm4b:s1+s24] =	stream.linear.scatter [tilespmem:s26], [sflag:$0x2], $0x800, $0x38;
	[tilespmem:$0x1C00] =	vst v63  }
0x113: {  	_ =	swait.ge [sflag:s28], $0x800  }
0x114: {  	[sflag:s28] =	ssyncset.done $0x0  }
0x115: {  	[sflag:s28] =	ssyncadd.s32 $0xFFFFF800  }
0x116: {  	v0 =	vld [tilespmem:s0+$0x800]  }
0x117: {  	s24 =	simm.s32 $0x0  }
0x118: {  	v1 =	vld [tilespmem:s24+$0xF0]  }
0x119: {  	v2 =	vld [tilespmem:s24+$0x0]  }
0x11a: {  	v3 =	vld [tilespmem:s24+$0x10]  }
0x11b: {  	v4 =	vld [tilespmem:s24+$0x20];
	v0 =	vbroadcast v0, $0x4  }
0x11c: {  	v7 =	vld [tilespmem:s24+$0x50]  }
0x11d: {  	v5 =	vld [tilespmem:s24+$0x30];
	v1 =	vadd.f32 v1, v0  }
0x11e: {  	v6 =	vld [tilespmem:s24+$0x40];
	v2 =	vadd.f32 v2, v0  }
0x11f: {  	v8 =	vld [tilespmem:s24+$0x60];
	[tilespmem:s24+$0xCF0] =	vst v1;
	v1 =	vadd.f32 v3, v0  }
0x120: {  	v9 =	vld [tilespmem:s24+$0x70];
	[tilespmem:s24+$0xC00] =	vst v2;
	v2 =	vadd.f32 v4, v0  }
0x121: {  	v3 =	vadd.f32 v7, v0;
	[tilespmem:s24+$0xC10] =	vst v1  }
0x122: {  	v10 =	vld [tilespmem:s24+$0x80];
	v1 =	vadd.f32 v5, v0;
	[tilespmem:s24+$0xC20] =	vst v2  }
0x123: {  	v5 =	vld [tilespmem:s24+$0x90];
	v2 =	vadd.f32 v6, v0;
	[tilespmem:s24+$0xC50] =	vst v3  }
0x124: {  	v4 =	vadd.f32 v8, v0;
	[tilespmem:s24+$0xC30] =	vst v1;
	v1 =	vld [tilespmem:s24+$0xA0]  }
0x125: {  	v6 =	vadd.f32 v9, v0;
	[tilespmem:s24+$0xC40] =	vst v2;
	v2 =	vld [tilespmem:s24+$0xB0]  }
0x126: {  	v3 =	vld [tilespmem:s24+$0xC0];
	[tilespmem:s24+$0xC60] =	vst v4  }
0x127: {  	v4 =	vld [tilespmem:s24+$0xD0];
	[tilespmem:s24+$0xC70] =	vst v6;
	v6 =	vadd.f32 v10, v0  }
0x128: {  	s22 =	simm.s32 $0x800;
	s6 =	simm.s32 $0x100;
	s1 =	sadd.s32 s2, s10;
	v7 =	vadd.f32 v5, v0;
	v5 =	vld [tilespmem:s24+$0xE0]  }
.LBB2_11:
0x129: {  	p0 =	sne.s32 s22, $0x1C00;
	v8 =	vld [tilespmem:s6+$0xF0];
	[tilespmem:s24+$0xC80] =	vst v6;
	v1 =	vadd.f32 v1, v0  }
0x12a: {  	v6 =	vld [tilespmem:s6+$0x0];
	[tilespmem:s24+$0xC90] =	vst v7;
	v2 =	vadd.f32 v2, v0  }
0x12b: {  	v7 =	vld [tilespmem:s6+$0x10];
	[tilespmem:s24+$0xCA0] =	vst v1;
	v1 =	vadd.f32 v3, v0  }
0x12c: {  	v3 =	vld [tilespmem:s6+$0x20];
	[tilespmem:s24+$0xCB0] =	vst v2;
	v2 =	vadd.f32 v4, v0  }
0x12d: {  	v4 =	vld [tilespmem:s6+$0x30];
	[tilespmem:s24+$0xCC0] =	vst v1;
	v1 =	vadd.f32 v5, v0  }
0x12e: {  	v5 =	vld [tilespmem:s6+$0x40];
	v8 =	vadd.f32 v8, v0;
	[tilespmem:s24+$0xCD0] =	vst v2  }
0x12f: {  	v2 =	vadd.f32 v6, v0;
	v6 =	vld [tilespmem:s6+$0x50];
	[tilespmem:s24+$0xCE0] =	vst v1;
	s24 =	smov.u32 s6  }
0x130: {  	v1 =	vadd.f32 v7, v0;
	v7 =	vld [tilespmem:s24+$0x60];
	[tilespmem:s24+$0xCF0] =	vst v8  }
0x131: {  	[tilespmem:s24+$0xC00] =	vst v2;
	v2 =	vadd.f32 v3, v0;
	v3 =	vld [tilespmem:s24+$0x70]  }
0x132: {  	[tilespmem:s24+$0xC10] =	vst v1;
	v1 =	vadd.f32 v4, v0;
	v4 =	vld [tilespmem:s24+$0x80]  }
0x133: {  	[tilespmem:s24+$0xC20] =	vst v2;
	v2 =	vadd.f32 v5, v0;
	v5 =	vld [tilespmem:s24+$0x90]  }
.Ltmp4:
0x134: {  	[tilespmem:s24+$0xC30] =	vst v1;
	v6 =	vadd.f32 v6, v0;
	v1 =	vld [tilespmem:s24+$0xA0];
	(pc) =	sbr.rel @p0 .LBB2_11-.Ltmp4, $4  }
0x135: {  	[tilespmem:s24+$0xC40] =	vst v2;
	v7 =	vadd.f32 v7, v0;
	v2 =	vld [tilespmem:s24+$0xB0]  }
0x136: {  	[tilespmem:s24+$0xC50] =	vst v6;
	v8 =	vadd.f32 v3, v0;
	v3 =	vld [tilespmem:s24+$0xC0]  }
0x137: {  	[tilespmem:s24+$0xC60] =	vst v7;
	v6 =	vadd.f32 v4, v0;
	v4 =	vld [tilespmem:s24+$0xD0]  }
0x138: {  	s6 =	sshra.s32 s22, $0x2;
	s22 =	sadd.s32 $0x400, s22;
	[tilespmem:s24+$0xC70] =	vst v8;
	v7 =	vadd.f32 v5, v0;
	v5 =	vld [tilespmem:s24+$0xE0]  }
0x139: {  	v8 =	vld [tilespmem:s6+$0xF0];
	[tilespmem:s24+$0xC80] =	vst v6;
	v1 =	vadd.f32 v1, v0  }
0x13a: {  	v6 =	vld [tilespmem:s6+$0x0];
	[tilespmem:s24+$0xC90] =	vst v7;
	v2 =	vadd.f32 v2, v0  }
0x13b: {  	v7 =	vld [tilespmem:s6+$0x10];
	[tilespmem:s24+$0xCA0] =	vst v1;
	v3 =	vadd.f32 v3, v0  }
0x13c: {  	v1 =	vld [tilespmem:s6+$0x20];
	[tilespmem:s24+$0xCB0] =	vst v2;
	v4 =	vadd.f32 v4, v0  }
0x13d: {  	v2 =	vld [tilespmem:s6+$0x30];
	[tilespmem:s24+$0xCC0] =	vst v3;
	v5 =	vadd.f32 v5, v0  }
0x13e: {  	v3 =	vld [tilespmem:s6+$0x40];
	[tilespmem:s24+$0xCD0] =	vst v4;
	v8 =	vadd.f32 v8, v0  }
0x13f: {  	v4 =	vld [tilespmem:s6+$0x50];
	[tilespmem:s24+$0xCE0] =	vst v5;
	v5 =	vadd.f32 v6, v0  }
0x140: {  	v6 =	vld [tilespmem:s6+$0x60];
	[tilespmem:s6+$0xCF0] =	vst v8;
	v7 =	vadd.f32 v7, v0  }
0x141: {  	[tilespmem:s6+$0xC00] =	vst v5;
	v5 =	vld [tilespmem:s6+$0x70];
	v1 =	vadd.f32 v1, v0  }
0x142: {  	[tilespmem:s6+$0xC10] =	vst v7;
	v7 =	vld [tilespmem:s6+$0x80];
	v2 =	vadd.f32 v2, v0  }
0x143: {  	[tilespmem:s6+$0xC20] =	vst v1;
	v1 =	vld [tilespmem:s6+$0x90];
	v3 =	vadd.f32 v3, v0  }
0x144: {  	[tilespmem:s6+$0xC30] =	vst v2;
	v2 =	vld [tilespmem:s6+$0xA0];
	v4 =	vadd.f32 v4, v0  }
0x145: {  	[tilespmem:s6+$0xC40] =	vst v3;
	v3 =	vld [tilespmem:s6+$0xB0];
	v6 =	vadd.f32 v6, v0  }
0x146: {  	[tilespmem:s6+$0xC50] =	vst v4;
	v4 =	vld [tilespmem:s6+$0xC0];
	v5 =	vadd.f32 v5, v0  }
0x147: {  	[tilespmem:s6+$0xC60] =	vst v6;
	v6 =	vld [tilespmem:s6+$0xD0];
	v7 =	vadd.f32 v7, v0  }
0x148: {  	[tilespmem:s6+$0xC70] =	vst v5;
	v1 =	vadd.f32 v1, v0;
	v5 =	vld [tilespmem:s6+$0xE0]  }
0x149: {  	[tilespmem:s6+$0xC80] =	vst v7;
	v2 =	vadd.f32 v2, v0  }
0x14a: {  	[tilespmem:s6+$0xC90] =	vst v1;
	v1 =	vadd.f32 v3, v0  }
0x14b: {  	[tilespmem:s6+$0xCA0] =	vst v2;
	v2 =	vadd.f32 v4, v0  }
0x14c: {  	[tilespmem:s6+$0xCB0] =	vst v1;
	v1 =	vadd.f32 v6, v0  }
0x14d: {  	[tilespmem:s6+$0xCC0] =	vst v2;
	v0 =	vadd.f32 v5, v0  }
0x14e: {  	[tilespmem:s6+$0xCD0] =	vst v1  }
0x14f: {  	s24 =	simm.s32 $0x0;
	[tilespmem:s6+$0xCE0] =	vst v0  }
0x150: {  	[hbm4b:s1+s24] =	stream.linear.scatter [tilespmem:s25], [sflag:$0x1], $0x800, $0x38;
	[tilespmem:$0x1C00] =	vst v63  }
0x151: {  	_ =	swait.ge [sflag:s29], $0x800  }
0x152: {  	[sflag:s29] =	ssyncset.done $0x0  }
0x153: {  	[sflag:s29] =	ssyncadd.s32 $0xFFFFF800  }
0x154: {  	v0 =	vld [tilespmem:s0+$0x800]  }
0x155: {  	s24 =	simm.s32 $0x0  }
0x156: {  	v1 =	vld [tilespmem:s24+$0xF0]  }
0x157: {  	v2 =	vld [tilespmem:s24+$0x0]  }
0x158: {  	v3 =	vld [tilespmem:s24+$0x10]  }
0x159: {  	v4 =	vld [tilespmem:s24+$0x20];
	v0 =	vbroadcast v0, $0x5  }
0x15a: {  	v7 =	vld [tilespmem:s24+$0x50]  }
0x15b: {  	v5 =	vld [tilespmem:s24+$0x30];
	v1 =	vadd.f32 v1, v0  }
0x15c: {  	v6 =	vld [tilespmem:s24+$0x40];
	v2 =	vadd.f32 v2, v0  }
0x15d: {  	v8 =	vld [tilespmem:s24+$0x60];
	[tilespmem:s24+$0x14F0] =	vst v1;
	v1 =	vadd.f32 v3, v0  }
0x15e: {  	v9 =	vld [tilespmem:s24+$0x70];
	[tilespmem:s24+$0x1400] =	vst v2;
	v2 =	vadd.f32 v4, v0  }
0x15f: {  	v3 =	vadd.f32 v7, v0;
	[tilespmem:s24+$0x1410] =	vst v1  }
0x160: {  	v10 =	vld [tilespmem:s24+$0x80];
	v1 =	vadd.f32 v5, v0;
	[tilespmem:s24+$0x1420] =	vst v2  }
0x161: {  	v5 =	vld [tilespmem:s24+$0x90];
	v2 =	vadd.f32 v6, v0;
	[tilespmem:s24+$0x1450] =	vst v3  }
0x162: {  	v4 =	vadd.f32 v8, v0;
	[tilespmem:s24+$0x1430] =	vst v1;
	v1 =	vld [tilespmem:s24+$0xA0]  }
0x163: {  	v6 =	vadd.f32 v9, v0;
	[tilespmem:s24+$0x1440] =	vst v2;
	v2 =	vld [tilespmem:s24+$0xB0]  }
0x164: {  	v3 =	vld [tilespmem:s24+$0xC0];
	[tilespmem:s24+$0x1460] =	vst v4  }
0x165: {  	v4 =	vld [tilespmem:s24+$0xD0];
	[tilespmem:s24+$0x1470] =	vst v6;
	v6 =	vadd.f32 v10, v0  }
0x166: {  	s22 =	simm.s32 $0x800;
	s6 =	simm.s32 $0x100;
	s1 =	sadd.s32 s2, s11;
	v7 =	vadd.f32 v5, v0;
	v5 =	vld [tilespmem:s24+$0xE0]  }
.LBB2_13:
0x167: {  	p0 =	sne.s32 s22, $0x1C00;
	v8 =	vld [tilespmem:s6+$0xF0];
	[tilespmem:s24+$0x1480] =	vst v6;
	v1 =	vadd.f32 v1, v0  }
0x168: {  	v6 =	vld [tilespmem:s6+$0x0];
	[tilespmem:s24+$0x1490] =	vst v7;
	v2 =	vadd.f32 v2, v0  }
0x169: {  	v7 =	vld [tilespmem:s6+$0x10];
	[tilespmem:s24+$0x14A0] =	vst v1;
	v1 =	vadd.f32 v3, v0  }
0x16a: {  	v3 =	vld [tilespmem:s6+$0x20];
	[tilespmem:s24+$0x14B0] =	vst v2;
	v2 =	vadd.f32 v4, v0  }
0x16b: {  	v4 =	vld [tilespmem:s6+$0x30];
	[tilespmem:s24+$0x14C0] =	vst v1;
	v1 =	vadd.f32 v5, v0  }
0x16c: {  	v5 =	vld [tilespmem:s6+$0x40];
	v8 =	vadd.f32 v8, v0;
	[tilespmem:s24+$0x14D0] =	vst v2  }
0x16d: {  	v2 =	vadd.f32 v6, v0;
	v6 =	vld [tilespmem:s6+$0x50];
	[tilespmem:s24+$0x14E0] =	vst v1;
	s24 =	smov.u32 s6  }
0x16e: {  	v1 =	vadd.f32 v7, v0;
	v7 =	vld [tilespmem:s24+$0x60];
	[tilespmem:s24+$0x14F0] =	vst v8  }
0x16f: {  	[tilespmem:s24+$0x1400] =	vst v2;
	v2 =	vadd.f32 v3, v0;
	v3 =	vld [tilespmem:s24+$0x70]  }
0x170: {  	[tilespmem:s24+$0x1410] =	vst v1;
	v1 =	vadd.f32 v4, v0;
	v4 =	vld [tilespmem:s24+$0x80]  }
0x171: {  	[tilespmem:s24+$0x1420] =	vst v2;
	v2 =	vadd.f32 v5, v0;
	v5 =	vld [tilespmem:s24+$0x90]  }
.Ltmp5:
0x172: {  	[tilespmem:s24+$0x1430] =	vst v1;
	v6 =	vadd.f32 v6, v0;
	v1 =	vld [tilespmem:s24+$0xA0];
	(pc) =	sbr.rel @p0 .LBB2_13-.Ltmp5, $4  }
0x173: {  	[tilespmem:s24+$0x1440] =	vst v2;
	v7 =	vadd.f32 v7, v0;
	v2 =	vld [tilespmem:s24+$0xB0]  }
0x174: {  	[tilespmem:s24+$0x1450] =	vst v6;
	v8 =	vadd.f32 v3, v0;
	v3 =	vld [tilespmem:s24+$0xC0]  }
0x175: {  	[tilespmem:s24+$0x1460] =	vst v7;
	v6 =	vadd.f32 v4, v0;
	v4 =	vld [tilespmem:s24+$0xD0]  }
0x176: {  	s6 =	sshra.s32 s22, $0x2;
	s22 =	sadd.s32 $0x400, s22;
	[tilespmem:s24+$0x1470] =	vst v8;
	v7 =	vadd.f32 v5, v0;
	v5 =	vld [tilespmem:s24+$0xE0]  }
0x177: {  	v8 =	vld [tilespmem:s6+$0xF0];
	[tilespmem:s24+$0x1480] =	vst v6;
	v1 =	vadd.f32 v1, v0  }
0x178: {  	v6 =	vld [tilespmem:s6+$0x0];
	[tilespmem:s24+$0x1490] =	vst v7;
	v2 =	vadd.f32 v2, v0  }
0x179: {  	v7 =	vld [tilespmem:s6+$0x10];
	[tilespmem:s24+$0x14A0] =	vst v1;
	v3 =	vadd.f32 v3, v0  }
0x17a: {  	v1 =	vld [tilespmem:s6+$0x20];
	[tilespmem:s24+$0x14B0] =	vst v2;
	v4 =	vadd.f32 v4, v0  }
0x17b: {  	v2 =	vld [tilespmem:s6+$0x30];
	[tilespmem:s24+$0x14C0] =	vst v3;
	v5 =	vadd.f32 v5, v0  }
0x17c: {  	v3 =	vld [tilespmem:s6+$0x40];
	[tilespmem:s24+$0x14D0] =	vst v4;
	v8 =	vadd.f32 v8, v0  }
0x17d: {  	v4 =	vld [tilespmem:s6+$0x50];
	[tilespmem:s24+$0x14E0] =	vst v5;
	v5 =	vadd.f32 v6, v0  }
0x17e: {  	v6 =	vld [tilespmem:s6+$0x60];
	[tilespmem:s6+$0x14F0] =	vst v8;
	v7 =	vadd.f32 v7, v0  }
0x17f: {  	[tilespmem:s6+$0x1400] =	vst v5;
	v5 =	vld [tilespmem:s6+$0x70];
	v1 =	vadd.f32 v1, v0  }
0x180: {  	[tilespmem:s6+$0x1410] =	vst v7;
	v7 =	vld [tilespmem:s6+$0x80];
	v2 =	vadd.f32 v2, v0  }
0x181: {  	[tilespmem:s6+$0x1420] =	vst v1;
	v1 =	vld [tilespmem:s6+$0x90];
	v3 =	vadd.f32 v3, v0  }
0x182: {  	[tilespmem:s6+$0x1430] =	vst v2;
	v2 =	vld [tilespmem:s6+$0xA0];
	v4 =	vadd.f32 v4, v0  }
0x183: {  	[tilespmem:s6+$0x1440] =	vst v3;
	v3 =	vld [tilespmem:s6+$0xB0];
	v6 =	vadd.f32 v6, v0  }
0x184: {  	[tilespmem:s6+$0x1450] =	vst v4;
	v4 =	vld [tilespmem:s6+$0xC0];
	v5 =	vadd.f32 v5, v0  }
0x185: {  	[tilespmem:s6+$0x1460] =	vst v6;
	v6 =	vld [tilespmem:s6+$0xD0];
	v7 =	vadd.f32 v7, v0  }
0x186: {  	[tilespmem:s6+$0x1470] =	vst v5;
	v1 =	vadd.f32 v1, v0;
	v5 =	vld [tilespmem:s6+$0xE0]  }
0x187: {  	[tilespmem:s6+$0x1480] =	vst v7;
	v2 =	vadd.f32 v2, v0  }
0x188: {  	[tilespmem:s6+$0x1490] =	vst v1;
	v1 =	vadd.f32 v3, v0  }
0x189: {  	[tilespmem:s6+$0x14A0] =	vst v2;
	v2 =	vadd.f32 v4, v0  }
0x18a: {  	[tilespmem:s6+$0x14B0] =	vst v1;
	v1 =	vadd.f32 v6, v0  }
0x18b: {  	[tilespmem:s6+$0x14C0] =	vst v2;
	v0 =	vadd.f32 v5, v0  }
0x18c: {  	[tilespmem:s6+$0x14D0] =	vst v1  }
0x18d: {  	s24 =	simm.s32 $0x0;
	[tilespmem:s6+$0x14E0] =	vst v0  }
0x18e: {  	[hbm4b:s1+s24] =	stream.linear.scatter [tilespmem:s26], [sflag:$0x2], $0x800, $0x38;
	[tilespmem:$0x1C00] =	vst v63  }
0x18f: {  	_ =	swait.ge [sflag:s28], $0x800  }
0x190: {  	[sflag:s28] =	ssyncset.done $0x0  }
0x191: {  	[sflag:s28] =	ssyncadd.s32 $0xFFFFF800  }
0x192: {  	v0 =	vld [tilespmem:s0+$0x800]  }
0x193: {  	s24 =	simm.s32 $0x0  }
0x194: {  	v1 =	vld [tilespmem:s24+$0xF0]  }
0x195: {  	v2 =	vld [tilespmem:s24+$0x0]  }
0x196: {  	v3 =	vld [tilespmem:s24+$0x10]  }
0x197: {  	v4 =	vld [tilespmem:s24+$0x20];
	v0 =	vbroadcast v0, $0x6  }
0x198: {  	v7 =	vld [tilespmem:s24+$0x50]  }
0x199: {  	v5 =	vld [tilespmem:s24+$0x30];
	v1 =	vadd.f32 v1, v0  }
0x19a: {  	v6 =	vld [tilespmem:s24+$0x40];
	v2 =	vadd.f32 v2, v0  }
0x19b: {  	v8 =	vld [tilespmem:s24+$0x60];
	[tilespmem:s24+$0xCF0] =	vst v1;
	v1 =	vadd.f32 v3, v0  }
0x19c: {  	v9 =	vld [tilespmem:s24+$0x70];
	[tilespmem:s24+$0xC00] =	vst v2;
	v2 =	vadd.f32 v4, v0  }
0x19d: {  	v3 =	vadd.f32 v7, v0;
	[tilespmem:s24+$0xC10] =	vst v1  }
0x19e: {  	v10 =	vld [tilespmem:s24+$0x80];
	v1 =	vadd.f32 v5, v0;
	[tilespmem:s24+$0xC20] =	vst v2  }
0x19f: {  	v5 =	vld [tilespmem:s24+$0x90];
	v2 =	vadd.f32 v6, v0;
	[tilespmem:s24+$0xC50] =	vst v3  }
0x1a0: {  	v4 =	vadd.f32 v8, v0;
	[tilespmem:s24+$0xC30] =	vst v1;
	v1 =	vld [tilespmem:s24+$0xA0]  }
0x1a1: {  	v6 =	vadd.f32 v9, v0;
	[tilespmem:s24+$0xC40] =	vst v2;
	v2 =	vld [tilespmem:s24+$0xB0]  }
0x1a2: {  	v3 =	vld [tilespmem:s24+$0xC0];
	[tilespmem:s24+$0xC60] =	vst v4  }
0x1a3: {  	v4 =	vld [tilespmem:s24+$0xD0];
	[tilespmem:s24+$0xC70] =	vst v6;
	v6 =	vadd.f32 v10, v0  }
0x1a4: {  	s22 =	simm.s32 $0x800;
	s6 =	simm.s32 $0x100;
	s1 =	sadd.s32 s2, s12;
	v7 =	vadd.f32 v5, v0;
	v5 =	vld [tilespmem:s24+$0xE0]  }
.LBB2_15:
0x1a5: {  	p0 =	sne.s32 s22, $0x1C00;
	v8 =	vld [tilespmem:s6+$0xF0];
	[tilespmem:s24+$0xC80] =	vst v6;
	v1 =	vadd.f32 v1, v0  }
0x1a6: {  	v6 =	vld [tilespmem:s6+$0x0];
	[tilespmem:s24+$0xC90] =	vst v7;
	v2 =	vadd.f32 v2, v0  }
0x1a7: {  	v7 =	vld [tilespmem:s6+$0x10];
	[tilespmem:s24+$0xCA0] =	vst v1;
	v1 =	vadd.f32 v3, v0  }
0x1a8: {  	v3 =	vld [tilespmem:s6+$0x20];
	[tilespmem:s24+$0xCB0] =	vst v2;
	v2 =	vadd.f32 v4, v0  }
0x1a9: {  	v4 =	vld [tilespmem:s6+$0x30];
	[tilespmem:s24+$0xCC0] =	vst v1;
	v1 =	vadd.f32 v5, v0  }
0x1aa: {  	v5 =	vld [tilespmem:s6+$0x40];
	v8 =	vadd.f32 v8, v0;
	[tilespmem:s24+$0xCD0] =	vst v2  }
0x1ab: {  	v2 =	vadd.f32 v6, v0;
	v6 =	vld [tilespmem:s6+$0x50];
	[tilespmem:s24+$0xCE0] =	vst v1;
	s24 =	smov.u32 s6  }
0x1ac: {  	v1 =	vadd.f32 v7, v0;
	v7 =	vld [tilespmem:s24+$0x60];
	[tilespmem:s24+$0xCF0] =	vst v8  }
0x1ad: {  	[tilespmem:s24+$0xC00] =	vst v2;
	v2 =	vadd.f32 v3, v0;
	v3 =	vld [tilespmem:s24+$0x70]  }
0x1ae: {  	[tilespmem:s24+$0xC10] =	vst v1;
	v1 =	vadd.f32 v4, v0;
	v4 =	vld [tilespmem:s24+$0x80]  }
0x1af: {  	[tilespmem:s24+$0xC20] =	vst v2;
	v2 =	vadd.f32 v5, v0;
	v5 =	vld [tilespmem:s24+$0x90]  }
.Ltmp6:
0x1b0: {  	[tilespmem:s24+$0xC30] =	vst v1;
	v6 =	vadd.f32 v6, v0;
	v1 =	vld [tilespmem:s24+$0xA0];
	(pc) =	sbr.rel @p0 .LBB2_15-.Ltmp6, $4  }
0x1b1: {  	[tilespmem:s24+$0xC40] =	vst v2;
	v7 =	vadd.f32 v7, v0;
	v2 =	vld [tilespmem:s24+$0xB0]  }
0x1b2: {  	[tilespmem:s24+$0xC50] =	vst v6;
	v8 =	vadd.f32 v3, v0;
	v3 =	vld [tilespmem:s24+$0xC0]  }
0x1b3: {  	[tilespmem:s24+$0xC60] =	vst v7;
	v6 =	vadd.f32 v4, v0;
	v4 =	vld [tilespmem:s24+$0xD0]  }
0x1b4: {  	s6 =	sshra.s32 s22, $0x2;
	s22 =	sadd.s32 $0x400, s22;
	[tilespmem:s24+$0xC70] =	vst v8;
	v7 =	vadd.f32 v5, v0;
	v5 =	vld [tilespmem:s24+$0xE0]  }
0x1b5: {  	v8 =	vld [tilespmem:s6+$0xF0];
	[tilespmem:s24+$0xC80] =	vst v6;
	v1 =	vadd.f32 v1, v0  }
0x1b6: {  	v6 =	vld [tilespmem:s6+$0x0];
	[tilespmem:s24+$0xC90] =	vst v7;
	v2 =	vadd.f32 v2, v0  }
0x1b7: {  	v7 =	vld [tilespmem:s6+$0x10];
	[tilespmem:s24+$0xCA0] =	vst v1;
	v3 =	vadd.f32 v3, v0  }
0x1b8: {  	v1 =	vld [tilespmem:s6+$0x20];
	[tilespmem:s24+$0xCB0] =	vst v2;
	v4 =	vadd.f32 v4, v0  }
0x1b9: {  	v2 =	vld [tilespmem:s6+$0x30];
	[tilespmem:s24+$0xCC0] =	vst v3;
	v5 =	vadd.f32 v5, v0  }
0x1ba: {  	v3 =	vld [tilespmem:s6+$0x40];
	[tilespmem:s24+$0xCD0] =	vst v4;
	v8 =	vadd.f32 v8, v0  }
0x1bb: {  	v4 =	vld [tilespmem:s6+$0x50];
	[tilespmem:s24+$0xCE0] =	vst v5;
	v5 =	vadd.f32 v6, v0  }
0x1bc: {  	v6 =	vld [tilespmem:s6+$0x60];
	[tilespmem:s6+$0xCF0] =	vst v8;
	v7 =	vadd.f32 v7, v0  }
0x1bd: {  	[tilespmem:s6+$0xC00] =	vst v5;
	v5 =	vld [tilespmem:s6+$0x70];
	v1 =	vadd.f32 v1, v0  }
0x1be: {  	[tilespmem:s6+$0xC10] =	vst v7;
	v7 =	vld [tilespmem:s6+$0x80];
	v2 =	vadd.f32 v2, v0  }
0x1bf: {  	[tilespmem:s6+$0xC20] =	vst v1;
	v1 =	vld [tilespmem:s6+$0x90];
	v3 =	vadd.f32 v3, v0  }
0x1c0: {  	[tilespmem:s6+$0xC30] =	vst v2;
	v2 =	vld [tilespmem:s6+$0xA0];
	v4 =	vadd.f32 v4, v0  }
0x1c1: {  	[tilespmem:s6+$0xC40] =	vst v3;
	v3 =	vld [tilespmem:s6+$0xB0];
	v6 =	vadd.f32 v6, v0  }
0x1c2: {  	[tilespmem:s6+$0xC50] =	vst v4;
	v4 =	vld [tilespmem:s6+$0xC0];
	v5 =	vadd.f32 v5, v0  }
0x1c3: {  	[tilespmem:s6+$0xC60] =	vst v6;
	v6 =	vld [tilespmem:s6+$0xD0];
	v7 =	vadd.f32 v7, v0  }
0x1c4: {  	[tilespmem:s6+$0xC70] =	vst v5;
	v1 =	vadd.f32 v1, v0;
	v5 =	vld [tilespmem:s6+$0xE0]  }
0x1c5: {  	[tilespmem:s6+$0xC80] =	vst v7;
	v2 =	vadd.f32 v2, v0  }
0x1c6: {  	[tilespmem:s6+$0xC90] =	vst v1;
	v1 =	vadd.f32 v3, v0  }
0x1c7: {  	[tilespmem:s6+$0xCA0] =	vst v2;
	v2 =	vadd.f32 v4, v0  }
0x1c8: {  	[tilespmem:s6+$0xCB0] =	vst v1;
	v1 =	vadd.f32 v6, v0  }
0x1c9: {  	[tilespmem:s6+$0xCC0] =	vst v2;
	v0 =	vadd.f32 v5, v0  }
0x1ca: {  	[tilespmem:s6+$0xCD0] =	vst v1  }
0x1cb: {  	s24 =	simm.s32 $0x0;
	[tilespmem:s6+$0xCE0] =	vst v0  }
0x1cc: {  	[hbm4b:s1+s24] =	stream.linear.scatter [tilespmem:s25], [sflag:$0x1], $0x800, $0x38;
	[tilespmem:$0x1C00] =	vst v63  }
0x1cd: {  	_ =	swait.ge [sflag:s29], $0x800  }
0x1ce: {  	[sflag:s29] =	ssyncset.done $0x0  }
0x1cf: {  	[sflag:s29] =	ssyncadd.s32 $0xFFFFF800  }
0x1d0: {  	v0 =	vld [tilespmem:s0+$0x800]  }
0x1d1: {  	s24 =	simm.s32 $0x0  }
0x1d2: {  	v1 =	vld [tilespmem:s24+$0xF0]  }
0x1d3: {  	v2 =	vld [tilespmem:s24+$0x0]  }
0x1d4: {  	v3 =	vld [tilespmem:s24+$0x10]  }
0x1d5: {  	v4 =	vld [tilespmem:s24+$0x20];
	v0 =	vbroadcast v0, $0x7  }
0x1d6: {  	v7 =	vld [tilespmem:s24+$0x50]  }
0x1d7: {  	v5 =	vld [tilespmem:s24+$0x30];
	v1 =	vadd.f32 v1, v0  }
0x1d8: {  	v6 =	vld [tilespmem:s24+$0x40];
	v2 =	vadd.f32 v2, v0  }
0x1d9: {  	v8 =	vld [tilespmem:s24+$0x60];
	[tilespmem:s24+$0x14F0] =	vst v1;
	v1 =	vadd.f32 v3, v0  }
0x1da: {  	v9 =	vld [tilespmem:s24+$0x70];
	[tilespmem:s24+$0x1400] =	vst v2;
	v2 =	vadd.f32 v4, v0  }
0x1db: {  	v3 =	vadd.f32 v7, v0;
	[tilespmem:s24+$0x1410] =	vst v1  }
0x1dc: {  	v10 =	vld [tilespmem:s24+$0x80];
	v1 =	vadd.f32 v5, v0;
	[tilespmem:s24+$0x1420] =	vst v2  }
0x1dd: {  	v5 =	vld [tilespmem:s24+$0x90];
	v2 =	vadd.f32 v6, v0;
	[tilespmem:s24+$0x1450] =	vst v3  }
0x1de: {  	v4 =	vadd.f32 v8, v0;
	[tilespmem:s24+$0x1430] =	vst v1;
	v1 =	vld [tilespmem:s24+$0xA0]  }
0x1df: {  	v6 =	vadd.f32 v9, v0;
	[tilespmem:s24+$0x1440] =	vst v2;
	v2 =	vld [tilespmem:s24+$0xB0]  }
0x1e0: {  	v3 =	vld [tilespmem:s24+$0xC0];
	[tilespmem:s24+$0x1460] =	vst v4  }
0x1e1: {  	v4 =	vld [tilespmem:s24+$0xD0];
	[tilespmem:s24+$0x1470] =	vst v6;
	v6 =	vadd.f32 v10, v0  }
0x1e2: {  	s22 =	simm.s32 $0x800;
	s6 =	simm.s32 $0x100;
	s1 =	sadd.s32 s2, s13;
	v7 =	vadd.f32 v5, v0;
	v5 =	vld [tilespmem:s24+$0xE0]  }
.LBB2_17:
0x1e3: {  	p0 =	sne.s32 s22, $0x1C00;
	v8 =	vld [tilespmem:s6+$0xF0];
	[tilespmem:s24+$0x1480] =	vst v6;
	v1 =	vadd.f32 v1, v0  }
0x1e4: {  	v6 =	vld [tilespmem:s6+$0x0];
	[tilespmem:s24+$0x1490] =	vst v7;
	v2 =	vadd.f32 v2, v0  }
0x1e5: {  	v7 =	vld [tilespmem:s6+$0x10];
	[tilespmem:s24+$0x14A0] =	vst v1;
	v1 =	vadd.f32 v3, v0  }
0x1e6: {  	v3 =	vld [tilespmem:s6+$0x20];
	[tilespmem:s24+$0x14B0] =	vst v2;
	v2 =	vadd.f32 v4, v0  }
0x1e7: {  	v4 =	vld [tilespmem:s6+$0x30];
	[tilespmem:s24+$0x14C0] =	vst v1;
	v1 =	vadd.f32 v5, v0  }
0x1e8: {  	v5 =	vld [tilespmem:s6+$0x40];
	v8 =	vadd.f32 v8, v0;
	[tilespmem:s24+$0x14D0] =	vst v2  }
0x1e9: {  	v2 =	vadd.f32 v6, v0;
	v6 =	vld [tilespmem:s6+$0x50];
	[tilespmem:s24+$0x14E0] =	vst v1;
	s24 =	smov.u32 s6  }
0x1ea: {  	v1 =	vadd.f32 v7, v0;
	v7 =	vld [tilespmem:s24+$0x60];
	[tilespmem:s24+$0x14F0] =	vst v8  }
0x1eb: {  	[tilespmem:s24+$0x1400] =	vst v2;
	v2 =	vadd.f32 v3, v0;
	v3 =	vld [tilespmem:s24+$0x70]  }
0x1ec: {  	[tilespmem:s24+$0x1410] =	vst v1;
	v1 =	vadd.f32 v4, v0;
	v4 =	vld [tilespmem:s24+$0x80]  }
0x1ed: {  	[tilespmem:s24+$0x1420] =	vst v2;
	v2 =	vadd.f32 v5, v0;
	v5 =	vld [tilespmem:s24+$0x90]  }
.Ltmp7:
0x1ee: {  	[tilespmem:s24+$0x1430] =	vst v1;
	v6 =	vadd.f32 v6, v0;
	v1 =	vld [tilespmem:s24+$0xA0];
	(pc) =	sbr.rel @p0 .LBB2_17-.Ltmp7, $4  }
0x1ef: {  	[tilespmem:s24+$0x1440] =	vst v2;
	v7 =	vadd.f32 v7, v0;
	v2 =	vld [tilespmem:s24+$0xB0]  }
0x1f0: {  	[tilespmem:s24+$0x1450] =	vst v6;
	v8 =	vadd.f32 v3, v0;
	v3 =	vld [tilespmem:s24+$0xC0]  }
0x1f1: {  	[tilespmem:s24+$0x1460] =	vst v7;
	v6 =	vadd.f32 v4, v0;
	v4 =	vld [tilespmem:s24+$0xD0]  }
0x1f2: {  	s6 =	sshra.s32 s22, $0x2;
	s22 =	sadd.s32 $0x400, s22;
	[tilespmem:s24+$0x1470] =	vst v8;
	v7 =	vadd.f32 v5, v0;
	v5 =	vld [tilespmem:s24+$0xE0]  }
0x1f3: {  	v8 =	vld [tilespmem:s6+$0xF0];
	[tilespmem:s24+$0x1480] =	vst v6;
	v1 =	vadd.f32 v1, v0  }
0x1f4: {  	v6 =	vld [tilespmem:s6+$0x0];
	[tilespmem:s24+$0x1490] =	vst v7;
	v2 =	vadd.f32 v2, v0  }
0x1f5: {  	v7 =	vld [tilespmem:s6+$0x10];
	[tilespmem:s24+$0x14A0] =	vst v1;
	v3 =	vadd.f32 v3, v0  }
0x1f6: {  	v1 =	vld [tilespmem:s6+$0x20];
	[tilespmem:s24+$0x14B0] =	vst v2;
	v4 =	vadd.f32 v4, v0  }
0x1f7: {  	v2 =	vld [tilespmem:s6+$0x30];
	[tilespmem:s24+$0x14C0] =	vst v3;
	v5 =	vadd.f32 v5, v0  }
0x1f8: {  	v3 =	vld [tilespmem:s6+$0x40];
	[tilespmem:s24+$0x14D0] =	vst v4;
	v8 =	vadd.f32 v8, v0  }
0x1f9: {  	v4 =	vld [tilespmem:s6+$0x50];
	[tilespmem:s24+$0x14E0] =	vst v5;
	v5 =	vadd.f32 v6, v0  }
0x1fa: {  	v6 =	vld [tilespmem:s6+$0x60];
	[tilespmem:s6+$0x14F0] =	vst v8;
	v7 =	vadd.f32 v7, v0  }
0x1fb: {  	[tilespmem:s6+$0x1400] =	vst v5;
	v5 =	vld [tilespmem:s6+$0x70];
	v1 =	vadd.f32 v1, v0  }
0x1fc: {  	[tilespmem:s6+$0x1410] =	vst v7;
	v7 =	vld [tilespmem:s6+$0x80];
	v2 =	vadd.f32 v2, v0  }
0x1fd: {  	[tilespmem:s6+$0x1420] =	vst v1;
	v1 =	vld [tilespmem:s6+$0x90];
	v3 =	vadd.f32 v3, v0  }
0x1fe: {  	[tilespmem:s6+$0x1430] =	vst v2;
	v2 =	vld [tilespmem:s6+$0xA0];
	v4 =	vadd.f32 v4, v0  }
0x1ff: {  	[tilespmem:s6+$0x1440] =	vst v3;
	v3 =	vld [tilespmem:s6+$0xB0];
	v6 =	vadd.f32 v6, v0  }
0x200: {  	[tilespmem:s6+$0x1450] =	vst v4;
	v4 =	vld [tilespmem:s6+$0xC0];
	v5 =	vadd.f32 v5, v0  }
0x201: {  	[tilespmem:s6+$0x1460] =	vst v6;
	v6 =	vld [tilespmem:s6+$0xD0];
	v7 =	vadd.f32 v7, v0  }
0x202: {  	[tilespmem:s6+$0x1470] =	vst v5;
	v1 =	vadd.f32 v1, v0;
	v5 =	vld [tilespmem:s6+$0xE0]  }
0x203: {  	[tilespmem:s6+$0x1480] =	vst v7;
	v2 =	vadd.f32 v2, v0  }
0x204: {  	[tilespmem:s6+$0x1490] =	vst v1;
	v1 =	vadd.f32 v3, v0  }
0x205: {  	[tilespmem:s6+$0x14A0] =	vst v2;
	v2 =	vadd.f32 v4, v0  }
0x206: {  	[tilespmem:s6+$0x14B0] =	vst v1;
	v1 =	vadd.f32 v6, v0  }
0x207: {  	[tilespmem:s6+$0x14C0] =	vst v2;
	v0 =	vadd.f32 v5, v0  }
0x208: {  	[tilespmem:s6+$0x14D0] =	vst v1  }
0x209: {  	s24 =	simm.s32 $0x0;
	[tilespmem:s6+$0x14E0] =	vst v0  }
0x20a: {  	[hbm4b:s1+s24] =	stream.linear.scatter [tilespmem:s26], [sflag:$0x2], $0x800, $0x38;
	[tilespmem:$0x1C00] =	vst v63  }
0x20b: {  	_ =	swait.ge [sflag:s28], $0x800  }
0x20c: {  	[sflag:s28] =	ssyncset.done $0x0  }
0x20d: {  	[sflag:s28] =	ssyncadd.s32 $0xFFFFF800  }
0x20e: {  	v0 =	vld [tilespmem:s0+$0x800]  }
0x20f: {  	s24 =	simm.s32 $0x0  }
0x210: {  	v1 =	vld [tilespmem:s24+$0xF0]  }
0x211: {  	v2 =	vld [tilespmem:s24+$0x0]  }
0x212: {  	v3 =	vld [tilespmem:s24+$0x10]  }
0x213: {  	v4 =	vld [tilespmem:s24+$0x20];
	v0 =	vbroadcast v0, $0x8  }
0x214: {  	v7 =	vld [tilespmem:s24+$0x50]  }
0x215: {  	v5 =	vld [tilespmem:s24+$0x30];
	v1 =	vadd.f32 v1, v0  }
0x216: {  	v6 =	vld [tilespmem:s24+$0x40];
	v2 =	vadd.f32 v2, v0  }
0x217: {  	v8 =	vld [tilespmem:s24+$0x60];
	[tilespmem:s24+$0xCF0] =	vst v1;
	v1 =	vadd.f32 v3, v0  }
0x218: {  	v9 =	vld [tilespmem:s24+$0x70];
	[tilespmem:s24+$0xC00] =	vst v2;
	v2 =	vadd.f32 v4, v0  }
0x219: {  	v3 =	vadd.f32 v7, v0;
	[tilespmem:s24+$0xC10] =	vst v1  }
0x21a: {  	v10 =	vld [tilespmem:s24+$0x80];
	v1 =	vadd.f32 v5, v0;
	[tilespmem:s24+$0xC20] =	vst v2  }
0x21b: {  	v5 =	vld [tilespmem:s24+$0x90];
	v2 =	vadd.f32 v6, v0;
	[tilespmem:s24+$0xC50] =	vst v3  }
0x21c: {  	v4 =	vadd.f32 v8, v0;
	[tilespmem:s24+$0xC30] =	vst v1;
	v1 =	vld [tilespmem:s24+$0xA0]  }
0x21d: {  	v6 =	vadd.f32 v9, v0;
	[tilespmem:s24+$0xC40] =	vst v2;
	v2 =	vld [tilespmem:s24+$0xB0]  }
0x21e: {  	v3 =	vld [tilespmem:s24+$0xC0];
	[tilespmem:s24+$0xC60] =	vst v4  }
0x21f: {  	v4 =	vld [tilespmem:s24+$0xD0];
	[tilespmem:s24+$0xC70] =	vst v6;
	v6 =	vadd.f32 v10, v0  }
0x220: {  	s22 =	simm.s32 $0x800;
	s6 =	simm.s32 $0x100;
	s1 =	sadd.s32 s2, s14;
	v7 =	vadd.f32 v5, v0;
	v5 =	vld [tilespmem:s24+$0xE0]  }
.LBB2_19:
0x221: {  	p0 =	sne.s32 s22, $0x1C00;
	v8 =	vld [tilespmem:s6+$0xF0];
	[tilespmem:s24+$0xC80] =	vst v6;
	v1 =	vadd.f32 v1, v0  }
0x222: {  	v6 =	vld [tilespmem:s6+$0x0];
	[tilespmem:s24+$0xC90] =	vst v7;
	v2 =	vadd.f32 v2, v0  }
0x223: {  	v7 =	vld [tilespmem:s6+$0x10];
	[tilespmem:s24+$0xCA0] =	vst v1;
	v1 =	vadd.f32 v3, v0  }
0x224: {  	v3 =	vld [tilespmem:s6+$0x20];
	[tilespmem:s24+$0xCB0] =	vst v2;
	v2 =	vadd.f32 v4, v0  }
0x225: {  	v4 =	vld [tilespmem:s6+$0x30];
	[tilespmem:s24+$0xCC0] =	vst v1;
	v1 =	vadd.f32 v5, v0  }
0x226: {  	v5 =	vld [tilespmem:s6+$0x40];
	v8 =	vadd.f32 v8, v0;
	[tilespmem:s24+$0xCD0] =	vst v2  }
0x227: {  	v2 =	vadd.f32 v6, v0;
	v6 =	vld [tilespmem:s6+$0x50];
	[tilespmem:s24+$0xCE0] =	vst v1;
	s24 =	smov.u32 s6  }
0x228: {  	v1 =	vadd.f32 v7, v0;
	v7 =	vld [tilespmem:s24+$0x60];
	[tilespmem:s24+$0xCF0] =	vst v8  }
0x229: {  	[tilespmem:s24+$0xC00] =	vst v2;
	v2 =	vadd.f32 v3, v0;
	v3 =	vld [tilespmem:s24+$0x70]  }
0x22a: {  	[tilespmem:s24+$0xC10] =	vst v1;
	v1 =	vadd.f32 v4, v0;
	v4 =	vld [tilespmem:s24+$0x80]  }
0x22b: {  	[tilespmem:s24+$0xC20] =	vst v2;
	v2 =	vadd.f32 v5, v0;
	v5 =	vld [tilespmem:s24+$0x90]  }
.Ltmp8:
0x22c: {  	[tilespmem:s24+$0xC30] =	vst v1;
	v6 =	vadd.f32 v6, v0;
	v1 =	vld [tilespmem:s24+$0xA0];
	(pc) =	sbr.rel @p0 .LBB2_19-.Ltmp8, $4  }
0x22d: {  	[tilespmem:s24+$0xC40] =	vst v2;
	v7 =	vadd.f32 v7, v0;
	v2 =	vld [tilespmem:s24+$0xB0]  }
0x22e: {  	[tilespmem:s24+$0xC50] =	vst v6;
	v8 =	vadd.f32 v3, v0;
	v3 =	vld [tilespmem:s24+$0xC0]  }
0x22f: {  	[tilespmem:s24+$0xC60] =	vst v7;
	v6 =	vadd.f32 v4, v0;
	v4 =	vld [tilespmem:s24+$0xD0]  }
0x230: {  	s6 =	sshra.s32 s22, $0x2;
	s22 =	sadd.s32 $0x400, s22;
	[tilespmem:s24+$0xC70] =	vst v8;
	v7 =	vadd.f32 v5, v0;
	v5 =	vld [tilespmem:s24+$0xE0]  }
0x231: {  	v8 =	vld [tilespmem:s6+$0xF0];
	[tilespmem:s24+$0xC80] =	vst v6;
	v1 =	vadd.f32 v1, v0  }
0x232: {  	v6 =	vld [tilespmem:s6+$0x0];
	[tilespmem:s24+$0xC90] =	vst v7;
	v2 =	vadd.f32 v2, v0  }
0x233: {  	v7 =	vld [tilespmem:s6+$0x10];
	[tilespmem:s24+$0xCA0] =	vst v1;
	v3 =	vadd.f32 v3, v0  }
0x234: {  	v1 =	vld [tilespmem:s6+$0x20];
	[tilespmem:s24+$0xCB0] =	vst v2;
	v4 =	vadd.f32 v4, v0  }
0x235: {  	v2 =	vld [tilespmem:s6+$0x30];
	[tilespmem:s24+$0xCC0] =	vst v3;
	v5 =	vadd.f32 v5, v0  }
0x236: {  	v3 =	vld [tilespmem:s6+$0x40];
	[tilespmem:s24+$0xCD0] =	vst v4;
	v8 =	vadd.f32 v8, v0  }
0x237: {  	v4 =	vld [tilespmem:s6+$0x50];
	[tilespmem:s24+$0xCE0] =	vst v5;
	v5 =	vadd.f32 v6, v0  }
0x238: {  	v6 =	vld [tilespmem:s6+$0x60];
	[tilespmem:s6+$0xCF0] =	vst v8;
	v7 =	vadd.f32 v7, v0  }
0x239: {  	[tilespmem:s6+$0xC00] =	vst v5;
	v5 =	vld [tilespmem:s6+$0x70];
	v1 =	vadd.f32 v1, v0  }
0x23a: {  	[tilespmem:s6+$0xC10] =	vst v7;
	v7 =	vld [tilespmem:s6+$0x80];
	v2 =	vadd.f32 v2, v0  }
0x23b: {  	[tilespmem:s6+$0xC20] =	vst v1;
	v1 =	vld [tilespmem:s6+$0x90];
	v3 =	vadd.f32 v3, v0  }
0x23c: {  	[tilespmem:s6+$0xC30] =	vst v2;
	v2 =	vld [tilespmem:s6+$0xA0];
	v4 =	vadd.f32 v4, v0  }
0x23d: {  	[tilespmem:s6+$0xC40] =	vst v3;
	v3 =	vld [tilespmem:s6+$0xB0];
	v6 =	vadd.f32 v6, v0  }
0x23e: {  	[tilespmem:s6+$0xC50] =	vst v4;
	v4 =	vld [tilespmem:s6+$0xC0];
	v5 =	vadd.f32 v5, v0  }
0x23f: {  	[tilespmem:s6+$0xC60] =	vst v6;
	v6 =	vld [tilespmem:s6+$0xD0];
	v7 =	vadd.f32 v7, v0  }
0x240: {  	[tilespmem:s6+$0xC70] =	vst v5;
	v1 =	vadd.f32 v1, v0;
	v5 =	vld [tilespmem:s6+$0xE0]  }
0x241: {  	[tilespmem:s6+$0xC80] =	vst v7;
	v2 =	vadd.f32 v2, v0  }
0x242: {  	[tilespmem:s6+$0xC90] =	vst v1;
	v1 =	vadd.f32 v3, v0  }
0x243: {  	[tilespmem:s6+$0xCA0] =	vst v2;
	v2 =	vadd.f32 v4, v0  }
0x244: {  	[tilespmem:s6+$0xCB0] =	vst v1;
	v1 =	vadd.f32 v6, v0  }
0x245: {  	[tilespmem:s6+$0xCC0] =	vst v2;
	v0 =	vadd.f32 v5, v0  }
0x246: {  	[tilespmem:s6+$0xCD0] =	vst v1  }
0x247: {  	s24 =	simm.s32 $0x0;
	[tilespmem:s6+$0xCE0] =	vst v0  }
0x248: {  	[hbm4b:s1+s24] =	stream.linear.scatter [tilespmem:s25], [sflag:$0x1], $0x800, $0x38;
	[tilespmem:$0x1C00] =	vst v63  }
0x249: {  	_ =	swait.ge [sflag:s29], $0x800  }
0x24a: {  	[sflag:s29] =	ssyncset.done $0x0  }
0x24b: {  	[sflag:s29] =	ssyncadd.s32 $0xFFFFF800  }
0x24c: {  	v0 =	vld [tilespmem:s0+$0x800]  }
0x24d: {  	s24 =	simm.s32 $0x0  }
0x24e: {  	v1 =	vld [tilespmem:s24+$0xF0]  }
0x24f: {  	v2 =	vld [tilespmem:s24+$0x0]  }
0x250: {  	v3 =	vld [tilespmem:s24+$0x10]  }
0x251: {  	v4 =	vld [tilespmem:s24+$0x20];
	v0 =	vbroadcast v0, $0x9  }
0x252: {  	v7 =	vld [tilespmem:s24+$0x50]  }
0x253: {  	v5 =	vld [tilespmem:s24+$0x30];
	v1 =	vadd.f32 v1, v0  }
0x254: {  	v6 =	vld [tilespmem:s24+$0x40];
	v2 =	vadd.f32 v2, v0  }
0x255: {  	v8 =	vld [tilespmem:s24+$0x60];
	[tilespmem:s24+$0x14F0] =	vst v1;
	v1 =	vadd.f32 v3, v0  }
0x256: {  	v9 =	vld [tilespmem:s24+$0x70];
	[tilespmem:s24+$0x1400] =	vst v2;
	v2 =	vadd.f32 v4, v0  }
0x257: {  	v3 =	vadd.f32 v7, v0;
	[tilespmem:s24+$0x1410] =	vst v1  }
0x258: {  	v10 =	vld [tilespmem:s24+$0x80];
	v1 =	vadd.f32 v5, v0;
	[tilespmem:s24+$0x1420] =	vst v2  }
0x259: {  	v5 =	vld [tilespmem:s24+$0x90];
	v2 =	vadd.f32 v6, v0;
	[tilespmem:s24+$0x1450] =	vst v3  }
0x25a: {  	v4 =	vadd.f32 v8, v0;
	[tilespmem:s24+$0x1430] =	vst v1;
	v1 =	vld [tilespmem:s24+$0xA0]  }
0x25b: {  	v6 =	vadd.f32 v9, v0;
	[tilespmem:s24+$0x1440] =	vst v2;
	v2 =	vld [tilespmem:s24+$0xB0]  }
0x25c: {  	v3 =	vld [tilespmem:s24+$0xC0];
	[tilespmem:s24+$0x1460] =	vst v4  }
0x25d: {  	v4 =	vld [tilespmem:s24+$0xD0];
	[tilespmem:s24+$0x1470] =	vst v6;
	v6 =	vadd.f32 v10, v0  }
0x25e: {  	s22 =	simm.s32 $0x800;
	s6 =	simm.s32 $0x100;
	s1 =	sadd.s32 s2, s15;
	v7 =	vadd.f32 v5, v0;
	v5 =	vld [tilespmem:s24+$0xE0]  }
.LBB2_21:
0x25f: {  	p0 =	sne.s32 s22, $0x1C00;
	v8 =	vld [tilespmem:s6+$0xF0];
	[tilespmem:s24+$0x1480] =	vst v6;
	v1 =	vadd.f32 v1, v0  }
0x260: {  	v6 =	vld [tilespmem:s6+$0x0];
	[tilespmem:s24+$0x1490] =	vst v7;
	v2 =	vadd.f32 v2, v0  }
0x261: {  	v7 =	vld [tilespmem:s6+$0x10];
	[tilespmem:s24+$0x14A0] =	vst v1;
	v1 =	vadd.f32 v3, v0  }
0x262: {  	v3 =	vld [tilespmem:s6+$0x20];
	[tilespmem:s24+$0x14B0] =	vst v2;
	v2 =	vadd.f32 v4, v0  }
0x263: {  	v4 =	vld [tilespmem:s6+$0x30];
	[tilespmem:s24+$0x14C0] =	vst v1;
	v1 =	vadd.f32 v5, v0  }
0x264: {  	v5 =	vld [tilespmem:s6+$0x40];
	v8 =	vadd.f32 v8, v0;
	[tilespmem:s24+$0x14D0] =	vst v2  }
0x265: {  	v2 =	vadd.f32 v6, v0;
	v6 =	vld [tilespmem:s6+$0x50];
	[tilespmem:s24+$0x14E0] =	vst v1;
	s24 =	smov.u32 s6  }
0x266: {  	v1 =	vadd.f32 v7, v0;
	v7 =	vld [tilespmem:s24+$0x60];
	[tilespmem:s24+$0x14F0] =	vst v8  }
0x267: {  	[tilespmem:s24+$0x1400] =	vst v2;
	v2 =	vadd.f32 v3, v0;
	v3 =	vld [tilespmem:s24+$0x70]  }
0x268: {  	[tilespmem:s24+$0x1410] =	vst v1;
	v1 =	vadd.f32 v4, v0;
	v4 =	vld [tilespmem:s24+$0x80]  }
0x269: {  	[tilespmem:s24+$0x1420] =	vst v2;
	v2 =	vadd.f32 v5, v0;
	v5 =	vld [tilespmem:s24+$0x90]  }
.Ltmp9:
0x26a: {  	[tilespmem:s24+$0x1430] =	vst v1;
	v6 =	vadd.f32 v6, v0;
	v1 =	vld [tilespmem:s24+$0xA0];
	(pc) =	sbr.rel @p0 .LBB2_21-.Ltmp9, $4  }
0x26b: {  	[tilespmem:s24+$0x1440] =	vst v2;
	v7 =	vadd.f32 v7, v0;
	v2 =	vld [tilespmem:s24+$0xB0]  }
0x26c: {  	[tilespmem:s24+$0x1450] =	vst v6;
	v8 =	vadd.f32 v3, v0;
	v3 =	vld [tilespmem:s24+$0xC0]  }
0x26d: {  	[tilespmem:s24+$0x1460] =	vst v7;
	v6 =	vadd.f32 v4, v0;
	v4 =	vld [tilespmem:s24+$0xD0]  }
0x26e: {  	s6 =	sshra.s32 s22, $0x2;
	s22 =	sadd.s32 $0x400, s22;
	[tilespmem:s24+$0x1470] =	vst v8;
	v7 =	vadd.f32 v5, v0;
	v5 =	vld [tilespmem:s24+$0xE0]  }
0x26f: {  	v8 =	vld [tilespmem:s6+$0xF0];
	[tilespmem:s24+$0x1480] =	vst v6;
	v1 =	vadd.f32 v1, v0  }
0x270: {  	v6 =	vld [tilespmem:s6+$0x0];
	[tilespmem:s24+$0x1490] =	vst v7;
	v2 =	vadd.f32 v2, v0  }
0x271: {  	v7 =	vld [tilespmem:s6+$0x10];
	[tilespmem:s24+$0x14A0] =	vst v1;
	v3 =	vadd.f32 v3, v0  }
0x272: {  	v1 =	vld [tilespmem:s6+$0x20];
	[tilespmem:s24+$0x14B0] =	vst v2;
	v4 =	vadd.f32 v4, v0  }
0x273: {  	v2 =	vld [tilespmem:s6+$0x30];
	[tilespmem:s24+$0x14C0] =	vst v3;
	v5 =	vadd.f32 v5, v0  }
0x274: {  	v3 =	vld [tilespmem:s6+$0x40];
	[tilespmem:s24+$0x14D0] =	vst v4;
	v8 =	vadd.f32 v8, v0  }
0x275: {  	v4 =	vld [tilespmem:s6+$0x50];
	[tilespmem:s24+$0x14E0] =	vst v5;
	v5 =	vadd.f32 v6, v0  }
0x276: {  	v6 =	vld [tilespmem:s6+$0x60];
	[tilespmem:s6+$0x14F0] =	vst v8;
	v7 =	vadd.f32 v7, v0  }
0x277: {  	[tilespmem:s6+$0x1400] =	vst v5;
	v5 =	vld [tilespmem:s6+$0x70];
	v1 =	vadd.f32 v1, v0  }
0x278: {  	[tilespmem:s6+$0x1410] =	vst v7;
	v7 =	vld [tilespmem:s6+$0x80];
	v2 =	vadd.f32 v2, v0  }
0x279: {  	[tilespmem:s6+$0x1420] =	vst v1;
	v1 =	vld [tilespmem:s6+$0x90];
	v3 =	vadd.f32 v3, v0  }
0x27a: {  	[tilespmem:s6+$0x1430] =	vst v2;
	v2 =	vld [tilespmem:s6+$0xA0];
	v4 =	vadd.f32 v4, v0  }
0x27b: {  	[tilespmem:s6+$0x1440] =	vst v3;
	v3 =	vld [tilespmem:s6+$0xB0];
	v6 =	vadd.f32 v6, v0  }
0x27c: {  	[tilespmem:s6+$0x1450] =	vst v4;
	v4 =	vld [tilespmem:s6+$0xC0];
	v5 =	vadd.f32 v5, v0  }
0x27d: {  	[tilespmem:s6+$0x1460] =	vst v6;
	v6 =	vld [tilespmem:s6+$0xD0];
	v7 =	vadd.f32 v7, v0  }
0x27e: {  	[tilespmem:s6+$0x1470] =	vst v5;
	v1 =	vadd.f32 v1, v0;
	v5 =	vld [tilespmem:s6+$0xE0]  }
0x27f: {  	[tilespmem:s6+$0x1480] =	vst v7;
	v2 =	vadd.f32 v2, v0  }
0x280: {  	[tilespmem:s6+$0x1490] =	vst v1;
	v1 =	vadd.f32 v3, v0  }
0x281: {  	[tilespmem:s6+$0x14A0] =	vst v2;
	v2 =	vadd.f32 v4, v0  }
0x282: {  	[tilespmem:s6+$0x14B0] =	vst v1;
	v1 =	vadd.f32 v6, v0  }
0x283: {  	[tilespmem:s6+$0x14C0] =	vst v2;
	v0 =	vadd.f32 v5, v0  }
0x284: {  	[tilespmem:s6+$0x14D0] =	vst v1  }
0x285: {  	s24 =	simm.s32 $0x0;
	[tilespmem:s6+$0x14E0] =	vst v0  }
0x286: {  	[hbm4b:s1+s24] =	stream.linear.scatter [tilespmem:s26], [sflag:$0x2], $0x800, $0x38;
	[tilespmem:$0x1C00] =	vst v63  }
0x287: {  	_ =	swait.ge [sflag:s28], $0x800  }
0x288: {  	[sflag:s28] =	ssyncset.done $0x0  }
0x289: {  	[sflag:s28] =	ssyncadd.s32 $0xFFFFF800  }
0x28a: {  	v0 =	vld [tilespmem:s0+$0x800]  }
0x28b: {  	s24 =	simm.s32 $0x0  }
0x28c: {  	v1 =	vld [tilespmem:s24+$0xF0]  }
0x28d: {  	v2 =	vld [tilespmem:s24+$0x0]  }
0x28e: {  	v3 =	vld [tilespmem:s24+$0x10]  }
0x28f: {  	v4 =	vld [tilespmem:s24+$0x20];
	v0 =	vbroadcast v0, $0xA  }
0x290: {  	v7 =	vld [tilespmem:s24+$0x50]  }
0x291: {  	v5 =	vld [tilespmem:s24+$0x30];
	v1 =	vadd.f32 v1, v0  }
0x292: {  	v6 =	vld [tilespmem:s24+$0x40];
	v2 =	vadd.f32 v2, v0  }
0x293: {  	v8 =	vld [tilespmem:s24+$0x60];
	[tilespmem:s24+$0xCF0] =	vst v1;
	v1 =	vadd.f32 v3, v0  }
0x294: {  	v9 =	vld [tilespmem:s24+$0x70];
	[tilespmem:s24+$0xC00] =	vst v2;
	v2 =	vadd.f32 v4, v0  }
0x295: {  	v3 =	vadd.f32 v7, v0;
	[tilespmem:s24+$0xC10] =	vst v1  }
0x296: {  	v10 =	vld [tilespmem:s24+$0x80];
	v1 =	vadd.f32 v5, v0;
	[tilespmem:s24+$0xC20] =	vst v2  }
0x297: {  	v5 =	vld [tilespmem:s24+$0x90];
	v2 =	vadd.f32 v6, v0;
	[tilespmem:s24+$0xC50] =	vst v3  }
0x298: {  	v4 =	vadd.f32 v8, v0;
	[tilespmem:s24+$0xC30] =	vst v1;
	v1 =	vld [tilespmem:s24+$0xA0]  }
0x299: {  	v6 =	vadd.f32 v9, v0;
	[tilespmem:s24+$0xC40] =	vst v2;
	v2 =	vld [tilespmem:s24+$0xB0]  }
0x29a: {  	v3 =	vld [tilespmem:s24+$0xC0];
	[tilespmem:s24+$0xC60] =	vst v4  }
0x29b: {  	v4 =	vld [tilespmem:s24+$0xD0];
	[tilespmem:s24+$0xC70] =	vst v6;
	v6 =	vadd.f32 v10, v0  }
0x29c: {  	s22 =	simm.s32 $0x800;
	s6 =	simm.s32 $0x100;
	s1 =	sadd.s32 s2, s16;
	v7 =	vadd.f32 v5, v0;
	v5 =	vld [tilespmem:s24+$0xE0]  }
.LBB2_23:
0x29d: {  	p0 =	sne.s32 s22, $0x1C00;
	v8 =	vld [tilespmem:s6+$0xF0];
	[tilespmem:s24+$0xC80] =	vst v6;
	v1 =	vadd.f32 v1, v0  }
0x29e: {  	v6 =	vld [tilespmem:s6+$0x0];
	[tilespmem:s24+$0xC90] =	vst v7;
	v2 =	vadd.f32 v2, v0  }
0x29f: {  	v7 =	vld [tilespmem:s6+$0x10];
	[tilespmem:s24+$0xCA0] =	vst v1;
	v1 =	vadd.f32 v3, v0  }
0x2a0: {  	v3 =	vld [tilespmem:s6+$0x20];
	[tilespmem:s24+$0xCB0] =	vst v2;
	v2 =	vadd.f32 v4, v0  }
0x2a1: {  	v4 =	vld [tilespmem:s6+$0x30];
	[tilespmem:s24+$0xCC0] =	vst v1;
	v1 =	vadd.f32 v5, v0  }
0x2a2: {  	v5 =	vld [tilespmem:s6+$0x40];
	v8 =	vadd.f32 v8, v0;
	[tilespmem:s24+$0xCD0] =	vst v2  }
0x2a3: {  	v2 =	vadd.f32 v6, v0;
	v6 =	vld [tilespmem:s6+$0x50];
	[tilespmem:s24+$0xCE0] =	vst v1;
	s24 =	smov.u32 s6  }
0x2a4: {  	v1 =	vadd.f32 v7, v0;
	v7 =	vld [tilespmem:s24+$0x60];
	[tilespmem:s24+$0xCF0] =	vst v8  }
0x2a5: {  	[tilespmem:s24+$0xC00] =	vst v2;
	v2 =	vadd.f32 v3, v0;
	v3 =	vld [tilespmem:s24+$0x70]  }
0x2a6: {  	[tilespmem:s24+$0xC10] =	vst v1;
	v1 =	vadd.f32 v4, v0;
	v4 =	vld [tilespmem:s24+$0x80]  }
0x2a7: {  	[tilespmem:s24+$0xC20] =	vst v2;
	v2 =	vadd.f32 v5, v0;
	v5 =	vld [tilespmem:s24+$0x90]  }
.Ltmp10:
0x2a8: {  	[tilespmem:s24+$0xC30] =	vst v1;
	v6 =	vadd.f32 v6, v0;
	v1 =	vld [tilespmem:s24+$0xA0];
	(pc) =	sbr.rel @p0 .LBB2_23-.Ltmp10, $4  }
0x2a9: {  	[tilespmem:s24+$0xC40] =	vst v2;
	v7 =	vadd.f32 v7, v0;
	v2 =	vld [tilespmem:s24+$0xB0]  }
0x2aa: {  	[tilespmem:s24+$0xC50] =	vst v6;
	v8 =	vadd.f32 v3, v0;
	v3 =	vld [tilespmem:s24+$0xC0]  }
0x2ab: {  	[tilespmem:s24+$0xC60] =	vst v7;
	v6 =	vadd.f32 v4, v0;
	v4 =	vld [tilespmem:s24+$0xD0]  }
0x2ac: {  	s6 =	sshra.s32 s22, $0x2;
	s22 =	sadd.s32 $0x400, s22;
	[tilespmem:s24+$0xC70] =	vst v8;
	v7 =	vadd.f32 v5, v0;
	v5 =	vld [tilespmem:s24+$0xE0]  }
0x2ad: {  	v8 =	vld [tilespmem:s6+$0xF0];
	[tilespmem:s24+$0xC80] =	vst v6;
	v1 =	vadd.f32 v1, v0  }
0x2ae: {  	v6 =	vld [tilespmem:s6+$0x0];
	[tilespmem:s24+$0xC90] =	vst v7;
	v2 =	vadd.f32 v2, v0  }
0x2af: {  	v7 =	vld [tilespmem:s6+$0x10];
	[tilespmem:s24+$0xCA0] =	vst v1;
	v3 =	vadd.f32 v3, v0  }
0x2b0: {  	v1 =	vld [tilespmem:s6+$0x20];
	[tilespmem:s24+$0xCB0] =	vst v2;
	v4 =	vadd.f32 v4, v0  }
0x2b1: {  	v2 =	vld [tilespmem:s6+$0x30];
	[tilespmem:s24+$0xCC0] =	vst v3;
	v5 =	vadd.f32 v5, v0  }
0x2b2: {  	v3 =	vld [tilespmem:s6+$0x40];
	[tilespmem:s24+$0xCD0] =	vst v4;
	v8 =	vadd.f32 v8, v0  }
0x2b3: {  	v4 =	vld [tilespmem:s6+$0x50];
	[tilespmem:s24+$0xCE0] =	vst v5;
	v5 =	vadd.f32 v6, v0  }
0x2b4: {  	v6 =	vld [tilespmem:s6+$0x60];
	[tilespmem:s6+$0xCF0] =	vst v8;
	v7 =	vadd.f32 v7, v0  }
0x2b5: {  	[tilespmem:s6+$0xC00] =	vst v5;
	v5 =	vld [tilespmem:s6+$0x70];
	v1 =	vadd.f32 v1, v0  }
0x2b6: {  	[tilespmem:s6+$0xC10] =	vst v7;
	v7 =	vld [tilespmem:s6+$0x80];
	v2 =	vadd.f32 v2, v0  }
0x2b7: {  	[tilespmem:s6+$0xC20] =	vst v1;
	v1 =	vld [tilespmem:s6+$0x90];
	v3 =	vadd.f32 v3, v0  }
0x2b8: {  	[tilespmem:s6+$0xC30] =	vst v2;
	v2 =	vld [tilespmem:s6+$0xA0];
	v4 =	vadd.f32 v4, v0  }
0x2b9: {  	[tilespmem:s6+$0xC40] =	vst v3;
	v3 =	vld [tilespmem:s6+$0xB0];
	v6 =	vadd.f32 v6, v0  }
0x2ba: {  	[tilespmem:s6+$0xC50] =	vst v4;
	v4 =	vld [tilespmem:s6+$0xC0];
	v5 =	vadd.f32 v5, v0  }
0x2bb: {  	[tilespmem:s6+$0xC60] =	vst v6;
	v6 =	vld [tilespmem:s6+$0xD0];
	v7 =	vadd.f32 v7, v0  }
0x2bc: {  	[tilespmem:s6+$0xC70] =	vst v5;
	v1 =	vadd.f32 v1, v0;
	v5 =	vld [tilespmem:s6+$0xE0]  }
0x2bd: {  	[tilespmem:s6+$0xC80] =	vst v7;
	v2 =	vadd.f32 v2, v0  }
0x2be: {  	[tilespmem:s6+$0xC90] =	vst v1;
	v1 =	vadd.f32 v3, v0  }
0x2bf: {  	[tilespmem:s6+$0xCA0] =	vst v2;
	v2 =	vadd.f32 v4, v0  }
0x2c0: {  	[tilespmem:s6+$0xCB0] =	vst v1;
	v1 =	vadd.f32 v6, v0  }
0x2c1: {  	[tilespmem:s6+$0xCC0] =	vst v2;
	v0 =	vadd.f32 v5, v0  }
0x2c2: {  	[tilespmem:s6+$0xCD0] =	vst v1  }
0x2c3: {  	s24 =	simm.s32 $0x0;
	[tilespmem:s6+$0xCE0] =	vst v0  }
0x2c4: {  	[hbm4b:s1+s24] =	stream.linear.scatter [tilespmem:s25], [sflag:$0x1], $0x800, $0x38;
	[tilespmem:$0x1C00] =	vst v63  }
0x2c5: {  	_ =	swait.ge [sflag:s29], $0x800  }
0x2c6: {  	[sflag:s29] =	ssyncset.done $0x0  }
0x2c7: {  	[sflag:s29] =	ssyncadd.s32 $0xFFFFF800  }
0x2c8: {  	v0 =	vld [tilespmem:s0+$0x800]  }
0x2c9: {  	s24 =	simm.s32 $0x0  }
0x2ca: {  	v1 =	vld [tilespmem:s24+$0xF0]  }
0x2cb: {  	v2 =	vld [tilespmem:s24+$0x0]  }
0x2cc: {  	v3 =	vld [tilespmem:s24+$0x10]  }
0x2cd: {  	v4 =	vld [tilespmem:s24+$0x20];
	v0 =	vbroadcast v0, $0xB  }
0x2ce: {  	v7 =	vld [tilespmem:s24+$0x50]  }
0x2cf: {  	v5 =	vld [tilespmem:s24+$0x30];
	v1 =	vadd.f32 v1, v0  }
0x2d0: {  	v6 =	vld [tilespmem:s24+$0x40];
	v2 =	vadd.f32 v2, v0  }
0x2d1: {  	v8 =	vld [tilespmem:s24+$0x60];
	[tilespmem:s24+$0x14F0] =	vst v1;
	v1 =	vadd.f32 v3, v0  }
0x2d2: {  	v9 =	vld [tilespmem:s24+$0x70];
	[tilespmem:s24+$0x1400] =	vst v2;
	v2 =	vadd.f32 v4, v0  }
0x2d3: {  	v3 =	vadd.f32 v7, v0;
	[tilespmem:s24+$0x1410] =	vst v1  }
0x2d4: {  	v10 =	vld [tilespmem:s24+$0x80];
	v1 =	vadd.f32 v5, v0;
	[tilespmem:s24+$0x1420] =	vst v2  }
0x2d5: {  	v5 =	vld [tilespmem:s24+$0x90];
	v2 =	vadd.f32 v6, v0;
	[tilespmem:s24+$0x1450] =	vst v3  }
0x2d6: {  	v4 =	vadd.f32 v8, v0;
	[tilespmem:s24+$0x1430] =	vst v1;
	v1 =	vld [tilespmem:s24+$0xA0]  }
0x2d7: {  	v6 =	vadd.f32 v9, v0;
	[tilespmem:s24+$0x1440] =	vst v2;
	v2 =	vld [tilespmem:s24+$0xB0]  }
0x2d8: {  	v3 =	vld [tilespmem:s24+$0xC0];
	[tilespmem:s24+$0x1460] =	vst v4  }
0x2d9: {  	v4 =	vld [tilespmem:s24+$0xD0];
	[tilespmem:s24+$0x1470] =	vst v6;
	v6 =	vadd.f32 v10, v0  }
0x2da: {  	s22 =	simm.s32 $0x800;
	s6 =	simm.s32 $0x100;
	s1 =	sadd.s32 s2, s17;
	v7 =	vadd.f32 v5, v0;
	v5 =	vld [tilespmem:s24+$0xE0]  }
.LBB2_25:
0x2db: {  	p0 =	sne.s32 s22, $0x1C00;
	v8 =	vld [tilespmem:s6+$0xF0];
	[tilespmem:s24+$0x1480] =	vst v6;
	v1 =	vadd.f32 v1, v0  }
0x2dc: {  	v6 =	vld [tilespmem:s6+$0x0];
	[tilespmem:s24+$0x1490] =	vst v7;
	v2 =	vadd.f32 v2, v0  }
0x2dd: {  	v7 =	vld [tilespmem:s6+$0x10];
	[tilespmem:s24+$0x14A0] =	vst v1;
	v1 =	vadd.f32 v3, v0  }
0x2de: {  	v3 =	vld [tilespmem:s6+$0x20];
	[tilespmem:s24+$0x14B0] =	vst v2;
	v2 =	vadd.f32 v4, v0  }
0x2df: {  	v4 =	vld [tilespmem:s6+$0x30];
	[tilespmem:s24+$0x14C0] =	vst v1;
	v1 =	vadd.f32 v5, v0  }
0x2e0: {  	v5 =	vld [tilespmem:s6+$0x40];
	v8 =	vadd.f32 v8, v0;
	[tilespmem:s24+$0x14D0] =	vst v2  }
0x2e1: {  	v2 =	vadd.f32 v6, v0;
	v6 =	vld [tilespmem:s6+$0x50];
	[tilespmem:s24+$0x14E0] =	vst v1;
	s24 =	smov.u32 s6  }
0x2e2: {  	v1 =	vadd.f32 v7, v0;
	v7 =	vld [tilespmem:s24+$0x60];
	[tilespmem:s24+$0x14F0] =	vst v8  }
0x2e3: {  	[tilespmem:s24+$0x1400] =	vst v2;
	v2 =	vadd.f32 v3, v0;
	v3 =	vld [tilespmem:s24+$0x70]  }
0x2e4: {  	[tilespmem:s24+$0x1410] =	vst v1;
	v1 =	vadd.f32 v4, v0;
	v4 =	vld [tilespmem:s24+$0x80]  }
0x2e5: {  	[tilespmem:s24+$0x1420] =	vst v2;
	v2 =	vadd.f32 v5, v0;
	v5 =	vld [tilespmem:s24+$0x90]  }
.Ltmp11:
0x2e6: {  	[tilespmem:s24+$0x1430] =	vst v1;
	v6 =	vadd.f32 v6, v0;
	v1 =	vld [tilespmem:s24+$0xA0];
	(pc) =	sbr.rel @p0 .LBB2_25-.Ltmp11, $4  }
0x2e7: {  	[tilespmem:s24+$0x1440] =	vst v2;
	v7 =	vadd.f32 v7, v0;
	v2 =	vld [tilespmem:s24+$0xB0]  }
0x2e8: {  	[tilespmem:s24+$0x1450] =	vst v6;
	v8 =	vadd.f32 v3, v0;
	v3 =	vld [tilespmem:s24+$0xC0]  }
0x2e9: {  	[tilespmem:s24+$0x1460] =	vst v7;
	v6 =	vadd.f32 v4, v0;
	v4 =	vld [tilespmem:s24+$0xD0]  }
0x2ea: {  	s6 =	sshra.s32 s22, $0x2;
	s22 =	sadd.s32 $0x400, s22;
	[tilespmem:s24+$0x1470] =	vst v8;
	v7 =	vadd.f32 v5, v0;
	v5 =	vld [tilespmem:s24+$0xE0]  }
0x2eb: {  	v8 =	vld [tilespmem:s6+$0xF0];
	[tilespmem:s24+$0x1480] =	vst v6;
	v1 =	vadd.f32 v1, v0  }
0x2ec: {  	v6 =	vld [tilespmem:s6+$0x0];
	[tilespmem:s24+$0x1490] =	vst v7;
	v2 =	vadd.f32 v2, v0  }
0x2ed: {  	v7 =	vld [tilespmem:s6+$0x10];
	[tilespmem:s24+$0x14A0] =	vst v1;
	v3 =	vadd.f32 v3, v0  }
0x2ee: {  	v1 =	vld [tilespmem:s6+$0x20];
	[tilespmem:s24+$0x14B0] =	vst v2;
	v4 =	vadd.f32 v4, v0  }
0x2ef: {  	v2 =	vld [tilespmem:s6+$0x30];
	[tilespmem:s24+$0x14C0] =	vst v3;
	v5 =	vadd.f32 v5, v0  }
0x2f0: {  	v3 =	vld [tilespmem:s6+$0x40];
	[tilespmem:s24+$0x14D0] =	vst v4;
	v8 =	vadd.f32 v8, v0  }
0x2f1: {  	v4 =	vld [tilespmem:s6+$0x50];
	[tilespmem:s24+$0x14E0] =	vst v5;
	v5 =	vadd.f32 v6, v0  }
0x2f2: {  	v6 =	vld [tilespmem:s6+$0x60];
	[tilespmem:s6+$0x14F0] =	vst v8;
	v7 =	vadd.f32 v7, v0  }
0x2f3: {  	[tilespmem:s6+$0x1400] =	vst v5;
	v5 =	vld [tilespmem:s6+$0x70];
	v1 =	vadd.f32 v1, v0  }
0x2f4: {  	[tilespmem:s6+$0x1410] =	vst v7;
	v7 =	vld [tilespmem:s6+$0x80];
	v2 =	vadd.f32 v2, v0  }
0x2f5: {  	[tilespmem:s6+$0x1420] =	vst v1;
	v1 =	vld [tilespmem:s6+$0x90];
	v3 =	vadd.f32 v3, v0  }
0x2f6: {  	[tilespmem:s6+$0x1430] =	vst v2;
	v2 =	vld [tilespmem:s6+$0xA0];
	v4 =	vadd.f32 v4, v0  }
0x2f7: {  	[tilespmem:s6+$0x1440] =	vst v3;
	v3 =	vld [tilespmem:s6+$0xB0];
	v6 =	vadd.f32 v6, v0  }
0x2f8: {  	[tilespmem:s6+$0x1450] =	vst v4;
	v4 =	vld [tilespmem:s6+$0xC0];
	v5 =	vadd.f32 v5, v0  }
0x2f9: {  	[tilespmem:s6+$0x1460] =	vst v6;
	v6 =	vld [tilespmem:s6+$0xD0];
	v7 =	vadd.f32 v7, v0  }
0x2fa: {  	[tilespmem:s6+$0x1470] =	vst v5;
	v1 =	vadd.f32 v1, v0;
	v5 =	vld [tilespmem:s6+$0xE0]  }
0x2fb: {  	[tilespmem:s6+$0x1480] =	vst v7;
	v2 =	vadd.f32 v2, v0  }
0x2fc: {  	[tilespmem:s6+$0x1490] =	vst v1;
	v1 =	vadd.f32 v3, v0  }
0x2fd: {  	[tilespmem:s6+$0x14A0] =	vst v2;
	v2 =	vadd.f32 v4, v0  }
0x2fe: {  	[tilespmem:s6+$0x14B0] =	vst v1;
	v1 =	vadd.f32 v6, v0  }
0x2ff: {  	[tilespmem:s6+$0x14C0] =	vst v2;
	v0 =	vadd.f32 v5, v0  }
0x300: {  	[tilespmem:s6+$0x14D0] =	vst v1  }
0x301: {  	s24 =	simm.s32 $0x0;
	[tilespmem:s6+$0x14E0] =	vst v0  }
0x302: {  	[hbm4b:s1+s24] =	stream.linear.scatter [tilespmem:s26], [sflag:$0x2], $0x800, $0x38;
	[tilespmem:$0x1C00] =	vst v63  }
0x303: {  	_ =	swait.ge [sflag:s28], $0x800  }
0x304: {  	[sflag:s28] =	ssyncset.done $0x0  }
0x305: {  	[sflag:s28] =	ssyncadd.s32 $0xFFFFF800  }
0x306: {  	v0 =	vld [tilespmem:s0+$0x800]  }
0x307: {  	s24 =	simm.s32 $0x0  }
0x308: {  	v1 =	vld [tilespmem:s24+$0xF0]  }
0x309: {  	v2 =	vld [tilespmem:s24+$0x0]  }
0x30a: {  	v3 =	vld [tilespmem:s24+$0x10]  }
0x30b: {  	v4 =	vld [tilespmem:s24+$0x20];
	v0 =	vbroadcast v0, $0xC  }
0x30c: {  	v7 =	vld [tilespmem:s24+$0x50]  }
0x30d: {  	v5 =	vld [tilespmem:s24+$0x30];
	v1 =	vadd.f32 v1, v0  }
0x30e: {  	v6 =	vld [tilespmem:s24+$0x40];
	v2 =	vadd.f32 v2, v0  }
0x30f: {  	v8 =	vld [tilespmem:s24+$0x60];
	[tilespmem:s24+$0xCF0] =	vst v1;
	v1 =	vadd.f32 v3, v0  }
0x310: {  	v9 =	vld [tilespmem:s24+$0x70];
	[tilespmem:s24+$0xC00] =	vst v2;
	v2 =	vadd.f32 v4, v0  }
0x311: {  	v3 =	vadd.f32 v7, v0;
	[tilespmem:s24+$0xC10] =	vst v1  }
0x312: {  	v10 =	vld [tilespmem:s24+$0x80];
	v1 =	vadd.f32 v5, v0;
	[tilespmem:s24+$0xC20] =	vst v2  }
0x313: {  	v5 =	vld [tilespmem:s24+$0x90];
	v2 =	vadd.f32 v6, v0;
	[tilespmem:s24+$0xC50] =	vst v3  }
0x314: {  	v4 =	vadd.f32 v8, v0;
	[tilespmem:s24+$0xC30] =	vst v1;
	v1 =	vld [tilespmem:s24+$0xA0]  }
0x315: {  	v6 =	vadd.f32 v9, v0;
	[tilespmem:s24+$0xC40] =	vst v2;
	v2 =	vld [tilespmem:s24+$0xB0]  }
0x316: {  	v3 =	vld [tilespmem:s24+$0xC0];
	[tilespmem:s24+$0xC60] =	vst v4  }
0x317: {  	v4 =	vld [tilespmem:s24+$0xD0];
	[tilespmem:s24+$0xC70] =	vst v6;
	v6 =	vadd.f32 v10, v0  }
0x318: {  	s22 =	simm.s32 $0x800;
	s6 =	simm.s32 $0x100;
	s1 =	sadd.s32 s2, s18;
	v7 =	vadd.f32 v5, v0;
	v5 =	vld [tilespmem:s24+$0xE0]  }
.LBB2_27:
0x319: {  	p0 =	sne.s32 s22, $0x1C00;
	v8 =	vld [tilespmem:s6+$0xF0];
	[tilespmem:s24+$0xC80] =	vst v6;
	v1 =	vadd.f32 v1, v0  }
0x31a: {  	v6 =	vld [tilespmem:s6+$0x0];
	[tilespmem:s24+$0xC90] =	vst v7;
	v2 =	vadd.f32 v2, v0  }
0x31b: {  	v7 =	vld [tilespmem:s6+$0x10];
	[tilespmem:s24+$0xCA0] =	vst v1;
	v1 =	vadd.f32 v3, v0  }
0x31c: {  	v3 =	vld [tilespmem:s6+$0x20];
	[tilespmem:s24+$0xCB0] =	vst v2;
	v2 =	vadd.f32 v4, v0  }
0x31d: {  	v4 =	vld [tilespmem:s6+$0x30];
	[tilespmem:s24+$0xCC0] =	vst v1;
	v1 =	vadd.f32 v5, v0  }
0x31e: {  	v5 =	vld [tilespmem:s6+$0x40];
	v8 =	vadd.f32 v8, v0;
	[tilespmem:s24+$0xCD0] =	vst v2  }
0x31f: {  	v2 =	vadd.f32 v6, v0;
	v6 =	vld [tilespmem:s6+$0x50];
	[tilespmem:s24+$0xCE0] =	vst v1;
	s24 =	smov.u32 s6  }
0x320: {  	v1 =	vadd.f32 v7, v0;
	v7 =	vld [tilespmem:s24+$0x60];
	[tilespmem:s24+$0xCF0] =	vst v8  }
0x321: {  	[tilespmem:s24+$0xC00] =	vst v2;
	v2 =	vadd.f32 v3, v0;
	v3 =	vld [tilespmem:s24+$0x70]  }
0x322: {  	[tilespmem:s24+$0xC10] =	vst v1;
	v1 =	vadd.f32 v4, v0;
	v4 =	vld [tilespmem:s24+$0x80]  }
0x323: {  	[tilespmem:s24+$0xC20] =	vst v2;
	v2 =	vadd.f32 v5, v0;
	v5 =	vld [tilespmem:s24+$0x90]  }
.Ltmp12:
0x324: {  	[tilespmem:s24+$0xC30] =	vst v1;
	v6 =	vadd.f32 v6, v0;
	v1 =	vld [tilespmem:s24+$0xA0];
	(pc) =	sbr.rel @p0 .LBB2_27-.Ltmp12, $4  }
0x325: {  	[tilespmem:s24+$0xC40] =	vst v2;
	v7 =	vadd.f32 v7, v0;
	v2 =	vld [tilespmem:s24+$0xB0]  }
0x326: {  	[tilespmem:s24+$0xC50] =	vst v6;
	v8 =	vadd.f32 v3, v0;
	v3 =	vld [tilespmem:s24+$0xC0]  }
0x327: {  	[tilespmem:s24+$0xC60] =	vst v7;
	v6 =	vadd.f32 v4, v0;
	v4 =	vld [tilespmem:s24+$0xD0]  }
0x328: {  	s6 =	sshra.s32 s22, $0x2;
	s22 =	sadd.s32 $0x400, s22;
	[tilespmem:s24+$0xC70] =	vst v8;
	v7 =	vadd.f32 v5, v0;
	v5 =	vld [tilespmem:s24+$0xE0]  }
0x329: {  	v8 =	vld [tilespmem:s6+$0xF0];
	[tilespmem:s24+$0xC80] =	vst v6;
	v1 =	vadd.f32 v1, v0  }
0x32a: {  	v6 =	vld [tilespmem:s6+$0x0];
	[tilespmem:s24+$0xC90] =	vst v7;
	v2 =	vadd.f32 v2, v0  }
0x32b: {  	v7 =	vld [tilespmem:s6+$0x10];
	[tilespmem:s24+$0xCA0] =	vst v1;
	v3 =	vadd.f32 v3, v0  }
0x32c: {  	v1 =	vld [tilespmem:s6+$0x20];
	[tilespmem:s24+$0xCB0] =	vst v2;
	v4 =	vadd.f32 v4, v0  }
0x32d: {  	v2 =	vld [tilespmem:s6+$0x30];
	[tilespmem:s24+$0xCC0] =	vst v3;
	v5 =	vadd.f32 v5, v0  }
0x32e: {  	v3 =	vld [tilespmem:s6+$0x40];
	[tilespmem:s24+$0xCD0] =	vst v4;
	v8 =	vadd.f32 v8, v0  }
0x32f: {  	v4 =	vld [tilespmem:s6+$0x50];
	[tilespmem:s24+$0xCE0] =	vst v5;
	v5 =	vadd.f32 v6, v0  }
0x330: {  	v6 =	vld [tilespmem:s6+$0x60];
	[tilespmem:s6+$0xCF0] =	vst v8;
	v7 =	vadd.f32 v7, v0  }
0x331: {  	[tilespmem:s6+$0xC00] =	vst v5;
	v5 =	vld [tilespmem:s6+$0x70];
	v1 =	vadd.f32 v1, v0  }
0x332: {  	[tilespmem:s6+$0xC10] =	vst v7;
	v7 =	vld [tilespmem:s6+$0x80];
	v2 =	vadd.f32 v2, v0  }
0x333: {  	[tilespmem:s6+$0xC20] =	vst v1;
	v1 =	vld [tilespmem:s6+$0x90];
	v3 =	vadd.f32 v3, v0  }
0x334: {  	[tilespmem:s6+$0xC30] =	vst v2;
	v2 =	vld [tilespmem:s6+$0xA0];
	v4 =	vadd.f32 v4, v0  }
0x335: {  	[tilespmem:s6+$0xC40] =	vst v3;
	v3 =	vld [tilespmem:s6+$0xB0];
	v6 =	vadd.f32 v6, v0  }
0x336: {  	[tilespmem:s6+$0xC50] =	vst v4;
	v4 =	vld [tilespmem:s6+$0xC0];
	v5 =	vadd.f32 v5, v0  }
0x337: {  	[tilespmem:s6+$0xC60] =	vst v6;
	v6 =	vld [tilespmem:s6+$0xD0];
	v7 =	vadd.f32 v7, v0  }
0x338: {  	[tilespmem:s6+$0xC70] =	vst v5;
	v1 =	vadd.f32 v1, v0;
	v5 =	vld [tilespmem:s6+$0xE0]  }
0x339: {  	[tilespmem:s6+$0xC80] =	vst v7;
	v2 =	vadd.f32 v2, v0  }
0x33a: {  	[tilespmem:s6+$0xC90] =	vst v1;
	v1 =	vadd.f32 v3, v0  }
0x33b: {  	[tilespmem:s6+$0xCA0] =	vst v2;
	v2 =	vadd.f32 v4, v0  }
0x33c: {  	[tilespmem:s6+$0xCB0] =	vst v1;
	v1 =	vadd.f32 v6, v0  }
0x33d: {  	[tilespmem:s6+$0xCC0] =	vst v2;
	v0 =	vadd.f32 v5, v0  }
0x33e: {  	[tilespmem:s6+$0xCD0] =	vst v1  }
0x33f: {  	s24 =	simm.s32 $0x0;
	[tilespmem:s6+$0xCE0] =	vst v0  }
0x340: {  	[hbm4b:s1+s24] =	stream.linear.scatter [tilespmem:s25], [sflag:$0x1], $0x800, $0x38;
	[tilespmem:$0x1C00] =	vst v63  }
0x341: {  	_ =	swait.ge [sflag:s29], $0x800  }
0x342: {  	[sflag:s29] =	ssyncset.done $0x0  }
0x343: {  	[sflag:s29] =	ssyncadd.s32 $0xFFFFF800  }
0x344: {  	v0 =	vld [tilespmem:s0+$0x800]  }
0x345: {  	s24 =	simm.s32 $0x0  }
0x346: {  	v1 =	vld [tilespmem:s24+$0xF0]  }
0x347: {  	v2 =	vld [tilespmem:s24+$0x0]  }
0x348: {  	v3 =	vld [tilespmem:s24+$0x10]  }
0x349: {  	v4 =	vld [tilespmem:s24+$0x20];
	v0 =	vbroadcast v0, $0xD  }
0x34a: {  	v7 =	vld [tilespmem:s24+$0x50]  }
0x34b: {  	v5 =	vld [tilespmem:s24+$0x30];
	v1 =	vadd.f32 v1, v0  }
0x34c: {  	v6 =	vld [tilespmem:s24+$0x40];
	v2 =	vadd.f32 v2, v0  }
0x34d: {  	v8 =	vld [tilespmem:s24+$0x60];
	[tilespmem:s24+$0x14F0] =	vst v1;
	v1 =	vadd.f32 v3, v0  }
0x34e: {  	v9 =	vld [tilespmem:s24+$0x70];
	[tilespmem:s24+$0x1400] =	vst v2;
	v2 =	vadd.f32 v4, v0  }
0x34f: {  	v3 =	vadd.f32 v7, v0;
	[tilespmem:s24+$0x1410] =	vst v1  }
0x350: {  	v10 =	vld [tilespmem:s24+$0x80];
	v1 =	vadd.f32 v5, v0;
	[tilespmem:s24+$0x1420] =	vst v2  }
0x351: {  	v5 =	vld [tilespmem:s24+$0x90];
	v2 =	vadd.f32 v6, v0;
	[tilespmem:s24+$0x1450] =	vst v3  }
0x352: {  	v4 =	vadd.f32 v8, v0;
	[tilespmem:s24+$0x1430] =	vst v1;
	v1 =	vld [tilespmem:s24+$0xA0]  }
0x353: {  	v6 =	vadd.f32 v9, v0;
	[tilespmem:s24+$0x1440] =	vst v2;
	v2 =	vld [tilespmem:s24+$0xB0]  }
0x354: {  	v3 =	vld [tilespmem:s24+$0xC0];
	[tilespmem:s24+$0x1460] =	vst v4  }
0x355: {  	v4 =	vld [tilespmem:s24+$0xD0];
	[tilespmem:s24+$0x1470] =	vst v6;
	v6 =	vadd.f32 v10, v0  }
0x356: {  	s22 =	simm.s32 $0x800;
	s6 =	simm.s32 $0x100;
	s1 =	sadd.s32 s2, s19;
	v7 =	vadd.f32 v5, v0;
	v5 =	vld [tilespmem:s24+$0xE0]  }
.LBB2_29:
0x357: {  	p0 =	sne.s32 s22, $0x1C00;
	v8 =	vld [tilespmem:s6+$0xF0];
	[tilespmem:s24+$0x1480] =	vst v6;
	v1 =	vadd.f32 v1, v0  }
0x358: {  	v6 =	vld [tilespmem:s6+$0x0];
	[tilespmem:s24+$0x1490] =	vst v7;
	v2 =	vadd.f32 v2, v0  }
0x359: {  	v7 =	vld [tilespmem:s6+$0x10];
	[tilespmem:s24+$0x14A0] =	vst v1;
	v1 =	vadd.f32 v3, v0  }
0x35a: {  	v3 =	vld [tilespmem:s6+$0x20];
	[tilespmem:s24+$0x14B0] =	vst v2;
	v2 =	vadd.f32 v4, v0  }
0x35b: {  	v4 =	vld [tilespmem:s6+$0x30];
	[tilespmem:s24+$0x14C0] =	vst v1;
	v1 =	vadd.f32 v5, v0  }
0x35c: {  	v5 =	vld [tilespmem:s6+$0x40];
	v8 =	vadd.f32 v8, v0;
	[tilespmem:s24+$0x14D0] =	vst v2  }
0x35d: {  	v2 =	vadd.f32 v6, v0;
	v6 =	vld [tilespmem:s6+$0x50];
	[tilespmem:s24+$0x14E0] =	vst v1;
	s24 =	smov.u32 s6  }
0x35e: {  	v1 =	vadd.f32 v7, v0;
	v7 =	vld [tilespmem:s24+$0x60];
	[tilespmem:s24+$0x14F0] =	vst v8  }
0x35f: {  	[tilespmem:s24+$0x1400] =	vst v2;
	v2 =	vadd.f32 v3, v0;
	v3 =	vld [tilespmem:s24+$0x70]  }
0x360: {  	[tilespmem:s24+$0x1410] =	vst v1;
	v1 =	vadd.f32 v4, v0;
	v4 =	vld [tilespmem:s24+$0x80]  }
0x361: {  	[tilespmem:s24+$0x1420] =	vst v2;
	v2 =	vadd.f32 v5, v0;
	v5 =	vld [tilespmem:s24+$0x90]  }
.Ltmp13:
0x362: {  	[tilespmem:s24+$0x1430] =	vst v1;
	v6 =	vadd.f32 v6, v0;
	v1 =	vld [tilespmem:s24+$0xA0];
	(pc) =	sbr.rel @p0 .LBB2_29-.Ltmp13, $4  }
0x363: {  	[tilespmem:s24+$0x1440] =	vst v2;
	v7 =	vadd.f32 v7, v0;
	v2 =	vld [tilespmem:s24+$0xB0]  }
0x364: {  	[tilespmem:s24+$0x1450] =	vst v6;
	v8 =	vadd.f32 v3, v0;
	v3 =	vld [tilespmem:s24+$0xC0]  }
0x365: {  	[tilespmem:s24+$0x1460] =	vst v7;
	v6 =	vadd.f32 v4, v0;
	v4 =	vld [tilespmem:s24+$0xD0]  }
0x366: {  	s6 =	sshra.s32 s22, $0x2;
	s22 =	sadd.s32 $0x400, s22;
	[tilespmem:s24+$0x1470] =	vst v8;
	v7 =	vadd.f32 v5, v0;
	v5 =	vld [tilespmem:s24+$0xE0]  }
0x367: {  	v8 =	vld [tilespmem:s6+$0xF0];
	[tilespmem:s24+$0x1480] =	vst v6;
	v1 =	vadd.f32 v1, v0  }
0x368: {  	v6 =	vld [tilespmem:s6+$0x0];
	[tilespmem:s24+$0x1490] =	vst v7;
	v2 =	vadd.f32 v2, v0  }
0x369: {  	v7 =	vld [tilespmem:s6+$0x10];
	[tilespmem:s24+$0x14A0] =	vst v1;
	v3 =	vadd.f32 v3, v0  }
0x36a: {  	v1 =	vld [tilespmem:s6+$0x20];
	[tilespmem:s24+$0x14B0] =	vst v2;
	v4 =	vadd.f32 v4, v0  }
0x36b: {  	v2 =	vld [tilespmem:s6+$0x30];
	[tilespmem:s24+$0x14C0] =	vst v3;
	v5 =	vadd.f32 v5, v0  }
0x36c: {  	v3 =	vld [tilespmem:s6+$0x40];
	[tilespmem:s24+$0x14D0] =	vst v4;
	v8 =	vadd.f32 v8, v0  }
0x36d: {  	v4 =	vld [tilespmem:s6+$0x50];
	[tilespmem:s24+$0x14E0] =	vst v5;
	v5 =	vadd.f32 v6, v0  }
0x36e: {  	v6 =	vld [tilespmem:s6+$0x60];
	[tilespmem:s6+$0x14F0] =	vst v8;
	v7 =	vadd.f32 v7, v0  }
0x36f: {  	[tilespmem:s6+$0x1400] =	vst v5;
	v5 =	vld [tilespmem:s6+$0x70];
	v1 =	vadd.f32 v1, v0  }
0x370: {  	[tilespmem:s6+$0x1410] =	vst v7;
	v7 =	vld [tilespmem:s6+$0x80];
	v2 =	vadd.f32 v2, v0  }
0x371: {  	[tilespmem:s6+$0x1420] =	vst v1;
	v1 =	vld [tilespmem:s6+$0x90];
	v3 =	vadd.f32 v3, v0  }
0x372: {  	[tilespmem:s6+$0x1430] =	vst v2;
	v2 =	vld [tilespmem:s6+$0xA0];
	v4 =	vadd.f32 v4, v0  }
0x373: {  	[tilespmem:s6+$0x1440] =	vst v3;
	v3 =	vld [tilespmem:s6+$0xB0];
	v6 =	vadd.f32 v6, v0  }
0x374: {  	[tilespmem:s6+$0x1450] =	vst v4;
	v4 =	vld [tilespmem:s6+$0xC0];
	v5 =	vadd.f32 v5, v0  }
0x375: {  	[tilespmem:s6+$0x1460] =	vst v6;
	v6 =	vld [tilespmem:s6+$0xD0];
	v7 =	vadd.f32 v7, v0  }
0x376: {  	[tilespmem:s6+$0x1470] =	vst v5;
	v1 =	vadd.f32 v1, v0;
	v5 =	vld [tilespmem:s6+$0xE0]  }
0x377: {  	[tilespmem:s6+$0x1480] =	vst v7;
	v2 =	vadd.f32 v2, v0  }
0x378: {  	[tilespmem:s6+$0x1490] =	vst v1;
	v1 =	vadd.f32 v3, v0  }
0x379: {  	[tilespmem:s6+$0x14A0] =	vst v2;
	v2 =	vadd.f32 v4, v0  }
0x37a: {  	[tilespmem:s6+$0x14B0] =	vst v1;
	v1 =	vadd.f32 v6, v0  }
0x37b: {  	[tilespmem:s6+$0x14C0] =	vst v2;
	v0 =	vadd.f32 v5, v0  }
0x37c: {  	[tilespmem:s6+$0x14D0] =	vst v1  }
0x37d: {  	s24 =	simm.s32 $0x0;
	[tilespmem:s6+$0x14E0] =	vst v0  }
0x37e: {  	[hbm4b:s1+s24] =	stream.linear.scatter [tilespmem:s26], [sflag:$0x2], $0x800, $0x38;
	[tilespmem:$0x1C00] =	vst v63  }
0x37f: {  	_ =	swait.ge [sflag:s28], $0x800  }
0x380: {  	[sflag:s28] =	ssyncset.done $0x0  }
0x381: {  	[sflag:s28] =	ssyncadd.s32 $0xFFFFF800  }
0x382: {  	v0 =	vld [tilespmem:s0+$0x800]  }
0x383: {  	s24 =	simm.s32 $0x0  }
0x384: {  	v1 =	vld [tilespmem:s24+$0xF0]  }
0x385: {  	v2 =	vld [tilespmem:s24+$0x0]  }
0x386: {  	v3 =	vld [tilespmem:s24+$0x10]  }
0x387: {  	v4 =	vld [tilespmem:s24+$0x20];
	v0 =	vbroadcast v0, $0xE  }
0x388: {  	v7 =	vld [tilespmem:s24+$0x50]  }
0x389: {  	v5 =	vld [tilespmem:s24+$0x30];
	v1 =	vadd.f32 v1, v0  }
0x38a: {  	v6 =	vld [tilespmem:s24+$0x40];
	v2 =	vadd.f32 v2, v0  }
0x38b: {  	v8 =	vld [tilespmem:s24+$0x60];
	[tilespmem:s24+$0xCF0] =	vst v1;
	v1 =	vadd.f32 v3, v0  }
0x38c: {  	v9 =	vld [tilespmem:s24+$0x70];
	[tilespmem:s24+$0xC00] =	vst v2;
	v2 =	vadd.f32 v4, v0  }
0x38d: {  	v3 =	vadd.f32 v7, v0;
	[tilespmem:s24+$0xC10] =	vst v1  }
0x38e: {  	v10 =	vld [tilespmem:s24+$0x80];
	v1 =	vadd.f32 v5, v0;
	[tilespmem:s24+$0xC20] =	vst v2  }
0x38f: {  	v5 =	vld [tilespmem:s24+$0x90];
	v2 =	vadd.f32 v6, v0;
	[tilespmem:s24+$0xC50] =	vst v3  }
0x390: {  	v4 =	vadd.f32 v8, v0;
	[tilespmem:s24+$0xC30] =	vst v1;
	v1 =	vld [tilespmem:s24+$0xA0]  }
0x391: {  	v6 =	vadd.f32 v9, v0;
	[tilespmem:s24+$0xC40] =	vst v2;
	v2 =	vld [tilespmem:s24+$0xB0]  }
0x392: {  	v3 =	vld [tilespmem:s24+$0xC0];
	[tilespmem:s24+$0xC60] =	vst v4  }
0x393: {  	v4 =	vld [tilespmem:s24+$0xD0];
	[tilespmem:s24+$0xC70] =	vst v6;
	v6 =	vadd.f32 v10, v0  }
0x394: {  	s22 =	simm.s32 $0x800;
	s6 =	simm.s32 $0x100;
	s1 =	sadd.s32 s2, s20;
	v7 =	vadd.f32 v5, v0;
	v5 =	vld [tilespmem:s24+$0xE0]  }
.LBB2_31:
0x395: {  	p0 =	sne.s32 s22, $0x1C00;
	v8 =	vld [tilespmem:s6+$0xF0];
	[tilespmem:s24+$0xC80] =	vst v6;
	v1 =	vadd.f32 v1, v0  }
0x396: {  	v6 =	vld [tilespmem:s6+$0x0];
	[tilespmem:s24+$0xC90] =	vst v7;
	v2 =	vadd.f32 v2, v0  }
0x397: {  	v7 =	vld [tilespmem:s6+$0x10];
	[tilespmem:s24+$0xCA0] =	vst v1;
	v1 =	vadd.f32 v3, v0  }
0x398: {  	v3 =	vld [tilespmem:s6+$0x20];
	[tilespmem:s24+$0xCB0] =	vst v2;
	v2 =	vadd.f32 v4, v0  }
0x399: {  	v4 =	vld [tilespmem:s6+$0x30];
	[tilespmem:s24+$0xCC0] =	vst v1;
	v1 =	vadd.f32 v5, v0  }
0x39a: {  	v5 =	vld [tilespmem:s6+$0x40];
	v8 =	vadd.f32 v8, v0;
	[tilespmem:s24+$0xCD0] =	vst v2  }
0x39b: {  	v2 =	vadd.f32 v6, v0;
	v6 =	vld [tilespmem:s6+$0x50];
	[tilespmem:s24+$0xCE0] =	vst v1;
	s24 =	smov.u32 s6  }
0x39c: {  	v1 =	vadd.f32 v7, v0;
	v7 =	vld [tilespmem:s24+$0x60];
	[tilespmem:s24+$0xCF0] =	vst v8  }
0x39d: {  	[tilespmem:s24+$0xC00] =	vst v2;
	v2 =	vadd.f32 v3, v0;
	v3 =	vld [tilespmem:s24+$0x70]  }
0x39e: {  	[tilespmem:s24+$0xC10] =	vst v1;
	v1 =	vadd.f32 v4, v0;
	v4 =	vld [tilespmem:s24+$0x80]  }
0x39f: {  	[tilespmem:s24+$0xC20] =	vst v2;
	v2 =	vadd.f32 v5, v0;
	v5 =	vld [tilespmem:s24+$0x90]  }
.Ltmp14:
0x3a0: {  	[tilespmem:s24+$0xC30] =	vst v1;
	v6 =	vadd.f32 v6, v0;
	v1 =	vld [tilespmem:s24+$0xA0];
	(pc) =	sbr.rel @p0 .LBB2_31-.Ltmp14, $4  }
0x3a1: {  	[tilespmem:s24+$0xC40] =	vst v2;
	v7 =	vadd.f32 v7, v0;
	v2 =	vld [tilespmem:s24+$0xB0]  }
0x3a2: {  	[tilespmem:s24+$0xC50] =	vst v6;
	v8 =	vadd.f32 v3, v0;
	v3 =	vld [tilespmem:s24+$0xC0]  }
0x3a3: {  	[tilespmem:s24+$0xC60] =	vst v7;
	v6 =	vadd.f32 v4, v0;
	v4 =	vld [tilespmem:s24+$0xD0]  }
0x3a4: {  	s6 =	sshra.s32 s22, $0x2;
	s22 =	sadd.s32 $0x400, s22;
	[tilespmem:s24+$0xC70] =	vst v8;
	v7 =	vadd.f32 v5, v0;
	v5 =	vld [tilespmem:s24+$0xE0]  }
0x3a5: {  	v8 =	vld [tilespmem:s6+$0xF0];
	[tilespmem:s24+$0xC80] =	vst v6;
	v1 =	vadd.f32 v1, v0  }
0x3a6: {  	v6 =	vld [tilespmem:s6+$0x0];
	[tilespmem:s24+$0xC90] =	vst v7;
	v2 =	vadd.f32 v2, v0  }
0x3a7: {  	v7 =	vld [tilespmem:s6+$0x10];
	[tilespmem:s24+$0xCA0] =	vst v1;
	v3 =	vadd.f32 v3, v0  }
0x3a8: {  	v1 =	vld [tilespmem:s6+$0x20];
	[tilespmem:s24+$0xCB0] =	vst v2;
	v4 =	vadd.f32 v4, v0  }
0x3a9: {  	v2 =	vld [tilespmem:s6+$0x30];
	[tilespmem:s24+$0xCC0] =	vst v3;
	v5 =	vadd.f32 v5, v0  }
0x3aa: {  	v3 =	vld [tilespmem:s6+$0x40];
	[tilespmem:s24+$0xCD0] =	vst v4;
	v8 =	vadd.f32 v8, v0  }
0x3ab: {  	v4 =	vld [tilespmem:s6+$0x50];
	[tilespmem:s24+$0xCE0] =	vst v5;
	v5 =	vadd.f32 v6, v0  }
0x3ac: {  	v6 =	vld [tilespmem:s6+$0x60];
	[tilespmem:s6+$0xCF0] =	vst v8;
	v7 =	vadd.f32 v7, v0  }
0x3ad: {  	[tilespmem:s6+$0xC00] =	vst v5;
	v5 =	vld [tilespmem:s6+$0x70];
	v1 =	vadd.f32 v1, v0  }
0x3ae: {  	[tilespmem:s6+$0xC10] =	vst v7;
	v7 =	vld [tilespmem:s6+$0x80];
	v2 =	vadd.f32 v2, v0  }
0x3af: {  	[tilespmem:s6+$0xC20] =	vst v1;
	v1 =	vld [tilespmem:s6+$0x90];
	v3 =	vadd.f32 v3, v0  }
0x3b0: {  	[tilespmem:s6+$0xC30] =	vst v2;
	v2 =	vld [tilespmem:s6+$0xA0];
	v4 =	vadd.f32 v4, v0  }
0x3b1: {  	[tilespmem:s6+$0xC40] =	vst v3;
	v3 =	vld [tilespmem:s6+$0xB0];
	v6 =	vadd.f32 v6, v0  }
0x3b2: {  	[tilespmem:s6+$0xC50] =	vst v4;
	v4 =	vld [tilespmem:s6+$0xC0];
	v5 =	vadd.f32 v5, v0  }
0x3b3: {  	[tilespmem:s6+$0xC60] =	vst v6;
	v6 =	vld [tilespmem:s6+$0xD0];
	v7 =	vadd.f32 v7, v0  }
0x3b4: {  	[tilespmem:s6+$0xC70] =	vst v5;
	v1 =	vadd.f32 v1, v0;
	v5 =	vld [tilespmem:s6+$0xE0]  }
0x3b5: {  	[tilespmem:s6+$0xC80] =	vst v7;
	v2 =	vadd.f32 v2, v0  }
0x3b6: {  	[tilespmem:s6+$0xC90] =	vst v1;
	v1 =	vadd.f32 v3, v0  }
0x3b7: {  	[tilespmem:s6+$0xCA0] =	vst v2;
	v2 =	vadd.f32 v4, v0  }
0x3b8: {  	[tilespmem:s6+$0xCB0] =	vst v1;
	v1 =	vadd.f32 v6, v0  }
0x3b9: {  	[tilespmem:s6+$0xCC0] =	vst v2;
	v0 =	vadd.f32 v5, v0  }
0x3ba: {  	[tilespmem:s6+$0xCD0] =	vst v1  }
0x3bb: {  	s24 =	simm.s32 $0x0;
	[tilespmem:s6+$0xCE0] =	vst v0  }
0x3bc: {  	[hbm4b:s1+s24] =	stream.linear.scatter [tilespmem:s25], [sflag:$0x1], $0x800, $0x38;
	[tilespmem:$0x1C00] =	vst v63  }
0x3bd: {  	_ =	swait.ge [sflag:s29], $0x800  }
0x3be: {  	[sflag:s29] =	ssyncset.done $0x0  }
0x3bf: {  	[sflag:s29] =	ssyncadd.s32 $0xFFFFF800  }
0x3c0: {  	v0 =	vld [tilespmem:s0+$0x800]  }
0x3c1: {  	s1 =	simm.s32 $0x0  }
0x3c2: {  	v1 =	vld [tilespmem:s1+$0xF0]  }
0x3c3: {  	v2 =	vld [tilespmem:s1+$0x0]  }
0x3c4: {  	v3 =	vld [tilespmem:s1+$0x10]  }
0x3c5: {  	v4 =	vld [tilespmem:s1+$0x20];
	v0 =	vbroadcast v0, $0xF  }
0x3c6: {  	v7 =	vld [tilespmem:s1+$0x50]  }
0x3c7: {  	v5 =	vld [tilespmem:s1+$0x30];
	v1 =	vadd.f32 v1, v0  }
0x3c8: {  	v6 =	vld [tilespmem:s1+$0x40];
	v2 =	vadd.f32 v2, v0  }
0x3c9: {  	v8 =	vld [tilespmem:s1+$0x60];
	[tilespmem:s1+$0x14F0] =	vst v1;
	v1 =	vadd.f32 v3, v0  }
0x3ca: {  	v9 =	vld [tilespmem:s1+$0x70];
	[tilespmem:s1+$0x1400] =	vst v2;
	v2 =	vadd.f32 v4, v0  }
0x3cb: {  	v3 =	vadd.f32 v7, v0;
	[tilespmem:s1+$0x1410] =	vst v1  }
0x3cc: {  	v10 =	vld [tilespmem:s1+$0x80];
	v1 =	vadd.f32 v5, v0;
	[tilespmem:s1+$0x1420] =	vst v2  }
0x3cd: {  	v5 =	vld [tilespmem:s1+$0x90];
	v2 =	vadd.f32 v6, v0;
	[tilespmem:s1+$0x1450] =	vst v3  }
0x3ce: {  	v4 =	vadd.f32 v8, v0;
	[tilespmem:s1+$0x1430] =	vst v1;
	v1 =	vld [tilespmem:s1+$0xA0]  }
0x3cf: {  	v6 =	vadd.f32 v9, v0;
	[tilespmem:s1+$0x1440] =	vst v2;
	v2 =	vld [tilespmem:s1+$0xB0]  }
0x3d0: {  	v3 =	vld [tilespmem:s1+$0xC0];
	[tilespmem:s1+$0x1460] =	vst v4  }
0x3d1: {  	v4 =	vld [tilespmem:s1+$0xD0];
	[tilespmem:s1+$0x1470] =	vst v6;
	v6 =	vadd.f32 v10, v0  }
0x3d2: {  	s6 =	simm.s32 $0x800;
	s0 =	sadd.s32 s2, s21;
	s2 =	simm.s32 $0x100;
	v7 =	vadd.f32 v5, v0;
	v5 =	vld [tilespmem:s1+$0xE0]  }
.LBB2_33:
0x3d3: {  	p0 =	sne.s32 s6, $0x1C00;
	v8 =	vld [tilespmem:s2+$0xF0];
	[tilespmem:s1+$0x1480] =	vst v6;
	v1 =	vadd.f32 v1, v0  }
0x3d4: {  	v6 =	vld [tilespmem:s2+$0x0];
	[tilespmem:s1+$0x1490] =	vst v7;
	v2 =	vadd.f32 v2, v0  }
0x3d5: {  	v7 =	vld [tilespmem:s2+$0x10];
	[tilespmem:s1+$0x14A0] =	vst v1;
	v1 =	vadd.f32 v3, v0  }
0x3d6: {  	v3 =	vld [tilespmem:s2+$0x20];
	[tilespmem:s1+$0x14B0] =	vst v2;
	v2 =	vadd.f32 v4, v0  }
0x3d7: {  	v4 =	vld [tilespmem:s2+$0x30];
	[tilespmem:s1+$0x14C0] =	vst v1;
	v1 =	vadd.f32 v5, v0  }
0x3d8: {  	v5 =	vld [tilespmem:s2+$0x40];
	v8 =	vadd.f32 v8, v0;
	[tilespmem:s1+$0x14D0] =	vst v2  }
0x3d9: {  	v2 =	vadd.f32 v6, v0;
	v6 =	vld [tilespmem:s2+$0x50];
	[tilespmem:s1+$0x14E0] =	vst v1;
	s1 =	smov.u32 s2  }
0x3da: {  	v1 =	vadd.f32 v7, v0;
	v7 =	vld [tilespmem:s1+$0x60];
	[tilespmem:s1+$0x14F0] =	vst v8  }
0x3db: {  	[tilespmem:s1+$0x1400] =	vst v2;
	v2 =	vadd.f32 v3, v0;
	v3 =	vld [tilespmem:s1+$0x70]  }
0x3dc: {  	[tilespmem:s1+$0x1410] =	vst v1;
	v1 =	vadd.f32 v4, v0;
	v4 =	vld [tilespmem:s1+$0x80]  }
0x3dd: {  	[tilespmem:s1+$0x1420] =	vst v2;
	v2 =	vadd.f32 v5, v0;
	v5 =	vld [tilespmem:s1+$0x90]  }
.Ltmp15:
0x3de: {  	[tilespmem:s1+$0x1430] =	vst v1;
	v6 =	vadd.f32 v6, v0;
	v1 =	vld [tilespmem:s1+$0xA0];
	(pc) =	sbr.rel @p0 .LBB2_33-.Ltmp15, $4  }
0x3df: {  	[tilespmem:s1+$0x1440] =	vst v2;
	v7 =	vadd.f32 v7, v0;
	v2 =	vld [tilespmem:s1+$0xB0]  }
0x3e0: {  	[tilespmem:s1+$0x1450] =	vst v6;
	v8 =	vadd.f32 v3, v0;
	v3 =	vld [tilespmem:s1+$0xC0]  }
0x3e1: {  	[tilespmem:s1+$0x1460] =	vst v7;
	v6 =	vadd.f32 v4, v0;
	v4 =	vld [tilespmem:s1+$0xD0]  }
0x3e2: {  	s2 =	sshra.s32 s6, $0x2;
	s6 =	sadd.s32 $0x400, s6;
	[tilespmem:s1+$0x1470] =	vst v8;
	v7 =	vadd.f32 v5, v0;
	v5 =	vld [tilespmem:s1+$0xE0]  }
0x3e3: {  	v8 =	vld [tilespmem:s2+$0xF0];
	[tilespmem:s1+$0x1480] =	vst v6;
	v1 =	vadd.f32 v1, v0  }
0x3e4: {  	v6 =	vld [tilespmem:s2+$0x0];
	[tilespmem:s1+$0x1490] =	vst v7;
	v2 =	vadd.f32 v2, v0  }
0x3e5: {  	v7 =	vld [tilespmem:s2+$0x10];
	[tilespmem:s1+$0x14A0] =	vst v1;
	v3 =	vadd.f32 v3, v0  }
0x3e6: {  	v1 =	vld [tilespmem:s2+$0x20];
	[tilespmem:s1+$0x14B0] =	vst v2;
	v4 =	vadd.f32 v4, v0  }
0x3e7: {  	v2 =	vld [tilespmem:s2+$0x30];
	[tilespmem:s1+$0x14C0] =	vst v3;
	v5 =	vadd.f32 v5, v0  }
0x3e8: {  	v3 =	vld [tilespmem:s2+$0x40];
	[tilespmem:s1+$0x14D0] =	vst v4;
	v8 =	vadd.f32 v8, v0  }
0x3e9: {  	v4 =	vld [tilespmem:s2+$0x50];
	[tilespmem:s1+$0x14E0] =	vst v5;
	v50 =	vadd.f32 v6, v0  }
0x3ea: {  	v51 =	vld [tilespmem:s2+$0x60];
	[tilespmem:s2+$0x14F0] =	vst v8;
	v7 =	vadd.f32 v7, v0  }
0x3eb: {  	v52 =	vld [tilespmem:s2+$0x70];
	[tilespmem:s2+$0x1400] =	vst v50;
	v1 =	vadd.f32 v1, v0  }
0x3ec: {  	v53 =	vld [tilespmem:s2+$0x80];
	[tilespmem:s2+$0x1410] =	vst v7;
	v2 =	vadd.f32 v2, v0  }
0x3ed: {  	v54 =	vld [tilespmem:s2+$0x90];
	[tilespmem:s2+$0x1420] =	vst v1;
	v3 =	vadd.f32 v3, v0  }
0x3ee: {  	v55 =	vld [tilespmem:s2+$0xA0];
	[tilespmem:s2+$0x1430] =	vst v2;
	v4 =	vadd.f32 v4, v0  }
0x3ef: {  	v56 =	vld [tilespmem:s2+$0xB0];
	[tilespmem:s2+$0x1440] =	vst v3;
	v6 =	vadd.f32 v51, v0  }
0x3f0: {  	v57 =	vld [tilespmem:s2+$0xC0];
	v5 =	vadd.f32 v52, v0;
	[tilespmem:s2+$0x1450] =	vst v4  }
0x3f1: {  	v58 =	vld [tilespmem:s2+$0xD0];
	v7 =	vadd.f32 v53, v0;
	[tilespmem:s2+$0x1460] =	vst v6  }
0x3f2: {  	v59 =	vld [tilespmem:s2+$0xE0];
	v1 =	vadd.f32 v54, v0;
	[tilespmem:s2+$0x1470] =	vst v5  }
0x3f3: {  	v2 =	vadd.f32 v55, v0;
	[tilespmem:s2+$0x1480] =	vst v7  }
0x3f4: {  	s31 =	sadd.s32 $0x1, s31;
	v60 =	vadd.f32 v56, v0;
	[tilespmem:s2+$0x1490] =	vst v1  }
0x3f5: {  	p0 =	sne.s32 s31, $0x40;
	v61 =	vadd.f32 v57, v0;
	[tilespmem:s2+$0x14A0] =	vst v2  }
.Ltmp16:
0x3f6: {  	v62 =	vadd.f32 v58, v0;
	[tilespmem:s2+$0x14B0] =	vst v60;
	(pc) =	sbr.rel @p0 .LBB2_2-.Ltmp16, $4  }
0x3f7: {  	v63 =	vadd.f32 v59, v0;
	[tilespmem:s2+$0x14C0] =	vst v61  }
0x3f8: {  	[tilespmem:s2+$0x14D0] =	vst v62  }
0x3f9: {  	[tilespmem:s2+$0x14E0] =	vst v63  }
0x3fa: {  	[hbm4b:s0+s3] =	stream.linear.scatter [tilespmem:s26], [sflag:$0x2], $0x800, $0x38;
	[tilespmem:$0x1C00] =	vst v63  }
0x3fb: {  	_ =	swait.ge [sflag:s28], $0x800  }
0x3fc: {  	[sflag:s28] =	ssyncset.done $0x0  }
0x3fd: {  	[sflag:s28] =	ssyncadd.s32 $0xFFFFF800  }
0x3fe: {  	_ =	swait.ge [sflag:s29], $0x800  }
0x3ff: {  	s30 =	sadd.s32 $0x1, s30;
	s0 =	rddreg [dreg:$0x5]  }
0x400: {  	p0 =	sne.s32 s30, s0  }
.Ltmp17:
0x401: {  	_ = 	snop;
	(pc) =	sbr.rel @p0 .LBB2_1-.Ltmp17, $3  }
0x402: {  	_ =	sdelay $0x1  }
0x403: {  	[sflag:s29] =	ssyncset.done $0x0  }
0x404: {  	[sflag:s29] =	ssyncadd.s32 $0xFFFFF800  }
0x405: {  	_ =	sfence.sel $0x180000  }
0x406: {  	[bflag:$0x0] =	sbarrier.arrive $0xFFFF  }
0x407: {  	_ =	strace $0x90000047  }
0x408: {  	s0 =	stileid.u32;
	[bflag:$0x2] =	sbarrier.arrive $0xFFFF  }
0x409: {  	p0 =	sne.s32 s0, $0x0;
	s0 =	rddreg [dreg:$0x3]  }
0x40a: {  	s0 =	sadd.s32 @!p0 $0x100000, s0  }
0x40b: {  	[sflag:s0] =	ssyncadd.tile.s32 @!p0 $0x1;
	_ =	shalt  }
.Lfunc_end2:
_tile_overlayer_lowered:
.L_overlay_start_2:
0x40c: {  	(tag) =	ssettag $0x2  }
0x40d: {  	s0 =	rddreg [dreg:$0x0];
	s2 =	stileid.u32  }
0x40e: {  	s1 =	rddreg [dreg:$0x1];
	p0 =	sne.s32 s2, $0x0  }
0x40f: {  	s3 =	rddreg [dreg:$0x2];
	[bflag:$0x3] =	sbarrier.arrive $0xFFFF;
	s2 =	simm.s32 @!p0 $0x1C03  }
0x410: {  	[timem:s3], [sflag:s2] =	dma.local @!p0 [hbm:s0], s1  }
0x411: {  	s0 =	simm.s32 @!p0 $0x3  }
0x412: {  	_ =	swait.ge @!p0 [sflag:s0], s1  }
0x413: {  	s1 =	ssub.s32 @!p0 $0x0, s1;
	[sflag:s0] =	ssyncset.done @!p0 $0x0  }
0x414: {  	[sflag:s0] =	ssyncadd.s32 @!p0 s1  }
0x415: {  	[bflag:$0x3] =	sbarrier.arrive $0xFFFF  }
0x416: {  	_ =	shalt  }

</sc_bundles>
